<compile_context>
chip_gen: v7x
topology: tpu7x:2x2x1
jax: 0.10.2.dev20260603
libtpu: 0.0.44.dev20260713+nightly
codegen_flags: <defaults>
</compile_context>

<pallas_src>
import functools

import jax
import jax.numpy as jnp
from jax import lax
from jax.experimental import pallas as pl
from jax.experimental.pallas import tpu as pltpu
from jax.experimental.pallas import tpu_sc as plsc

P = 800
B = 8
A = 409600
L = 256
PB = 128
PPAD = 896
NBLK = PPAD // PB

BIG = 1.0e6


_NC, _NS = 2, 16
_NW = _NC * _NS
_CHUNK = A // _NW
_ROWS = _CHUNK // 128


def _seg_body(scores_hbm, ids_hbm, out_hbm,
              scores_v, ids_v, zeros_v, acc_sh, scatter_sem):
    c = lax.axis_index("c")
    s = lax.axis_index("s")
    wid = c * _NS + s

    pltpu.sync_copy(scores_hbm.at[wid], scores_v)
    pltpu.sync_copy(ids_hbm.at[wid], ids_v)

    def _fill_zero(k, carry):
        zeros_v[pl.ds(k * 16, 16)] = jnp.zeros((16,), jnp.float32)
        return carry
    lax.fori_loop(0, PPAD // 16, _fill_zero, 0)

    @pl.when(s == 0)
    def _():
        pltpu.sync_copy(zeros_v, acc_sh)

    plsc.subcore_barrier()

    copies = [
        pltpu.async_copy(scores_v.at[j], acc_sh.at[ids_v.at[j]],
                         scatter_sem, add=True)
        for j in range(_ROWS)
    ]
    for cpy in copies:
        cpy.wait()

    plsc.subcore_barrier()

    @pl.when(s == 0)
    def _():
        pltpu.sync_copy(acc_sh, out_hbm.at[c])


def _seg_logp(arc_scores, arc_to_path):
    scores = arc_scores.reshape(_NW, _ROWS, 128)
    ids = arc_to_path.reshape(_NW, _ROWS, 128)
    mesh = plsc.VectorSubcoreMesh(core_axis_name="c", subcore_axis_name="s")
    k = functools.partial(
        pl.kernel,
        out_type=jax.ShapeDtypeStruct((_NC, PPAD), jnp.float32),
        mesh=mesh,
        scratch_types=[
            pltpu.VMEM((_ROWS, 128), jnp.float32),
            pltpu.VMEM((_ROWS, 128), jnp.int32),
            pltpu.VMEM((PPAD,), jnp.float32),
            pltpu.VMEM_SHARED((PPAD,), jnp.float32),
            pltpu.SemaphoreType.DMA,
        ],
    )(_seg_body)
    return k(scores, ids)


def _shift_down(x, d, fill):
    pad = jnp.full((d, x.shape[1]), fill, x.dtype)
    return jnp.concatenate([pad, x[: x.shape[0] - d, :]], axis=0)


def _dp_body(hyp_ref, ref_ref, hlen_ref, rlen_ref, parts_ref, utt_ref,
             posmap_ref, out_ref, wacc_ref):
    refsh = _shift_down(ref_ref[...], 1, jnp.nan)
    hl = hlen_ref[...].reshape(1, PB)
    rl = rlen_ref[...].reshape(1, PB)
    hlb = hl.astype(jnp.bfloat16)
    jrow = lax.broadcasted_iota(jnp.int32, (L, PB), 0)
    jrowb = jrow.astype(jnp.bfloat16)
    rlb = rl.astype(jnp.bfloat16)

    bigb = jnp.bfloat16(512.0)
    r0 = jnp.zeros((L, PB), jnp.bfloat16)

    def step(i, r):
        tok = hyp_ref[pl.ds(i - 1, 1), :].astype(jnp.bfloat16)
        eq = refsh == tok
        a = _shift_down(r, 1, bigb) + jnp.where(
            eq, jnp.bfloat16(-1.0), jnp.bfloat16(0.0))
        t = jnp.minimum(a, r + jnp.bfloat16(1.0))
        for d in (1, 2, 4, 8, 16, 32, 64, 128):
            t = jnp.minimum(t, _shift_down(t, d, bigb))
        return jnp.where(i.astype(jnp.bfloat16) <= hlb, t, r)

    nmax = jnp.max(hl)
    r = lax.fori_loop(1, nmax + 1, step, r0)

    werb = jnp.sum(jnp.where(jrowb == rlb, r, jnp.bfloat16(0.0)),
                   axis=0, keepdims=True)
    wer = werb.astype(jnp.float32) + rl.astype(jnp.float32)
    b = pl.program_id(0)
    wacc_ref[0:1, pl.ds(b * PB, PB)] = wer

    @pl.when(b == NBLK - 1)
    def _():
        lp0 = parts_ref[0:1, :] + parts_ref[1:2, :]
        pm = posmap_ref[...]
        lp_col = lp0.reshape(PPAD, 1)
        sio = lax.broadcasted_iota(jnp.int32, (PPAD, PPAD), 1)
        lp = jnp.sum(jnp.where(pm == sio, lp_col, 0.0),
                     axis=0, keepdims=True)
        w = wacc_ref[...]
        utt = utt_ref[...]
        uio = lax.broadcasted_iota(jnp.int32, (B, PPAD), 0)
        mask = utt == uio
        m = jnp.max(jnp.where(mask, lp, -BIG), axis=1, keepdims=True)
        m = jnp.where(m > -0.5 * BIG, m, 0.0)
        ssum = jnp.sum(jnp.where(mask, jnp.exp(lp - m), 0.0),
                       axis=1, keepdims=True)
        logz = jnp.log(ssum) + m
        prob = jnp.where(mask, jnp.exp(lp - logz), 0.0)
        out_ref[...] = jnp.reshape(jnp.sum(prob * w), (1, 1))


def _dp_loss(hyp_T, ref_T, hlen, rlen, parts, utt_lin, posmap):
    return pl.pallas_call(
        _dp_body,
        grid=(NBLK,),
        in_specs=[
            pl.BlockSpec((L, PB), lambda b: (0, b)),
            pl.BlockSpec((L, PB), lambda b: (0, b)),
            pl.BlockSpec((1, 1, PB), lambda b: (b, 0, 0)),
            pl.BlockSpec((1, 1, PB), lambda b: (b, 0, 0)),
            pl.BlockSpec((2, PPAD), lambda b: (0, 0)),
            pl.BlockSpec((1, PPAD), lambda b: (0, 0)),
            pl.BlockSpec((PPAD, 1), lambda b: (0, 0)),
        ],
        out_specs=pl.BlockSpec((1, 1), lambda b: (0, 0)),
        out_shape=jax.ShapeDtypeStruct((1, 1), jnp.float32),
        scratch_shapes=[pltpu.VMEM((1, PPAD), jnp.float32)],
    )(hyp_T, ref_T, hlen, rlen, parts, utt_lin, posmap)


def _rank_body(hlen_ref, posmap_ref, perm_ref):
    hlr = hlen_ref[...]
    hlc = hlr.reshape(PPAD, 1)
    pio = lax.broadcasted_iota(jnp.int32, (PPAD, PPAD), 0)
    qio = lax.broadcasted_iota(jnp.int32, (PPAD, PPAD), 1)
    less = (hlr < hlc) | ((hlr == hlc) & (qio < pio))
    rank = jnp.sum(less.astype(jnp.int32), axis=1, keepdims=True)
    posmap_ref[...] = rank
    sio = lax.broadcasted_iota(jnp.int32, (PPAD, PPAD), 1)
    perm_ref[...] = jnp.sum(
        jnp.where(rank == sio, pio, 0), axis=0, keepdims=True)


def _rank_paths(hlen_lin):
    return pl.pallas_call(
        _rank_body,
        out_shape=(jax.ShapeDtypeStruct((PPAD, 1), jnp.int32),
                   jax.ShapeDtypeStruct((1, PPAD), jnp.int32)),
    )(hlen_lin)


def kernel(arc_scores, arc_to_path, path_to_utt, hyp_tokens, hyp_lens,
           ref_tokens, ref_lens):
    hlen_pad = jnp.pad(hyp_lens, (0, PPAD - P))
    posmap2, perm2 = _rank_paths(hlen_pad.reshape(1, PPAD))
    perm = perm2.reshape(PPAD)
    posmap = posmap2

    parts = _seg_logp(arc_scores, arc_to_path)

    ref_g = ref_tokens[path_to_utt]
    rlen_g = ref_lens[path_to_utt]
    utt_pad = jnp.pad(path_to_utt, (0, PPAD - P), constant_values=-1)
    hyp_s = jnp.pad(hyp_tokens, ((0, PPAD - P), (0, 0)))[perm]
    ref_s = jnp.pad(ref_g, ((0, PPAD - P), (0, 0)))[perm]
    hlen_s = hlen_pad[perm]
    rlen_s = jnp.pad(rlen_g, (0, PPAD - P))[perm]
    utt_s = utt_pad[perm]
    hyp_T = lax.bitcast_convert_type(
        hyp_s.T.astype(jnp.int16) | jnp.int16(16384),
        jnp.bfloat16).astype(jnp.float32)
    ref_T = lax.bitcast_convert_type(
        ref_s.T.astype(jnp.int16) | jnp.int16(16384), jnp.bfloat16)
    hlen3 = hlen_s.reshape(NBLK, 1, PB)
    rlen3 = rlen_s.reshape(NBLK, 1, PB)

    utt_lin = utt_s.reshape(1, PPAD)
    loss = _dp_loss(hyp_T, ref_T, hlen3, rlen3, parts, utt_lin, posmap)
    return loss[0, 0]

# --- scband reference (transcript-rebuilt; emitter-appended) ---
"""Pipeline reference for scband-mwerloss-48954037239967 (READ-ONLY COPY).

The authoritative reference and input builder live on the scoring server;
editing this copy changes nothing except your own understanding.
"""

import jax, jax.numpy as jnp
import numpy as np

TEMPERATURE = 1.0


def _edit_distance(hyp, hyp_len, ref, ref_len):
    # Levenshtein distance DP, vectorized over ref axis with a prefix-min trick
    M = ref.shape[0]
    jfull = jnp.arange(M + 1, dtype=jnp.float32)
    init_row = jfull  # D[0][j] = j

    def step(row, xs):
        i, tok = xs
        sub = jnp.where(ref == tok, 0.0, 1.0)          # [M]
        diag = row[:-1] + sub                           # substitution / match
        up = row[1:] + 1.0                              # deletion
        cand = jnp.minimum(diag, up)                    # [M]
        tmp = jnp.concatenate([row[:1] + 1.0, cand])    # [M+1], tmp[0] = D[i][0]
        # new_row[j] = min_{k<=j} tmp[k] + (j - k)  (insertion chain)
        new_row = jfull + jax.lax.associative_scan(jnp.minimum, tmp - jfull)
        row_out = jnp.where(i <= hyp_len, new_row, row)
        return row_out, None

    N = hyp.shape[0]
    ii = jnp.arange(1, N + 1, dtype=jnp.int32)
    final_row, _ = jax.lax.scan(step, init_row, (ii, hyp))
    return final_row[ref_len]


def setup_inputs(seed: int = 0) -> dict:
    key = jax.random.key(seed)
    k1, k2, k3, k4, k5, k6, k7 = jax.random.split(key, 7)
    P = 800          # total sampled paths (8 utts x 100 paths)
    B = 8            # utterances
    A = 409600       # total lattice arcs across all paths (~512/path)
    L = 256          # max hyp/ref token length
    V = 500          # BPE vocab
    arc_scores = jax.random.normal(k1, (A,), dtype=jnp.float32)
    arc_to_path = jnp.sort(jax.random.randint(k2, (A,), 0, P, dtype=jnp.int32))
    path_to_utt = jnp.sort(jax.random.randint(k3, (P,), 0, B, dtype=jnp.int32))
    hyp_tokens = jax.random.randint(k4, (P, L), 0, V, dtype=jnp.int32)
    hyp_lens = jax.random.randint(k5, (P,), 0, L, dtype=jnp.int32)
    ref_tokens = jax.random.randint(k6, (B, L), 0, V, dtype=jnp.int32)
    ref_lens = jax.random.randint(k7, (B,), 0, L, dtype=jnp.int32)
    return {
        "arc_scores": arc_scores,
        "arc_to_path": arc_to_path,
        "path_to_utt": path_to_utt,
        "hyp_tokens": hyp_tokens,
        "hyp_lens": hyp_lens,
        "ref_tokens": ref_tokens,
        "ref_lens": ref_lens,
    }


def reference(arc_scores, arc_to_path, path_to_utt, hyp_tokens, hyp_lens,
              ref_tokens, ref_lens):
    P = path_to_utt.shape[0]
    B = ref_tokens.shape[0]

    # --- WERs via Levenshtein alignment (k2.levenshtein_alignment equivalent) ---
    ref_per_path = ref_tokens[path_to_utt]
    ref_len_per_path = ref_lens[path_to_utt]
    wers = jax.vmap(_edit_distance)(hyp_tokens, hyp_lens,
                                    ref_per_path, ref_len_per_path)

    # --- ragged sum of arc log-probs per path (RaggedTensor.sum) ---
    path_logp = jax.ops.segment_sum(arc_scores, arc_to_path,
                                    num_segments=P) / TEMPERATURE

    # --- per-utterance log-normalization (RaggedTensor.normalize(use_log=True)) ---
    seg_max = jax.ops.segment_max(path_logp, path_to_utt, num_segments=B)
    seg_max = jnp.where(jnp.isfinite(seg_max), seg_max, 0.0)
    seg_max = jax.lax.stop_gradient(seg_max)
    shifted = jnp.exp(path_logp - seg_max[path_to_utt])
    seg_sum = jax.ops.segment_sum(shifted, path_to_utt, num_segments=B)
    logZ = jnp.log(seg_sum) + seg_max
    prob_normalized = jnp.exp(path_logp - logZ[path_to_utt])

    # --- expected WER, reduction='sum' ---
    loss = jnp.sum(prob_normalized * wers)
    return loss

if __name__ == "__main__":
    import jax
    _d = setup_inputs()
    print(jax.jit(kernel)(*tuple(_d.values())))

</pallas_src>

<mosaic_0001>
#map = affine_map<(d0, d1) -> (0, 0, 0)>
#map1 = affine_map<(d0, d1) -> (0, 0)>
module attributes {stable_mosaic.version = 14 : i64} {
  func.func @_seg_body(%arg0: i32, %arg1: i32, %arg2: memref<32x100x128xf32, #tpu.memory_space<hbm>>, %arg3: memref<32x100x128xi32, #tpu.memory_space<hbm>>, %arg4: memref<2x896xf32, #tpu.memory_space<hbm>>, %arg5: memref<100x128xf32, #tpu.memory_space<vmem>>, %arg6: memref<100x128xi32, #tpu.memory_space<vmem>>, %arg7: memref<896xf32, #tpu.memory_space<vmem>>, %arg8: memref<896xf32, #tpu.memory_space<vmem_shared>>, %arg9: memref<!tpu.dma_semaphore, #tpu.memory_space<semaphore_mem>>) attributes {dimension_semantics = [#tpu.dimension_semantics<core_parallel>, #tpu.dimension_semantics<subcore_parallel>], iteration_bounds = array<i64: 2, 16>, scalar_prefetch = 0 : i64, scratch_operands = 5 : i64, tpu.core_type = #tpu.core_type<sc_vector_subcore>, window_params = [{transform_indices = #map}, {transform_indices = #map}, {transform_indices = #map1}]} {
    %mul3A = arith.constant 16 : i32
    %mul3A_0 = arith.muli %arg0, %mul3A : i32
    %add3A = arith.addi %mul3A_0, %arg1 : i32
    "tpu.region"() ({
      %run_scoped3A = tpu.sem_alloc : memref<!tpu.dma_semaphore, #tpu.memory_space<semaphore_mem>>
      %dma_start3A_2012 = arith.constant 0 : i32
      %dma_start3A_2013 = arith.constant 0 : i32
      %dma_start3A_2014 = tpu.memref_slice %arg2[%add3A, %dma_start3A_2012, %dma_start3A_2013] : memref<32x100x128xf32, #tpu.memory_space<hbm>> -> memref<1x100x128xf32, #tpu.memory_space<hbm>>
      %dma_start3A_2015 = tpu.memref_squeeze %dma_start3A_2014 : memref<1x100x128xf32, #tpu.memory_space<hbm>> -> memref<100x128xf32, #tpu.memory_space<hbm>>
      %dma_start3A_2016 = arith.constant 0 : i32
      %dma_start3A_2017 = arith.constant 0 : i32
      %dma_start3A_2018 = tpu.memref_slice %arg2[%add3A, %dma_start3A_2016, %dma_start3A_2017] : memref<32x100x128xf32, #tpu.memory_space<hbm>> -> memref<1x100x128xf32, #tpu.memory_space<hbm>>
      %dma_start3A_2019 = tpu.memref_squeeze %dma_start3A_2018 : memref<1x100x128xf32, #tpu.memory_space<hbm>> -> memref<100x128xf32, #tpu.memory_space<hbm>>
      tpu.enqueue_dma source(%dma_start3A_2019 : memref<100x128xf32, #tpu.memory_space<hbm>>) target(%arg5 : memref<100x128xf32, #tpu.memory_space<vmem>>) target_semaphore(%run_scoped3A : memref<!tpu.dma_semaphore, #tpu.memory_space<semaphore_mem>>)
      %dma_wait3A_2020 = arith.constant 0 : i32
      %dma_wait3A_2021 = arith.constant 0 : i32
      %dma_wait3A_2022 = tpu.memref_slice %arg2[%add3A, %dma_wait3A_2020, %dma_wait3A_2021] : memref<32x100x128xf32, #tpu.memory_space<hbm>> -> memref<1x100x128xf32, #tpu.memory_space<hbm>>
      %dma_wait3A_2023 = tpu.memref_squeeze %dma_wait3A_2022 : memref<1x100x128xf32, #tpu.memory_space<hbm>> -> memref<100x128xf32, #tpu.memory_space<hbm>>
      %dma_wait3A_2024 = arith.constant 0 : i32
      %dma_wait3A_2025 = arith.constant 0 : i32
      %dma_wait3A_2026 = tpu.memref_slice %arg2[%add3A, %dma_wait3A_2024, %dma_wait3A_2025] : memref<32x100x128xf32, #tpu.memory_space<hbm>> -> memref<1x100x128xf32, #tpu.memory_space<hbm>>
      %dma_wait3A_2027 = tpu.memref_squeeze %dma_wait3A_2026 : memref<1x100x128xf32, #tpu.memory_space<hbm>> -> memref<100x128xf32, #tpu.memory_space<hbm>>
      tpu.wait_dma2 semaphore(%run_scoped3A : memref<!tpu.dma_semaphore, #tpu.memory_space<semaphore_mem>>) src(%dma_wait3A_2027 : memref<100x128xf32, #tpu.memory_space<hbm>>) dst(%arg5 : memref<100x128xf32, #tpu.memory_space<vmem>>)
      tpu.yield
    }) : () -> ()
    "tpu.region"() ({
      %run_scoped3A = tpu.sem_alloc : memref<!tpu.dma_semaphore, #tpu.memory_space<semaphore_mem>>
      %dma_start3A_2012 = arith.constant 0 : i32
      %dma_start3A_2013 = arith.constant 0 : i32
      %dma_start3A_2014 = tpu.memref_slice %arg3[%add3A, %dma_start3A_2012, %dma_start3A_2013] : memref<32x100x128xi32, #tpu.memory_space<hbm>> -> memref<1x100x128xi32, #tpu.memory_space<hbm>>
      %dma_start3A_2015 = tpu.memref_squeeze %dma_start3A_2014 : memref<1x100x128xi32, #tpu.memory_space<hbm>> -> memref<100x128xi32, #tpu.memory_space<hbm>>
      %dma_start3A_2016 = arith.constant 0 : i32
      %dma_start3A_2017 = arith.constant 0 : i32
      %dma_start3A_2018 = tpu.memref_slice %arg3[%add3A, %dma_start3A_2016, %dma_start3A_2017] : memref<32x100x128xi32, #tpu.memory_space<hbm>> -> memref<1x100x128xi32, #tpu.memory_space<hbm>>
      %dma_start3A_2019 = tpu.memref_squeeze %dma_start3A_2018 : memref<1x100x128xi32, #tpu.memory_space<hbm>> -> memref<100x128xi32, #tpu.memory_space<hbm>>
      tpu.enqueue_dma source(%dma_start3A_2019 : memref<100x128xi32, #tpu.memory_space<hbm>>) target(%arg6 : memref<100x128xi32, #tpu.memory_space<vmem>>) target_semaphore(%run_scoped3A : memref<!tpu.dma_semaphore, #tpu.memory_space<semaphore_mem>>)
      %dma_wait3A_2020 = arith.constant 0 : i32
      %dma_wait3A_2021 = arith.constant 0 : i32
      %dma_wait3A_2022 = tpu.memref_slice %arg3[%add3A, %dma_wait3A_2020, %dma_wait3A_2021] : memref<32x100x128xi32, #tpu.memory_space<hbm>> -> memref<1x100x128xi32, #tpu.memory_space<hbm>>
      %dma_wait3A_2023 = tpu.memref_squeeze %dma_wait3A_2022 : memref<1x100x128xi32, #tpu.memory_space<hbm>> -> memref<100x128xi32, #tpu.memory_space<hbm>>
      %dma_wait3A_2024 = arith.constant 0 : i32
      %dma_wait3A_2025 = arith.constant 0 : i32
      %dma_wait3A_2026 = tpu.memref_slice %arg3[%add3A, %dma_wait3A_2024, %dma_wait3A_2025] : memref<32x100x128xi32, #tpu.memory_space<hbm>> -> memref<1x100x128xi32, #tpu.memory_space<hbm>>
      %dma_wait3A_2027 = tpu.memref_squeeze %dma_wait3A_2026 : memref<1x100x128xi32, #tpu.memory_space<hbm>> -> memref<100x128xi32, #tpu.memory_space<hbm>>
      tpu.wait_dma2 semaphore(%run_scoped3A : memref<!tpu.dma_semaphore, #tpu.memory_space<semaphore_mem>>) src(%dma_wait3A_2027 : memref<100x128xi32, #tpu.memory_space<hbm>>) dst(%arg6 : memref<100x128xi32, #tpu.memory_space<vmem>>)
      tpu.yield
    }) : () -> ()
    %scan3A = arith.constant 0 : i32
    %scan3A_1 = arith.constant 0 : i32
    %scan3A_2 = arith.constant 56 : i32
    %scan3A_3 = arith.addi %scan3A_1, %scan3A_2 : i32
    %scan3A_4 = arith.constant 1 : i32
    scf.for %scan3A_2012 = %scan3A_1 to %scan3A_3 step %scan3A_4  : i32 {
      %broadcast_in_dim3A = arith.constant 0.000000e+00 : f32
      %broadcast_in_dim3A_2013 = vector.broadcast %broadcast_in_dim3A : f32 to vector<16xf32>
      %mul3A_2014 = arith.constant 16 : i32
      %mul3A_2015 = arith.muli %scan3A_2012, %mul3A_2014 : i32
      %swap3A = arith.index_cast %mul3A_2015 : i32 to index
      %swap3A_2016 = tpu.vector_load %arg7[%swap3A] {strides = array<i32>} : memref<896xf32, #tpu.memory_space<vmem>>, vector<16xf32>,
      %swap3A_2017 = vector.shape_cast %swap3A_2016 : vector<16xf32> to vector<16xf32>
      %swap3A_2018 = vector.shape_cast %broadcast_in_dim3A_2013 : vector<16xf32> to vector<16xf32>
      tpu.vector_store %arg7[%swap3A], %swap3A_2018 {strides = array<i32>} : memref<896xf32, #tpu.memory_space<vmem>>, vector<16xf32>,
    }
    %scan3A_5 = arith.constant 56 : i32
    %eq3A = arith.constant 0 : i32
    %eq3A_6 = arith.cmpi eq, %arg1, %eq3A : i32
    %convert_element_type3A = arith.extui %eq3A_6 : i1 to i32
    %cond3A = arith.constant 0 : i32
    %cond3A_7 = arith.cmpi ne, %convert_element_type3A, %cond3A : i32
    scf.if %cond3A_7 {
      "tpu.region"() ({
        %run_scoped3A = tpu.sem_alloc : memref<!tpu.dma_semaphore, #tpu.memory_space<semaphore_mem>>
        tpu.enqueue_dma source(%arg7 : memref<896xf32, #tpu.memory_space<vmem>>) target(%arg8 : memref<896xf32, #tpu.memory_space<vmem_shared>>) target_semaphore(%run_scoped3A : memref<!tpu.dma_semaphore, #tpu.memory_space<semaphore_mem>>)
        tpu.wait_dma2 semaphore(%run_scoped3A : memref<!tpu.dma_semaphore, #tpu.memory_space<semaphore_mem>>) src(%arg7 : memref<896xf32, #tpu.memory_space<vmem>>) dst(%arg8 : memref<896xf32, #tpu.memory_space<vmem_shared>>)
        tpu.yield
      }) : () -> ()
    } else {
    }
    %barrier3A = arith.constant 0 : index
    tpu.barrier barrier_id(%barrier3A)
    %dma_start3A = arith.constant 0 : i32
    %dma_start3A_8 = arith.constant 0 : i32
    %dma_start3A_9 = arith.constant 0 : i32
    %dma_start3A_10 = tpu.memref_slice %arg5[%dma_start3A, %dma_start3A_9] : memref<100x128xf32, #tpu.memory_space<vmem>> -> memref<1x128xf32, #tpu.memory_space<vmem>>
    %dma_start3A_11 = tpu.memref_squeeze %dma_start3A_10 : memref<1x128xf32, #tpu.memory_space<vmem>> -> memref<128xf32, #tpu.memory_space<vmem>>
    %dma_start3A_12 = arith.constant 0 : i32
    %dma_start3A_13 = tpu.memref_slice %arg6[%dma_start3A_8, %dma_start3A_12] : memref<100x128xi32, #tpu.memory_space<vmem>> -> memref<1x128xi32, #tpu.memory_space<vmem>>
    %dma_start3A_14 = tpu.memref_squeeze %dma_start3A_13 : memref<1x128xi32, #tpu.memory_space<vmem>> -> memref<128xi32, #tpu.memory_space<vmem>>
    %dma_start3A_15 = arith.constant 0 : i32
    %dma_start3A_16 = tpu.memref_slice %arg8[%dma_start3A_15] : memref<896xf32, #tpu.memory_space<vmem_shared>> -> memref<896xf32, #tpu.memory_space<vmem_shared>>
    tpu.enqueue_indirect_dma source(%dma_start3A_11 : memref<128xf32, #tpu.memory_space<vmem>>) target(%dma_start3A_16 : memref<896xf32, #tpu.memory_space<vmem_shared>>) offsets(%dma_start3A_14 : memref<128xi32, #tpu.memory_space<vmem>>) semaphore(%arg9 : memref<!tpu.dma_semaphore, #tpu.memory_space<semaphore_mem>>) {add = true}
    %dma_start3A_17 = arith.constant 1 : i32
    %dma_start3A_18 = arith.constant 1 : i32
    %dma_start3A_19 = arith.constant 0 : i32
    %dma_start3A_20 = tpu.memref_slice %arg5[%dma_start3A_17, %dma_start3A_19] : memref<100x128xf32, #tpu.memory_space<vmem>> -> memref<1x128xf32, #tpu.memory_space<vmem>>
    %dma_start3A_21 = tpu.memref_squeeze %dma_start3A_20 : memref<1x128xf32, #tpu.memory_space<vmem>> -> memref<128xf32, #tpu.memory_space<vmem>>
    %dma_start3A_22 = arith.constant 0 : i32
    %dma_start3A_23 = tpu.memref_slice %arg6[%dma_start3A_18, %dma_start3A_22] : memref<100x128xi32, #tpu.memory_space<vmem>> -> memref<1x128xi32, #tpu.memory_space<vmem>>
    %dma_start3A_24 = tpu.memref_squeeze %dma_start3A_23 : memref<1x128xi32, #tpu.memory_space<vmem>> -> memref<128xi32, #tpu.memory_space<vmem>>
    %dma_start3A_25 = arith.constant 0 : i32
    %dma_start3A_26 = tpu.memref_slice %arg8[%dma_start3A_25] : memref<896xf32, #tpu.memory_space<vmem_shared>> -> memref<896xf32, #tpu.memory_space<vmem_shared>>
    tpu.enqueue_indirect_dma source(%dma_start3A_21 : memref<128xf32, #tpu.memory_space<vmem>>) target(%dma_start3A_26 : memref<896xf32, #tpu.memory_space<vmem_shared>>) offsets(%dma_start3A_24 : memref<128xi32, #tpu.memory_space<vmem>>) semaphore(%arg9 : memref<!tpu.dma_semaphore, #tpu.memory_space<semaphore_mem>>) {add = true}
    %dma_start3A_27 = arith.constant 2 : i32
    %dma_start3A_28 = arith.constant 2 : i32
    %dma_start3A_29 = arith.constant 0 : i32
    %dma_start3A_30 = tpu.memref_slice %arg5[%dma_start3A_27, %dma_start3A_29] : memref<100x128xf32, #tpu.memory_space<vmem>> -> memref<1x128xf32, #tpu.memory_space<vmem>>
    %dma_start3A_31 = tpu.memref_squeeze %dma_start3A_30 : memref<1x128xf32, #tpu.memory_space<vmem>> -> memref<128xf32, #tpu.memory_space<vmem>>
    %dma_start3A_32 = arith.constant 0 : i32
    %dma_start3A_33 = tpu.memref_slice %arg6[%dma_start3A_28, %dma_start3A_32] : memref<100x128xi32, #tpu.memory_space<vmem>> -> memref<1x128xi32, #tpu.memory_space<vmem>>
    %dma_start3A_34 = tpu.memref_squeeze %dma_start3A_33 : memref<1x128xi32, #tpu.memory_space<vmem>> -> memref<128xi32, #tpu.memory_space<vmem>>
    %dma_start3A_35 = arith.constant 0 : i32
    %dma_start3A_36 = tpu.memref_slice %arg8[%dma_start3A_35] : memref<896xf32, #tpu.memory_space<vmem_shared>> -> memref<896xf32, #tpu.memory_space<vmem_shared>>
    tpu.enqueue_indirect_dma source(%dma_start3A_31 : memref<128xf32, #tpu.memory_space<vmem>>) target(%dma_start3A_36 : memref<896xf32, #tpu.memory_space<vmem_shared>>) offsets(%dma_start3A_34 : memref<128xi32, #tpu.memory_space<vmem>>) semaphore(%arg9 : memref<!tpu.dma_semaphore, #tpu.memory_space<semaphore_mem>>) {add = true}
    %dma_start3A_37 = arith.constant 3 : i32
    %dma_start3A_38 = arith.constant 3 : i32
    %dma_start3A_39 = arith.constant 0 : i32
    %dma_start3A_40 = tpu.memref_slice %arg5[%dma_start3A_37, %dma_start3A_39] : memref<100x128xf32, #tpu.memory_space<vmem>> -> memref<1x128xf32, #tpu.memory_space<vmem>>
    %dma_start3A_41 = tpu.memref_squeeze %dma_start3A_40 : memref<1x128xf32, #tpu.memory_space<vmem>> -> memref<128xf32, #tpu.memory_space<vmem>>
    %dma_start3A_42 = arith.constant 0 : i32
    %dma_start3A_43 = tpu.memref_slice %arg6[%dma_start3A_38, %dma_start3A_42] : memref<100x128xi32, #tpu.memory_space<vmem>> -> memref<1x128xi32, #tpu.memory_space<vmem>>
    %dma_start3A_44 = tpu.memref_squeeze %dma_start3A_43 : memref<1x128xi32, #tpu.memory_space<vmem>> -> memref<128xi32, #tpu.memory_space<vmem>>
    %dma_start3A_45 = arith.constant 0 : i32
    %dma_start3A_46 = tpu.memref_slice %arg8[%dma_start3A_45] : memref<896xf32, #tpu.memory_space<vmem_shared>> -> memref<896xf32, #tpu.memory_space<vmem_shared>>
    tpu.enqueue_indirect_dma source(%dma_start3A_41 : memref<128xf32, #tpu.memory_space<vmem>>) target(%dma_start3A_46 : memref<896xf32, #tpu.memory_space<vmem_shared>>) offsets(%dma_start3A_44 : memref<128xi32, #tpu.memory_space<vmem>>) semaphore(%arg9 : memref<!tpu.dma_semaphore, #tpu.memory_space<semaphore_mem>>) {add = true}
    %dma_start3A_47 = arith.constant 4 : i32
    %dma_start3A_48 = arith.constant 4 : i32
    %dma_start3A_49 = arith.constant 0 : i32
    %dma_start3A_50 = tpu.memref_slice %arg5[%dma_start3A_47, %dma_start3A_49] : memref<100x128xf32, #tpu.memory_space<vmem>> -> memref<1x128xf32, #tpu.memory_space<vmem>>
    %dma_start3A_51 = tpu.memref_squeeze %dma_start3A_50 : memref<1x128xf32, #tpu.memory_space<vmem>> -> memref<128xf32, #tpu.memory_space<vmem>>
    %dma_start3A_52 = arith.constant 0 : i32
    %dma_start3A_53 = tpu.memref_slice %arg6[%dma_start3A_48, %dma_start3A_52] : memref<100x128xi32, #tpu.memory_space<vmem>> -> memref<1x128xi32, #tpu.memory_space<vmem>>
    %dma_start3A_54 = tpu.memref_squeeze %dma_start3A_53 : memref<1x128xi32, #tpu.memory_space<vmem>> -> memref<128xi32, #tpu.memory_space<vmem>>
    %dma_start3A_55 = arith.constant 0 : i32
    %dma_start3A_56 = tpu.memref_slice %arg8[%dma_start3A_55] : memref<896xf32, #tpu.memory_space<vmem_shared>> -> memref<896xf32, #tpu.memory_space<vmem_shared>>
    tpu.enqueue_indirect_dma source(%dma_start3A_51 : memref<128xf32, #tpu.memory_space<vmem>>) target(%dma_start3A_56 : memref<896xf32, #tpu.memory_space<vmem_shared>>) offsets(%dma_start3A_54 : memref<128xi32, #tpu.memory_space<vmem>>) semaphore(%arg9 : memref<!tpu.dma_semaphore, #tpu.memory_space<semaphore_mem>>) {add = true}
    %dma_start3A_57 = arith.constant 5 : i32
    %dma_start3A_58 = arith.constant 5 : i32
    %dma_start3A_59 = arith.constant 0 : i32
    %dma_start3A_60 = tpu.memref_slice %arg5[%dma_start3A_57, %dma_start3A_59] : memref<100x128xf32, #tpu.memory_space<vmem>> -> memref<1x128xf32, #tpu.memory_space<vmem>>
    %dma_start3A_61 = tpu.memref_squeeze %dma_start3A_60 : memref<1x128xf32, #tpu.memory_space<vmem>> -> memref<128xf32, #tpu.memory_space<vmem>>
    %dma_start3A_62 = arith.constant 0 : i32
    %dma_start3A_63 = tpu.memref_slice %arg6[%dma_start3A_58, %dma_start3A_62] : memref<100x128xi32, #tpu.memory_space<vmem>> -> memref<1x128xi32, #tpu.memory_space<vmem>>
    %dma_start3A_64 = tpu.memref_squeeze %dma_start3A_63 : memref<1x128xi32, #tpu.memory_space<vmem>> -> memref<128xi32, #tpu.memory_space<vmem>>
    %dma_start3A_65 = arith.constant 0 : i32
    %dma_start3A_66 = tpu.memref_slice %arg8[%dma_start3A_65] : memref<896xf32, #tpu.memory_space<vmem_shared>> -> memref<896xf32, #tpu.memory_space<vmem_shared>>
    tpu.enqueue_indirect_dma source(%dma_start3A_61 : memref<128xf32, #tpu.memory_space<vmem>>) target(%dma_start3A_66 : memref<896xf32, #tpu.memory_space<vmem_shared>>) offsets(%dma_start3A_64 : memref<128xi32, #tpu.memory_space<vmem>>) semaphore(%arg9 : memref<!tpu.dma_semaphore, #tpu.memory_space<semaphore_mem>>) {add = true}
    %dma_start3A_67 = arith.constant 6 : i32
    %dma_start3A_68 = arith.constant 6 : i32
    %dma_start3A_69 = arith.constant 0 : i32
    %dma_start3A_70 = tpu.memref_slice %arg5[%dma_start3A_67, %dma_start3A_69] : memref<100x128xf32, #tpu.memory_space<vmem>> -> memref<1x128xf32, #tpu.memory_space<vmem>>
    %dma_start3A_71 = tpu.memref_squeeze %dma_start3A_70 : memref<1x128xf32, #tpu.memory_space<vmem>> -> memref<128xf32, #tpu.memory_space<vmem>>
    %dma_start3A_72 = arith.constant 0 : i32
    %dma_start3A_73 = tpu.memref_slice %arg6[%dma_start3A_68, %dma_start3A_72] : memref<100x128xi32, #tpu.memory_space<vmem>> -> memref<1x128xi32, #tpu.memory_space<vmem>>
    %dma_start3A_74 = tpu.memref_squeeze %dma_start3A_73 : memref<1x128xi32, #tpu.memory_space<vmem>> -> memref<128xi32, #tpu.memory_space<vmem>>
    %dma_start3A_75 = arith.constant 0 : i32
    %dma_start3A_76 = tpu.memref_slice %arg8[%dma_start3A_75] : memref<896xf32, #tpu.memory_space<vmem_shared>> -> memref<896xf32, #tpu.memory_space<vmem_shared>>
    tpu.enqueue_indirect_dma source(%dma_start3A_71 : memref<128xf32, #tpu.memory_space<vmem>>) target(%dma_start3A_76 : memref<896xf32, #tpu.memory_space<vmem_shared>>) offsets(%dma_start3A_74 : memref<128xi32, #tpu.memory_space<vmem>>) semaphore(%arg9 : memref<!tpu.dma_semaphore, #tpu.memory_space<semaphore_mem>>) {add = true}
    %dma_start3A_77 = arith.constant 7 : i32
    %dma_start3A_78 = arith.constant 7 : i32
    %dma_start3A_79 = arith.constant 0 : i32
    %dma_start3A_80 = tpu.memref_slice %arg5[%dma_start3A_77, %dma_start3A_79] : memref<100x128xf32, #tpu.memory_space<vmem>> -> memref<1x128xf32, #tpu.memory_space<vmem>>
    %dma_start3A_81 = tpu.memref_squeeze %dma_start3A_80 : memref<1x128xf32, #tpu.memory_space<vmem>> -> memref<128xf32, #tpu.memory_space<vmem>>
    %dma_start3A_82 = arith.constant 0 : i32
    %dma_start3A_83 = tpu.memref_slice %arg6[%dma_start3A_78, %dma_start3A_82] : memref<100x128xi32, #tpu.memory_space<vmem>> -> memref<1x128xi32, #tpu.memory_space<vmem>>
    %dma_start3A_84 = tpu.memref_squeeze %dma_start3A_83 : memref<1x128xi32, #tpu.memory_space<vmem>> -> memref<128xi32, #tpu.memory_space<vmem>>
    %dma_start3A_85 = arith.constant 0 : i32
    %dma_start3A_86 = tpu.memref_slice %arg8[%dma_start3A_85] : memref<896xf32, #tpu.memory_space<vmem_shared>> -> memref<896xf32, #tpu.memory_space<vmem_shared>>
    tpu.enqueue_indirect_dma source(%dma_start3A_81 : memref<128xf32, #tpu.memory_space<vmem>>) target(%dma_start3A_86 : memref<896xf32, #tpu.memory_space<vmem_shared>>) offsets(%dma_start3A_84 : memref<128xi32, #tpu.memory_space<vmem>>) semaphore(%arg9 : memref<!tpu.dma_semaphore, #tpu.memory_space<semaphore_mem>>) {add = true}
    %dma_start3A_87 = arith.constant 8 : i32
    %dma_start3A_88 = arith.constant 8 : i32
    %dma_start3A_89 = arith.constant 0 : i32
    %dma_start3A_90 = tpu.memref_slice %arg5[%dma_start3A_87, %dma_start3A_89] : memref<100x128xf32, #tpu.memory_space<vmem>> -> memref<1x128xf32, #tpu.memory_space<vmem>>
    %dma_start3A_91 = tpu.memref_squeeze %dma_start3A_90 : memref<1x128xf32, #tpu.memory_space<vmem>> -> memref<128xf32, #tpu.memory_space<vmem>>
    %dma_start3A_92 = arith.constant 0 : i32
    %dma_start3A_93 = tpu.memref_slice %arg6[%dma_start3A_88, %dma_start3A_92] : memref<100x128xi32, #tpu.memory_space<vmem>> -> memref<1x128xi32, #tpu.memory_space<vmem>>
    %dma_start3A_94 = tpu.memref_squeeze %dma_start3A_93 : memref<1x128xi32, #tpu.memory_space<vmem>> -> memref<128xi32, #tpu.memory_space<vmem>>
    %dma_start3A_95 = arith.constant 0 : i32
    %dma_start3A_96 = tpu.memref_slice %arg8[%dma_start3A_95] : memref<896xf32, #tpu.memory_space<vmem_shared>> -> memref<896xf32, #tpu.memory_space<vmem_shared>>
    tpu.enqueue_indirect_dma source(%dma_start3A_91 : memref<128xf32, #tpu.memory_space<vmem>>) target(%dma_start3A_96 : memref<896xf32, #tpu.memory_space<vmem_shared>>) offsets(%dma_start3A_94 : memref<128xi32, #tpu.memory_space<vmem>>) semaphore(%arg9 : memref<!tpu.dma_semaphore, #tpu.memory_space<semaphore_mem>>) {add = true}
    %dma_start3A_97 = arith.constant 9 : i32
    %dma_start3A_98 = arith.constant 9 : i32
    %dma_start3A_99 = arith.constant 0 : i32
    %dma_start3A_100 = tpu.memref_slice %arg5[%dma_start3A_97, %dma_start3A_99] : memref<100x128xf32, #tpu.memory_space<vmem>> -> memref<1x128xf32, #tpu.memory_space<vmem>>
    %dma_start3A_101 = tpu.memref_squeeze %dma_start3A_100 : memref<1x128xf32, #tpu.memory_space<vmem>> -> memref<128xf32, #tpu.memory_space<vmem>>
    %dma_start3A_102 = arith.constant 0 : i32
    %dma_start3A_103 = tpu.memref_slice %arg6[%dma_start3A_98, %dma_start3A_102] : memref<100x128xi32, #tpu.memory_space<vmem>> -> memref<1x128xi32, #tpu.memory_space<vmem>>
    %dma_start3A_104 = tpu.memref_squeeze %dma_start3A_103 : memref<1x128xi32, #tpu.memory_space<vmem>> -> memref<128xi32, #tpu.memory_space<vmem>>
    %dma_start3A_105 = arith.constant 0 : i32
    %dma_start3A_106 = tpu.memref_slice %arg8[%dma_start3A_105] : memref<896xf32, #tpu.memory_space<vmem_shared>> -> memref<896xf32, #tpu.memory_space<vmem_shared>>
    tpu.enqueue_indirect_dma source(%dma_start3A_101 : memref<128xf32, #tpu.memory_space<vmem>>) target(%dma_start3A_106 : memref<896xf32, #tpu.memory_space<vmem_shared>>) offsets(%dma_start3A_104 : memref<128xi32, #tpu.memory_space<vmem>>) semaphore(%arg9 : memref<!tpu.dma_semaphore, #tpu.memory_space<semaphore_mem>>) {add = true}
    %dma_start3A_107 = arith.constant 10 : i32
    %dma_start3A_108 = arith.constant 10 : i32
    %dma_start3A_109 = arith.constant 0 : i32
    %dma_start3A_110 = tpu.memref_slice %arg5[%dma_start3A_107, %dma_start3A_109] : memref<100x128xf32, #tpu.memory_space<vmem>> -> memref<1x128xf32, #tpu.memory_space<vmem>>
    %dma_start3A_111 = tpu.memref_squeeze %dma_start3A_110 : memref<1x128xf32, #tpu.memory_space<vmem>> -> memref<128xf32, #tpu.memory_space<vmem>>
    %dma_start3A_112 = arith.constant 0 : i32
    %dma_start3A_113 = tpu.memref_slice %arg6[%dma_start3A_108, %dma_start3A_112] : memref<100x128xi32, #tpu.memory_space<vmem>> -> memref<1x128xi32, #tpu.memory_space<vmem>>
    %dma_start3A_114 = tpu.memref_squeeze %dma_start3A_113 : memref<1x128xi32, #tpu.memory_space<vmem>> -> memref<128xi32, #tpu.memory_space<vmem>>
    %dma_start3A_115 = arith.constant 0 : i32
    %dma_start3A_116 = tpu.memref_slice %arg8[%dma_start3A_115] : memref<896xf32, #tpu.memory_space<vmem_shared>> -> memref<896xf32, #tpu.memory_space<vmem_shared>>
    tpu.enqueue_indirect_dma source(%dma_start3A_111 : memref<128xf32, #tpu.memory_space<vmem>>) target(%dma_start3A_116 : memref<896xf32, #tpu.memory_space<vmem_shared>>) offsets(%dma_start3A_114 : memref<128xi32, #tpu.memory_space<vmem>>) semaphore(%arg9 : memref<!tpu.dma_semaphore, #tpu.memory_space<semaphore_mem>>) {add = true}
    %dma_start3A_117 = arith.constant 11 : i32
    %dma_start3A_118 = arith.constant 11 : i32
    %dma_start3A_119 = arith.constant 0 : i32
    %dma_start3A_120 = tpu.memref_slice %arg5[%dma_start3A_117, %dma_start3A_119] : memref<100x128xf32, #tpu.memory_space<vmem>> -> memref<1x128xf32, #tpu.memory_space<vmem>>
    %dma_start3A_121 = tpu.memref_squeeze %dma_start3A_120 : memref<1x128xf32, #tpu.memory_space<vmem>> -> memref<128xf32, #tpu.memory_space<vmem>>
    %dma_start3A_122 = arith.constant 0 : i32
    %dma_start3A_123 = tpu.memref_slice %arg6[%dma_start3A_118, %dma_start3A_122] : memref<100x128xi32, #tpu.memory_space<vmem>> -> memref<1x128xi32, #tpu.memory_space<vmem>>
    %dma_start3A_124 = tpu.memref_squeeze %dma_start3A_123 : memref<1x128xi32, #tpu.memory_space<vmem>> -> memref<128xi32, #tpu.memory_space<vmem>>
    %dma_start3A_125 = arith.constant 0 : i32
    %dma_start3A_126 = tpu.memref_slice %arg8[%dma_start3A_125] : memref<896xf32, #tpu.memory_space<vmem_shared>> -> memref<896xf32, #tpu.memory_space<vmem_shared>>
    tpu.enqueue_indirect_dma source(%dma_start3A_121 : memref<128xf32, #tpu.memory_space<vmem>>) target(%dma_start3A_126 : memref<896xf32, #tpu.memory_space<vmem_shared>>) offsets(%dma_start3A_124 : memref<128xi32, #tpu.memory_space<vmem>>) semaphore(%arg9 : memref<!tpu.dma_semaphore, #tpu.memory_space<semaphore_mem>>) {add = true}
    %dma_start3A_127 = arith.constant 12 : i32
    %dma_start3A_128 = arith.constant 12 : i32
    %dma_start3A_129 = arith.constant 0 : i32
    %dma_start3A_130 = tpu.memref_slice %arg5[%dma_start3A_127, %dma_start3A_129] : memref<100x128xf32, #tpu.memory_space<vmem>> -> memref<1x128xf32, #tpu.memory_space<vmem>>
    %dma_start3A_131 = tpu.memref_squeeze %dma_start3A_130 : memref<1x128xf32, #tpu.memory_space<vmem>> -> memref<128xf32, #tpu.memory_space<vmem>>
    %dma_start3A_132 = arith.constant 0 : i32
    %dma_start3A_133 = tpu.memref_slice %arg6[%dma_start3A_128, %dma_start3A_132] : memref<100x128xi32, #tpu.memory_space<vmem>> -> memref<1x128xi32, #tpu.memory_space<vmem>>
    %dma_start3A_134 = tpu.memref_squeeze %dma_start3A_133 : memref<1x128xi32, #tpu.memory_space<vmem>> -> memref<128xi32, #tpu.memory_space<vmem>>
    %dma_start3A_135 = arith.constant 0 : i32
    %dma_start3A_136 = tpu.memref_slice %arg8[%dma_start3A_135] : memref<896xf32, #tpu.memory_space<vmem_shared>> -> memref<896xf32, #tpu.memory_space<vmem_shared>>
    tpu.enqueue_indirect_dma source(%dma_start3A_131 : memref<128xf32, #tpu.memory_space<vmem>>) target(%dma_start3A_136 : memref<896xf32, #tpu.memory_space<vmem_shared>>) offsets(%dma_start3A_134 : memref<128xi32, #tpu.memory_space<vmem>>) semaphore(%arg9 : memref<!tpu.dma_semaphore, #tpu.memory_space<semaphore_mem>>) {add = true}
    %dma_start3A_137 = arith.constant 13 : i32
    %dma_start3A_138 = arith.constant 13 : i32
    %dma_start3A_139 = arith.constant 0 : i32
    %dma_start3A_140 = tpu.memref_slice %arg5[%dma_start3A_137, %dma_start3A_139] : memref<100x128xf32, #tpu.memory_space<vmem>> -> memref<1x128xf32, #tpu.memory_space<vmem>>
    %dma_start3A_141 = tpu.memref_squeeze %dma_start3A_140 : memref<1x128xf32, #tpu.memory_space<vmem>> -> memref<128xf32, #tpu.memory_space<vmem>>
    %dma_start3A_142 = arith.constant 0 : i32
    %dma_start3A_143 = tpu.memref_slice %arg6[%dma_start3A_138, %dma_start3A_142] : memref<100x128xi32, #tpu.memory_space<vmem>> -> memref<1x128xi32, #tpu.memory_space<vmem>>
    %dma_start3A_144 = tpu.memref_squeeze %dma_start3A_143 : memref<1x128xi32, #tpu.memory_space<vmem>> -> memref<128xi32, #tpu.memory_space<vmem>>
    %dma_start3A_145 = arith.constant 0 : i32
    %dma_start3A_146 = tpu.memref_slice %arg8[%dma_start3A_145] : memref<896xf32, #tpu.memory_space<vmem_shared>> -> memref<896xf32, #tpu.memory_space<vmem_shared>>
    tpu.enqueue_indirect_dma source(%dma_start3A_141 : memref<128xf32, #tpu.memory_space<vmem>>) target(%dma_start3A_146 : memref<896xf32, #tpu.memory_space<vmem_shared>>) offsets(%dma_start3A_144 : memref<128xi32, #tpu.memory_space<vmem>>) semaphore(%arg9 : memref<!tpu.dma_semaphore, #tpu.memory_space<semaphore_mem>>) {add = true}
    %dma_start3A_147 = arith.constant 14 : i32
    %dma_start3A_148 = arith.constant 14 : i32
    %dma_start3A_149 = arith.constant 0 : i32
    %dma_start3A_150 = tpu.memref_slice %arg5[%dma_start3A_147, %dma_start3A_149] : memref<100x128xf32, #tpu.memory_space<vmem>> -> memref<1x128xf32, #tpu.memory_space<vmem>>
    %dma_start3A_151 = tpu.memref_squeeze %dma_start3A_150 : memref<1x128xf32, #tpu.memory_space<vmem>> -> memref<128xf32, #tpu.memory_space<vmem>>
    %dma_start3A_152 = arith.constant 0 : i32
    %dma_start3A_153 = tpu.memref_slice %arg6[%dma_start3A_148, %dma_start3A_152] : memref<100x128xi32, #tpu.memory_space<vmem>> -> memref<1x128xi32, #tpu.memory_space<vmem>>
    %dma_start3A_154 = tpu.memref_squeeze %dma_start3A_153 : memref<1x128xi32, #tpu.memory_space<vmem>> -> memref<128xi32, #tpu.memory_space<vmem>>
    %dma_start3A_155 = arith.constant 0 : i32
    %dma_start3A_156 = tpu.memref_slice %arg8[%dma_start3A_155] : memref<896xf32, #tpu.memory_space<vmem_shared>> -> memref<896xf32, #tpu.memory_space<vmem_shared>>
    tpu.enqueue_indirect_dma source(%dma_start3A_151 : memref<128xf32, #tpu.memory_space<vmem>>) target(%dma_start3A_156 : memref<896xf32, #tpu.memory_space<vmem_shared>>) offsets(%dma_start3A_154 : memref<128xi32, #tpu.memory_space<vmem>>) semaphore(%arg9 : memref<!tpu.dma_semaphore, #tpu.memory_space<semaphore_mem>>) {add = true}
    %dma_start3A_157 = arith.constant 15 : i32
    %dma_start3A_158 = arith.constant 15 : i32
    %dma_start3A_159 = arith.constant 0 : i32
    %dma_start3A_160 = tpu.memref_slice %arg5[%dma_start3A_157, %dma_start3A_159] : memref<100x128xf32, #tpu.memory_space<vmem>> -> memref<1x128xf32, #tpu.memory_space<vmem>>
    %dma_start3A_161 = tpu.memref_squeeze %dma_start3A_160 : memref<1x128xf32, #tpu.memory_space<vmem>> -> memref<128xf32, #tpu.memory_space<vmem>>
    %dma_start3A_162 = arith.constant 0 : i32
    %dma_start3A_163 = tpu.memref_slice %arg6[%dma_start3A_158, %dma_start3A_162] : memref<100x128xi32, #tpu.memory_space<vmem>> -> memref<1x128xi32, #tpu.memory_space<vmem>>
    %dma_start3A_164 = tpu.memref_squeeze %dma_start3A_163 : memref<1x128xi32, #tpu.memory_space<vmem>> -> memref<128xi32, #tpu.memory_space<vmem>>
    %dma_start3A_165 = arith.constant 0 : i32
    %dma_start3A_166 = tpu.memref_slice %arg8[%dma_start3A_165] : memref<896xf32, #tpu.memory_space<vmem_shared>> -> memref<896xf32, #tpu.memory_space<vmem_shared>>
    tpu.enqueue_indirect_dma source(%dma_start3A_161 : memref<128xf32, #tpu.memory_space<vmem>>) target(%dma_start3A_166 : memref<896xf32, #tpu.memory_space<vmem_shared>>) offsets(%dma_start3A_164 : memref<128xi32, #tpu.memory_space<vmem>>) semaphore(%arg9 : memref<!tpu.dma_semaphore, #tpu.memory_space<semaphore_mem>>) {add = true}
    %dma_start3A_167 = arith.constant 16 : i32
    %dma_start3A_168 = arith.constant 16 : i32
    %dma_start3A_169 = arith.constant 0 : i32
    %dma_start3A_170 = tpu.memref_slice %arg5[%dma_start3A_167, %dma_start3A_169] : memref<100x128xf32, #tpu.memory_space<vmem>> -> memref<1x128xf32, #tpu.memory_space<vmem>>
    %dma_start3A_171 = tpu.memref_squeeze %dma_start3A_170 : memref<1x128xf32, #tpu.memory_space<vmem>> -> memref<128xf32, #tpu.memory_space<vmem>>
    %dma_start3A_172 = arith.constant 0 : i32
    %dma_start3A_173 = tpu.memref_slice %arg6[%dma_start3A_168, %dma_start3A_172] : memref<100x128xi32, #tpu.memory_space<vmem>> -> memref<1x128xi32, #tpu.memory_space<vmem>>
    %dma_start3A_174 = tpu.memref_squeeze %dma_start3A_173 : memref<1x128xi32, #tpu.memory_space<vmem>> -> memref<128xi32, #tpu.memory_space<vmem>>
    %dma_start3A_175 = arith.constant 0 : i32
    %dma_start3A_176 = tpu.memref_slice %arg8[%dma_start3A_175] : memref<896xf32, #tpu.memory_space<vmem_shared>> -> memref<896xf32, #tpu.memory_space<vmem_shared>>
    tpu.enqueue_indirect_dma source(%dma_start3A_171 : memref<128xf32, #tpu.memory_space<vmem>>) target(%dma_start3A_176 : memref<896xf32, #tpu.memory_space<vmem_shared>>) offsets(%dma_start3A_174 : memref<128xi32, #tpu.memory_space<vmem>>) semaphore(%arg9 : memref<!tpu.dma_semaphore, #tpu.memory_space<semaphore_mem>>) {add = true}
    %dma_start3A_177 = arith.constant 17 : i32
    %dma_start3A_178 = arith.constant 17 : i32
    %dma_start3A_179 = arith.constant 0 : i32
    %dma_start3A_180 = tpu.memref_slice %arg5[%dma_start3A_177, %dma_start3A_179] : memref<100x128xf32, #tpu.memory_space<vmem>> -> memref<1x128xf32, #tpu.memory_space<vmem>>
    %dma_start3A_181 = tpu.memref_squeeze %dma_start3A_180 : memref<1x128xf32, #tpu.memory_space<vmem>> -> memref<128xf32, #tpu.memory_space<vmem>>
    %dma_start3A_182 = arith.constant 0 : i32
    %dma_start3A_183 = tpu.memref_slice %arg6[%dma_start3A_178, %dma_start3A_182] : memref<100x128xi32, #tpu.memory_space<vmem>> -> memref<1x128xi32, #tpu.memory_space<vmem>>
    %dma_start3A_184 = tpu.memref_squeeze %dma_start3A_183 : memref<1x128xi32, #tpu.memory_space<vmem>> -> memref<128xi32, #tpu.memory_space<vmem>>
    %dma_start3A_185 = arith.constant 0 : i32
    %dma_start3A_186 = tpu.memref_slice %arg8[%dma_start3A_185] : memref<896xf32, #tpu.memory_space<vmem_shared>> -> memref<896xf32, #tpu.memory_space<vmem_shared>>
    tpu.enqueue_indirect_dma source(%dma_start3A_181 : memref<128xf32, #tpu.memory_space<vmem>>) target(%dma_start3A_186 : memref<896xf32, #tpu.memory_space<vmem_shared>>) offsets(%dma_start3A_184 : memref<128xi32, #tpu.memory_space<vmem>>) semaphore(%arg9 : memref<!tpu.dma_semaphore, #tpu.memory_space<semaphore_mem>>) {add = true}
    %dma_start3A_187 = arith.constant 18 : i32
    %dma_start3A_188 = arith.constant 18 : i32
    %dma_start3A_189 = arith.constant 0 : i32
    %dma_start3A_190 = tpu.memref_slice %arg5[%dma_start3A_187, %dma_start3A_189] : memref<100x128xf32, #tpu.memory_space<vmem>> -> memref<1x128xf32, #tpu.memory_space<vmem>>
    %dma_start3A_191 = tpu.memref_squeeze %dma_start3A_190 : memref<1x128xf32, #tpu.memory_space<vmem>> -> memref<128xf32, #tpu.memory_space<vmem>>
    %dma_start3A_192 = arith.constant 0 : i32
    %dma_start3A_193 = tpu.memref_slice %arg6[%dma_start3A_188, %dma_start3A_192] : memref<100x128xi32, #tpu.memory_space<vmem>> -> memref<1x128xi32, #tpu.memory_space<vmem>>
    %dma_start3A_194 = tpu.memref_squeeze %dma_start3A_193 : memref<1x128xi32, #tpu.memory_space<vmem>> -> memref<128xi32, #tpu.memory_space<vmem>>
    %dma_start3A_195 = arith.constant 0 : i32
    %dma_start3A_196 = tpu.memref_slice %arg8[%dma_start3A_195] : memref<896xf32, #tpu.memory_space<vmem_shared>> -> memref<896xf32, #tpu.memory_space<vmem_shared>>
    tpu.enqueue_indirect_dma source(%dma_start3A_191 : memref<128xf32, #tpu.memory_space<vmem>>) target(%dma_start3A_196 : memref<896xf32, #tpu.memory_space<vmem_shared>>) offsets(%dma_start3A_194 : memref<128xi32, #tpu.memory_space<vmem>>) semaphore(%arg9 : memref<!tpu.dma_semaphore, #tpu.memory_space<semaphore_mem>>) {add = true}
    %dma_start3A_197 = arith.constant 19 : i32
    %dma_start3A_198 = arith.constant 19 : i32
    %dma_start3A_199 = arith.constant 0 : i32
    %dma_start3A_200 = tpu.memref_slice %arg5[%dma_start3A_197, %dma_start3A_199] : memref<100x128xf32, #tpu.memory_space<vmem>> -> memref<1x128xf32, #tpu.memory_space<vmem>>
    %dma_start3A_201 = tpu.memref_squeeze %dma_start3A_200 : memref<1x128xf32, #tpu.memory_space<vmem>> -> memref<128xf32, #tpu.memory_space<vmem>>
    %dma_start3A_202 = arith.constant 0 : i32
    %dma_start3A_203 = tpu.memref_slice %arg6[%dma_start3A_198, %dma_start3A_202] : memref<100x128xi32, #tpu.memory_space<vmem>> -> memref<1x128xi32, #tpu.memory_space<vmem>>
    %dma_start3A_204 = tpu.memref_squeeze %dma_start3A_203 : memref<1x128xi32, #tpu.memory_space<vmem>> -> memref<128xi32, #tpu.memory_space<vmem>>
    %dma_start3A_205 = arith.constant 0 : i32
    %dma_start3A_206 = tpu.memref_slice %arg8[%dma_start3A_205] : memref<896xf32, #tpu.memory_space<vmem_shared>> -> memref<896xf32, #tpu.memory_space<vmem_shared>>
    tpu.enqueue_indirect_dma source(%dma_start3A_201 : memref<128xf32, #tpu.memory_space<vmem>>) target(%dma_start3A_206 : memref<896xf32, #tpu.memory_space<vmem_shared>>) offsets(%dma_start3A_204 : memref<128xi32, #tpu.memory_space<vmem>>) semaphore(%arg9 : memref<!tpu.dma_semaphore, #tpu.memory_space<semaphore_mem>>) {add = true}
    %dma_start3A_207 = arith.constant 20 : i32
    %dma_start3A_208 = arith.constant 20 : i32
    %dma_start3A_209 = arith.constant 0 : i32
    %dma_start3A_210 = tpu.memref_slice %arg5[%dma_start3A_207, %dma_start3A_209] : memref<100x128xf32, #tpu.memory_space<vmem>> -> memref<1x128xf32, #tpu.memory_space<vmem>>
    %dma_start3A_211 = tpu.memref_squeeze %dma_start3A_210 : memref<1x128xf32, #tpu.memory_space<vmem>> -> memref<128xf32, #tpu.memory_space<vmem>>
    %dma_start3A_212 = arith.constant 0 : i32
    %dma_start3A_213 = tpu.memref_slice %arg6[%dma_start3A_208, %dma_start3A_212] : memref<100x128xi32, #tpu.memory_space<vmem>> -> memref<1x128xi32, #tpu.memory_space<vmem>>
    %dma_start3A_214 = tpu.memref_squeeze %dma_start3A_213 : memref<1x128xi32, #tpu.memory_space<vmem>> -> memref<128xi32, #tpu.memory_space<vmem>>
    %dma_start3A_215 = arith.constant 0 : i32
    %dma_start3A_216 = tpu.memref_slice %arg8[%dma_start3A_215] : memref<896xf32, #tpu.memory_space<vmem_shared>> -> memref<896xf32, #tpu.memory_space<vmem_shared>>
    tpu.enqueue_indirect_dma source(%dma_start3A_211 : memref<128xf32, #tpu.memory_space<vmem>>) target(%dma_start3A_216 : memref<896xf32, #tpu.memory_space<vmem_shared>>) offsets(%dma_start3A_214 : memref<128xi32, #tpu.memory_space<vmem>>) semaphore(%arg9 : memref<!tpu.dma_semaphore, #tpu.memory_space<semaphore_mem>>) {add = true}
    %dma_start3A_217 = arith.constant 21 : i32
    %dma_start3A_218 = arith.constant 21 : i32
    %dma_start3A_219 = arith.constant 0 : i32
    %dma_start3A_220 = tpu.memref_slice %arg5[%dma_start3A_217, %dma_start3A_219] : memref<100x128xf32, #tpu.memory_space<vmem>> -> memref<1x128xf32, #tpu.memory_space<vmem>>
    %dma_start3A_221 = tpu.memref_squeeze %dma_start3A_220 : memref<1x128xf32, #tpu.memory_space<vmem>> -> memref<128xf32, #tpu.memory_space<vmem>>
    %dma_start3A_222 = arith.constant 0 : i32
    %dma_start3A_223 = tpu.memref_slice %arg6[%dma_start3A_218, %dma_start3A_222] : memref<100x128xi32, #tpu.memory_space<vmem>> -> memref<1x128xi32, #tpu.memory_space<vmem>>
    %dma_start3A_224 = tpu.memref_squeeze %dma_start3A_223 : memref<1x128xi32, #tpu.memory_space<vmem>> -> memref<128xi32, #tpu.memory_space<vmem>>
    %dma_start3A_225 = arith.constant 0 : i32
    %dma_start3A_226 = tpu.memref_slice %arg8[%dma_start3A_225] : memref<896xf32, #tpu.memory_space<vmem_shared>> -> memref<896xf32, #tpu.memory_space<vmem_shared>>
    tpu.enqueue_indirect_dma source(%dma_start3A_221 : memref<128xf32, #tpu.memory_space<vmem>>) target(%dma_start3A_226 : memref<896xf32, #tpu.memory_space<vmem_shared>>) offsets(%dma_start3A_224 : memref<128xi32, #tpu.memory_space<vmem>>) semaphore(%arg9 : memref<!tpu.dma_semaphore, #tpu.memory_space<semaphore_mem>>) {add = true}
    %dma_start3A_227 = arith.constant 22 : i32
    %dma_start3A_228 = arith.constant 22 : i32
    %dma_start3A_229 = arith.constant 0 : i32
    %dma_start3A_230 = tpu.memref_slice %arg5[%dma_start3A_227, %dma_start3A_229] : memref<100x128xf32, #tpu.memory_space<vmem>> -> memref<1x128xf32, #tpu.memory_space<vmem>>
    %dma_start3A_231 = tpu.memref_squeeze %dma_start3A_230 : memref<1x128xf32, #tpu.memory_space<vmem>> -> memref<128xf32, #tpu.memory_space<vmem>>
    %dma_start3A_232 = arith.constant 0 : i32
    %dma_start3A_233 = tpu.memref_slice %arg6[%dma_start3A_228, %dma_start3A_232] : memref<100x128xi32, #tpu.memory_space<vmem>> -> memref<1x128xi32, #tpu.memory_space<vmem>>
    %dma_start3A_234 = tpu.memref_squeeze %dma_start3A_233 : memref<1x128xi32, #tpu.memory_space<vmem>> -> memref<128xi32, #tpu.memory_space<vmem>>
    %dma_start3A_235 = arith.constant 0 : i32
    %dma_start3A_236 = tpu.memref_slice %arg8[%dma_start3A_235] : memref<896xf32, #tpu.memory_space<vmem_shared>> -> memref<896xf32, #tpu.memory_space<vmem_shared>>
    tpu.enqueue_indirect_dma source(%dma_start3A_231 : memref<128xf32, #tpu.memory_space<vmem>>) target(%dma_start3A_236 : memref<896xf32, #tpu.memory_space<vmem_shared>>) offsets(%dma_start3A_234 : memref<128xi32, #tpu.memory_space<vmem>>) semaphore(%arg9 : memref<!tpu.dma_semaphore, #tpu.memory_space<semaphore_mem>>) {add = true}
    %dma_start3A_237 = arith.constant 23 : i32
    %dma_start3A_238 = arith.constant 23 : i32
    %dma_start3A_239 = arith.constant 0 : i32
    %dma_start3A_240 = tpu.memref_slice %arg5[%dma_start3A_237, %dma_start3A_239] : memref<100x128xf32, #tpu.memory_space<vmem>> -> memref<1x128xf32, #tpu.memory_space<vmem>>
    %dma_start3A_241 = tpu.memref_squeeze %dma_start3A_240 : memref<1x128xf32, #tpu.memory_space<vmem>> -> memref<128xf32, #tpu.memory_space<vmem>>
    %dma_start3A_242 = arith.constant 0 : i32
    %dma_start3A_243 = tpu.memref_slice %arg6[%dma_start3A_238, %dma_start3A_242] : memref<100x128xi32, #tpu.memory_space<vmem>> -> memref<1x128xi32, #tpu.memory_space<vmem>>
    %dma_start3A_244 = tpu.memref_squeeze %dma_start3A_243 : memref<1x128xi32, #tpu.memory_space<vmem>> -> memref<128xi32, #tpu.memory_space<vmem>>
    %dma_start3A_245 = arith.constant 0 : i32
    %dma_start3A_246 = tpu.memref_slice %arg8[%dma_start3A_245] : memref<896xf32, #tpu.memory_space<vmem_shared>> -> memref<896xf32, #tpu.memory_space<vmem_shared>>
    tpu.enqueue_indirect_dma source(%dma_start3A_241 : memref<128xf32, #tpu.memory_space<vmem>>) target(%dma_start3A_246 : memref<896xf32, #tpu.memory_space<vmem_shared>>) offsets(%dma_start3A_244 : memref<128xi32, #tpu.memory_space<vmem>>) semaphore(%arg9 : memref<!tpu.dma_semaphore, #tpu.memory_space<semaphore_mem>>) {add = true}
    %dma_start3A_247 = arith.constant 24 : i32
    %dma_start3A_248 = arith.constant 24 : i32
    %dma_start3A_249 = arith.constant 0 : i32
    %dma_start3A_250 = tpu.memref_slice %arg5[%dma_start3A_247, %dma_start3A_249] : memref<100x128xf32, #tpu.memory_space<vmem>> -> memref<1x128xf32, #tpu.memory_space<vmem>>
    %dma_start3A_251 = tpu.memref_squeeze %dma_start3A_250 : memref<1x128xf32, #tpu.memory_space<vmem>> -> memref<128xf32, #tpu.memory_space<vmem>>
    %dma_start3A_252 = arith.constant 0 : i32
    %dma_start3A_253 = tpu.memref_slice %arg6[%dma_start3A_248, %dma_start3A_252] : memref<100x128xi32, #tpu.memory_space<vmem>> -> memref<1x128xi32, #tpu.memory_space<vmem>>
    %dma_start3A_254 = tpu.memref_squeeze %dma_start3A_253 : memref<1x128xi32, #tpu.memory_space<vmem>> -> memref<128xi32, #tpu.memory_space<vmem>>
    %dma_start3A_255 = arith.constant 0 : i32
    %dma_start3A_256 = tpu.memref_slice %arg8[%dma_start3A_255] : memref<896xf32, #tpu.memory_space<vmem_shared>> -> memref<896xf32, #tpu.memory_space<vmem_shared>>
    tpu.enqueue_indirect_dma source(%dma_start3A_251 : memref<128xf32, #tpu.memory_space<vmem>>) target(%dma_start3A_256 : memref<896xf32, #tpu.memory_space<vmem_shared>>) offsets(%dma_start3A_254 : memref<128xi32, #tpu.memory_space<vmem>>) semaphore(%arg9 : memref<!tpu.dma_semaphore, #tpu.memory_space<semaphore_mem>>) {add = true}
    %dma_start3A_257 = arith.constant 25 : i32
    %dma_start3A_258 = arith.constant 25 : i32
    %dma_start3A_259 = arith.constant 0 : i32
    %dma_start3A_260 = tpu.memref_slice %arg5[%dma_start3A_257, %dma_start3A_259] : memref<100x128xf32, #tpu.memory_space<vmem>> -> memref<1x128xf32, #tpu.memory_space<vmem>>
    %dma_start3A_261 = tpu.memref_squeeze %dma_start3A_260 : memref<1x128xf32, #tpu.memory_space<vmem>> -> memref<128xf32, #tpu.memory_space<vmem>>
    %dma_start3A_262 = arith.constant 0 : i32
    %dma_start3A_263 = tpu.memref_slice %arg6[%dma_start3A_258, %dma_start3A_262] : memref<100x128xi32, #tpu.memory_space<vmem>> -> memref<1x128xi32, #tpu.memory_space<vmem>>
    %dma_start3A_264 = tpu.memref_squeeze %dma_start3A_263 : memref<1x128xi32, #tpu.memory_space<vmem>> -> memref<128xi32, #tpu.memory_space<vmem>>
    %dma_start3A_265 = arith.constant 0 : i32
    %dma_start3A_266 = tpu.memref_slice %arg8[%dma_start3A_265] : memref<896xf32, #tpu.memory_space<vmem_shared>> -> memref<896xf32, #tpu.memory_space<vmem_shared>>
    tpu.enqueue_indirect_dma source(%dma_start3A_261 : memref<128xf32, #tpu.memory_space<vmem>>) target(%dma_start3A_266 : memref<896xf32, #tpu.memory_space<vmem_shared>>) offsets(%dma_start3A_264 : memref<128xi32, #tpu.memory_space<vmem>>) semaphore(%arg9 : memref<!tpu.dma_semaphore, #tpu.memory_space<semaphore_mem>>) {add = true}
    %dma_start3A_267 = arith.constant 26 : i32
    %dma_start3A_268 = arith.constant 26 : i32
    %dma_start3A_269 = arith.constant 0 : i32
    %dma_start3A_270 = tpu.memref_slice %arg5[%dma_start3A_267, %dma_start3A_269] : memref<100x128xf32, #tpu.memory_space<vmem>> -> memref<1x128xf32, #tpu.memory_space<vmem>>
    %dma_start3A_271 = tpu.memref_squeeze %dma_start3A_270 : memref<1x128xf32, #tpu.memory_space<vmem>> -> memref<128xf32, #tpu.memory_space<vmem>>
    %dma_start3A_272 = arith.constant 0 : i32
    %dma_start3A_273 = tpu.memref_slice %arg6[%dma_start3A_268, %dma_start3A_272] : memref<100x128xi32, #tpu.memory_space<vmem>> -> memref<1x128xi32, #tpu.memory_space<vmem>>
    %dma_start3A_274 = tpu.memref_squeeze %dma_start3A_273 : memref<1x128xi32, #tpu.memory_space<vmem>> -> memref<128xi32, #tpu.memory_space<vmem>>
    %dma_start3A_275 = arith.constant 0 : i32
    %dma_start3A_276 = tpu.memref_slice %arg8[%dma_start3A_275] : memref<896xf32, #tpu.memory_space<vmem_shared>> -> memref<896xf32, #tpu.memory_space<vmem_shared>>
    tpu.enqueue_indirect_dma source(%dma_start3A_271 : memref<128xf32, #tpu.memory_space<vmem>>) target(%dma_start3A_276 : memref<896xf32, #tpu.memory_space<vmem_shared>>) offsets(%dma_start3A_274 : memref<128xi32, #tpu.memory_space<vmem>>) semaphore(%arg9 : memref<!tpu.dma_semaphore, #tpu.memory_space<semaphore_mem>>) {add = true}
    %dma_start3A_277 = arith.constant 27 : i32
    %dma_start3A_278 = arith.constant 27 : i32
    %dma_start3A_279 = arith.constant 0 : i32
    %dma_start3A_280 = tpu.memref_slice %arg5[%dma_start3A_277, %dma_start3A_279] : memref<100x128xf32, #tpu.memory_space<vmem>> -> memref<1x128xf32, #tpu.memory_space<vmem>>
    %dma_start3A_281 = tpu.memref_squeeze %dma_start3A_280 : memref<1x128xf32, #tpu.memory_space<vmem>> -> memref<128xf32, #tpu.memory_space<vmem>>
    %dma_start3A_282 = arith.constant 0 : i32
    %dma_start3A_283 = tpu.memref_slice %arg6[%dma_start3A_278, %dma_start3A_282] : memref<100x128xi32, #tpu.memory_space<vmem>> -> memref<1x128xi32, #tpu.memory_space<vmem>>
    %dma_start3A_284 = tpu.memref_squeeze %dma_start3A_283 : memref<1x128xi32, #tpu.memory_space<vmem>> -> memref<128xi32, #tpu.memory_space<vmem>>
    %dma_start3A_285 = arith.constant 0 : i32
    %dma_start3A_286 = tpu.memref_slice %arg8[%dma_start3A_285] : memref<896xf32, #tpu.memory_space<vmem_shared>> -> memref<896xf32, #tpu.memory_space<vmem_shared>>
    tpu.enqueue_indirect_dma source(%dma_start3A_281 : memref<128xf32, #tpu.memory_space<vmem>>) target(%dma_start3A_286 : memref<896xf32, #tpu.memory_space<vmem_shared>>) offsets(%dma_start3A_284 : memref<128xi32, #tpu.memory_space<vmem>>) semaphore(%arg9 : memref<!tpu.dma_semaphore, #tpu.memory_space<semaphore_mem>>) {add = true}
    %dma_start3A_287 = arith.constant 28 : i32
    %dma_start3A_288 = arith.constant 28 : i32
    %dma_start3A_289 = arith.constant 0 : i32
    %dma_start3A_290 = tpu.memref_slice %arg5[%dma_start3A_287, %dma_start3A_289] : memref<100x128xf32, #tpu.memory_space<vmem>> -> memref<1x128xf32, #tpu.memory_space<vmem>>
    %dma_start3A_291 = tpu.memref_squeeze %dma_start3A_290 : memref<1x128xf32, #tpu.memory_space<vmem>> -> memref<128xf32, #tpu.memory_space<vmem>>
    %dma_start3A_292 = arith.constant 0 : i32
    %dma_start3A_293 = tpu.memref_slice %arg6[%dma_start3A_288, %dma_start3A_292] : memref<100x128xi32, #tpu.memory_space<vmem>> -> memref<1x128xi32, #tpu.memory_space<vmem>>
    %dma_start3A_294 = tpu.memref_squeeze %dma_start3A_293 : memref<1x128xi32, #tpu.memory_space<vmem>> -> memref<128xi32, #tpu.memory_space<vmem>>
    %dma_start3A_295 = arith.constant 0 : i32
    %dma_start3A_296 = tpu.memref_slice %arg8[%dma_start3A_295] : memref<896xf32, #tpu.memory_space<vmem_shared>> -> memref<896xf32, #tpu.memory_space<vmem_shared>>
    tpu.enqueue_indirect_dma source(%dma_start3A_291 : memref<128xf32, #tpu.memory_space<vmem>>) target(%dma_start3A_296 : memref<896xf32, #tpu.memory_space<vmem_shared>>) offsets(%dma_start3A_294 : memref<128xi32, #tpu.memory_space<vmem>>) semaphore(%arg9 : memref<!tpu.dma_semaphore, #tpu.memory_space<semaphore_mem>>) {add = true}
    %dma_start3A_297 = arith.constant 29 : i32
    %dma_start3A_298 = arith.constant 29 : i32
    %dma_start3A_299 = arith.constant 0 : i32
    %dma_start3A_300 = tpu.memref_slice %arg5[%dma_start3A_297, %dma_start3A_299] : memref<100x128xf32, #tpu.memory_space<vmem>> -> memref<1x128xf32, #tpu.memory_space<vmem>>
    %dma_start3A_301 = tpu.memref_squeeze %dma_start3A_300 : memref<1x128xf32, #tpu.memory_space<vmem>> -> memref<128xf32, #tpu.memory_space<vmem>>
    %dma_start3A_302 = arith.constant 0 : i32
    %dma_start3A_303 = tpu.memref_slice %arg6[%dma_start3A_298, %dma_start3A_302] : memref<100x128xi32, #tpu.memory_space<vmem>> -> memref<1x128xi32, #tpu.memory_space<vmem>>
    %dma_start3A_304 = tpu.memref_squeeze %dma_start3A_303 : memref<1x128xi32, #tpu.memory_space<vmem>> -> memref<128xi32, #tpu.memory_space<vmem>>
    %dma_start3A_305 = arith.constant 0 : i32
    %dma_start3A_306 = tpu.memref_slice %arg8[%dma_start3A_305] : memref<896xf32, #tpu.memory_space<vmem_shared>> -> memref<896xf32, #tpu.memory_space<vmem_shared>>
    tpu.enqueue_indirect_dma source(%dma_start3A_301 : memref<128xf32, #tpu.memory_space<vmem>>) target(%dma_start3A_306 : memref<896xf32, #tpu.memory_space<vmem_shared>>) offsets(%dma_start3A_304 : memref<128xi32, #tpu.memory_space<vmem>>) semaphore(%arg9 : memref<!tpu.dma_semaphore, #tpu.memory_space<semaphore_mem>>) {add = true}
    %dma_start3A_307 = arith.constant 30 : i32
    %dma_start3A_308 = arith.constant 30 : i32
    %dma_start3A_309 = arith.constant 0 : i32
    %dma_start3A_310 = tpu.memref_slice %arg5[%dma_start3A_307, %dma_start3A_309] : memref<100x128xf32, #tpu.memory_space<vmem>> -> memref<1x128xf32, #tpu.memory_space<vmem>>
    %dma_start3A_311 = tpu.memref_squeeze %dma_start3A_310 : memref<1x128xf32, #tpu.memory_space<vmem>> -> memref<128xf32, #tpu.memory_space<vmem>>
    %dma_start3A_312 = arith.constant 0 : i32
    %dma_start3A_313 = tpu.memref_slice %arg6[%dma_start3A_308, %dma_start3A_312] : memref<100x128xi32, #tpu.memory_space<vmem>> -> memref<1x128xi32, #tpu.memory_space<vmem>>
    %dma_start3A_314 = tpu.memref_squeeze %dma_start3A_313 : memref<1x128xi32, #tpu.memory_space<vmem>> -> memref<128xi32, #tpu.memory_space<vmem>>
    %dma_start3A_315 = arith.constant 0 : i32
    %dma_start3A_316 = tpu.memref_slice %arg8[%dma_start3A_315] : memref<896xf32, #tpu.memory_space<vmem_shared>> -> memref<896xf32, #tpu.memory_space<vmem_shared>>
    tpu.enqueue_indirect_dma source(%dma_start3A_311 : memref<128xf32, #tpu.memory_space<vmem>>) target(%dma_start3A_316 : memref<896xf32, #tpu.memory_space<vmem_shared>>) offsets(%dma_start3A_314 : memref<128xi32, #tpu.memory_space<vmem>>) semaphore(%arg9 : memref<!tpu.dma_semaphore, #tpu.memory_space<semaphore_mem>>) {add = true}
    %dma_start3A_317 = arith.constant 31 : i32
    %dma_start3A_318 = arith.constant 31 : i32
    %dma_start3A_319 = arith.constant 0 : i32
    %dma_start3A_320 = tpu.memref_slice %arg5[%dma_start3A_317, %dma_start3A_319] : memref<100x128xf32, #tpu.memory_space<vmem>> -> memref<1x128xf32, #tpu.memory_space<vmem>>
    %dma_start3A_321 = tpu.memref_squeeze %dma_start3A_320 : memref<1x128xf32, #tpu.memory_space<vmem>> -> memref<128xf32, #tpu.memory_space<vmem>>
    %dma_start3A_322 = arith.constant 0 : i32
    %dma_start3A_323 = tpu.memref_slice %arg6[%dma_start3A_318, %dma_start3A_322] : memref<100x128xi32, #tpu.memory_space<vmem>> -> memref<1x128xi32, #tpu.memory_space<vmem>>
    %dma_start3A_324 = tpu.memref_squeeze %dma_start3A_323 : memref<1x128xi32, #tpu.memory_space<vmem>> -> memref<128xi32, #tpu.memory_space<vmem>>
    %dma_start3A_325 = arith.constant 0 : i32
    %dma_start3A_326 = tpu.memref_slice %arg8[%dma_start3A_325] : memref<896xf32, #tpu.memory_space<vmem_shared>> -> memref<896xf32, #tpu.memory_space<vmem_shared>>
    tpu.enqueue_indirect_dma source(%dma_start3A_321 : memref<128xf32, #tpu.memory_space<vmem>>) target(%dma_start3A_326 : memref<896xf32, #tpu.memory_space<vmem_shared>>) offsets(%dma_start3A_324 : memref<128xi32, #tpu.memory_space<vmem>>) semaphore(%arg9 : memref<!tpu.dma_semaphore, #tpu.memory_space<semaphore_mem>>) {add = true}
    %dma_start3A_327 = arith.constant 32 : i32
    %dma_start3A_328 = arith.constant 32 : i32
    %dma_start3A_329 = arith.constant 0 : i32
    %dma_start3A_330 = tpu.memref_slice %arg5[%dma_start3A_327, %dma_start3A_329] : memref<100x128xf32, #tpu.memory_space<vmem>> -> memref<1x128xf32, #tpu.memory_space<vmem>>
    %dma_start3A_331 = tpu.memref_squeeze %dma_start3A_330 : memref<1x128xf32, #tpu.memory_space<vmem>> -> memref<128xf32, #tpu.memory_space<vmem>>
    %dma_start3A_332 = arith.constant 0 : i32
    %dma_start3A_333 = tpu.memref_slice %arg6[%dma_start3A_328, %dma_start3A_332] : memref<100x128xi32, #tpu.memory_space<vmem>> -> memref<1x128xi32, #tpu.memory_space<vmem>>
    %dma_start3A_334 = tpu.memref_squeeze %dma_start3A_333 : memref<1x128xi32, #tpu.memory_space<vmem>> -> memref<128xi32, #tpu.memory_space<vmem>>
    %dma_start3A_335 = arith.constant 0 : i32
    %dma_start3A_336 = tpu.memref_slice %arg8[%dma_start3A_335] : memref<896xf32, #tpu.memory_space<vmem_shared>> -> memref<896xf32, #tpu.memory_space<vmem_shared>>
    tpu.enqueue_indirect_dma source(%dma_start3A_331 : memref<128xf32, #tpu.memory_space<vmem>>) target(%dma_start3A_336 : memref<896xf32, #tpu.memory_space<vmem_shared>>) offsets(%dma_start3A_334 : memref<128xi32, #tpu.memory_space<vmem>>) semaphore(%arg9 : memref<!tpu.dma_semaphore, #tpu.memory_space<semaphore_mem>>) {add = true}
    %dma_start3A_337 = arith.constant 33 : i32
    %dma_start3A_338 = arith.constant 33 : i32
    %dma_start3A_339 = arith.constant 0 : i32
    %dma_start3A_340 = tpu.memref_slice %arg5[%dma_start3A_337, %dma_start3A_339] : memref<100x128xf32, #tpu.memory_space<vmem>> -> memref<1x128xf32, #tpu.memory_space<vmem>>
    %dma_start3A_341 = tpu.memref_squeeze %dma_start3A_340 : memref<1x128xf32, #tpu.memory_space<vmem>> -> memref<128xf32, #tpu.memory_space<vmem>>
    %dma_start3A_342 = arith.constant 0 : i32
    %dma_start3A_343 = tpu.memref_slice %arg6[%dma_start3A_338, %dma_start3A_342] : memref<100x128xi32, #tpu.memory_space<vmem>> -> memref<1x128xi32, #tpu.memory_space<vmem>>
    %dma_start3A_344 = tpu.memref_squeeze %dma_start3A_343 : memref<1x128xi32, #tpu.memory_space<vmem>> -> memref<128xi32, #tpu.memory_space<vmem>>
    %dma_start3A_345 = arith.constant 0 : i32
    %dma_start3A_346 = tpu.memref_slice %arg8[%dma_start3A_345] : memref<896xf32, #tpu.memory_space<vmem_shared>> -> memref<896xf32, #tpu.memory_space<vmem_shared>>
    tpu.enqueue_indirect_dma source(%dma_start3A_341 : memref<128xf32, #tpu.memory_space<vmem>>) target(%dma_start3A_346 : memref<896xf32, #tpu.memory_space<vmem_shared>>) offsets(%dma_start3A_344 : memref<128xi32, #tpu.memory_space<vmem>>) semaphore(%arg9 : memref<!tpu.dma_semaphore, #tpu.memory_space<semaphore_mem>>) {add = true}
    %dma_start3A_347 = arith.constant 34 : i32
    %dma_start3A_348 = arith.constant 34 : i32
    %dma_start3A_349 = arith.constant 0 : i32
    %dma_start3A_350 = tpu.memref_slice %arg5[%dma_start3A_347, %dma_start3A_349] : memref<100x128xf32, #tpu.memory_space<vmem>> -> memref<1x128xf32, #tpu.memory_space<vmem>>
    %dma_start3A_351 = tpu.memref_squeeze %dma_start3A_350 : memref<1x128xf32, #tpu.memory_space<vmem>> -> memref<128xf32, #tpu.memory_space<vmem>>
    %dma_start3A_352 = arith.constant 0 : i32
    %dma_start3A_353 = tpu.memref_slice %arg6[%dma_start3A_348, %dma_start3A_352] : memref<100x128xi32, #tpu.memory_space<vmem>> -> memref<1x128xi32, #tpu.memory_space<vmem>>
    %dma_start3A_354 = tpu.memref_squeeze %dma_start3A_353 : memref<1x128xi32, #tpu.memory_space<vmem>> -> memref<128xi32, #tpu.memory_space<vmem>>
    %dma_start3A_355 = arith.constant 0 : i32
    %dma_start3A_356 = tpu.memref_slice %arg8[%dma_start3A_355] : memref<896xf32, #tpu.memory_space<vmem_shared>> -> memref<896xf32, #tpu.memory_space<vmem_shared>>
    tpu.enqueue_indirect_dma source(%dma_start3A_351 : memref<128xf32, #tpu.memory_space<vmem>>) target(%dma_start3A_356 : memref<896xf32, #tpu.memory_space<vmem_shared>>) offsets(%dma_start3A_354 : memref<128xi32, #tpu.memory_space<vmem>>) semaphore(%arg9 : memref<!tpu.dma_semaphore, #tpu.memory_space<semaphore_mem>>) {add = true}
    %dma_start3A_357 = arith.constant 35 : i32
    %dma_start3A_358 = arith.constant 35 : i32
    %dma_start3A_359 = arith.constant 0 : i32
    %dma_start3A_360 = tpu.memref_slice %arg5[%dma_start3A_357, %dma_start3A_359] : memref<100x128xf32, #tpu.memory_space<vmem>> -> memref<1x128xf32, #tpu.memory_space<vmem>>
    %dma_start3A_361 = tpu.memref_squeeze %dma_start3A_360 : memref<1x128xf32, #tpu.memory_space<vmem>> -> memref<128xf32, #tpu.memory_space<vmem>>
    %dma_start3A_362 = arith.constant 0 : i32
    %dma_start3A_363 = tpu.memref_slice %arg6[%dma_start3A_358, %dma_start3A_362] : memref<100x128xi32, #tpu.memory_space<vmem>> -> memref<1x128xi32, #tpu.memory_space<vmem>>
    %dma_start3A_364 = tpu.memref_squeeze %dma_start3A_363 : memref<1x128xi32, #tpu.memory_space<vmem>> -> memref<128xi32, #tpu.memory_space<vmem>>
    %dma_start3A_365 = arith.constant 0 : i32
    %dma_start3A_366 = tpu.memref_slice %arg8[%dma_start3A_365] : memref<896xf32, #tpu.memory_space<vmem_shared>> -> memref<896xf32, #tpu.memory_space<vmem_shared>>
    tpu.enqueue_indirect_dma source(%dma_start3A_361 : memref<128xf32, #tpu.memory_space<vmem>>) target(%dma_start3A_366 : memref<896xf32, #tpu.memory_space<vmem_shared>>) offsets(%dma_start3A_364 : memref<128xi32, #tpu.memory_space<vmem>>) semaphore(%arg9 : memref<!tpu.dma_semaphore, #tpu.memory_space<semaphore_mem>>) {add = true}
    %dma_start3A_367 = arith.constant 36 : i32
    %dma_start3A_368 = arith.constant 36 : i32
    %dma_start3A_369 = arith.constant 0 : i32
    %dma_start3A_370 = tpu.memref_slice %arg5[%dma_start3A_367, %dma_start3A_369] : memref<100x128xf32, #tpu.memory_space<vmem>> -> memref<1x128xf32, #tpu.memory_space<vmem>>
    %dma_start3A_371 = tpu.memref_squeeze %dma_start3A_370 : memref<1x128xf32, #tpu.memory_space<vmem>> -> memref<128xf32, #tpu.memory_space<vmem>>
    %dma_start3A_372 = arith.constant 0 : i32
    %dma_start3A_373 = tpu.memref_slice %arg6[%dma_start3A_368, %dma_start3A_372] : memref<100x128xi32, #tpu.memory_space<vmem>> -> memref<1x128xi32, #tpu.memory_space<vmem>>
    %dma_start3A_374 = tpu.memref_squeeze %dma_start3A_373 : memref<1x128xi32, #tpu.memory_space<vmem>> -> memref<128xi32, #tpu.memory_space<vmem>>
    %dma_start3A_375 = arith.constant 0 : i32
    %dma_start3A_376 = tpu.memref_slice %arg8[%dma_start3A_375] : memref<896xf32, #tpu.memory_space<vmem_shared>> -> memref<896xf32, #tpu.memory_space<vmem_shared>>
    tpu.enqueue_indirect_dma source(%dma_start3A_371 : memref<128xf32, #tpu.memory_space<vmem>>) target(%dma_start3A_376 : memref<896xf32, #tpu.memory_space<vmem_shared>>) offsets(%dma_start3A_374 : memref<128xi32, #tpu.memory_space<vmem>>) semaphore(%arg9 : memref<!tpu.dma_semaphore, #tpu.memory_space<semaphore_mem>>) {add = true}
    %dma_start3A_377 = arith.constant 37 : i32
    %dma_start3A_378 = arith.constant 37 : i32
    %dma_start3A_379 = arith.constant 0 : i32
    %dma_start3A_380 = tpu.memref_slice %arg5[%dma_start3A_377, %dma_start3A_379] : memref<100x128xf32, #tpu.memory_space<vmem>> -> memref<1x128xf32, #tpu.memory_space<vmem>>
    %dma_start3A_381 = tpu.memref_squeeze %dma_start3A_380 : memref<1x128xf32, #tpu.memory_space<vmem>> -> memref<128xf32, #tpu.memory_space<vmem>>
    %dma_start3A_382 = arith.constant 0 : i32
    %dma_start3A_383 = tpu.memref_slice %arg6[%dma_start3A_378, %dma_start3A_382] : memref<100x128xi32, #tpu.memory_space<vmem>> -> memref<1x128xi32, #tpu.memory_space<vmem>>
    %dma_start3A_384 = tpu.memref_squeeze %dma_start3A_383 : memref<1x128xi32, #tpu.memory_space<vmem>> -> memref<128xi32, #tpu.memory_space<vmem>>
    %dma_start3A_385 = arith.constant 0 : i32
    %dma_start3A_386 = tpu.memref_slice %arg8[%dma_start3A_385] : memref<896xf32, #tpu.memory_space<vmem_shared>> -> memref<896xf32, #tpu.memory_space<vmem_shared>>
    tpu.enqueue_indirect_dma source(%dma_start3A_381 : memref<128xf32, #tpu.memory_space<vmem>>) target(%dma_start3A_386 : memref<896xf32, #tpu.memory_space<vmem_shared>>) offsets(%dma_start3A_384 : memref<128xi32, #tpu.memory_space<vmem>>) semaphore(%arg9 : memref<!tpu.dma_semaphore, #tpu.memory_space<semaphore_mem>>) {add = true}
    %dma_start3A_387 = arith.constant 38 : i32
    %dma_start3A_388 = arith.constant 38 : i32
    %dma_start3A_389 = arith.constant 0 : i32
    %dma_start3A_390 = tpu.memref_slice %arg5[%dma_start3A_387, %dma_start3A_389] : memref<100x128xf32, #tpu.memory_space<vmem>> -> memref<1x128xf32, #tpu.memory_space<vmem>>
    %dma_start3A_391 = tpu.memref_squeeze %dma_start3A_390 : memref<1x128xf32, #tpu.memory_space<vmem>> -> memref<128xf32, #tpu.memory_space<vmem>>
    %dma_start3A_392 = arith.constant 0 : i32
    %dma_start3A_393 = tpu.memref_slice %arg6[%dma_start3A_388, %dma_start3A_392] : memref<100x128xi32, #tpu.memory_space<vmem>> -> memref<1x128xi32, #tpu.memory_space<vmem>>
    %dma_start3A_394 = tpu.memref_squeeze %dma_start3A_393 : memref<1x128xi32, #tpu.memory_space<vmem>> -> memref<128xi32, #tpu.memory_space<vmem>>
    %dma_start3A_395 = arith.constant 0 : i32
    %dma_start3A_396 = tpu.memref_slice %arg8[%dma_start3A_395] : memref<896xf32, #tpu.memory_space<vmem_shared>> -> memref<896xf32, #tpu.memory_space<vmem_shared>>
    tpu.enqueue_indirect_dma source(%dma_start3A_391 : memref<128xf32, #tpu.memory_space<vmem>>) target(%dma_start3A_396 : memref<896xf32, #tpu.memory_space<vmem_shared>>) offsets(%dma_start3A_394 : memref<128xi32, #tpu.memory_space<vmem>>) semaphore(%arg9 : memref<!tpu.dma_semaphore, #tpu.memory_space<semaphore_mem>>) {add = true}
    %dma_start3A_397 = arith.constant 39 : i32
    %dma_start3A_398 = arith.constant 39 : i32
    %dma_start3A_399 = arith.constant 0 : i32
    %dma_start3A_400 = tpu.memref_slice %arg5[%dma_start3A_397, %dma_start3A_399] : memref<100x128xf32, #tpu.memory_space<vmem>> -> memref<1x128xf32, #tpu.memory_space<vmem>>
    %dma_start3A_401 = tpu.memref_squeeze %dma_start3A_400 : memref<1x128xf32, #tpu.memory_space<vmem>> -> memref<128xf32, #tpu.memory_space<vmem>>
    %dma_start3A_402 = arith.constant 0 : i32
    %dma_start3A_403 = tpu.memref_slice %arg6[%dma_start3A_398, %dma_start3A_402] : memref<100x128xi32, #tpu.memory_space<vmem>> -> memref<1x128xi32, #tpu.memory_space<vmem>>
    %dma_start3A_404 = tpu.memref_squeeze %dma_start3A_403 : memref<1x128xi32, #tpu.memory_space<vmem>> -> memref<128xi32, #tpu.memory_space<vmem>>
    %dma_start3A_405 = arith.constant 0 : i32
    %dma_start3A_406 = tpu.memref_slice %arg8[%dma_start3A_405] : memref<896xf32, #tpu.memory_space<vmem_shared>> -> memref<896xf32, #tpu.memory_space<vmem_shared>>
    tpu.enqueue_indirect_dma source(%dma_start3A_401 : memref<128xf32, #tpu.memory_space<vmem>>) target(%dma_start3A_406 : memref<896xf32, #tpu.memory_space<vmem_shared>>) offsets(%dma_start3A_404 : memref<128xi32, #tpu.memory_space<vmem>>) semaphore(%arg9 : memref<!tpu.dma_semaphore, #tpu.memory_space<semaphore_mem>>) {add = true}
    %dma_start3A_407 = arith.constant 40 : i32
    %dma_start3A_408 = arith.constant 40 : i32
    %dma_start3A_409 = arith.constant 0 : i32
    %dma_start3A_410 = tpu.memref_slice %arg5[%dma_start3A_407, %dma_start3A_409] : memref<100x128xf32, #tpu.memory_space<vmem>> -> memref<1x128xf32, #tpu.memory_space<vmem>>
    %dma_start3A_411 = tpu.memref_squeeze %dma_start3A_410 : memref<1x128xf32, #tpu.memory_space<vmem>> -> memref<128xf32, #tpu.memory_space<vmem>>
    %dma_start3A_412 = arith.constant 0 : i32
    %dma_start3A_413 = tpu.memref_slice %arg6[%dma_start3A_408, %dma_start3A_412] : memref<100x128xi32, #tpu.memory_space<vmem>> -> memref<1x128xi32, #tpu.memory_space<vmem>>
    %dma_start3A_414 = tpu.memref_squeeze %dma_start3A_413 : memref<1x128xi32, #tpu.memory_space<vmem>> -> memref<128xi32, #tpu.memory_space<vmem>>
    %dma_start3A_415 = arith.constant 0 : i32
    %dma_start3A_416 = tpu.memref_slice %arg8[%dma_start3A_415] : memref<896xf32, #tpu.memory_space<vmem_shared>> -> memref<896xf32, #tpu.memory_space<vmem_shared>>
    tpu.enqueue_indirect_dma source(%dma_start3A_411 : memref<128xf32, #tpu.memory_space<vmem>>) target(%dma_start3A_416 : memref<896xf32, #tpu.memory_space<vmem_shared>>) offsets(%dma_start3A_414 : memref<128xi32, #tpu.memory_space<vmem>>) semaphore(%arg9 : memref<!tpu.dma_semaphore, #tpu.memory_space<semaphore_mem>>) {add = true}
    %dma_start3A_417 = arith.constant 41 : i32
    %dma_start3A_418 = arith.constant 41 : i32
    %dma_start3A_419 = arith.constant 0 : i32
    %dma_start3A_420 = tpu.memref_slice %arg5[%dma_start3A_417, %dma_start3A_419] : memref<100x128xf32, #tpu.memory_space<vmem>> -> memref<1x128xf32, #tpu.memory_space<vmem>>
    %dma_start3A_421 = tpu.memref_squeeze %dma_start3A_420 : memref<1x128xf32, #tpu.memory_space<vmem>> -> memref<128xf32, #tpu.memory_space<vmem>>
    %dma_start3A_422 = arith.constant 0 : i32
    %dma_start3A_423 = tpu.memref_slice %arg6[%dma_start3A_418, %dma_start3A_422] : memref<100x128xi32, #tpu.memory_space<vmem>> -> memref<1x128xi32, #tpu.memory_space<vmem>>
    %dma_start3A_424 = tpu.memref_squeeze %dma_start3A_423 : memref<1x128xi32, #tpu.memory_space<vmem>> -> memref<128xi32, #tpu.memory_space<vmem>>
    %dma_start3A_425 = arith.constant 0 : i32
    %dma_start3A_426 = tpu.memref_slice %arg8[%dma_start3A_425] : memref<896xf32, #tpu.memory_space<vmem_shared>> -> memref<896xf32, #tpu.memory_space<vmem_shared>>
    tpu.enqueue_indirect_dma source(%dma_start3A_421 : memref<128xf32, #tpu.memory_space<vmem>>) target(%dma_start3A_426 : memref<896xf32, #tpu.memory_space<vmem_shared>>) offsets(%dma_start3A_424 : memref<128xi32, #tpu.memory_space<vmem>>) semaphore(%arg9 : memref<!tpu.dma_semaphore, #tpu.memory_space<semaphore_mem>>) {add = true}
    %dma_start3A_427 = arith.constant 42 : i32
    %dma_start3A_428 = arith.constant 42 : i32
    %dma_start3A_429 = arith.constant 0 : i32
    %dma_start3A_430 = tpu.memref_slice %arg5[%dma_start3A_427, %dma_start3A_429] : memref<100x128xf32, #tpu.memory_space<vmem>> -> memref<1x128xf32, #tpu.memory_space<vmem>>
    %dma_start3A_431 = tpu.memref_squeeze %dma_start3A_430 : memref<1x128xf32, #tpu.memory_space<vmem>> -> memref<128xf32, #tpu.memory_space<vmem>>
    %dma_start3A_432 = arith.constant 0 : i32
    %dma_start3A_433 = tpu.memref_slice %arg6[%dma_start3A_428, %dma_start3A_432] : memref<100x128xi32, #tpu.memory_space<vmem>> -> memref<1x128xi32, #tpu.memory_space<vmem>>
    %dma_start3A_434 = tpu.memref_squeeze %dma_start3A_433 : memref<1x128xi32, #tpu.memory_space<vmem>> -> memref<128xi32, #tpu.memory_space<vmem>>
    %dma_start3A_435 = arith.constant 0 : i32
    %dma_start3A_436 = tpu.memref_slice %arg8[%dma_start3A_435] : memref<896xf32, #tpu.memory_space<vmem_shared>> -> memref<896xf32, #tpu.memory_space<vmem_shared>>
    tpu.enqueue_indirect_dma source(%dma_start3A_431 : memref<128xf32, #tpu.memory_space<vmem>>) target(%dma_start3A_436 : memref<896xf32, #tpu.memory_space<vmem_shared>>) offsets(%dma_start3A_434 : memref<128xi32, #tpu.memory_space<vmem>>) semaphore(%arg9 : memref<!tpu.dma_semaphore, #tpu.memory_space<semaphore_mem>>) {add = true}
    %dma_start3A_437 = arith.constant 43 : i32
    %dma_start3A_438 = arith.constant 43 : i32
    %dma_start3A_439 = arith.constant 0 : i32
    %dma_start3A_440 = tpu.memref_slice %arg5[%dma_start3A_437, %dma_start3A_439] : memref<100x128xf32, #tpu.memory_space<vmem>> -> memref<1x128xf32, #tpu.memory_space<vmem>>
    %dma_start3A_441 = tpu.memref_squeeze %dma_start3A_440 : memref<1x128xf32, #tpu.memory_space<vmem>> -> memref<128xf32, #tpu.memory_space<vmem>>
    %dma_start3A_442 = arith.constant 0 : i32
    %dma_start3A_443 = tpu.memref_slice %arg6[%dma_start3A_438, %dma_start3A_442] : memref<100x128xi32, #tpu.memory_space<vmem>> -> memref<1x128xi32, #tpu.memory_space<vmem>>
    %dma_start3A_444 = tpu.memref_squeeze %dma_start3A_443 : memref<1x128xi32, #tpu.memory_space<vmem>> -> memref<128xi32, #tpu.memory_space<vmem>>
    %dma_start3A_445 = arith.constant 0 : i32
    %dma_start3A_446 = tpu.memref_slice %arg8[%dma_start3A_445] : memref<896xf32, #tpu.memory_space<vmem_shared>> -> memref<896xf32, #tpu.memory_space<vmem_shared>>
    tpu.enqueue_indirect_dma source(%dma_start3A_441 : memref<128xf32, #tpu.memory_space<vmem>>) target(%dma_start3A_446 : memref<896xf32, #tpu.memory_space<vmem_shared>>) offsets(%dma_start3A_444 : memref<128xi32, #tpu.memory_space<vmem>>) semaphore(%arg9 : memref<!tpu.dma_semaphore, #tpu.memory_space<semaphore_mem>>) {add = true}
    %dma_start3A_447 = arith.constant 44 : i32
    %dma_start3A_448 = arith.constant 44 : i32
    %dma_start3A_449 = arith.constant 0 : i32
    %dma_start3A_450 = tpu.memref_slice %arg5[%dma_start3A_447, %dma_start3A_449] : memref<100x128xf32, #tpu.memory_space<vmem>> -> memref<1x128xf32, #tpu.memory_space<vmem>>
    %dma_start3A_451 = tpu.memref_squeeze %dma_start3A_450 : memref<1x128xf32, #tpu.memory_space<vmem>> -> memref<128xf32, #tpu.memory_space<vmem>>
    %dma_start3A_452 = arith.constant 0 : i32
    %dma_start3A_453 = tpu.memref_slice %arg6[%dma_start3A_448, %dma_start3A_452] : memref<100x128xi32, #tpu.memory_space<vmem>> -> memref<1x128xi32, #tpu.memory_space<vmem>>
    %dma_start3A_454 = tpu.memref_squeeze %dma_start3A_453 : memref<1x128xi32, #tpu.memory_space<vmem>> -> memref<128xi32, #tpu.memory_space<vmem>>
    %dma_start3A_455 = arith.constant 0 : i32
    %dma_start3A_456 = tpu.memref_slice %arg8[%dma_start3A_455] : memref<896xf32, #tpu.memory_space<vmem_shared>> -> memref<896xf32, #tpu.memory_space<vmem_shared>>
    tpu.enqueue_indirect_dma source(%dma_start3A_451 : memref<128xf32, #tpu.memory_space<vmem>>) target(%dma_start3A_456 : memref<896xf32, #tpu.memory_space<vmem_shared>>) offsets(%dma_start3A_454 : memref<128xi32, #tpu.memory_space<vmem>>) semaphore(%arg9 : memref<!tpu.dma_semaphore, #tpu.memory_space<semaphore_mem>>) {add = true}
    %dma_start3A_457 = arith.constant 45 : i32
    %dma_start3A_458 = arith.constant 45 : i32
    %dma_start3A_459 = arith.constant 0 : i32
    %dma_start3A_460 = tpu.memref_slice %arg5[%dma_start3A_457, %dma_start3A_459] : memref<100x128xf32, #tpu.memory_space<vmem>> -> memref<1x128xf32, #tpu.memory_space<vmem>>
    %dma_start3A_461 = tpu.memref_squeeze %dma_start3A_460 : memref<1x128xf32, #tpu.memory_space<vmem>> -> memref<128xf32, #tpu.memory_space<vmem>>
    %dma_start3A_462 = arith.constant 0 : i32
    %dma_start3A_463 = tpu.memref_slice %arg6[%dma_start3A_458, %dma_start3A_462] : memref<100x128xi32, #tpu.memory_space<vmem>> -> memref<1x128xi32, #tpu.memory_space<vmem>>
    %dma_start3A_464 = tpu.memref_squeeze %dma_start3A_463 : memref<1x128xi32, #tpu.memory_space<vmem>> -> memref<128xi32, #tpu.memory_space<vmem>>
    %dma_start3A_465 = arith.constant 0 : i32
    %dma_start3A_466 = tpu.memref_slice %arg8[%dma_start3A_465] : memref<896xf32, #tpu.memory_space<vmem_shared>> -> memref<896xf32, #tpu.memory_space<vmem_shared>>
    tpu.enqueue_indirect_dma source(%dma_start3A_461 : memref<128xf32, #tpu.memory_space<vmem>>) target(%dma_start3A_466 : memref<896xf32, #tpu.memory_space<vmem_shared>>) offsets(%dma_start3A_464 : memref<128xi32, #tpu.memory_space<vmem>>) semaphore(%arg9 : memref<!tpu.dma_semaphore, #tpu.memory_space<semaphore_mem>>) {add = true}
    %dma_start3A_467 = arith.constant 46 : i32
    %dma_start3A_468 = arith.constant 46 : i32
    %dma_start3A_469 = arith.constant 0 : i32
    %dma_start3A_470 = tpu.memref_slice %arg5[%dma_start3A_467, %dma_start3A_469] : memref<100x128xf32, #tpu.memory_space<vmem>> -> memref<1x128xf32, #tpu.memory_space<vmem>>
    %dma_start3A_471 = tpu.memref_squeeze %dma_start3A_470 : memref<1x128xf32, #tpu.memory_space<vmem>> -> memref<128xf32, #tpu.memory_space<vmem>>
    %dma_start3A_472 = arith.constant 0 : i32
    %dma_start3A_473 = tpu.memref_slice %arg6[%dma_start3A_468, %dma_start3A_472] : memref<100x128xi32, #tpu.memory_space<vmem>> -> memref<1x128xi32, #tpu.memory_space<vmem>>
    %dma_start3A_474 = tpu.memref_squeeze %dma_start3A_473 : memref<1x128xi32, #tpu.memory_space<vmem>> -> memref<128xi32, #tpu.memory_space<vmem>>
    %dma_start3A_475 = arith.constant 0 : i32
    %dma_start3A_476 = tpu.memref_slice %arg8[%dma_start3A_475] : memref<896xf32, #tpu.memory_space<vmem_shared>> -> memref<896xf32, #tpu.memory_space<vmem_shared>>
    tpu.enqueue_indirect_dma source(%dma_start3A_471 : memref<128xf32, #tpu.memory_space<vmem>>) target(%dma_start3A_476 : memref<896xf32, #tpu.memory_space<vmem_shared>>) offsets(%dma_start3A_474 : memref<128xi32, #tpu.memory_space<vmem>>) semaphore(%arg9 : memref<!tpu.dma_semaphore, #tpu.memory_space<semaphore_mem>>) {add = true}
    %dma_start3A_477 = arith.constant 47 : i32
    %dma_start3A_478 = arith.constant 47 : i32
    %dma_start3A_479 = arith.constant 0 : i32
    %dma_start3A_480 = tpu.memref_slice %arg5[%dma_start3A_477, %dma_start3A_479] : memref<100x128xf32, #tpu.memory_space<vmem>> -> memref<1x128xf32, #tpu.memory_space<vmem>>
    %dma_start3A_481 = tpu.memref_squeeze %dma_start3A_480 : memref<1x128xf32, #tpu.memory_space<vmem>> -> memref<128xf32, #tpu.memory_space<vmem>>
    %dma_start3A_482 = arith.constant 0 : i32
    %dma_start3A_483 = tpu.memref_slice %arg6[%dma_start3A_478, %dma_start3A_482] : memref<100x128xi32, #tpu.memory_space<vmem>> -> memref<1x128xi32, #tpu.memory_space<vmem>>
    %dma_start3A_484 = tpu.memref_squeeze %dma_start3A_483 : memref<1x128xi32, #tpu.memory_space<vmem>> -> memref<128xi32, #tpu.memory_space<vmem>>
    %dma_start3A_485 = arith.constant 0 : i32
    %dma_start3A_486 = tpu.memref_slice %arg8[%dma_start3A_485] : memref<896xf32, #tpu.memory_space<vmem_shared>> -> memref<896xf32, #tpu.memory_space<vmem_shared>>
    tpu.enqueue_indirect_dma source(%dma_start3A_481 : memref<128xf32, #tpu.memory_space<vmem>>) target(%dma_start3A_486 : memref<896xf32, #tpu.memory_space<vmem_shared>>) offsets(%dma_start3A_484 : memref<128xi32, #tpu.memory_space<vmem>>) semaphore(%arg9 : memref<!tpu.dma_semaphore, #tpu.memory_space<semaphore_mem>>) {add = true}
    %dma_start3A_487 = arith.constant 48 : i32
    %dma_start3A_488 = arith.constant 48 : i32
    %dma_start3A_489 = arith.constant 0 : i32
    %dma_start3A_490 = tpu.memref_slice %arg5[%dma_start3A_487, %dma_start3A_489] : memref<100x128xf32, #tpu.memory_space<vmem>> -> memref<1x128xf32, #tpu.memory_space<vmem>>
    %dma_start3A_491 = tpu.memref_squeeze %dma_start3A_490 : memref<1x128xf32, #tpu.memory_space<vmem>> -> memref<128xf32, #tpu.memory_space<vmem>>
    %dma_start3A_492 = arith.constant 0 : i32
    %dma_start3A_493 = tpu.memref_slice %arg6[%dma_start3A_488, %dma_start3A_492] : memref<100x128xi32, #tpu.memory_space<vmem>> -> memref<1x128xi32, #tpu.memory_space<vmem>>
    %dma_start3A_494 = tpu.memref_squeeze %dma_start3A_493 : memref<1x128xi32, #tpu.memory_space<vmem>> -> memref<128xi32, #tpu.memory_space<vmem>>
    %dma_start3A_495 = arith.constant 0 : i32
    %dma_start3A_496 = tpu.memref_slice %arg8[%dma_start3A_495] : memref<896xf32, #tpu.memory_space<vmem_shared>> -> memref<896xf32, #tpu.memory_space<vmem_shared>>
    tpu.enqueue_indirect_dma source(%dma_start3A_491 : memref<128xf32, #tpu.memory_space<vmem>>) target(%dma_start3A_496 : memref<896xf32, #tpu.memory_space<vmem_shared>>) offsets(%dma_start3A_494 : memref<128xi32, #tpu.memory_space<vmem>>) semaphore(%arg9 : memref<!tpu.dma_semaphore, #tpu.memory_space<semaphore_mem>>) {add = true}
    %dma_start3A_497 = arith.constant 49 : i32
    %dma_start3A_498 = arith.constant 49 : i32
    %dma_start3A_499 = arith.constant 0 : i32
    %dma_start3A_500 = tpu.memref_slice %arg5[%dma_start3A_497, %dma_start3A_499] : memref<100x128xf32, #tpu.memory_space<vmem>> -> memref<1x128xf32, #tpu.memory_space<vmem>>
    %dma_start3A_501 = tpu.memref_squeeze %dma_start3A_500 : memref<1x128xf32, #tpu.memory_space<vmem>> -> memref<128xf32, #tpu.memory_space<vmem>>
    %dma_start3A_502 = arith.constant 0 : i32
    %dma_start3A_503 = tpu.memref_slice %arg6[%dma_start3A_498, %dma_start3A_502] : memref<100x128xi32, #tpu.memory_space<vmem>> -> memref<1x128xi32, #tpu.memory_space<vmem>>
    %dma_start3A_504 = tpu.memref_squeeze %dma_start3A_503 : memref<1x128xi32, #tpu.memory_space<vmem>> -> memref<128xi32, #tpu.memory_space<vmem>>
    %dma_start3A_505 = arith.constant 0 : i32
    %dma_start3A_506 = tpu.memref_slice %arg8[%dma_start3A_505] : memref<896xf32, #tpu.memory_space<vmem_shared>> -> memref<896xf32, #tpu.memory_space<vmem_shared>>
    tpu.enqueue_indirect_dma source(%dma_start3A_501 : memref<128xf32, #tpu.memory_space<vmem>>) target(%dma_start3A_506 : memref<896xf32, #tpu.memory_space<vmem_shared>>) offsets(%dma_start3A_504 : memref<128xi32, #tpu.memory_space<vmem>>) semaphore(%arg9 : memref<!tpu.dma_semaphore, #tpu.memory_space<semaphore_mem>>) {add = true}
    %dma_start3A_507 = arith.constant 50 : i32
    %dma_start3A_508 = arith.constant 50 : i32
    %dma_start3A_509 = arith.constant 0 : i32
    %dma_start3A_510 = tpu.memref_slice %arg5[%dma_start3A_507, %dma_start3A_509] : memref<100x128xf32, #tpu.memory_space<vmem>> -> memref<1x128xf32, #tpu.memory_space<vmem>>
    %dma_start3A_511 = tpu.memref_squeeze %dma_start3A_510 : memref<1x128xf32, #tpu.memory_space<vmem>> -> memref<128xf32, #tpu.memory_space<vmem>>
    %dma_start3A_512 = arith.constant 0 : i32
    %dma_start3A_513 = tpu.memref_slice %arg6[%dma_start3A_508, %dma_start3A_512] : memref<100x128xi32, #tpu.memory_space<vmem>> -> memref<1x128xi32, #tpu.memory_space<vmem>>
    %dma_start3A_514 = tpu.memref_squeeze %dma_start3A_513 : memref<1x128xi32, #tpu.memory_space<vmem>> -> memref<128xi32, #tpu.memory_space<vmem>>
    %dma_start3A_515 = arith.constant 0 : i32
    %dma_start3A_516 = tpu.memref_slice %arg8[%dma_start3A_515] : memref<896xf32, #tpu.memory_space<vmem_shared>> -> memref<896xf32, #tpu.memory_space<vmem_shared>>
    tpu.enqueue_indirect_dma source(%dma_start3A_511 : memref<128xf32, #tpu.memory_space<vmem>>) target(%dma_start3A_516 : memref<896xf32, #tpu.memory_space<vmem_shared>>) offsets(%dma_start3A_514 : memref<128xi32, #tpu.memory_space<vmem>>) semaphore(%arg9 : memref<!tpu.dma_semaphore, #tpu.memory_space<semaphore_mem>>) {add = true}
    %dma_start3A_517 = arith.constant 51 : i32
    %dma_start3A_518 = arith.constant 51 : i32
    %dma_start3A_519 = arith.constant 0 : i32
    %dma_start3A_520 = tpu.memref_slice %arg5[%dma_start3A_517, %dma_start3A_519] : memref<100x128xf32, #tpu.memory_space<vmem>> -> memref<1x128xf32, #tpu.memory_space<vmem>>
    %dma_start3A_521 = tpu.memref_squeeze %dma_start3A_520 : memref<1x128xf32, #tpu.memory_space<vmem>> -> memref<128xf32, #tpu.memory_space<vmem>>
    %dma_start3A_522 = arith.constant 0 : i32
    %dma_start3A_523 = tpu.memref_slice %arg6[%dma_start3A_518, %dma_start3A_522] : memref<100x128xi32, #tpu.memory_space<vmem>> -> memref<1x128xi32, #tpu.memory_space<vmem>>
    %dma_start3A_524 = tpu.memref_squeeze %dma_start3A_523 : memref<1x128xi32, #tpu.memory_space<vmem>> -> memref<128xi32, #tpu.memory_space<vmem>>
    %dma_start3A_525 = arith.constant 0 : i32
    %dma_start3A_526 = tpu.memref_slice %arg8[%dma_start3A_525] : memref<896xf32, #tpu.memory_space<vmem_shared>> -> memref<896xf32, #tpu.memory_space<vmem_shared>>
    tpu.enqueue_indirect_dma source(%dma_start3A_521 : memref<128xf32, #tpu.memory_space<vmem>>) target(%dma_start3A_526 : memref<896xf32, #tpu.memory_space<vmem_shared>>) offsets(%dma_start3A_524 : memref<128xi32, #tpu.memory_space<vmem>>) semaphore(%arg9 : memref<!tpu.dma_semaphore, #tpu.memory_space<semaphore_mem>>) {add = true}
    %dma_start3A_527 = arith.constant 52 : i32
    %dma_start3A_528 = arith.constant 52 : i32
    %dma_start3A_529 = arith.constant 0 : i32
    %dma_start3A_530 = tpu.memref_slice %arg5[%dma_start3A_527, %dma_start3A_529] : memref<100x128xf32, #tpu.memory_space<vmem>> -> memref<1x128xf32, #tpu.memory_space<vmem>>
    %dma_start3A_531 = tpu.memref_squeeze %dma_start3A_530 : memref<1x128xf32, #tpu.memory_space<vmem>> -> memref<128xf32, #tpu.memory_space<vmem>>
    %dma_start3A_532 = arith.constant 0 : i32
    %dma_start3A_533 = tpu.memref_slice %arg6[%dma_start3A_528, %dma_start3A_532] : memref<100x128xi32, #tpu.memory_space<vmem>> -> memref<1x128xi32, #tpu.memory_space<vmem>>
    %dma_start3A_534 = tpu.memref_squeeze %dma_start3A_533 : memref<1x128xi32, #tpu.memory_space<vmem>> -> memref<128xi32, #tpu.memory_space<vmem>>
    %dma_start3A_535 = arith.constant 0 : i32
    %dma_start3A_536 = tpu.memref_slice %arg8[%dma_start3A_535] : memref<896xf32, #tpu.memory_space<vmem_shared>> -> memref<896xf32, #tpu.memory_space<vmem_shared>>
    tpu.enqueue_indirect_dma source(%dma_start3A_531 : memref<128xf32, #tpu.memory_space<vmem>>) target(%dma_start3A_536 : memref<896xf32, #tpu.memory_space<vmem_shared>>) offsets(%dma_start3A_534 : memref<128xi32, #tpu.memory_space<vmem>>) semaphore(%arg9 : memref<!tpu.dma_semaphore, #tpu.memory_space<semaphore_mem>>) {add = true}
    %dma_start3A_537 = arith.constant 53 : i32
    %dma_start3A_538 = arith.constant 53 : i32
    %dma_start3A_539 = arith.constant 0 : i32
    %dma_start3A_540 = tpu.memref_slice %arg5[%dma_start3A_537, %dma_start3A_539] : memref<100x128xf32, #tpu.memory_space<vmem>> -> memref<1x128xf32, #tpu.memory_space<vmem>>
    %dma_start3A_541 = tpu.memref_squeeze %dma_start3A_540 : memref<1x128xf32, #tpu.memory_space<vmem>> -> memref<128xf32, #tpu.memory_space<vmem>>
    %dma_start3A_542 = arith.constant 0 : i32
    %dma_start3A_543 = tpu.memref_slice %arg6[%dma_start3A_538, %dma_start3A_542] : memref<100x128xi32, #tpu.memory_space<vmem>> -> memref<1x128xi32, #tpu.memory_space<vmem>>
    %dma_start3A_544 = tpu.memref_squeeze %dma_start3A_543 : memref<1x128xi32, #tpu.memory_space<vmem>> -> memref<128xi32, #tpu.memory_space<vmem>>
    %dma_start3A_545 = arith.constant 0 : i32
    %dma_start3A_546 = tpu.memref_slice %arg8[%dma_start3A_545] : memref<896xf32, #tpu.memory_space<vmem_shared>> -> memref<896xf32, #tpu.memory_space<vmem_shared>>
    tpu.enqueue_indirect_dma source(%dma_start3A_541 : memref<128xf32, #tpu.memory_space<vmem>>) target(%dma_start3A_546 : memref<896xf32, #tpu.memory_space<vmem_shared>>) offsets(%dma_start3A_544 : memref<128xi32, #tpu.memory_space<vmem>>) semaphore(%arg9 : memref<!tpu.dma_semaphore, #tpu.memory_space<semaphore_mem>>) {add = true}
    %dma_start3A_547 = arith.constant 54 : i32
    %dma_start3A_548 = arith.constant 54 : i32
    %dma_start3A_549 = arith.constant 0 : i32
    %dma_start3A_550 = tpu.memref_slice %arg5[%dma_start3A_547, %dma_start3A_549] : memref<100x128xf32, #tpu.memory_space<vmem>> -> memref<1x128xf32, #tpu.memory_space<vmem>>
    %dma_start3A_551 = tpu.memref_squeeze %dma_start3A_550 : memref<1x128xf32, #tpu.memory_space<vmem>> -> memref<128xf32, #tpu.memory_space<vmem>>
    %dma_start3A_552 = arith.constant 0 : i32
    %dma_start3A_553 = tpu.memref_slice %arg6[%dma_start3A_548, %dma_start3A_552] : memref<100x128xi32, #tpu.memory_space<vmem>> -> memref<1x128xi32, #tpu.memory_space<vmem>>
    %dma_start3A_554 = tpu.memref_squeeze %dma_start3A_553 : memref<1x128xi32, #tpu.memory_space<vmem>> -> memref<128xi32, #tpu.memory_space<vmem>>
    %dma_start3A_555 = arith.constant 0 : i32
    %dma_start3A_556 = tpu.memref_slice %arg8[%dma_start3A_555] : memref<896xf32, #tpu.memory_space<vmem_shared>> -> memref<896xf32, #tpu.memory_space<vmem_shared>>
    tpu.enqueue_indirect_dma source(%dma_start3A_551 : memref<128xf32, #tpu.memory_space<vmem>>) target(%dma_start3A_556 : memref<896xf32, #tpu.memory_space<vmem_shared>>) offsets(%dma_start3A_554 : memref<128xi32, #tpu.memory_space<vmem>>) semaphore(%arg9 : memref<!tpu.dma_semaphore, #tpu.memory_space<semaphore_mem>>) {add = true}
    %dma_start3A_557 = arith.constant 55 : i32
    %dma_start3A_558 = arith.constant 55 : i32
    %dma_start3A_559 = arith.constant 0 : i32
    %dma_start3A_560 = tpu.memref_slice %arg5[%dma_start3A_557, %dma_start3A_559] : memref<100x128xf32, #tpu.memory_space<vmem>> -> memref<1x128xf32, #tpu.memory_space<vmem>>
    %dma_start3A_561 = tpu.memref_squeeze %dma_start3A_560 : memref<1x128xf32, #tpu.memory_space<vmem>> -> memref<128xf32, #tpu.memory_space<vmem>>
    %dma_start3A_562 = arith.constant 0 : i32
    %dma_start3A_563 = tpu.memref_slice %arg6[%dma_start3A_558, %dma_start3A_562] : memref<100x128xi32, #tpu.memory_space<vmem>> -> memref<1x128xi32, #tpu.memory_space<vmem>>
    %dma_start3A_564 = tpu.memref_squeeze %dma_start3A_563 : memref<1x128xi32, #tpu.memory_space<vmem>> -> memref<128xi32, #tpu.memory_space<vmem>>
    %dma_start3A_565 = arith.constant 0 : i32
    %dma_start3A_566 = tpu.memref_slice %arg8[%dma_start3A_565] : memref<896xf32, #tpu.memory_space<vmem_shared>> -> memref<896xf32, #tpu.memory_space<vmem_shared>>
    tpu.enqueue_indirect_dma source(%dma_start3A_561 : memref<128xf32, #tpu.memory_space<vmem>>) target(%dma_start3A_566 : memref<896xf32, #tpu.memory_space<vmem_shared>>) offsets(%dma_start3A_564 : memref<128xi32, #tpu.memory_space<vmem>>) semaphore(%arg9 : memref<!tpu.dma_semaphore, #tpu.memory_space<semaphore_mem>>) {add = true}
    %dma_start3A_567 = arith.constant 56 : i32
    %dma_start3A_568 = arith.constant 56 : i32
    %dma_start3A_569 = arith.constant 0 : i32
    %dma_start3A_570 = tpu.memref_slice %arg5[%dma_start3A_567, %dma_start3A_569] : memref<100x128xf32, #tpu.memory_space<vmem>> -> memref<1x128xf32, #tpu.memory_space<vmem>>
    %dma_start3A_571 = tpu.memref_squeeze %dma_start3A_570 : memref<1x128xf32, #tpu.memory_space<vmem>> -> memref<128xf32, #tpu.memory_space<vmem>>
    %dma_start3A_572 = arith.constant 0 : i32
    %dma_start3A_573 = tpu.memref_slice %arg6[%dma_start3A_568, %dma_start3A_572] : memref<100x128xi32, #tpu.memory_space<vmem>> -> memref<1x128xi32, #tpu.memory_space<vmem>>
    %dma_start3A_574 = tpu.memref_squeeze %dma_start3A_573 : memref<1x128xi32, #tpu.memory_space<vmem>> -> memref<128xi32, #tpu.memory_space<vmem>>
    %dma_start3A_575 = arith.constant 0 : i32
    %dma_start3A_576 = tpu.memref_slice %arg8[%dma_start3A_575] : memref<896xf32, #tpu.memory_space<vmem_shared>> -> memref<896xf32, #tpu.memory_space<vmem_shared>>
    tpu.enqueue_indirect_dma source(%dma_start3A_571 : memref<128xf32, #tpu.memory_space<vmem>>) target(%dma_start3A_576 : memref<896xf32, #tpu.memory_space<vmem_shared>>) offsets(%dma_start3A_574 : memref<128xi32, #tpu.memory_space<vmem>>) semaphore(%arg9 : memref<!tpu.dma_semaphore, #tpu.memory_space<semaphore_mem>>) {add = true}
    %dma_start3A_577 = arith.constant 57 : i32
    %dma_start3A_578 = arith.constant 57 : i32
    %dma_start3A_579 = arith.constant 0 : i32
    %dma_start3A_580 = tpu.memref_slice %arg5[%dma_start3A_577, %dma_start3A_579] : memref<100x128xf32, #tpu.memory_space<vmem>> -> memref<1x128xf32, #tpu.memory_space<vmem>>
    %dma_start3A_581 = tpu.memref_squeeze %dma_start3A_580 : memref<1x128xf32, #tpu.memory_space<vmem>> -> memref<128xf32, #tpu.memory_space<vmem>>
    %dma_start3A_582 = arith.constant 0 : i32
    %dma_start3A_583 = tpu.memref_slice %arg6[%dma_start3A_578, %dma_start3A_582] : memref<100x128xi32, #tpu.memory_space<vmem>> -> memref<1x128xi32, #tpu.memory_space<vmem>>
    %dma_start3A_584 = tpu.memref_squeeze %dma_start3A_583 : memref<1x128xi32, #tpu.memory_space<vmem>> -> memref<128xi32, #tpu.memory_space<vmem>>
    %dma_start3A_585 = arith.constant 0 : i32
    %dma_start3A_586 = tpu.memref_slice %arg8[%dma_start3A_585] : memref<896xf32, #tpu.memory_space<vmem_shared>> -> memref<896xf32, #tpu.memory_space<vmem_shared>>
    tpu.enqueue_indirect_dma source(%dma_start3A_581 : memref<128xf32, #tpu.memory_space<vmem>>) target(%dma_start3A_586 : memref<896xf32, #tpu.memory_space<vmem_shared>>) offsets(%dma_start3A_584 : memref<128xi32, #tpu.memory_space<vmem>>) semaphore(%arg9 : memref<!tpu.dma_semaphore, #tpu.memory_space<semaphore_mem>>) {add = true}
    %dma_start3A_587 = arith.constant 58 : i32
    %dma_start3A_588 = arith.constant 58 : i32
    %dma_start3A_589 = arith.constant 0 : i32
    %dma_start3A_590 = tpu.memref_slice %arg5[%dma_start3A_587, %dma_start3A_589] : memref<100x128xf32, #tpu.memory_space<vmem>> -> memref<1x128xf32, #tpu.memory_space<vmem>>
    %dma_start3A_591 = tpu.memref_squeeze %dma_start3A_590 : memref<1x128xf32, #tpu.memory_space<vmem>> -> memref<128xf32, #tpu.memory_space<vmem>>
    %dma_start3A_592 = arith.constant 0 : i32
    %dma_start3A_593 = tpu.memref_slice %arg6[%dma_start3A_588, %dma_start3A_592] : memref<100x128xi32, #tpu.memory_space<vmem>> -> memref<1x128xi32, #tpu.memory_space<vmem>>
    %dma_start3A_594 = tpu.memref_squeeze %dma_start3A_593 : memref<1x128xi32, #tpu.memory_space<vmem>> -> memref<128xi32, #tpu.memory_space<vmem>>
    %dma_start3A_595 = arith.constant 0 : i32
    %dma_start3A_596 = tpu.memref_slice %arg8[%dma_start3A_595] : memref<896xf32, #tpu.memory_space<vmem_shared>> -> memref<896xf32, #tpu.memory_space<vmem_shared>>
    tpu.enqueue_indirect_dma source(%dma_start3A_591 : memref<128xf32, #tpu.memory_space<vmem>>) target(%dma_start3A_596 : memref<896xf32, #tpu.memory_space<vmem_shared>>) offsets(%dma_start3A_594 : memref<128xi32, #tpu.memory_space<vmem>>) semaphore(%arg9 : memref<!tpu.dma_semaphore, #tpu.memory_space<semaphore_mem>>) {add = true}
    %dma_start3A_597 = arith.constant 59 : i32
    %dma_start3A_598 = arith.constant 59 : i32
    %dma_start3A_599 = arith.constant 0 : i32
    %dma_start3A_600 = tpu.memref_slice %arg5[%dma_start3A_597, %dma_start3A_599] : memref<100x128xf32, #tpu.memory_space<vmem>> -> memref<1x128xf32, #tpu.memory_space<vmem>>
    %dma_start3A_601 = tpu.memref_squeeze %dma_start3A_600 : memref<1x128xf32, #tpu.memory_space<vmem>> -> memref<128xf32, #tpu.memory_space<vmem>>
    %dma_start3A_602 = arith.constant 0 : i32
    %dma_start3A_603 = tpu.memref_slice %arg6[%dma_start3A_598, %dma_start3A_602] : memref<100x128xi32, #tpu.memory_space<vmem>> -> memref<1x128xi32, #tpu.memory_space<vmem>>
    %dma_start3A_604 = tpu.memref_squeeze %dma_start3A_603 : memref<1x128xi32, #tpu.memory_space<vmem>> -> memref<128xi32, #tpu.memory_space<vmem>>
    %dma_start3A_605 = arith.constant 0 : i32
    %dma_start3A_606 = tpu.memref_slice %arg8[%dma_start3A_605] : memref<896xf32, #tpu.memory_space<vmem_shared>> -> memref<896xf32, #tpu.memory_space<vmem_shared>>
    tpu.enqueue_indirect_dma source(%dma_start3A_601 : memref<128xf32, #tpu.memory_space<vmem>>) target(%dma_start3A_606 : memref<896xf32, #tpu.memory_space<vmem_shared>>) offsets(%dma_start3A_604 : memref<128xi32, #tpu.memory_space<vmem>>) semaphore(%arg9 : memref<!tpu.dma_semaphore, #tpu.memory_space<semaphore_mem>>) {add = true}
    %dma_start3A_607 = arith.constant 60 : i32
    %dma_start3A_608 = arith.constant 60 : i32
    %dma_start3A_609 = arith.constant 0 : i32
    %dma_start3A_610 = tpu.memref_slice %arg5[%dma_start3A_607, %dma_start3A_609] : memref<100x128xf32, #tpu.memory_space<vmem>> -> memref<1x128xf32, #tpu.memory_space<vmem>>
    %dma_start3A_611 = tpu.memref_squeeze %dma_start3A_610 : memref<1x128xf32, #tpu.memory_space<vmem>> -> memref<128xf32, #tpu.memory_space<vmem>>
    %dma_start3A_612 = arith.constant 0 : i32
    %dma_start3A_613 = tpu.memref_slice %arg6[%dma_start3A_608, %dma_start3A_612] : memref<100x128xi32, #tpu.memory_space<vmem>> -> memref<1x128xi32, #tpu.memory_space<vmem>>
    %dma_start3A_614 = tpu.memref_squeeze %dma_start3A_613 : memref<1x128xi32, #tpu.memory_space<vmem>> -> memref<128xi32, #tpu.memory_space<vmem>>
    %dma_start3A_615 = arith.constant 0 : i32
    %dma_start3A_616 = tpu.memref_slice %arg8[%dma_start3A_615] : memref<896xf32, #tpu.memory_space<vmem_shared>> -> memref<896xf32, #tpu.memory_space<vmem_shared>>
    tpu.enqueue_indirect_dma source(%dma_start3A_611 : memref<128xf32, #tpu.memory_space<vmem>>) target(%dma_start3A_616 : memref<896xf32, #tpu.memory_space<vmem_shared>>) offsets(%dma_start3A_614 : memref<128xi32, #tpu.memory_space<vmem>>) semaphore(%arg9 : memref<!tpu.dma_semaphore, #tpu.memory_space<semaphore_mem>>) {add = true}
    %dma_start3A_617 = arith.constant 61 : i32
    %dma_start3A_618 = arith.constant 61 : i32
    %dma_start3A_619 = arith.constant 0 : i32
    %dma_start3A_620 = tpu.memref_slice %arg5[%dma_start3A_617, %dma_start3A_619] : memref<100x128xf32, #tpu.memory_space<vmem>> -> memref<1x128xf32, #tpu.memory_space<vmem>>
    %dma_start3A_621 = tpu.memref_squeeze %dma_start3A_620 : memref<1x128xf32, #tpu.memory_space<vmem>> -> memref<128xf32, #tpu.memory_space<vmem>>
    %dma_start3A_622 = arith.constant 0 : i32
    %dma_start3A_623 = tpu.memref_slice %arg6[%dma_start3A_618, %dma_start3A_622] : memref<100x128xi32, #tpu.memory_space<vmem>> -> memref<1x128xi32, #tpu.memory_space<vmem>>
    %dma_start3A_624 = tpu.memref_squeeze %dma_start3A_623 : memref<1x128xi32, #tpu.memory_space<vmem>> -> memref<128xi32, #tpu.memory_space<vmem>>
    %dma_start3A_625 = arith.constant 0 : i32
    %dma_start3A_626 = tpu.memref_slice %arg8[%dma_start3A_625] : memref<896xf32, #tpu.memory_space<vmem_shared>> -> memref<896xf32, #tpu.memory_space<vmem_shared>>
    tpu.enqueue_indirect_dma source(%dma_start3A_621 : memref<128xf32, #tpu.memory_space<vmem>>) target(%dma_start3A_626 : memref<896xf32, #tpu.memory_space<vmem_shared>>) offsets(%dma_start3A_624 : memref<128xi32, #tpu.memory_space<vmem>>) semaphore(%arg9 : memref<!tpu.dma_semaphore, #tpu.memory_space<semaphore_mem>>) {add = true}
    %dma_start3A_627 = arith.constant 62 : i32
    %dma_start3A_628 = arith.constant 62 : i32
    %dma_start3A_629 = arith.constant 0 : i32
    %dma_start3A_630 = tpu.memref_slice %arg5[%dma_start3A_627, %dma_start3A_629] : memref<100x128xf32, #tpu.memory_space<vmem>> -> memref<1x128xf32, #tpu.memory_space<vmem>>
    %dma_start3A_631 = tpu.memref_squeeze %dma_start3A_630 : memref<1x128xf32, #tpu.memory_space<vmem>> -> memref<128xf32, #tpu.memory_space<vmem>>
    %dma_start3A_632 = arith.constant 0 : i32
    %dma_start3A_633 = tpu.memref_slice %arg6[%dma_start3A_628, %dma_start3A_632] : memref<100x128xi32, #tpu.memory_space<vmem>> -> memref<1x128xi32, #tpu.memory_space<vmem>>
    %dma_start3A_634 = tpu.memref_squeeze %dma_start3A_633 : memref<1x128xi32, #tpu.memory_space<vmem>> -> memref<128xi32, #tpu.memory_space<vmem>>
    %dma_start3A_635 = arith.constant 0 : i32
    %dma_start3A_636 = tpu.memref_slice %arg8[%dma_start3A_635] : memref<896xf32, #tpu.memory_space<vmem_shared>> -> memref<896xf32, #tpu.memory_space<vmem_shared>>
    tpu.enqueue_indirect_dma source(%dma_start3A_631 : memref<128xf32, #tpu.memory_space<vmem>>) target(%dma_start3A_636 : memref<896xf32, #tpu.memory_space<vmem_shared>>) offsets(%dma_start3A_634 : memref<128xi32, #tpu.memory_space<vmem>>) semaphore(%arg9 : memref<!tpu.dma_semaphore, #tpu.memory_space<semaphore_mem>>) {add = true}
    %dma_start3A_637 = arith.constant 63 : i32
    %dma_start3A_638 = arith.constant 63 : i32
    %dma_start3A_639 = arith.constant 0 : i32
    %dma_start3A_640 = tpu.memref_slice %arg5[%dma_start3A_637, %dma_start3A_639] : memref<100x128xf32, #tpu.memory_space<vmem>> -> memref<1x128xf32, #tpu.memory_space<vmem>>
    %dma_start3A_641 = tpu.memref_squeeze %dma_start3A_640 : memref<1x128xf32, #tpu.memory_space<vmem>> -> memref<128xf32, #tpu.memory_space<vmem>>
    %dma_start3A_642 = arith.constant 0 : i32
    %dma_start3A_643 = tpu.memref_slice %arg6[%dma_start3A_638, %dma_start3A_642] : memref<100x128xi32, #tpu.memory_space<vmem>> -> memref<1x128xi32, #tpu.memory_space<vmem>>
    %dma_start3A_644 = tpu.memref_squeeze %dma_start3A_643 : memref<1x128xi32, #tpu.memory_space<vmem>> -> memref<128xi32, #tpu.memory_space<vmem>>
    %dma_start3A_645 = arith.constant 0 : i32
    %dma_start3A_646 = tpu.memref_slice %arg8[%dma_start3A_645] : memref<896xf32, #tpu.memory_space<vmem_shared>> -> memref<896xf32, #tpu.memory_space<vmem_shared>>
    tpu.enqueue_indirect_dma source(%dma_start3A_641 : memref<128xf32, #tpu.memory_space<vmem>>) target(%dma_start3A_646 : memref<896xf32, #tpu.memory_space<vmem_shared>>) offsets(%dma_start3A_644 : memref<128xi32, #tpu.memory_space<vmem>>) semaphore(%arg9 : memref<!tpu.dma_semaphore, #tpu.memory_space<semaphore_mem>>) {add = true}
    %dma_start3A_647 = arith.constant 64 : i32
    %dma_start3A_648 = arith.constant 64 : i32
    %dma_start3A_649 = arith.constant 0 : i32
    %dma_start3A_650 = tpu.memref_slice %arg5[%dma_start3A_647, %dma_start3A_649] : memref<100x128xf32, #tpu.memory_space<vmem>> -> memref<1x128xf32, #tpu.memory_space<vmem>>
    %dma_start3A_651 = tpu.memref_squeeze %dma_start3A_650 : memref<1x128xf32, #tpu.memory_space<vmem>> -> memref<128xf32, #tpu.memory_space<vmem>>
    %dma_start3A_652 = arith.constant 0 : i32
    %dma_start3A_653 = tpu.memref_slice %arg6[%dma_start3A_648, %dma_start3A_652] : memref<100x128xi32, #tpu.memory_space<vmem>> -> memref<1x128xi32, #tpu.memory_space<vmem>>
    %dma_start3A_654 = tpu.memref_squeeze %dma_start3A_653 : memref<1x128xi32, #tpu.memory_space<vmem>> -> memref<128xi32, #tpu.memory_space<vmem>>
    %dma_start3A_655 = arith.constant 0 : i32
    %dma_start3A_656 = tpu.memref_slice %arg8[%dma_start3A_655] : memref<896xf32, #tpu.memory_space<vmem_shared>> -> memref<896xf32, #tpu.memory_space<vmem_shared>>
    tpu.enqueue_indirect_dma source(%dma_start3A_651 : memref<128xf32, #tpu.memory_space<vmem>>) target(%dma_start3A_656 : memref<896xf32, #tpu.memory_space<vmem_shared>>) offsets(%dma_start3A_654 : memref<128xi32, #tpu.memory_space<vmem>>) semaphore(%arg9 : memref<!tpu.dma_semaphore, #tpu.memory_space<semaphore_mem>>) {add = true}
    %dma_start3A_657 = arith.constant 65 : i32
    %dma_start3A_658 = arith.constant 65 : i32
    %dma_start3A_659 = arith.constant 0 : i32
    %dma_start3A_660 = tpu.memref_slice %arg5[%dma_start3A_657, %dma_start3A_659] : memref<100x128xf32, #tpu.memory_space<vmem>> -> memref<1x128xf32, #tpu.memory_space<vmem>>
    %dma_start3A_661 = tpu.memref_squeeze %dma_start3A_660 : memref<1x128xf32, #tpu.memory_space<vmem>> -> memref<128xf32, #tpu.memory_space<vmem>>
    %dma_start3A_662 = arith.constant 0 : i32
    %dma_start3A_663 = tpu.memref_slice %arg6[%dma_start3A_658, %dma_start3A_662] : memref<100x128xi32, #tpu.memory_space<vmem>> -> memref<1x128xi32, #tpu.memory_space<vmem>>
    %dma_start3A_664 = tpu.memref_squeeze %dma_start3A_663 : memref<1x128xi32, #tpu.memory_space<vmem>> -> memref<128xi32, #tpu.memory_space<vmem>>
    %dma_start3A_665 = arith.constant 0 : i32
    %dma_start3A_666 = tpu.memref_slice %arg8[%dma_start3A_665] : memref<896xf32, #tpu.memory_space<vmem_shared>> -> memref<896xf32, #tpu.memory_space<vmem_shared>>
    tpu.enqueue_indirect_dma source(%dma_start3A_661 : memref<128xf32, #tpu.memory_space<vmem>>) target(%dma_start3A_666 : memref<896xf32, #tpu.memory_space<vmem_shared>>) offsets(%dma_start3A_664 : memref<128xi32, #tpu.memory_space<vmem>>) semaphore(%arg9 : memref<!tpu.dma_semaphore, #tpu.memory_space<semaphore_mem>>) {add = true}
    %dma_start3A_667 = arith.constant 66 : i32
    %dma_start3A_668 = arith.constant 66 : i32
    %dma_start3A_669 = arith.constant 0 : i32
    %dma_start3A_670 = tpu.memref_slice %arg5[%dma_start3A_667, %dma_start3A_669] : memref<100x128xf32, #tpu.memory_space<vmem>> -> memref<1x128xf32, #tpu.memory_space<vmem>>
    %dma_start3A_671 = tpu.memref_squeeze %dma_start3A_670 : memref<1x128xf32, #tpu.memory_space<vmem>> -> memref<128xf32, #tpu.memory_space<vmem>>
    %dma_start3A_672 = arith.constant 0 : i32
    %dma_start3A_673 = tpu.memref_slice %arg6[%dma_start3A_668, %dma_start3A_672] : memref<100x128xi32, #tpu.memory_space<vmem>> -> memref<1x128xi32, #tpu.memory_space<vmem>>
    %dma_start3A_674 = tpu.memref_squeeze %dma_start3A_673 : memref<1x128xi32, #tpu.memory_space<vmem>> -> memref<128xi32, #tpu.memory_space<vmem>>
    %dma_start3A_675 = arith.constant 0 : i32
    %dma_start3A_676 = tpu.memref_slice %arg8[%dma_start3A_675] : memref<896xf32, #tpu.memory_space<vmem_shared>> -> memref<896xf32, #tpu.memory_space<vmem_shared>>
    tpu.enqueue_indirect_dma source(%dma_start3A_671 : memref<128xf32, #tpu.memory_space<vmem>>) target(%dma_start3A_676 : memref<896xf32, #tpu.memory_space<vmem_shared>>) offsets(%dma_start3A_674 : memref<128xi32, #tpu.memory_space<vmem>>) semaphore(%arg9 : memref<!tpu.dma_semaphore, #tpu.memory_space<semaphore_mem>>) {add = true}
    %dma_start3A_677 = arith.constant 67 : i32
    %dma_start3A_678 = arith.constant 67 : i32
    %dma_start3A_679 = arith.constant 0 : i32
    %dma_start3A_680 = tpu.memref_slice %arg5[%dma_start3A_677, %dma_start3A_679] : memref<100x128xf32, #tpu.memory_space<vmem>> -> memref<1x128xf32, #tpu.memory_space<vmem>>
    %dma_start3A_681 = tpu.memref_squeeze %dma_start3A_680 : memref<1x128xf32, #tpu.memory_space<vmem>> -> memref<128xf32, #tpu.memory_space<vmem>>
    %dma_start3A_682 = arith.constant 0 : i32
    %dma_start3A_683 = tpu.memref_slice %arg6[%dma_start3A_678, %dma_start3A_682] : memref<100x128xi32, #tpu.memory_space<vmem>> -> memref<1x128xi32, #tpu.memory_space<vmem>>
    %dma_start3A_684 = tpu.memref_squeeze %dma_start3A_683 : memref<1x128xi32, #tpu.memory_space<vmem>> -> memref<128xi32, #tpu.memory_space<vmem>>
    %dma_start3A_685 = arith.constant 0 : i32
    %dma_start3A_686 = tpu.memref_slice %arg8[%dma_start3A_685] : memref<896xf32, #tpu.memory_space<vmem_shared>> -> memref<896xf32, #tpu.memory_space<vmem_shared>>
    tpu.enqueue_indirect_dma source(%dma_start3A_681 : memref<128xf32, #tpu.memory_space<vmem>>) target(%dma_start3A_686 : memref<896xf32, #tpu.memory_space<vmem_shared>>) offsets(%dma_start3A_684 : memref<128xi32, #tpu.memory_space<vmem>>) semaphore(%arg9 : memref<!tpu.dma_semaphore, #tpu.memory_space<semaphore_mem>>) {add = true}
    %dma_start3A_687 = arith.constant 68 : i32
    %dma_start3A_688 = arith.constant 68 : i32
    %dma_start3A_689 = arith.constant 0 : i32
    %dma_start3A_690 = tpu.memref_slice %arg5[%dma_start3A_687, %dma_start3A_689] : memref<100x128xf32, #tpu.memory_space<vmem>> -> memref<1x128xf32, #tpu.memory_space<vmem>>
    %dma_start3A_691 = tpu.memref_squeeze %dma_start3A_690 : memref<1x128xf32, #tpu.memory_space<vmem>> -> memref<128xf32, #tpu.memory_space<vmem>>
    %dma_start3A_692 = arith.constant 0 : i32
    %dma_start3A_693 = tpu.memref_slice %arg6[%dma_start3A_688, %dma_start3A_692] : memref<100x128xi32, #tpu.memory_space<vmem>> -> memref<1x128xi32, #tpu.memory_space<vmem>>
    %dma_start3A_694 = tpu.memref_squeeze %dma_start3A_693 : memref<1x128xi32, #tpu.memory_space<vmem>> -> memref<128xi32, #tpu.memory_space<vmem>>
    %dma_start3A_695 = arith.constant 0 : i32
    %dma_start3A_696 = tpu.memref_slice %arg8[%dma_start3A_695] : memref<896xf32, #tpu.memory_space<vmem_shared>> -> memref<896xf32, #tpu.memory_space<vmem_shared>>
    tpu.enqueue_indirect_dma source(%dma_start3A_691 : memref<128xf32, #tpu.memory_space<vmem>>) target(%dma_start3A_696 : memref<896xf32, #tpu.memory_space<vmem_shared>>) offsets(%dma_start3A_694 : memref<128xi32, #tpu.memory_space<vmem>>) semaphore(%arg9 : memref<!tpu.dma_semaphore, #tpu.memory_space<semaphore_mem>>) {add = true}
    %dma_start3A_697 = arith.constant 69 : i32
    %dma_start3A_698 = arith.constant 69 : i32
    %dma_start3A_699 = arith.constant 0 : i32
    %dma_start3A_700 = tpu.memref_slice %arg5[%dma_start3A_697, %dma_start3A_699] : memref<100x128xf32, #tpu.memory_space<vmem>> -> memref<1x128xf32, #tpu.memory_space<vmem>>
    %dma_start3A_701 = tpu.memref_squeeze %dma_start3A_700 : memref<1x128xf32, #tpu.memory_space<vmem>> -> memref<128xf32, #tpu.memory_space<vmem>>
    %dma_start3A_702 = arith.constant 0 : i32
    %dma_start3A_703 = tpu.memref_slice %arg6[%dma_start3A_698, %dma_start3A_702] : memref<100x128xi32, #tpu.memory_space<vmem>> -> memref<1x128xi32, #tpu.memory_space<vmem>>
    %dma_start3A_704 = tpu.memref_squeeze %dma_start3A_703 : memref<1x128xi32, #tpu.memory_space<vmem>> -> memref<128xi32, #tpu.memory_space<vmem>>
    %dma_start3A_705 = arith.constant 0 : i32
    %dma_start3A_706 = tpu.memref_slice %arg8[%dma_start3A_705] : memref<896xf32, #tpu.memory_space<vmem_shared>> -> memref<896xf32, #tpu.memory_space<vmem_shared>>
    tpu.enqueue_indirect_dma source(%dma_start3A_701 : memref<128xf32, #tpu.memory_space<vmem>>) target(%dma_start3A_706 : memref<896xf32, #tpu.memory_space<vmem_shared>>) offsets(%dma_start3A_704 : memref<128xi32, #tpu.memory_space<vmem>>) semaphore(%arg9 : memref<!tpu.dma_semaphore, #tpu.memory_space<semaphore_mem>>) {add = true}
    %dma_start3A_707 = arith.constant 70 : i32
    %dma_start3A_708 = arith.constant 70 : i32
    %dma_start3A_709 = arith.constant 0 : i32
    %dma_start3A_710 = tpu.memref_slice %arg5[%dma_start3A_707, %dma_start3A_709] : memref<100x128xf32, #tpu.memory_space<vmem>> -> memref<1x128xf32, #tpu.memory_space<vmem>>
    %dma_start3A_711 = tpu.memref_squeeze %dma_start3A_710 : memref<1x128xf32, #tpu.memory_space<vmem>> -> memref<128xf32, #tpu.memory_space<vmem>>
    %dma_start3A_712 = arith.constant 0 : i32
    %dma_start3A_713 = tpu.memref_slice %arg6[%dma_start3A_708, %dma_start3A_712] : memref<100x128xi32, #tpu.memory_space<vmem>> -> memref<1x128xi32, #tpu.memory_space<vmem>>
    %dma_start3A_714 = tpu.memref_squeeze %dma_start3A_713 : memref<1x128xi32, #tpu.memory_space<vmem>> -> memref<128xi32, #tpu.memory_space<vmem>>
    %dma_start3A_715 = arith.constant 0 : i32
    %dma_start3A_716 = tpu.memref_slice %arg8[%dma_start3A_715] : memref<896xf32, #tpu.memory_space<vmem_shared>> -> memref<896xf32, #tpu.memory_space<vmem_shared>>
    tpu.enqueue_indirect_dma source(%dma_start3A_711 : memref<128xf32, #tpu.memory_space<vmem>>) target(%dma_start3A_716 : memref<896xf32, #tpu.memory_space<vmem_shared>>) offsets(%dma_start3A_714 : memref<128xi32, #tpu.memory_space<vmem>>) semaphore(%arg9 : memref<!tpu.dma_semaphore, #tpu.memory_space<semaphore_mem>>) {add = true}
    %dma_start3A_717 = arith.constant 71 : i32
    %dma_start3A_718 = arith.constant 71 : i32
    %dma_start3A_719 = arith.constant 0 : i32
    %dma_start3A_720 = tpu.memref_slice %arg5[%dma_start3A_717, %dma_start3A_719] : memref<100x128xf32, #tpu.memory_space<vmem>> -> memref<1x128xf32, #tpu.memory_space<vmem>>
    %dma_start3A_721 = tpu.memref_squeeze %dma_start3A_720 : memref<1x128xf32, #tpu.memory_space<vmem>> -> memref<128xf32, #tpu.memory_space<vmem>>
    %dma_start3A_722 = arith.constant 0 : i32
    %dma_start3A_723 = tpu.memref_slice %arg6[%dma_start3A_718, %dma_start3A_722] : memref<100x128xi32, #tpu.memory_space<vmem>> -> memref<1x128xi32, #tpu.memory_space<vmem>>
    %dma_start3A_724 = tpu.memref_squeeze %dma_start3A_723 : memref<1x128xi32, #tpu.memory_space<vmem>> -> memref<128xi32, #tpu.memory_space<vmem>>
    %dma_start3A_725 = arith.constant 0 : i32
    %dma_start3A_726 = tpu.memref_slice %arg8[%dma_start3A_725] : memref<896xf32, #tpu.memory_space<vmem_shared>> -> memref<896xf32, #tpu.memory_space<vmem_shared>>
    tpu.enqueue_indirect_dma source(%dma_start3A_721 : memref<128xf32, #tpu.memory_space<vmem>>) target(%dma_start3A_726 : memref<896xf32, #tpu.memory_space<vmem_shared>>) offsets(%dma_start3A_724 : memref<128xi32, #tpu.memory_space<vmem>>) semaphore(%arg9 : memref<!tpu.dma_semaphore, #tpu.memory_space<semaphore_mem>>) {add = true}
    %dma_start3A_727 = arith.constant 72 : i32
    %dma_start3A_728 = arith.constant 72 : i32
    %dma_start3A_729 = arith.constant 0 : i32
    %dma_start3A_730 = tpu.memref_slice %arg5[%dma_start3A_727, %dma_start3A_729] : memref<100x128xf32, #tpu.memory_space<vmem>> -> memref<1x128xf32, #tpu.memory_space<vmem>>
    %dma_start3A_731 = tpu.memref_squeeze %dma_start3A_730 : memref<1x128xf32, #tpu.memory_space<vmem>> -> memref<128xf32, #tpu.memory_space<vmem>>
    %dma_start3A_732 = arith.constant 0 : i32
    %dma_start3A_733 = tpu.memref_slice %arg6[%dma_start3A_728, %dma_start3A_732] : memref<100x128xi32, #tpu.memory_space<vmem>> -> memref<1x128xi32, #tpu.memory_space<vmem>>
    %dma_start3A_734 = tpu.memref_squeeze %dma_start3A_733 : memref<1x128xi32, #tpu.memory_space<vmem>> -> memref<128xi32, #tpu.memory_space<vmem>>
    %dma_start3A_735 = arith.constant 0 : i32
    %dma_start3A_736 = tpu.memref_slice %arg8[%dma_start3A_735] : memref<896xf32, #tpu.memory_space<vmem_shared>> -> memref<896xf32, #tpu.memory_space<vmem_shared>>
    tpu.enqueue_indirect_dma source(%dma_start3A_731 : memref<128xf32, #tpu.memory_space<vmem>>) target(%dma_start3A_736 : memref<896xf32, #tpu.memory_space<vmem_shared>>) offsets(%dma_start3A_734 : memref<128xi32, #tpu.memory_space<vmem>>) semaphore(%arg9 : memref<!tpu.dma_semaphore, #tpu.memory_space<semaphore_mem>>) {add = true}
    %dma_start3A_737 = arith.constant 73 : i32
    %dma_start3A_738 = arith.constant 73 : i32
    %dma_start3A_739 = arith.constant 0 : i32
    %dma_start3A_740 = tpu.memref_slice %arg5[%dma_start3A_737, %dma_start3A_739] : memref<100x128xf32, #tpu.memory_space<vmem>> -> memref<1x128xf32, #tpu.memory_space<vmem>>
    %dma_start3A_741 = tpu.memref_squeeze %dma_start3A_740 : memref<1x128xf32, #tpu.memory_space<vmem>> -> memref<128xf32, #tpu.memory_space<vmem>>
    %dma_start3A_742 = arith.constant 0 : i32
    %dma_start3A_743 = tpu.memref_slice %arg6[%dma_start3A_738, %dma_start3A_742] : memref<100x128xi32, #tpu.memory_space<vmem>> -> memref<1x128xi32, #tpu.memory_space<vmem>>
    %dma_start3A_744 = tpu.memref_squeeze %dma_start3A_743 : memref<1x128xi32, #tpu.memory_space<vmem>> -> memref<128xi32, #tpu.memory_space<vmem>>
    %dma_start3A_745 = arith.constant 0 : i32
    %dma_start3A_746 = tpu.memref_slice %arg8[%dma_start3A_745] : memref<896xf32, #tpu.memory_space<vmem_shared>> -> memref<896xf32, #tpu.memory_space<vmem_shared>>
    tpu.enqueue_indirect_dma source(%dma_start3A_741 : memref<128xf32, #tpu.memory_space<vmem>>) target(%dma_start3A_746 : memref<896xf32, #tpu.memory_space<vmem_shared>>) offsets(%dma_start3A_744 : memref<128xi32, #tpu.memory_space<vmem>>) semaphore(%arg9 : memref<!tpu.dma_semaphore, #tpu.memory_space<semaphore_mem>>) {add = true}
    %dma_start3A_747 = arith.constant 74 : i32
    %dma_start3A_748 = arith.constant 74 : i32
    %dma_start3A_749 = arith.constant 0 : i32
    %dma_start3A_750 = tpu.memref_slice %arg5[%dma_start3A_747, %dma_start3A_749] : memref<100x128xf32, #tpu.memory_space<vmem>> -> memref<1x128xf32, #tpu.memory_space<vmem>>
    %dma_start3A_751 = tpu.memref_squeeze %dma_start3A_750 : memref<1x128xf32, #tpu.memory_space<vmem>> -> memref<128xf32, #tpu.memory_space<vmem>>
    %dma_start3A_752 = arith.constant 0 : i32
    %dma_start3A_753 = tpu.memref_slice %arg6[%dma_start3A_748, %dma_start3A_752] : memref<100x128xi32, #tpu.memory_space<vmem>> -> memref<1x128xi32, #tpu.memory_space<vmem>>
    %dma_start3A_754 = tpu.memref_squeeze %dma_start3A_753 : memref<1x128xi32, #tpu.memory_space<vmem>> -> memref<128xi32, #tpu.memory_space<vmem>>
    %dma_start3A_755 = arith.constant 0 : i32
    %dma_start3A_756 = tpu.memref_slice %arg8[%dma_start3A_755] : memref<896xf32, #tpu.memory_space<vmem_shared>> -> memref<896xf32, #tpu.memory_space<vmem_shared>>
    tpu.enqueue_indirect_dma source(%dma_start3A_751 : memref<128xf32, #tpu.memory_space<vmem>>) target(%dma_start3A_756 : memref<896xf32, #tpu.memory_space<vmem_shared>>) offsets(%dma_start3A_754 : memref<128xi32, #tpu.memory_space<vmem>>) semaphore(%arg9 : memref<!tpu.dma_semaphore, #tpu.memory_space<semaphore_mem>>) {add = true}
    %dma_start3A_757 = arith.constant 75 : i32
    %dma_start3A_758 = arith.constant 75 : i32
    %dma_start3A_759 = arith.constant 0 : i32
    %dma_start3A_760 = tpu.memref_slice %arg5[%dma_start3A_757, %dma_start3A_759] : memref<100x128xf32, #tpu.memory_space<vmem>> -> memref<1x128xf32, #tpu.memory_space<vmem>>
    %dma_start3A_761 = tpu.memref_squeeze %dma_start3A_760 : memref<1x128xf32, #tpu.memory_space<vmem>> -> memref<128xf32, #tpu.memory_space<vmem>>
    %dma_start3A_762 = arith.constant 0 : i32
    %dma_start3A_763 = tpu.memref_slice %arg6[%dma_start3A_758, %dma_start3A_762] : memref<100x128xi32, #tpu.memory_space<vmem>> -> memref<1x128xi32, #tpu.memory_space<vmem>>
    %dma_start3A_764 = tpu.memref_squeeze %dma_start3A_763 : memref<1x128xi32, #tpu.memory_space<vmem>> -> memref<128xi32, #tpu.memory_space<vmem>>
    %dma_start3A_765 = arith.constant 0 : i32
    %dma_start3A_766 = tpu.memref_slice %arg8[%dma_start3A_765] : memref<896xf32, #tpu.memory_space<vmem_shared>> -> memref<896xf32, #tpu.memory_space<vmem_shared>>
    tpu.enqueue_indirect_dma source(%dma_start3A_761 : memref<128xf32, #tpu.memory_space<vmem>>) target(%dma_start3A_766 : memref<896xf32, #tpu.memory_space<vmem_shared>>) offsets(%dma_start3A_764 : memref<128xi32, #tpu.memory_space<vmem>>) semaphore(%arg9 : memref<!tpu.dma_semaphore, #tpu.memory_space<semaphore_mem>>) {add = true}
    %dma_start3A_767 = arith.constant 76 : i32
    %dma_start3A_768 = arith.constant 76 : i32
    %dma_start3A_769 = arith.constant 0 : i32
    %dma_start3A_770 = tpu.memref_slice %arg5[%dma_start3A_767, %dma_start3A_769] : memref<100x128xf32, #tpu.memory_space<vmem>> -> memref<1x128xf32, #tpu.memory_space<vmem>>
    %dma_start3A_771 = tpu.memref_squeeze %dma_start3A_770 : memref<1x128xf32, #tpu.memory_space<vmem>> -> memref<128xf32, #tpu.memory_space<vmem>>
    %dma_start3A_772 = arith.constant 0 : i32
    %dma_start3A_773 = tpu.memref_slice %arg6[%dma_start3A_768, %dma_start3A_772] : memref<100x128xi32, #tpu.memory_space<vmem>> -> memref<1x128xi32, #tpu.memory_space<vmem>>
    %dma_start3A_774 = tpu.memref_squeeze %dma_start3A_773 : memref<1x128xi32, #tpu.memory_space<vmem>> -> memref<128xi32, #tpu.memory_space<vmem>>
    %dma_start3A_775 = arith.constant 0 : i32
    %dma_start3A_776 = tpu.memref_slice %arg8[%dma_start3A_775] : memref<896xf32, #tpu.memory_space<vmem_shared>> -> memref<896xf32, #tpu.memory_space<vmem_shared>>
    tpu.enqueue_indirect_dma source(%dma_start3A_771 : memref<128xf32, #tpu.memory_space<vmem>>) target(%dma_start3A_776 : memref<896xf32, #tpu.memory_space<vmem_shared>>) offsets(%dma_start3A_774 : memref<128xi32, #tpu.memory_space<vmem>>) semaphore(%arg9 : memref<!tpu.dma_semaphore, #tpu.memory_space<semaphore_mem>>) {add = true}
    %dma_start3A_777 = arith.constant 77 : i32
    %dma_start3A_778 = arith.constant 77 : i32
    %dma_start3A_779 = arith.constant 0 : i32
    %dma_start3A_780 = tpu.memref_slice %arg5[%dma_start3A_777, %dma_start3A_779] : memref<100x128xf32, #tpu.memory_space<vmem>> -> memref<1x128xf32, #tpu.memory_space<vmem>>
    %dma_start3A_781 = tpu.memref_squeeze %dma_start3A_780 : memref<1x128xf32, #tpu.memory_space<vmem>> -> memref<128xf32, #tpu.memory_space<vmem>>
    %dma_start3A_782 = arith.constant 0 : i32
    %dma_start3A_783 = tpu.memref_slice %arg6[%dma_start3A_778, %dma_start3A_782] : memref<100x128xi32, #tpu.memory_space<vmem>> -> memref<1x128xi32, #tpu.memory_space<vmem>>
    %dma_start3A_784 = tpu.memref_squeeze %dma_start3A_783 : memref<1x128xi32, #tpu.memory_space<vmem>> -> memref<128xi32, #tpu.memory_space<vmem>>
    %dma_start3A_785 = arith.constant 0 : i32
    %dma_start3A_786 = tpu.memref_slice %arg8[%dma_start3A_785] : memref<896xf32, #tpu.memory_space<vmem_shared>> -> memref<896xf32, #tpu.memory_space<vmem_shared>>
    tpu.enqueue_indirect_dma source(%dma_start3A_781 : memref<128xf32, #tpu.memory_space<vmem>>) target(%dma_start3A_786 : memref<896xf32, #tpu.memory_space<vmem_shared>>) offsets(%dma_start3A_784 : memref<128xi32, #tpu.memory_space<vmem>>) semaphore(%arg9 : memref<!tpu.dma_semaphore, #tpu.memory_space<semaphore_mem>>) {add = true}
    %dma_start3A_787 = arith.constant 78 : i32
    %dma_start3A_788 = arith.constant 78 : i32
    %dma_start3A_789 = arith.constant 0 : i32
    %dma_start3A_790 = tpu.memref_slice %arg5[%dma_start3A_787, %dma_start3A_789] : memref<100x128xf32, #tpu.memory_space<vmem>> -> memref<1x128xf32, #tpu.memory_space<vmem>>
    %dma_start3A_791 = tpu.memref_squeeze %dma_start3A_790 : memref<1x128xf32, #tpu.memory_space<vmem>> -> memref<128xf32, #tpu.memory_space<vmem>>
    %dma_start3A_792 = arith.constant 0 : i32
    %dma_start3A_793 = tpu.memref_slice %arg6[%dma_start3A_788, %dma_start3A_792] : memref<100x128xi32, #tpu.memory_space<vmem>> -> memref<1x128xi32, #tpu.memory_space<vmem>>
    %dma_start3A_794 = tpu.memref_squeeze %dma_start3A_793 : memref<1x128xi32, #tpu.memory_space<vmem>> -> memref<128xi32, #tpu.memory_space<vmem>>
    %dma_start3A_795 = arith.constant 0 : i32
    %dma_start3A_796 = tpu.memref_slice %arg8[%dma_start3A_795] : memref<896xf32, #tpu.memory_space<vmem_shared>> -> memref<896xf32, #tpu.memory_space<vmem_shared>>
    tpu.enqueue_indirect_dma source(%dma_start3A_791 : memref<128xf32, #tpu.memory_space<vmem>>) target(%dma_start3A_796 : memref<896xf32, #tpu.memory_space<vmem_shared>>) offsets(%dma_start3A_794 : memref<128xi32, #tpu.memory_space<vmem>>) semaphore(%arg9 : memref<!tpu.dma_semaphore, #tpu.memory_space<semaphore_mem>>) {add = true}
    %dma_start3A_797 = arith.constant 79 : i32
    %dma_start3A_798 = arith.constant 79 : i32
    %dma_start3A_799 = arith.constant 0 : i32
    %dma_start3A_800 = tpu.memref_slice %arg5[%dma_start3A_797, %dma_start3A_799] : memref<100x128xf32, #tpu.memory_space<vmem>> -> memref<1x128xf32, #tpu.memory_space<vmem>>
    %dma_start3A_801 = tpu.memref_squeeze %dma_start3A_800 : memref<1x128xf32, #tpu.memory_space<vmem>> -> memref<128xf32, #tpu.memory_space<vmem>>
    %dma_start3A_802 = arith.constant 0 : i32
    %dma_start3A_803 = tpu.memref_slice %arg6[%dma_start3A_798, %dma_start3A_802] : memref<100x128xi32, #tpu.memory_space<vmem>> -> memref<1x128xi32, #tpu.memory_space<vmem>>
    %dma_start3A_804 = tpu.memref_squeeze %dma_start3A_803 : memref<1x128xi32, #tpu.memory_space<vmem>> -> memref<128xi32, #tpu.memory_space<vmem>>
    %dma_start3A_805 = arith.constant 0 : i32
    %dma_start3A_806 = tpu.memref_slice %arg8[%dma_start3A_805] : memref<896xf32, #tpu.memory_space<vmem_shared>> -> memref<896xf32, #tpu.memory_space<vmem_shared>>
    tpu.enqueue_indirect_dma source(%dma_start3A_801 : memref<128xf32, #tpu.memory_space<vmem>>) target(%dma_start3A_806 : memref<896xf32, #tpu.memory_space<vmem_shared>>) offsets(%dma_start3A_804 : memref<128xi32, #tpu.memory_space<vmem>>) semaphore(%arg9 : memref<!tpu.dma_semaphore, #tpu.memory_space<semaphore_mem>>) {add = true}
    %dma_start3A_807 = arith.constant 80 : i32
    %dma_start3A_808 = arith.constant 80 : i32
    %dma_start3A_809 = arith.constant 0 : i32
    %dma_start3A_810 = tpu.memref_slice %arg5[%dma_start3A_807, %dma_start3A_809] : memref<100x128xf32, #tpu.memory_space<vmem>> -> memref<1x128xf32, #tpu.memory_space<vmem>>
    %dma_start3A_811 = tpu.memref_squeeze %dma_start3A_810 : memref<1x128xf32, #tpu.memory_space<vmem>> -> memref<128xf32, #tpu.memory_space<vmem>>
    %dma_start3A_812 = arith.constant 0 : i32
    %dma_start3A_813 = tpu.memref_slice %arg6[%dma_start3A_808, %dma_start3A_812] : memref<100x128xi32, #tpu.memory_space<vmem>> -> memref<1x128xi32, #tpu.memory_space<vmem>>
    %dma_start3A_814 = tpu.memref_squeeze %dma_start3A_813 : memref<1x128xi32, #tpu.memory_space<vmem>> -> memref<128xi32, #tpu.memory_space<vmem>>
    %dma_start3A_815 = arith.constant 0 : i32
    %dma_start3A_816 = tpu.memref_slice %arg8[%dma_start3A_815] : memref<896xf32, #tpu.memory_space<vmem_shared>> -> memref<896xf32, #tpu.memory_space<vmem_shared>>
    tpu.enqueue_indirect_dma source(%dma_start3A_811 : memref<128xf32, #tpu.memory_space<vmem>>) target(%dma_start3A_816 : memref<896xf32, #tpu.memory_space<vmem_shared>>) offsets(%dma_start3A_814 : memref<128xi32, #tpu.memory_space<vmem>>) semaphore(%arg9 : memref<!tpu.dma_semaphore, #tpu.memory_space<semaphore_mem>>) {add = true}
    %dma_start3A_817 = arith.constant 81 : i32
    %dma_start3A_818 = arith.constant 81 : i32
    %dma_start3A_819 = arith.constant 0 : i32
    %dma_start3A_820 = tpu.memref_slice %arg5[%dma_start3A_817, %dma_start3A_819] : memref<100x128xf32, #tpu.memory_space<vmem>> -> memref<1x128xf32, #tpu.memory_space<vmem>>
    %dma_start3A_821 = tpu.memref_squeeze %dma_start3A_820 : memref<1x128xf32, #tpu.memory_space<vmem>> -> memref<128xf32, #tpu.memory_space<vmem>>
    %dma_start3A_822 = arith.constant 0 : i32
    %dma_start3A_823 = tpu.memref_slice %arg6[%dma_start3A_818, %dma_start3A_822] : memref<100x128xi32, #tpu.memory_space<vmem>> -> memref<1x128xi32, #tpu.memory_space<vmem>>
    %dma_start3A_824 = tpu.memref_squeeze %dma_start3A_823 : memref<1x128xi32, #tpu.memory_space<vmem>> -> memref<128xi32, #tpu.memory_space<vmem>>
    %dma_start3A_825 = arith.constant 0 : i32
    %dma_start3A_826 = tpu.memref_slice %arg8[%dma_start3A_825] : memref<896xf32, #tpu.memory_space<vmem_shared>> -> memref<896xf32, #tpu.memory_space<vmem_shared>>
    tpu.enqueue_indirect_dma source(%dma_start3A_821 : memref<128xf32, #tpu.memory_space<vmem>>) target(%dma_start3A_826 : memref<896xf32, #tpu.memory_space<vmem_shared>>) offsets(%dma_start3A_824 : memref<128xi32, #tpu.memory_space<vmem>>) semaphore(%arg9 : memref<!tpu.dma_semaphore, #tpu.memory_space<semaphore_mem>>) {add = true}
    %dma_start3A_827 = arith.constant 82 : i32
    %dma_start3A_828 = arith.constant 82 : i32
    %dma_start3A_829 = arith.constant 0 : i32
    %dma_start3A_830 = tpu.memref_slice %arg5[%dma_start3A_827, %dma_start3A_829] : memref<100x128xf32, #tpu.memory_space<vmem>> -> memref<1x128xf32, #tpu.memory_space<vmem>>
    %dma_start3A_831 = tpu.memref_squeeze %dma_start3A_830 : memref<1x128xf32, #tpu.memory_space<vmem>> -> memref<128xf32, #tpu.memory_space<vmem>>
    %dma_start3A_832 = arith.constant 0 : i32
    %dma_start3A_833 = tpu.memref_slice %arg6[%dma_start3A_828, %dma_start3A_832] : memref<100x128xi32, #tpu.memory_space<vmem>> -> memref<1x128xi32, #tpu.memory_space<vmem>>
    %dma_start3A_834 = tpu.memref_squeeze %dma_start3A_833 : memref<1x128xi32, #tpu.memory_space<vmem>> -> memref<128xi32, #tpu.memory_space<vmem>>
    %dma_start3A_835 = arith.constant 0 : i32
    %dma_start3A_836 = tpu.memref_slice %arg8[%dma_start3A_835] : memref<896xf32, #tpu.memory_space<vmem_shared>> -> memref<896xf32, #tpu.memory_space<vmem_shared>>
    tpu.enqueue_indirect_dma source(%dma_start3A_831 : memref<128xf32, #tpu.memory_space<vmem>>) target(%dma_start3A_836 : memref<896xf32, #tpu.memory_space<vmem_shared>>) offsets(%dma_start3A_834 : memref<128xi32, #tpu.memory_space<vmem>>) semaphore(%arg9 : memref<!tpu.dma_semaphore, #tpu.memory_space<semaphore_mem>>) {add = true}
    %dma_start3A_837 = arith.constant 83 : i32
    %dma_start3A_838 = arith.constant 83 : i32
    %dma_start3A_839 = arith.constant 0 : i32
    %dma_start3A_840 = tpu.memref_slice %arg5[%dma_start3A_837, %dma_start3A_839] : memref<100x128xf32, #tpu.memory_space<vmem>> -> memref<1x128xf32, #tpu.memory_space<vmem>>
    %dma_start3A_841 = tpu.memref_squeeze %dma_start3A_840 : memref<1x128xf32, #tpu.memory_space<vmem>> -> memref<128xf32, #tpu.memory_space<vmem>>
    %dma_start3A_842 = arith.constant 0 : i32
    %dma_start3A_843 = tpu.memref_slice %arg6[%dma_start3A_838, %dma_start3A_842] : memref<100x128xi32, #tpu.memory_space<vmem>> -> memref<1x128xi32, #tpu.memory_space<vmem>>
    %dma_start3A_844 = tpu.memref_squeeze %dma_start3A_843 : memref<1x128xi32, #tpu.memory_space<vmem>> -> memref<128xi32, #tpu.memory_space<vmem>>
    %dma_start3A_845 = arith.constant 0 : i32
    %dma_start3A_846 = tpu.memref_slice %arg8[%dma_start3A_845] : memref<896xf32, #tpu.memory_space<vmem_shared>> -> memref<896xf32, #tpu.memory_space<vmem_shared>>
    tpu.enqueue_indirect_dma source(%dma_start3A_841 : memref<128xf32, #tpu.memory_space<vmem>>) target(%dma_start3A_846 : memref<896xf32, #tpu.memory_space<vmem_shared>>) offsets(%dma_start3A_844 : memref<128xi32, #tpu.memory_space<vmem>>) semaphore(%arg9 : memref<!tpu.dma_semaphore, #tpu.memory_space<semaphore_mem>>) {add = true}
    %dma_start3A_847 = arith.constant 84 : i32
    %dma_start3A_848 = arith.constant 84 : i32
    %dma_start3A_849 = arith.constant 0 : i32
    %dma_start3A_850 = tpu.memref_slice %arg5[%dma_start3A_847, %dma_start3A_849] : memref<100x128xf32, #tpu.memory_space<vmem>> -> memref<1x128xf32, #tpu.memory_space<vmem>>
    %dma_start3A_851 = tpu.memref_squeeze %dma_start3A_850 : memref<1x128xf32, #tpu.memory_space<vmem>> -> memref<128xf32, #tpu.memory_space<vmem>>
    %dma_start3A_852 = arith.constant 0 : i32
    %dma_start3A_853 = tpu.memref_slice %arg6[%dma_start3A_848, %dma_start3A_852] : memref<100x128xi32, #tpu.memory_space<vmem>> -> memref<1x128xi32, #tpu.memory_space<vmem>>
    %dma_start3A_854 = tpu.memref_squeeze %dma_start3A_853 : memref<1x128xi32, #tpu.memory_space<vmem>> -> memref<128xi32, #tpu.memory_space<vmem>>
    %dma_start3A_855 = arith.constant 0 : i32
    %dma_start3A_856 = tpu.memref_slice %arg8[%dma_start3A_855] : memref<896xf32, #tpu.memory_space<vmem_shared>> -> memref<896xf32, #tpu.memory_space<vmem_shared>>
    tpu.enqueue_indirect_dma source(%dma_start3A_851 : memref<128xf32, #tpu.memory_space<vmem>>) target(%dma_start3A_856 : memref<896xf32, #tpu.memory_space<vmem_shared>>) offsets(%dma_start3A_854 : memref<128xi32, #tpu.memory_space<vmem>>) semaphore(%arg9 : memref<!tpu.dma_semaphore, #tpu.memory_space<semaphore_mem>>) {add = true}
    %dma_start3A_857 = arith.constant 85 : i32
    %dma_start3A_858 = arith.constant 85 : i32
    %dma_start3A_859 = arith.constant 0 : i32
    %dma_start3A_860 = tpu.memref_slice %arg5[%dma_start3A_857, %dma_start3A_859] : memref<100x128xf32, #tpu.memory_space<vmem>> -> memref<1x128xf32, #tpu.memory_space<vmem>>
    %dma_start3A_861 = tpu.memref_squeeze %dma_start3A_860 : memref<1x128xf32, #tpu.memory_space<vmem>> -> memref<128xf32, #tpu.memory_space<vmem>>
    %dma_start3A_862 = arith.constant 0 : i32
    %dma_start3A_863 = tpu.memref_slice %arg6[%dma_start3A_858, %dma_start3A_862] : memref<100x128xi32, #tpu.memory_space<vmem>> -> memref<1x128xi32, #tpu.memory_space<vmem>>
    %dma_start3A_864 = tpu.memref_squeeze %dma_start3A_863 : memref<1x128xi32, #tpu.memory_space<vmem>> -> memref<128xi32, #tpu.memory_space<vmem>>
    %dma_start3A_865 = arith.constant 0 : i32
    %dma_start3A_866 = tpu.memref_slice %arg8[%dma_start3A_865] : memref<896xf32, #tpu.memory_space<vmem_shared>> -> memref<896xf32, #tpu.memory_space<vmem_shared>>
    tpu.enqueue_indirect_dma source(%dma_start3A_861 : memref<128xf32, #tpu.memory_space<vmem>>) target(%dma_start3A_866 : memref<896xf32, #tpu.memory_space<vmem_shared>>) offsets(%dma_start3A_864 : memref<128xi32, #tpu.memory_space<vmem>>) semaphore(%arg9 : memref<!tpu.dma_semaphore, #tpu.memory_space<semaphore_mem>>) {add = true}
    %dma_start3A_867 = arith.constant 86 : i32
    %dma_start3A_868 = arith.constant 86 : i32
    %dma_start3A_869 = arith.constant 0 : i32
    %dma_start3A_870 = tpu.memref_slice %arg5[%dma_start3A_867, %dma_start3A_869] : memref<100x128xf32, #tpu.memory_space<vmem>> -> memref<1x128xf32, #tpu.memory_space<vmem>>
    %dma_start3A_871 = tpu.memref_squeeze %dma_start3A_870 : memref<1x128xf32, #tpu.memory_space<vmem>> -> memref<128xf32, #tpu.memory_space<vmem>>
    %dma_start3A_872 = arith.constant 0 : i32
    %dma_start3A_873 = tpu.memref_slice %arg6[%dma_start3A_868, %dma_start3A_872] : memref<100x128xi32, #tpu.memory_space<vmem>> -> memref<1x128xi32, #tpu.memory_space<vmem>>
    %dma_start3A_874 = tpu.memref_squeeze %dma_start3A_873 : memref<1x128xi32, #tpu.memory_space<vmem>> -> memref<128xi32, #tpu.memory_space<vmem>>
    %dma_start3A_875 = arith.constant 0 : i32
    %dma_start3A_876 = tpu.memref_slice %arg8[%dma_start3A_875] : memref<896xf32, #tpu.memory_space<vmem_shared>> -> memref<896xf32, #tpu.memory_space<vmem_shared>>
    tpu.enqueue_indirect_dma source(%dma_start3A_871 : memref<128xf32, #tpu.memory_space<vmem>>) target(%dma_start3A_876 : memref<896xf32, #tpu.memory_space<vmem_shared>>) offsets(%dma_start3A_874 : memref<128xi32, #tpu.memory_space<vmem>>) semaphore(%arg9 : memref<!tpu.dma_semaphore, #tpu.memory_space<semaphore_mem>>) {add = true}
    %dma_start3A_877 = arith.constant 87 : i32
    %dma_start3A_878 = arith.constant 87 : i32
    %dma_start3A_879 = arith.constant 0 : i32
    %dma_start3A_880 = tpu.memref_slice %arg5[%dma_start3A_877, %dma_start3A_879] : memref<100x128xf32, #tpu.memory_space<vmem>> -> memref<1x128xf32, #tpu.memory_space<vmem>>
    %dma_start3A_881 = tpu.memref_squeeze %dma_start3A_880 : memref<1x128xf32, #tpu.memory_space<vmem>> -> memref<128xf32, #tpu.memory_space<vmem>>
    %dma_start3A_882 = arith.constant 0 : i32
    %dma_start3A_883 = tpu.memref_slice %arg6[%dma_start3A_878, %dma_start3A_882] : memref<100x128xi32, #tpu.memory_space<vmem>> -> memref<1x128xi32, #tpu.memory_space<vmem>>
    %dma_start3A_884 = tpu.memref_squeeze %dma_start3A_883 : memref<1x128xi32, #tpu.memory_space<vmem>> -> memref<128xi32, #tpu.memory_space<vmem>>
    %dma_start3A_885 = arith.constant 0 : i32
    %dma_start3A_886 = tpu.memref_slice %arg8[%dma_start3A_885] : memref<896xf32, #tpu.memory_space<vmem_shared>> -> memref<896xf32, #tpu.memory_space<vmem_shared>>
    tpu.enqueue_indirect_dma source(%dma_start3A_881 : memref<128xf32, #tpu.memory_space<vmem>>) target(%dma_start3A_886 : memref<896xf32, #tpu.memory_space<vmem_shared>>) offsets(%dma_start3A_884 : memref<128xi32, #tpu.memory_space<vmem>>) semaphore(%arg9 : memref<!tpu.dma_semaphore, #tpu.memory_space<semaphore_mem>>) {add = true}
    %dma_start3A_887 = arith.constant 88 : i32
    %dma_start3A_888 = arith.constant 88 : i32
    %dma_start3A_889 = arith.constant 0 : i32
    %dma_start3A_890 = tpu.memref_slice %arg5[%dma_start3A_887, %dma_start3A_889] : memref<100x128xf32, #tpu.memory_space<vmem>> -> memref<1x128xf32, #tpu.memory_space<vmem>>
    %dma_start3A_891 = tpu.memref_squeeze %dma_start3A_890 : memref<1x128xf32, #tpu.memory_space<vmem>> -> memref<128xf32, #tpu.memory_space<vmem>>
    %dma_start3A_892 = arith.constant 0 : i32
    %dma_start3A_893 = tpu.memref_slice %arg6[%dma_start3A_888, %dma_start3A_892] : memref<100x128xi32, #tpu.memory_space<vmem>> -> memref<1x128xi32, #tpu.memory_space<vmem>>
    %dma_start3A_894 = tpu.memref_squeeze %dma_start3A_893 : memref<1x128xi32, #tpu.memory_space<vmem>> -> memref<128xi32, #tpu.memory_space<vmem>>
    %dma_start3A_895 = arith.constant 0 : i32
    %dma_start3A_896 = tpu.memref_slice %arg8[%dma_start3A_895] : memref<896xf32, #tpu.memory_space<vmem_shared>> -> memref<896xf32, #tpu.memory_space<vmem_shared>>
    tpu.enqueue_indirect_dma source(%dma_start3A_891 : memref<128xf32, #tpu.memory_space<vmem>>) target(%dma_start3A_896 : memref<896xf32, #tpu.memory_space<vmem_shared>>) offsets(%dma_start3A_894 : memref<128xi32, #tpu.memory_space<vmem>>) semaphore(%arg9 : memref<!tpu.dma_semaphore, #tpu.memory_space<semaphore_mem>>) {add = true}
    %dma_start3A_897 = arith.constant 89 : i32
    %dma_start3A_898 = arith.constant 89 : i32
    %dma_start3A_899 = arith.constant 0 : i32
    %dma_start3A_900 = tpu.memref_slice %arg5[%dma_start3A_897, %dma_start3A_899] : memref<100x128xf32, #tpu.memory_space<vmem>> -> memref<1x128xf32, #tpu.memory_space<vmem>>
    %dma_start3A_901 = tpu.memref_squeeze %dma_start3A_900 : memref<1x128xf32, #tpu.memory_space<vmem>> -> memref<128xf32, #tpu.memory_space<vmem>>
    %dma_start3A_902 = arith.constant 0 : i32
    %dma_start3A_903 = tpu.memref_slice %arg6[%dma_start3A_898, %dma_start3A_902] : memref<100x128xi32, #tpu.memory_space<vmem>> -> memref<1x128xi32, #tpu.memory_space<vmem>>
    %dma_start3A_904 = tpu.memref_squeeze %dma_start3A_903 : memref<1x128xi32, #tpu.memory_space<vmem>> -> memref<128xi32, #tpu.memory_space<vmem>>
    %dma_start3A_905 = arith.constant 0 : i32
    %dma_start3A_906 = tpu.memref_slice %arg8[%dma_start3A_905] : memref<896xf32, #tpu.memory_space<vmem_shared>> -> memref<896xf32, #tpu.memory_space<vmem_shared>>
    tpu.enqueue_indirect_dma source(%dma_start3A_901 : memref<128xf32, #tpu.memory_space<vmem>>) target(%dma_start3A_906 : memref<896xf32, #tpu.memory_space<vmem_shared>>) offsets(%dma_start3A_904 : memref<128xi32, #tpu.memory_space<vmem>>) semaphore(%arg9 : memref<!tpu.dma_semaphore, #tpu.memory_space<semaphore_mem>>) {add = true}
    %dma_start3A_907 = arith.constant 90 : i32
    %dma_start3A_908 = arith.constant 90 : i32
    %dma_start3A_909 = arith.constant 0 : i32
    %dma_start3A_910 = tpu.memref_slice %arg5[%dma_start3A_907, %dma_start3A_909] : memref<100x128xf32, #tpu.memory_space<vmem>> -> memref<1x128xf32, #tpu.memory_space<vmem>>
    %dma_start3A_911 = tpu.memref_squeeze %dma_start3A_910 : memref<1x128xf32, #tpu.memory_space<vmem>> -> memref<128xf32, #tpu.memory_space<vmem>>
    %dma_start3A_912 = arith.constant 0 : i32
    %dma_start3A_913 = tpu.memref_slice %arg6[%dma_start3A_908, %dma_start3A_912] : memref<100x128xi32, #tpu.memory_space<vmem>> -> memref<1x128xi32, #tpu.memory_space<vmem>>
    %dma_start3A_914 = tpu.memref_squeeze %dma_start3A_913 : memref<1x128xi32, #tpu.memory_space<vmem>> -> memref<128xi32, #tpu.memory_space<vmem>>
    %dma_start3A_915 = arith.constant 0 : i32
    %dma_start3A_916 = tpu.memref_slice %arg8[%dma_start3A_915] : memref<896xf32, #tpu.memory_space<vmem_shared>> -> memref<896xf32, #tpu.memory_space<vmem_shared>>
    tpu.enqueue_indirect_dma source(%dma_start3A_911 : memref<128xf32, #tpu.memory_space<vmem>>) target(%dma_start3A_916 : memref<896xf32, #tpu.memory_space<vmem_shared>>) offsets(%dma_start3A_914 : memref<128xi32, #tpu.memory_space<vmem>>) semaphore(%arg9 : memref<!tpu.dma_semaphore, #tpu.memory_space<semaphore_mem>>) {add = true}
    %dma_start3A_917 = arith.constant 91 : i32
    %dma_start3A_918 = arith.constant 91 : i32
    %dma_start3A_919 = arith.constant 0 : i32
    %dma_start3A_920 = tpu.memref_slice %arg5[%dma_start3A_917, %dma_start3A_919] : memref<100x128xf32, #tpu.memory_space<vmem>> -> memref<1x128xf32, #tpu.memory_space<vmem>>
    %dma_start3A_921 = tpu.memref_squeeze %dma_start3A_920 : memref<1x128xf32, #tpu.memory_space<vmem>> -> memref<128xf32, #tpu.memory_space<vmem>>
    %dma_start3A_922 = arith.constant 0 : i32
    %dma_start3A_923 = tpu.memref_slice %arg6[%dma_start3A_918, %dma_start3A_922] : memref<100x128xi32, #tpu.memory_space<vmem>> -> memref<1x128xi32, #tpu.memory_space<vmem>>
    %dma_start3A_924 = tpu.memref_squeeze %dma_start3A_923 : memref<1x128xi32, #tpu.memory_space<vmem>> -> memref<128xi32, #tpu.memory_space<vmem>>
    %dma_start3A_925 = arith.constant 0 : i32
    %dma_start3A_926 = tpu.memref_slice %arg8[%dma_start3A_925] : memref<896xf32, #tpu.memory_space<vmem_shared>> -> memref<896xf32, #tpu.memory_space<vmem_shared>>
    tpu.enqueue_indirect_dma source(%dma_start3A_921 : memref<128xf32, #tpu.memory_space<vmem>>) target(%dma_start3A_926 : memref<896xf32, #tpu.memory_space<vmem_shared>>) offsets(%dma_start3A_924 : memref<128xi32, #tpu.memory_space<vmem>>) semaphore(%arg9 : memref<!tpu.dma_semaphore, #tpu.memory_space<semaphore_mem>>) {add = true}
    %dma_start3A_927 = arith.constant 92 : i32
    %dma_start3A_928 = arith.constant 92 : i32
    %dma_start3A_929 = arith.constant 0 : i32
    %dma_start3A_930 = tpu.memref_slice %arg5[%dma_start3A_927, %dma_start3A_929] : memref<100x128xf32, #tpu.memory_space<vmem>> -> memref<1x128xf32, #tpu.memory_space<vmem>>
    %dma_start3A_931 = tpu.memref_squeeze %dma_start3A_930 : memref<1x128xf32, #tpu.memory_space<vmem>> -> memref<128xf32, #tpu.memory_space<vmem>>
    %dma_start3A_932 = arith.constant 0 : i32
    %dma_start3A_933 = tpu.memref_slice %arg6[%dma_start3A_928, %dma_start3A_932] : memref<100x128xi32, #tpu.memory_space<vmem>> -> memref<1x128xi32, #tpu.memory_space<vmem>>
    %dma_start3A_934 = tpu.memref_squeeze %dma_start3A_933 : memref<1x128xi32, #tpu.memory_space<vmem>> -> memref<128xi32, #tpu.memory_space<vmem>>
    %dma_start3A_935 = arith.constant 0 : i32
    %dma_start3A_936 = tpu.memref_slice %arg8[%dma_start3A_935] : memref<896xf32, #tpu.memory_space<vmem_shared>> -> memref<896xf32, #tpu.memory_space<vmem_shared>>
    tpu.enqueue_indirect_dma source(%dma_start3A_931 : memref<128xf32, #tpu.memory_space<vmem>>) target(%dma_start3A_936 : memref<896xf32, #tpu.memory_space<vmem_shared>>) offsets(%dma_start3A_934 : memref<128xi32, #tpu.memory_space<vmem>>) semaphore(%arg9 : memref<!tpu.dma_semaphore, #tpu.memory_space<semaphore_mem>>) {add = true}
    %dma_start3A_937 = arith.constant 93 : i32
    %dma_start3A_938 = arith.constant 93 : i32
    %dma_start3A_939 = arith.constant 0 : i32
    %dma_start3A_940 = tpu.memref_slice %arg5[%dma_start3A_937, %dma_start3A_939] : memref<100x128xf32, #tpu.memory_space<vmem>> -> memref<1x128xf32, #tpu.memory_space<vmem>>
    %dma_start3A_941 = tpu.memref_squeeze %dma_start3A_940 : memref<1x128xf32, #tpu.memory_space<vmem>> -> memref<128xf32, #tpu.memory_space<vmem>>
    %dma_start3A_942 = arith.constant 0 : i32
    %dma_start3A_943 = tpu.memref_slice %arg6[%dma_start3A_938, %dma_start3A_942] : memref<100x128xi32, #tpu.memory_space<vmem>> -> memref<1x128xi32, #tpu.memory_space<vmem>>
    %dma_start3A_944 = tpu.memref_squeeze %dma_start3A_943 : memref<1x128xi32, #tpu.memory_space<vmem>> -> memref<128xi32, #tpu.memory_space<vmem>>
    %dma_start3A_945 = arith.constant 0 : i32
    %dma_start3A_946 = tpu.memref_slice %arg8[%dma_start3A_945] : memref<896xf32, #tpu.memory_space<vmem_shared>> -> memref<896xf32, #tpu.memory_space<vmem_shared>>
    tpu.enqueue_indirect_dma source(%dma_start3A_941 : memref<128xf32, #tpu.memory_space<vmem>>) target(%dma_start3A_946 : memref<896xf32, #tpu.memory_space<vmem_shared>>) offsets(%dma_start3A_944 : memref<128xi32, #tpu.memory_space<vmem>>) semaphore(%arg9 : memref<!tpu.dma_semaphore, #tpu.memory_space<semaphore_mem>>) {add = true}
    %dma_start3A_947 = arith.constant 94 : i32
    %dma_start3A_948 = arith.constant 94 : i32
    %dma_start3A_949 = arith.constant 0 : i32
    %dma_start3A_950 = tpu.memref_slice %arg5[%dma_start3A_947, %dma_start3A_949] : memref<100x128xf32, #tpu.memory_space<vmem>> -> memref<1x128xf32, #tpu.memory_space<vmem>>
    %dma_start3A_951 = tpu.memref_squeeze %dma_start3A_950 : memref<1x128xf32, #tpu.memory_space<vmem>> -> memref<128xf32, #tpu.memory_space<vmem>>
    %dma_start3A_952 = arith.constant 0 : i32
    %dma_start3A_953 = tpu.memref_slice %arg6[%dma_start3A_948, %dma_start3A_952] : memref<100x128xi32, #tpu.memory_space<vmem>> -> memref<1x128xi32, #tpu.memory_space<vmem>>
    %dma_start3A_954 = tpu.memref_squeeze %dma_start3A_953 : memref<1x128xi32, #tpu.memory_space<vmem>> -> memref<128xi32, #tpu.memory_space<vmem>>
    %dma_start3A_955 = arith.constant 0 : i32
    %dma_start3A_956 = tpu.memref_slice %arg8[%dma_start3A_955] : memref<896xf32, #tpu.memory_space<vmem_shared>> -> memref<896xf32, #tpu.memory_space<vmem_shared>>
    tpu.enqueue_indirect_dma source(%dma_start3A_951 : memref<128xf32, #tpu.memory_space<vmem>>) target(%dma_start3A_956 : memref<896xf32, #tpu.memory_space<vmem_shared>>) offsets(%dma_start3A_954 : memref<128xi32, #tpu.memory_space<vmem>>) semaphore(%arg9 : memref<!tpu.dma_semaphore, #tpu.memory_space<semaphore_mem>>) {add = true}
    %dma_start3A_957 = arith.constant 95 : i32
    %dma_start3A_958 = arith.constant 95 : i32
    %dma_start3A_959 = arith.constant 0 : i32
    %dma_start3A_960 = tpu.memref_slice %arg5[%dma_start3A_957, %dma_start3A_959] : memref<100x128xf32, #tpu.memory_space<vmem>> -> memref<1x128xf32, #tpu.memory_space<vmem>>
    %dma_start3A_961 = tpu.memref_squeeze %dma_start3A_960 : memref<1x128xf32, #tpu.memory_space<vmem>> -> memref<128xf32, #tpu.memory_space<vmem>>
    %dma_start3A_962 = arith.constant 0 : i32
    %dma_start3A_963 = tpu.memref_slice %arg6[%dma_start3A_958, %dma_start3A_962] : memref<100x128xi32, #tpu.memory_space<vmem>> -> memref<1x128xi32, #tpu.memory_space<vmem>>
    %dma_start3A_964 = tpu.memref_squeeze %dma_start3A_963 : memref<1x128xi32, #tpu.memory_space<vmem>> -> memref<128xi32, #tpu.memory_space<vmem>>
    %dma_start3A_965 = arith.constant 0 : i32
    %dma_start3A_966 = tpu.memref_slice %arg8[%dma_start3A_965] : memref<896xf32, #tpu.memory_space<vmem_shared>> -> memref<896xf32, #tpu.memory_space<vmem_shared>>
    tpu.enqueue_indirect_dma source(%dma_start3A_961 : memref<128xf32, #tpu.memory_space<vmem>>) target(%dma_start3A_966 : memref<896xf32, #tpu.memory_space<vmem_shared>>) offsets(%dma_start3A_964 : memref<128xi32, #tpu.memory_space<vmem>>) semaphore(%arg9 : memref<!tpu.dma_semaphore, #tpu.memory_space<semaphore_mem>>) {add = true}
    %dma_start3A_967 = arith.constant 96 : i32
    %dma_start3A_968 = arith.constant 96 : i32
    %dma_start3A_969 = arith.constant 0 : i32
    %dma_start3A_970 = tpu.memref_slice %arg5[%dma_start3A_967, %dma_start3A_969] : memref<100x128xf32, #tpu.memory_space<vmem>> -> memref<1x128xf32, #tpu.memory_space<vmem>>
    %dma_start3A_971 = tpu.memref_squeeze %dma_start3A_970 : memref<1x128xf32, #tpu.memory_space<vmem>> -> memref<128xf32, #tpu.memory_space<vmem>>
    %dma_start3A_972 = arith.constant 0 : i32
    %dma_start3A_973 = tpu.memref_slice %arg6[%dma_start3A_968, %dma_start3A_972] : memref<100x128xi32, #tpu.memory_space<vmem>> -> memref<1x128xi32, #tpu.memory_space<vmem>>
    %dma_start3A_974 = tpu.memref_squeeze %dma_start3A_973 : memref<1x128xi32, #tpu.memory_space<vmem>> -> memref<128xi32, #tpu.memory_space<vmem>>
    %dma_start3A_975 = arith.constant 0 : i32
    %dma_start3A_976 = tpu.memref_slice %arg8[%dma_start3A_975] : memref<896xf32, #tpu.memory_space<vmem_shared>> -> memref<896xf32, #tpu.memory_space<vmem_shared>>
    tpu.enqueue_indirect_dma source(%dma_start3A_971 : memref<128xf32, #tpu.memory_space<vmem>>) target(%dma_start3A_976 : memref<896xf32, #tpu.memory_space<vmem_shared>>) offsets(%dma_start3A_974 : memref<128xi32, #tpu.memory_space<vmem>>) semaphore(%arg9 : memref<!tpu.dma_semaphore, #tpu.memory_space<semaphore_mem>>) {add = true}
    %dma_start3A_977 = arith.constant 97 : i32
    %dma_start3A_978 = arith.constant 97 : i32
    %dma_start3A_979 = arith.constant 0 : i32
    %dma_start3A_980 = tpu.memref_slice %arg5[%dma_start3A_977, %dma_start3A_979] : memref<100x128xf32, #tpu.memory_space<vmem>> -> memref<1x128xf32, #tpu.memory_space<vmem>>
    %dma_start3A_981 = tpu.memref_squeeze %dma_start3A_980 : memref<1x128xf32, #tpu.memory_space<vmem>> -> memref<128xf32, #tpu.memory_space<vmem>>
    %dma_start3A_982 = arith.constant 0 : i32
    %dma_start3A_983 = tpu.memref_slice %arg6[%dma_start3A_978, %dma_start3A_982] : memref<100x128xi32, #tpu.memory_space<vmem>> -> memref<1x128xi32, #tpu.memory_space<vmem>>
    %dma_start3A_984 = tpu.memref_squeeze %dma_start3A_983 : memref<1x128xi32, #tpu.memory_space<vmem>> -> memref<128xi32, #tpu.memory_space<vmem>>
    %dma_start3A_985 = arith.constant 0 : i32
    %dma_start3A_986 = tpu.memref_slice %arg8[%dma_start3A_985] : memref<896xf32, #tpu.memory_space<vmem_shared>> -> memref<896xf32, #tpu.memory_space<vmem_shared>>
    tpu.enqueue_indirect_dma source(%dma_start3A_981 : memref<128xf32, #tpu.memory_space<vmem>>) target(%dma_start3A_986 : memref<896xf32, #tpu.memory_space<vmem_shared>>) offsets(%dma_start3A_984 : memref<128xi32, #tpu.memory_space<vmem>>) semaphore(%arg9 : memref<!tpu.dma_semaphore, #tpu.memory_space<semaphore_mem>>) {add = true}
    %dma_start3A_987 = arith.constant 98 : i32
    %dma_start3A_988 = arith.constant 98 : i32
    %dma_start3A_989 = arith.constant 0 : i32
    %dma_start3A_990 = tpu.memref_slice %arg5[%dma_start3A_987, %dma_start3A_989] : memref<100x128xf32, #tpu.memory_space<vmem>> -> memref<1x128xf32, #tpu.memory_space<vmem>>
    %dma_start3A_991 = tpu.memref_squeeze %dma_start3A_990 : memref<1x128xf32, #tpu.memory_space<vmem>> -> memref<128xf32, #tpu.memory_space<vmem>>
    %dma_start3A_992 = arith.constant 0 : i32
    %dma_start3A_993 = tpu.memref_slice %arg6[%dma_start3A_988, %dma_start3A_992] : memref<100x128xi32, #tpu.memory_space<vmem>> -> memref<1x128xi32, #tpu.memory_space<vmem>>
    %dma_start3A_994 = tpu.memref_squeeze %dma_start3A_993 : memref<1x128xi32, #tpu.memory_space<vmem>> -> memref<128xi32, #tpu.memory_space<vmem>>
    %dma_start3A_995 = arith.constant 0 : i32
    %dma_start3A_996 = tpu.memref_slice %arg8[%dma_start3A_995] : memref<896xf32, #tpu.memory_space<vmem_shared>> -> memref<896xf32, #tpu.memory_space<vmem_shared>>
    tpu.enqueue_indirect_dma source(%dma_start3A_991 : memref<128xf32, #tpu.memory_space<vmem>>) target(%dma_start3A_996 : memref<896xf32, #tpu.memory_space<vmem_shared>>) offsets(%dma_start3A_994 : memref<128xi32, #tpu.memory_space<vmem>>) semaphore(%arg9 : memref<!tpu.dma_semaphore, #tpu.memory_space<semaphore_mem>>) {add = true}
    %dma_start3A_997 = arith.constant 99 : i32
    %dma_start3A_998 = arith.constant 99 : i32
    %dma_start3A_999 = arith.constant 0 : i32
    %dma_start3A_1000 = tpu.memref_slice %arg5[%dma_start3A_997, %dma_start3A_999] : memref<100x128xf32, #tpu.memory_space<vmem>> -> memref<1x128xf32, #tpu.memory_space<vmem>>
    %dma_start3A_1001 = tpu.memref_squeeze %dma_start3A_1000 : memref<1x128xf32, #tpu.memory_space<vmem>> -> memref<128xf32, #tpu.memory_space<vmem>>
    %dma_start3A_1002 = arith.constant 0 : i32
    %dma_start3A_1003 = tpu.memref_slice %arg6[%dma_start3A_998, %dma_start3A_1002] : memref<100x128xi32, #tpu.memory_space<vmem>> -> memref<1x128xi32, #tpu.memory_space<vmem>>
    %dma_start3A_1004 = tpu.memref_squeeze %dma_start3A_1003 : memref<1x128xi32, #tpu.memory_space<vmem>> -> memref<128xi32, #tpu.memory_space<vmem>>
    %dma_start3A_1005 = arith.constant 0 : i32
    %dma_start3A_1006 = tpu.memref_slice %arg8[%dma_start3A_1005] : memref<896xf32, #tpu.memory_space<vmem_shared>> -> memref<896xf32, #tpu.memory_space<vmem_shared>>
    tpu.enqueue_indirect_dma source(%dma_start3A_1001 : memref<128xf32, #tpu.memory_space<vmem>>) target(%dma_start3A_1006 : memref<896xf32, #tpu.memory_space<vmem_shared>>) offsets(%dma_start3A_1004 : memref<128xi32, #tpu.memory_space<vmem>>) semaphore(%arg9 : memref<!tpu.dma_semaphore, #tpu.memory_space<semaphore_mem>>) {add = true}
    %dma_wait3A = arith.constant 0 : i32
    %dma_wait3A_1007 = arith.constant 0 : i32
    %dma_wait3A_1008 = arith.constant 0 : i32
    %dma_wait3A_1009 = tpu.memref_slice %arg5[%dma_wait3A, %dma_wait3A_1008] : memref<100x128xf32, #tpu.memory_space<vmem>> -> memref<1x128xf32, #tpu.memory_space<vmem>>
    %dma_wait3A_1010 = tpu.memref_squeeze %dma_wait3A_1009 : memref<1x128xf32, #tpu.memory_space<vmem>> -> memref<128xf32, #tpu.memory_space<vmem>>
    %dma_wait3A_1011 = arith.constant 0 : i32
    %dma_wait3A_1012 = tpu.memref_slice %arg6[%dma_wait3A_1007, %dma_wait3A_1011] : memref<100x128xi32, #tpu.memory_space<vmem>> -> memref<1x128xi32, #tpu.memory_space<vmem>>
    %dma_wait3A_1013 = tpu.memref_squeeze %dma_wait3A_1012 : memref<1x128xi32, #tpu.memory_space<vmem>> -> memref<128xi32, #tpu.memory_space<vmem>>
    %dma_wait3A_1014 = arith.constant 0 : i32
    %dma_wait3A_1015 = tpu.memref_slice %arg8[%dma_wait3A_1014] : memref<896xf32, #tpu.memory_space<vmem_shared>> -> memref<896xf32, #tpu.memory_space<vmem_shared>>
    tpu.wait_indirect_dma semaphore(%arg9 : memref<!tpu.dma_semaphore, #tpu.memory_space<semaphore_mem>>) src(%dma_wait3A_1010 : memref<128xf32, #tpu.memory_space<vmem>>) dst(%dma_wait3A_1015 : memref<896xf32, #tpu.memory_space<vmem_shared>>)
    %dma_wait3A_1016 = arith.constant 1 : i32
    %dma_wait3A_1017 = arith.constant 1 : i32
    %dma_wait3A_1018 = arith.constant 0 : i32
    %dma_wait3A_1019 = tpu.memref_slice %arg5[%dma_wait3A_1016, %dma_wait3A_1018] : memref<100x128xf32, #tpu.memory_space<vmem>> -> memref<1x128xf32, #tpu.memory_space<vmem>>
    %dma_wait3A_1020 = tpu.memref_squeeze %dma_wait3A_1019 : memref<1x128xf32, #tpu.memory_space<vmem>> -> memref<128xf32, #tpu.memory_space<vmem>>
    %dma_wait3A_1021 = arith.constant 0 : i32
    %dma_wait3A_1022 = tpu.memref_slice %arg6[%dma_wait3A_1017, %dma_wait3A_1021] : memref<100x128xi32, #tpu.memory_space<vmem>> -> memref<1x128xi32, #tpu.memory_space<vmem>>
    %dma_wait3A_1023 = tpu.memref_squeeze %dma_wait3A_1022 : memref<1x128xi32, #tpu.memory_space<vmem>> -> memref<128xi32, #tpu.memory_space<vmem>>
    %dma_wait3A_1024 = arith.constant 0 : i32
    %dma_wait3A_1025 = tpu.memref_slice %arg8[%dma_wait3A_1024] : memref<896xf32, #tpu.memory_space<vmem_shared>> -> memref<896xf32, #tpu.memory_space<vmem_shared>>
    tpu.wait_indirect_dma semaphore(%arg9 : memref<!tpu.dma_semaphore, #tpu.memory_space<semaphore_mem>>) src(%dma_wait3A_1020 : memref<128xf32, #tpu.memory_space<vmem>>) dst(%dma_wait3A_1025 : memref<896xf32, #tpu.memory_space<vmem_shared>>)
    %dma_wait3A_1026 = arith.constant 2 : i32
    %dma_wait3A_1027 = arith.constant 2 : i32
    %dma_wait3A_1028 = arith.constant 0 : i32
    %dma_wait3A_1029 = tpu.memref_slice %arg5[%dma_wait3A_1026, %dma_wait3A_1028] : memref<100x128xf32, #tpu.memory_space<vmem>> -> memref<1x128xf32, #tpu.memory_space<vmem>>
    %dma_wait3A_1030 = tpu.memref_squeeze %dma_wait3A_1029 : memref<1x128xf32, #tpu.memory_space<vmem>> -> memref<128xf32, #tpu.memory_space<vmem>>
    %dma_wait3A_1031 = arith.constant 0 : i32
    %dma_wait3A_1032 = tpu.memref_slice %arg6[%dma_wait3A_1027, %dma_wait3A_1031] : memref<100x128xi32, #tpu.memory_space<vmem>> -> memref<1x128xi32, #tpu.memory_space<vmem>>
    %dma_wait3A_1033 = tpu.memref_squeeze %dma_wait3A_1032 : memref<1x128xi32, #tpu.memory_space<vmem>> -> memref<128xi32, #tpu.memory_space<vmem>>
    %dma_wait3A_1034 = arith.constant 0 : i32
    %dma_wait3A_1035 = tpu.memref_slice %arg8[%dma_wait3A_1034] : memref<896xf32, #tpu.memory_space<vmem_shared>> -> memref<896xf32, #tpu.memory_space<vmem_shared>>
    tpu.wait_indirect_dma semaphore(%arg9 : memref<!tpu.dma_semaphore, #tpu.memory_space<semaphore_mem>>) src(%dma_wait3A_1030 : memref<128xf32, #tpu.memory_space<vmem>>) dst(%dma_wait3A_1035 : memref<896xf32, #tpu.memory_space<vmem_shared>>)
    %dma_wait3A_1036 = arith.constant 3 : i32
    %dma_wait3A_1037 = arith.constant 3 : i32
    %dma_wait3A_1038 = arith.constant 0 : i32
    %dma_wait3A_1039 = tpu.memref_slice %arg5[%dma_wait3A_1036, %dma_wait3A_1038] : memref<100x128xf32, #tpu.memory_space<vmem>> -> memref<1x128xf32, #tpu.memory_space<vmem>>
    %dma_wait3A_1040 = tpu.memref_squeeze %dma_wait3A_1039 : memref<1x128xf32, #tpu.memory_space<vmem>> -> memref<128xf32, #tpu.memory_space<vmem>>
    %dma_wait3A_1041 = arith.constant 0 : i32
    %dma_wait3A_1042 = tpu.memref_slice %arg6[%dma_wait3A_1037, %dma_wait3A_1041] : memref<100x128xi32, #tpu.memory_space<vmem>> -> memref<1x128xi32, #tpu.memory_space<vmem>>
    %dma_wait3A_1043 = tpu.memref_squeeze %dma_wait3A_1042 : memref<1x128xi32, #tpu.memory_space<vmem>> -> memref<128xi32, #tpu.memory_space<vmem>>
    %dma_wait3A_1044 = arith.constant 0 : i32
    %dma_wait3A_1045 = tpu.memref_slice %arg8[%dma_wait3A_1044] : memref<896xf32, #tpu.memory_space<vmem_shared>> -> memref<896xf32, #tpu.memory_space<vmem_shared>>
    tpu.wait_indirect_dma semaphore(%arg9 : memref<!tpu.dma_semaphore, #tpu.memory_space<semaphore_mem>>) src(%dma_wait3A_1040 : memref<128xf32, #tpu.memory_space<vmem>>) dst(%dma_wait3A_1045 : memref<896xf32, #tpu.memory_space<vmem_shared>>)
    %dma_wait3A_1046 = arith.constant 4 : i32
    %dma_wait3A_1047 = arith.constant 4 : i32
    %dma_wait3A_1048 = arith.constant 0 : i32
    %dma_wait3A_1049 = tpu.memref_slice %arg5[%dma_wait3A_1046, %dma_wait3A_1048] : memref<100x128xf32, #tpu.memory_space<vmem>> -> memref<1x128xf32, #tpu.memory_space<vmem>>
    %dma_wait3A_1050 = tpu.memref_squeeze %dma_wait3A_1049 : memref<1x128xf32, #tpu.memory_space<vmem>> -> memref<128xf32, #tpu.memory_space<vmem>>
    %dma_wait3A_1051 = arith.constant 0 : i32
    %dma_wait3A_1052 = tpu.memref_slice %arg6[%dma_wait3A_1047, %dma_wait3A_1051] : memref<100x128xi32, #tpu.memory_space<vmem>> -> memref<1x128xi32, #tpu.memory_space<vmem>>
    %dma_wait3A_1053 = tpu.memref_squeeze %dma_wait3A_1052 : memref<1x128xi32, #tpu.memory_space<vmem>> -> memref<128xi32, #tpu.memory_space<vmem>>
    %dma_wait3A_1054 = arith.constant 0 : i32
    %dma_wait3A_1055 = tpu.memref_slice %arg8[%dma_wait3A_1054] : memref<896xf32, #tpu.memory_space<vmem_shared>> -> memref<896xf32, #tpu.memory_space<vmem_shared>>
    tpu.wait_indirect_dma semaphore(%arg9 : memref<!tpu.dma_semaphore, #tpu.memory_space<semaphore_mem>>) src(%dma_wait3A_1050 : memref<128xf32, #tpu.memory_space<vmem>>) dst(%dma_wait3A_1055 : memref<896xf32, #tpu.memory_space<vmem_shared>>)
    %dma_wait3A_1056 = arith.constant 5 : i32
    %dma_wait3A_1057 = arith.constant 5 : i32
    %dma_wait3A_1058 = arith.constant 0 : i32
    %dma_wait3A_1059 = tpu.memref_slice %arg5[%dma_wait3A_1056, %dma_wait3A_1058] : memref<100x128xf32, #tpu.memory_space<vmem>> -> memref<1x128xf32, #tpu.memory_space<vmem>>
    %dma_wait3A_1060 = tpu.memref_squeeze %dma_wait3A_1059 : memref<1x128xf32, #tpu.memory_space<vmem>> -> memref<128xf32, #tpu.memory_space<vmem>>
    %dma_wait3A_1061 = arith.constant 0 : i32
    %dma_wait3A_1062 = tpu.memref_slice %arg6[%dma_wait3A_1057, %dma_wait3A_1061] : memref<100x128xi32, #tpu.memory_space<vmem>> -> memref<1x128xi32, #tpu.memory_space<vmem>>
    %dma_wait3A_1063 = tpu.memref_squeeze %dma_wait3A_1062 : memref<1x128xi32, #tpu.memory_space<vmem>> -> memref<128xi32, #tpu.memory_space<vmem>>
    %dma_wait3A_1064 = arith.constant 0 : i32
    %dma_wait3A_1065 = tpu.memref_slice %arg8[%dma_wait3A_1064] : memref<896xf32, #tpu.memory_space<vmem_shared>> -> memref<896xf32, #tpu.memory_space<vmem_shared>>
    tpu.wait_indirect_dma semaphore(%arg9 : memref<!tpu.dma_semaphore, #tpu.memory_space<semaphore_mem>>) src(%dma_wait3A_1060 : memref<128xf32, #tpu.memory_space<vmem>>) dst(%dma_wait3A_1065 : memref<896xf32, #tpu.memory_space<vmem_shared>>)
    %dma_wait3A_1066 = arith.constant 6 : i32
    %dma_wait3A_1067 = arith.constant 6 : i32
    %dma_wait3A_1068 = arith.constant 0 : i32
    %dma_wait3A_1069 = tpu.memref_slice %arg5[%dma_wait3A_1066, %dma_wait3A_1068] : memref<100x128xf32, #tpu.memory_space<vmem>> -> memref<1x128xf32, #tpu.memory_space<vmem>>
    %dma_wait3A_1070 = tpu.memref_squeeze %dma_wait3A_1069 : memref<1x128xf32, #tpu.memory_space<vmem>> -> memref<128xf32, #tpu.memory_space<vmem>>
    %dma_wait3A_1071 = arith.constant 0 : i32
    %dma_wait3A_1072 = tpu.memref_slice %arg6[%dma_wait3A_1067, %dma_wait3A_1071] : memref<100x128xi32, #tpu.memory_space<vmem>> -> memref<1x128xi32, #tpu.memory_space<vmem>>
    %dma_wait3A_1073 = tpu.memref_squeeze %dma_wait3A_1072 : memref<1x128xi32, #tpu.memory_space<vmem>> -> memref<128xi32, #tpu.memory_space<vmem>>
    %dma_wait3A_1074 = arith.constant 0 : i32
    %dma_wait3A_1075 = tpu.memref_slice %arg8[%dma_wait3A_1074] : memref<896xf32, #tpu.memory_space<vmem_shared>> -> memref<896xf32, #tpu.memory_space<vmem_shared>>
    tpu.wait_indirect_dma semaphore(%arg9 : memref<!tpu.dma_semaphore, #tpu.memory_space<semaphore_mem>>) src(%dma_wait3A_1070 : memref<128xf32, #tpu.memory_space<vmem>>) dst(%dma_wait3A_1075 : memref<896xf32, #tpu.memory_space<vmem_shared>>)
    %dma_wait3A_1076 = arith.constant 7 : i32
    %dma_wait3A_1077 = arith.constant 7 : i32
    %dma_wait3A_1078 = arith.constant 0 : i32
    %dma_wait3A_1079 = tpu.memref_slice %arg5[%dma_wait3A_1076, %dma_wait3A_1078] : memref<100x128xf32, #tpu.memory_space<vmem>> -> memref<1x128xf32, #tpu.memory_space<vmem>>
    %dma_wait3A_1080 = tpu.memref_squeeze %dma_wait3A_1079 : memref<1x128xf32, #tpu.memory_space<vmem>> -> memref<128xf32, #tpu.memory_space<vmem>>
    %dma_wait3A_1081 = arith.constant 0 : i32
    %dma_wait3A_1082 = tpu.memref_slice %arg6[%dma_wait3A_1077, %dma_wait3A_1081] : memref<100x128xi32, #tpu.memory_space<vmem>> -> memref<1x128xi32, #tpu.memory_space<vmem>>
    %dma_wait3A_1083 = tpu.memref_squeeze %dma_wait3A_1082 : memref<1x128xi32, #tpu.memory_space<vmem>> -> memref<128xi32, #tpu.memory_space<vmem>>
    %dma_wait3A_1084 = arith.constant 0 : i32
    %dma_wait3A_1085 = tpu.memref_slice %arg8[%dma_wait3A_1084] : memref<896xf32, #tpu.memory_space<vmem_shared>> -> memref<896xf32, #tpu.memory_space<vmem_shared>>
    tpu.wait_indirect_dma semaphore(%arg9 : memref<!tpu.dma_semaphore, #tpu.memory_space<semaphore_mem>>) src(%dma_wait3A_1080 : memref<128xf32, #tpu.memory_space<vmem>>) dst(%dma_wait3A_1085 : memref<896xf32, #tpu.memory_space<vmem_shared>>)
    %dma_wait3A_1086 = arith.constant 8 : i32
    %dma_wait3A_1087 = arith.constant 8 : i32
    %dma_wait3A_1088 = arith.constant 0 : i32
    %dma_wait3A_1089 = tpu.memref_slice %arg5[%dma_wait3A_1086, %dma_wait3A_1088] : memref<100x128xf32, #tpu.memory_space<vmem>> -> memref<1x128xf32, #tpu.memory_space<vmem>>
    %dma_wait3A_1090 = tpu.memref_squeeze %dma_wait3A_1089 : memref<1x128xf32, #tpu.memory_space<vmem>> -> memref<128xf32, #tpu.memory_space<vmem>>
    %dma_wait3A_1091 = arith.constant 0 : i32
    %dma_wait3A_1092 = tpu.memref_slice %arg6[%dma_wait3A_1087, %dma_wait3A_1091] : memref<100x128xi32, #tpu.memory_space<vmem>> -> memref<1x128xi32, #tpu.memory_space<vmem>>
    %dma_wait3A_1093 = tpu.memref_squeeze %dma_wait3A_1092 : memref<1x128xi32, #tpu.memory_space<vmem>> -> memref<128xi32, #tpu.memory_space<vmem>>
    %dma_wait3A_1094 = arith.constant 0 : i32
    %dma_wait3A_1095 = tpu.memref_slice %arg8[%dma_wait3A_1094] : memref<896xf32, #tpu.memory_space<vmem_shared>> -> memref<896xf32, #tpu.memory_space<vmem_shared>>
    tpu.wait_indirect_dma semaphore(%arg9 : memref<!tpu.dma_semaphore, #tpu.memory_space<semaphore_mem>>) src(%dma_wait3A_1090 : memref<128xf32, #tpu.memory_space<vmem>>) dst(%dma_wait3A_1095 : memref<896xf32, #tpu.memory_space<vmem_shared>>)
    %dma_wait3A_1096 = arith.constant 9 : i32
    %dma_wait3A_1097 = arith.constant 9 : i32
    %dma_wait3A_1098 = arith.constant 0 : i32
    %dma_wait3A_1099 = tpu.memref_slice %arg5[%dma_wait3A_1096, %dma_wait3A_1098] : memref<100x128xf32, #tpu.memory_space<vmem>> -> memref<1x128xf32, #tpu.memory_space<vmem>>
    %dma_wait3A_1100 = tpu.memref_squeeze %dma_wait3A_1099 : memref<1x128xf32, #tpu.memory_space<vmem>> -> memref<128xf32, #tpu.memory_space<vmem>>
    %dma_wait3A_1101 = arith.constant 0 : i32
    %dma_wait3A_1102 = tpu.memref_slice %arg6[%dma_wait3A_1097, %dma_wait3A_1101] : memref<100x128xi32, #tpu.memory_space<vmem>> -> memref<1x128xi32, #tpu.memory_space<vmem>>
    %dma_wait3A_1103 = tpu.memref_squeeze %dma_wait3A_1102 : memref<1x128xi32, #tpu.memory_space<vmem>> -> memref<128xi32, #tpu.memory_space<vmem>>
    %dma_wait3A_1104 = arith.constant 0 : i32
    %dma_wait3A_1105 = tpu.memref_slice %arg8[%dma_wait3A_1104] : memref<896xf32, #tpu.memory_space<vmem_shared>> -> memref<896xf32, #tpu.memory_space<vmem_shared>>
    tpu.wait_indirect_dma semaphore(%arg9 : memref<!tpu.dma_semaphore, #tpu.memory_space<semaphore_mem>>) src(%dma_wait3A_1100 : memref<128xf32, #tpu.memory_space<vmem>>) dst(%dma_wait3A_1105 : memref<896xf32, #tpu.memory_space<vmem_shared>>)
    %dma_wait3A_1106 = arith.constant 10 : i32
    %dma_wait3A_1107 = arith.constant 10 : i32
    %dma_wait3A_1108 = arith.constant 0 : i32
    %dma_wait3A_1109 = tpu.memref_slice %arg5[%dma_wait3A_1106, %dma_wait3A_1108] : memref<100x128xf32, #tpu.memory_space<vmem>> -> memref<1x128xf32, #tpu.memory_space<vmem>>
    %dma_wait3A_1110 = tpu.memref_squeeze %dma_wait3A_1109 : memref<1x128xf32, #tpu.memory_space<vmem>> -> memref<128xf32, #tpu.memory_space<vmem>>
    %dma_wait3A_1111 = arith.constant 0 : i32
    %dma_wait3A_1112 = tpu.memref_slice %arg6[%dma_wait3A_1107, %dma_wait3A_1111] : memref<100x128xi32, #tpu.memory_space<vmem>> -> memref<1x128xi32, #tpu.memory_space<vmem>>
    %dma_wait3A_1113 = tpu.memref_squeeze %dma_wait3A_1112 : memref<1x128xi32, #tpu.memory_space<vmem>> -> memref<128xi32, #tpu.memory_space<vmem>>
    %dma_wait3A_1114 = arith.constant 0 : i32
    %dma_wait3A_1115 = tpu.memref_slice %arg8[%dma_wait3A_1114] : memref<896xf32, #tpu.memory_space<vmem_shared>> -> memref<896xf32, #tpu.memory_space<vmem_shared>>
    tpu.wait_indirect_dma semaphore(%arg9 : memref<!tpu.dma_semaphore, #tpu.memory_space<semaphore_mem>>) src(%dma_wait3A_1110 : memref<128xf32, #tpu.memory_space<vmem>>) dst(%dma_wait3A_1115 : memref<896xf32, #tpu.memory_space<vmem_shared>>)
    %dma_wait3A_1116 = arith.constant 11 : i32
    %dma_wait3A_1117 = arith.constant 11 : i32
    %dma_wait3A_1118 = arith.constant 0 : i32
    %dma_wait3A_1119 = tpu.memref_slice %arg5[%dma_wait3A_1116, %dma_wait3A_1118] : memref<100x128xf32, #tpu.memory_space<vmem>> -> memref<1x128xf32, #tpu.memory_space<vmem>>
    %dma_wait3A_1120 = tpu.memref_squeeze %dma_wait3A_1119 : memref<1x128xf32, #tpu.memory_space<vmem>> -> memref<128xf32, #tpu.memory_space<vmem>>
    %dma_wait3A_1121 = arith.constant 0 : i32
    %dma_wait3A_1122 = tpu.memref_slice %arg6[%dma_wait3A_1117, %dma_wait3A_1121] : memref<100x128xi32, #tpu.memory_space<vmem>> -> memref<1x128xi32, #tpu.memory_space<vmem>>
    %dma_wait3A_1123 = tpu.memref_squeeze %dma_wait3A_1122 : memref<1x128xi32, #tpu.memory_space<vmem>> -> memref<128xi32, #tpu.memory_space<vmem>>
    %dma_wait3A_1124 = arith.constant 0 : i32
    %dma_wait3A_1125 = tpu.memref_slice %arg8[%dma_wait3A_1124] : memref<896xf32, #tpu.memory_space<vmem_shared>> -> memref<896xf32, #tpu.memory_space<vmem_shared>>
    tpu.wait_indirect_dma semaphore(%arg9 : memref<!tpu.dma_semaphore, #tpu.memory_space<semaphore_mem>>) src(%dma_wait3A_1120 : memref<128xf32, #tpu.memory_space<vmem>>) dst(%dma_wait3A_1125 : memref<896xf32, #tpu.memory_space<vmem_shared>>)
    %dma_wait3A_1126 = arith.constant 12 : i32
    %dma_wait3A_1127 = arith.constant 12 : i32
    %dma_wait3A_1128 = arith.constant 0 : i32
    %dma_wait3A_1129 = tpu.memref_slice %arg5[%dma_wait3A_1126, %dma_wait3A_1128] : memref<100x128xf32, #tpu.memory_space<vmem>> -> memref<1x128xf32, #tpu.memory_space<vmem>>
    %dma_wait3A_1130 = tpu.memref_squeeze %dma_wait3A_1129 : memref<1x128xf32, #tpu.memory_space<vmem>> -> memref<128xf32, #tpu.memory_space<vmem>>
    %dma_wait3A_1131 = arith.constant 0 : i32
    %dma_wait3A_1132 = tpu.memref_slice %arg6[%dma_wait3A_1127, %dma_wait3A_1131] : memref<100x128xi32, #tpu.memory_space<vmem>> -> memref<1x128xi32, #tpu.memory_space<vmem>>
    %dma_wait3A_1133 = tpu.memref_squeeze %dma_wait3A_1132 : memref<1x128xi32, #tpu.memory_space<vmem>> -> memref<128xi32, #tpu.memory_space<vmem>>
    %dma_wait3A_1134 = arith.constant 0 : i32
    %dma_wait3A_1135 = tpu.memref_slice %arg8[%dma_wait3A_1134] : memref<896xf32, #tpu.memory_space<vmem_shared>> -> memref<896xf32, #tpu.memory_space<vmem_shared>>
    tpu.wait_indirect_dma semaphore(%arg9 : memref<!tpu.dma_semaphore, #tpu.memory_space<semaphore_mem>>) src(%dma_wait3A_1130 : memref<128xf32, #tpu.memory_space<vmem>>) dst(%dma_wait3A_1135 : memref<896xf32, #tpu.memory_space<vmem_shared>>)
    %dma_wait3A_1136 = arith.constant 13 : i32
    %dma_wait3A_1137 = arith.constant 13 : i32
    %dma_wait3A_1138 = arith.constant 0 : i32
    %dma_wait3A_1139 = tpu.memref_slice %arg5[%dma_wait3A_1136, %dma_wait3A_1138] : memref<100x128xf32, #tpu.memory_space<vmem>> -> memref<1x128xf32, #tpu.memory_space<vmem>>
    %dma_wait3A_1140 = tpu.memref_squeeze %dma_wait3A_1139 : memref<1x128xf32, #tpu.memory_space<vmem>> -> memref<128xf32, #tpu.memory_space<vmem>>
    %dma_wait3A_1141 = arith.constant 0 : i32
    %dma_wait3A_1142 = tpu.memref_slice %arg6[%dma_wait3A_1137, %dma_wait3A_1141] : memref<100x128xi32, #tpu.memory_space<vmem>> -> memref<1x128xi32, #tpu.memory_space<vmem>>
    %dma_wait3A_1143 = tpu.memref_squeeze %dma_wait3A_1142 : memref<1x128xi32, #tpu.memory_space<vmem>> -> memref<128xi32, #tpu.memory_space<vmem>>
    %dma_wait3A_1144 = arith.constant 0 : i32
    %dma_wait3A_1145 = tpu.memref_slice %arg8[%dma_wait3A_1144] : memref<896xf32, #tpu.memory_space<vmem_shared>> -> memref<896xf32, #tpu.memory_space<vmem_shared>>
    tpu.wait_indirect_dma semaphore(%arg9 : memref<!tpu.dma_semaphore, #tpu.memory_space<semaphore_mem>>) src(%dma_wait3A_1140 : memref<128xf32, #tpu.memory_space<vmem>>) dst(%dma_wait3A_1145 : memref<896xf32, #tpu.memory_space<vmem_shared>>)
    %dma_wait3A_1146 = arith.constant 14 : i32
    %dma_wait3A_1147 = arith.constant 14 : i32
    %dma_wait3A_1148 = arith.constant 0 : i32
    %dma_wait3A_1149 = tpu.memref_slice %arg5[%dma_wait3A_1146, %dma_wait3A_1148] : memref<100x128xf32, #tpu.memory_space<vmem>> -> memref<1x128xf32, #tpu.memory_space<vmem>>
    %dma_wait3A_1150 = tpu.memref_squeeze %dma_wait3A_1149 : memref<1x128xf32, #tpu.memory_space<vmem>> -> memref<128xf32, #tpu.memory_space<vmem>>
    %dma_wait3A_1151 = arith.constant 0 : i32
    %dma_wait3A_1152 = tpu.memref_slice %arg6[%dma_wait3A_1147, %dma_wait3A_1151] : memref<100x128xi32, #tpu.memory_space<vmem>> -> memref<1x128xi32, #tpu.memory_space<vmem>>
    %dma_wait3A_1153 = tpu.memref_squeeze %dma_wait3A_1152 : memref<1x128xi32, #tpu.memory_space<vmem>> -> memref<128xi32, #tpu.memory_space<vmem>>
    %dma_wait3A_1154 = arith.constant 0 : i32
    %dma_wait3A_1155 = tpu.memref_slice %arg8[%dma_wait3A_1154] : memref<896xf32, #tpu.memory_space<vmem_shared>> -> memref<896xf32, #tpu.memory_space<vmem_shared>>
    tpu.wait_indirect_dma semaphore(%arg9 : memref<!tpu.dma_semaphore, #tpu.memory_space<semaphore_mem>>) src(%dma_wait3A_1150 : memref<128xf32, #tpu.memory_space<vmem>>) dst(%dma_wait3A_1155 : memref<896xf32, #tpu.memory_space<vmem_shared>>)
    %dma_wait3A_1156 = arith.constant 15 : i32
    %dma_wait3A_1157 = arith.constant 15 : i32
    %dma_wait3A_1158 = arith.constant 0 : i32
    %dma_wait3A_1159 = tpu.memref_slice %arg5[%dma_wait3A_1156, %dma_wait3A_1158] : memref<100x128xf32, #tpu.memory_space<vmem>> -> memref<1x128xf32, #tpu.memory_space<vmem>>
    %dma_wait3A_1160 = tpu.memref_squeeze %dma_wait3A_1159 : memref<1x128xf32, #tpu.memory_space<vmem>> -> memref<128xf32, #tpu.memory_space<vmem>>
    %dma_wait3A_1161 = arith.constant 0 : i32
    %dma_wait3A_1162 = tpu.memref_slice %arg6[%dma_wait3A_1157, %dma_wait3A_1161] : memref<100x128xi32, #tpu.memory_space<vmem>> -> memref<1x128xi32, #tpu.memory_space<vmem>>
    %dma_wait3A_1163 = tpu.memref_squeeze %dma_wait3A_1162 : memref<1x128xi32, #tpu.memory_space<vmem>> -> memref<128xi32, #tpu.memory_space<vmem>>
    %dma_wait3A_1164 = arith.constant 0 : i32
    %dma_wait3A_1165 = tpu.memref_slice %arg8[%dma_wait3A_1164] : memref<896xf32, #tpu.memory_space<vmem_shared>> -> memref<896xf32, #tpu.memory_space<vmem_shared>>
    tpu.wait_indirect_dma semaphore(%arg9 : memref<!tpu.dma_semaphore, #tpu.memory_space<semaphore_mem>>) src(%dma_wait3A_1160 : memref<128xf32, #tpu.memory_space<vmem>>) dst(%dma_wait3A_1165 : memref<896xf32, #tpu.memory_space<vmem_shared>>)
    %dma_wait3A_1166 = arith.constant 16 : i32
    %dma_wait3A_1167 = arith.constant 16 : i32
    %dma_wait3A_1168 = arith.constant 0 : i32
    %dma_wait3A_1169 = tpu.memref_slice %arg5[%dma_wait3A_1166, %dma_wait3A_1168] : memref<100x128xf32, #tpu.memory_space<vmem>> -> memref<1x128xf32, #tpu.memory_space<vmem>>
    %dma_wait3A_1170 = tpu.memref_squeeze %dma_wait3A_1169 : memref<1x128xf32, #tpu.memory_space<vmem>> -> memref<128xf32, #tpu.memory_space<vmem>>
    %dma_wait3A_1171 = arith.constant 0 : i32
    %dma_wait3A_1172 = tpu.memref_slice %arg6[%dma_wait3A_1167, %dma_wait3A_1171] : memref<100x128xi32, #tpu.memory_space<vmem>> -> memref<1x128xi32, #tpu.memory_space<vmem>>
    %dma_wait3A_1173 = tpu.memref_squeeze %dma_wait3A_1172 : memref<1x128xi32, #tpu.memory_space<vmem>> -> memref<128xi32, #tpu.memory_space<vmem>>
    %dma_wait3A_1174 = arith.constant 0 : i32
    %dma_wait3A_1175 = tpu.memref_slice %arg8[%dma_wait3A_1174] : memref<896xf32, #tpu.memory_space<vmem_shared>> -> memref<896xf32, #tpu.memory_space<vmem_shared>>
    tpu.wait_indirect_dma semaphore(%arg9 : memref<!tpu.dma_semaphore, #tpu.memory_space<semaphore_mem>>) src(%dma_wait3A_1170 : memref<128xf32, #tpu.memory_space<vmem>>) dst(%dma_wait3A_1175 : memref<896xf32, #tpu.memory_space<vmem_shared>>)
    %dma_wait3A_1176 = arith.constant 17 : i32
    %dma_wait3A_1177 = arith.constant 17 : i32
    %dma_wait3A_1178 = arith.constant 0 : i32
    %dma_wait3A_1179 = tpu.memref_slice %arg5[%dma_wait3A_1176, %dma_wait3A_1178] : memref<100x128xf32, #tpu.memory_space<vmem>> -> memref<1x128xf32, #tpu.memory_space<vmem>>
    %dma_wait3A_1180 = tpu.memref_squeeze %dma_wait3A_1179 : memref<1x128xf32, #tpu.memory_space<vmem>> -> memref<128xf32, #tpu.memory_space<vmem>>
    %dma_wait3A_1181 = arith.constant 0 : i32
    %dma_wait3A_1182 = tpu.memref_slice %arg6[%dma_wait3A_1177, %dma_wait3A_1181] : memref<100x128xi32, #tpu.memory_space<vmem>> -> memref<1x128xi32, #tpu.memory_space<vmem>>
    %dma_wait3A_1183 = tpu.memref_squeeze %dma_wait3A_1182 : memref<1x128xi32, #tpu.memory_space<vmem>> -> memref<128xi32, #tpu.memory_space<vmem>>
    %dma_wait3A_1184 = arith.constant 0 : i32
    %dma_wait3A_1185 = tpu.memref_slice %arg8[%dma_wait3A_1184] : memref<896xf32, #tpu.memory_space<vmem_shared>> -> memref<896xf32, #tpu.memory_space<vmem_shared>>
    tpu.wait_indirect_dma semaphore(%arg9 : memref<!tpu.dma_semaphore, #tpu.memory_space<semaphore_mem>>) src(%dma_wait3A_1180 : memref<128xf32, #tpu.memory_space<vmem>>) dst(%dma_wait3A_1185 : memref<896xf32, #tpu.memory_space<vmem_shared>>)
    %dma_wait3A_1186 = arith.constant 18 : i32
    %dma_wait3A_1187 = arith.constant 18 : i32
    %dma_wait3A_1188 = arith.constant 0 : i32
    %dma_wait3A_1189 = tpu.memref_slice %arg5[%dma_wait3A_1186, %dma_wait3A_1188] : memref<100x128xf32, #tpu.memory_space<vmem>> -> memref<1x128xf32, #tpu.memory_space<vmem>>
    %dma_wait3A_1190 = tpu.memref_squeeze %dma_wait3A_1189 : memref<1x128xf32, #tpu.memory_space<vmem>> -> memref<128xf32, #tpu.memory_space<vmem>>
    %dma_wait3A_1191 = arith.constant 0 : i32
    %dma_wait3A_1192 = tpu.memref_slice %arg6[%dma_wait3A_1187, %dma_wait3A_1191] : memref<100x128xi32, #tpu.memory_space<vmem>> -> memref<1x128xi32, #tpu.memory_space<vmem>>
    %dma_wait3A_1193 = tpu.memref_squeeze %dma_wait3A_1192 : memref<1x128xi32, #tpu.memory_space<vmem>> -> memref<128xi32, #tpu.memory_space<vmem>>
    %dma_wait3A_1194 = arith.constant 0 : i32
    %dma_wait3A_1195 = tpu.memref_slice %arg8[%dma_wait3A_1194] : memref<896xf32, #tpu.memory_space<vmem_shared>> -> memref<896xf32, #tpu.memory_space<vmem_shared>>
    tpu.wait_indirect_dma semaphore(%arg9 : memref<!tpu.dma_semaphore, #tpu.memory_space<semaphore_mem>>) src(%dma_wait3A_1190 : memref<128xf32, #tpu.memory_space<vmem>>) dst(%dma_wait3A_1195 : memref<896xf32, #tpu.memory_space<vmem_shared>>)
    %dma_wait3A_1196 = arith.constant 19 : i32
    %dma_wait3A_1197 = arith.constant 19 : i32
    %dma_wait3A_1198 = arith.constant 0 : i32
    %dma_wait3A_1199 = tpu.memref_slice %arg5[%dma_wait3A_1196, %dma_wait3A_1198] : memref<100x128xf32, #tpu.memory_space<vmem>> -> memref<1x128xf32, #tpu.memory_space<vmem>>
    %dma_wait3A_1200 = tpu.memref_squeeze %dma_wait3A_1199 : memref<1x128xf32, #tpu.memory_space<vmem>> -> memref<128xf32, #tpu.memory_space<vmem>>
    %dma_wait3A_1201 = arith.constant 0 : i32
    %dma_wait3A_1202 = tpu.memref_slice %arg6[%dma_wait3A_1197, %dma_wait3A_1201] : memref<100x128xi32, #tpu.memory_space<vmem>> -> memref<1x128xi32, #tpu.memory_space<vmem>>
    %dma_wait3A_1203 = tpu.memref_squeeze %dma_wait3A_1202 : memref<1x128xi32, #tpu.memory_space<vmem>> -> memref<128xi32, #tpu.memory_space<vmem>>
    %dma_wait3A_1204 = arith.constant 0 : i32
    %dma_wait3A_1205 = tpu.memref_slice %arg8[%dma_wait3A_1204] : memref<896xf32, #tpu.memory_space<vmem_shared>> -> memref<896xf32, #tpu.memory_space<vmem_shared>>
    tpu.wait_indirect_dma semaphore(%arg9 : memref<!tpu.dma_semaphore, #tpu.memory_space<semaphore_mem>>) src(%dma_wait3A_1200 : memref<128xf32, #tpu.memory_space<vmem>>) dst(%dma_wait3A_1205 : memref<896xf32, #tpu.memory_space<vmem_shared>>)
    %dma_wait3A_1206 = arith.constant 20 : i32
    %dma_wait3A_1207 = arith.constant 20 : i32
    %dma_wait3A_1208 = arith.constant 0 : i32
    %dma_wait3A_1209 = tpu.memref_slice %arg5[%dma_wait3A_1206, %dma_wait3A_1208] : memref<100x128xf32, #tpu.memory_space<vmem>> -> memref<1x128xf32, #tpu.memory_space<vmem>>
    %dma_wait3A_1210 = tpu.memref_squeeze %dma_wait3A_1209 : memref<1x128xf32, #tpu.memory_space<vmem>> -> memref<128xf32, #tpu.memory_space<vmem>>
    %dma_wait3A_1211 = arith.constant 0 : i32
    %dma_wait3A_1212 = tpu.memref_slice %arg6[%dma_wait3A_1207, %dma_wait3A_1211] : memref<100x128xi32, #tpu.memory_space<vmem>> -> memref<1x128xi32, #tpu.memory_space<vmem>>
    %dma_wait3A_1213 = tpu.memref_squeeze %dma_wait3A_1212 : memref<1x128xi32, #tpu.memory_space<vmem>> -> memref<128xi32, #tpu.memory_space<vmem>>
    %dma_wait3A_1214 = arith.constant 0 : i32
    %dma_wait3A_1215 = tpu.memref_slice %arg8[%dma_wait3A_1214] : memref<896xf32, #tpu.memory_space<vmem_shared>> -> memref<896xf32, #tpu.memory_space<vmem_shared>>
    tpu.wait_indirect_dma semaphore(%arg9 : memref<!tpu.dma_semaphore, #tpu.memory_space<semaphore_mem>>) src(%dma_wait3A_1210 : memref<128xf32, #tpu.memory_space<vmem>>) dst(%dma_wait3A_1215 : memref<896xf32, #tpu.memory_space<vmem_shared>>)
    %dma_wait3A_1216 = arith.constant 21 : i32
    %dma_wait3A_1217 = arith.constant 21 : i32
    %dma_wait3A_1218 = arith.constant 0 : i32
    %dma_wait3A_1219 = tpu.memref_slice %arg5[%dma_wait3A_1216, %dma_wait3A_1218] : memref<100x128xf32, #tpu.memory_space<vmem>> -> memref<1x128xf32, #tpu.memory_space<vmem>>
    %dma_wait3A_1220 = tpu.memref_squeeze %dma_wait3A_1219 : memref<1x128xf32, #tpu.memory_space<vmem>> -> memref<128xf32, #tpu.memory_space<vmem>>
    %dma_wait3A_1221 = arith.constant 0 : i32
    %dma_wait3A_1222 = tpu.memref_slice %arg6[%dma_wait3A_1217, %dma_wait3A_1221] : memref<100x128xi32, #tpu.memory_space<vmem>> -> memref<1x128xi32, #tpu.memory_space<vmem>>
    %dma_wait3A_1223 = tpu.memref_squeeze %dma_wait3A_1222 : memref<1x128xi32, #tpu.memory_space<vmem>> -> memref<128xi32, #tpu.memory_space<vmem>>
    %dma_wait3A_1224 = arith.constant 0 : i32
    %dma_wait3A_1225 = tpu.memref_slice %arg8[%dma_wait3A_1224] : memref<896xf32, #tpu.memory_space<vmem_shared>> -> memref<896xf32, #tpu.memory_space<vmem_shared>>
    tpu.wait_indirect_dma semaphore(%arg9 : memref<!tpu.dma_semaphore, #tpu.memory_space<semaphore_mem>>) src(%dma_wait3A_1220 : memref<128xf32, #tpu.memory_space<vmem>>) dst(%dma_wait3A_1225 : memref<896xf32, #tpu.memory_space<vmem_shared>>)
    %dma_wait3A_1226 = arith.constant 22 : i32
    %dma_wait3A_1227 = arith.constant 22 : i32
    %dma_wait3A_1228 = arith.constant 0 : i32
    %dma_wait3A_1229 = tpu.memref_slice %arg5[%dma_wait3A_1226, %dma_wait3A_1228] : memref<100x128xf32, #tpu.memory_space<vmem>> -> memref<1x128xf32, #tpu.memory_space<vmem>>
    %dma_wait3A_1230 = tpu.memref_squeeze %dma_wait3A_1229 : memref<1x128xf32, #tpu.memory_space<vmem>> -> memref<128xf32, #tpu.memory_space<vmem>>
    %dma_wait3A_1231 = arith.constant 0 : i32
    %dma_wait3A_1232 = tpu.memref_slice %arg6[%dma_wait3A_1227, %dma_wait3A_1231] : memref<100x128xi32, #tpu.memory_space<vmem>> -> memref<1x128xi32, #tpu.memory_space<vmem>>
    %dma_wait3A_1233 = tpu.memref_squeeze %dma_wait3A_1232 : memref<1x128xi32, #tpu.memory_space<vmem>> -> memref<128xi32, #tpu.memory_space<vmem>>
    %dma_wait3A_1234 = arith.constant 0 : i32
    %dma_wait3A_1235 = tpu.memref_slice %arg8[%dma_wait3A_1234] : memref<896xf32, #tpu.memory_space<vmem_shared>> -> memref<896xf32, #tpu.memory_space<vmem_shared>>
    tpu.wait_indirect_dma semaphore(%arg9 : memref<!tpu.dma_semaphore, #tpu.memory_space<semaphore_mem>>) src(%dma_wait3A_1230 : memref<128xf32, #tpu.memory_space<vmem>>) dst(%dma_wait3A_1235 : memref<896xf32, #tpu.memory_space<vmem_shared>>)
    %dma_wait3A_1236 = arith.constant 23 : i32
    %dma_wait3A_1237 = arith.constant 23 : i32
    %dma_wait3A_1238 = arith.constant 0 : i32
    %dma_wait3A_1239 = tpu.memref_slice %arg5[%dma_wait3A_1236, %dma_wait3A_1238] : memref<100x128xf32, #tpu.memory_space<vmem>> -> memref<1x128xf32, #tpu.memory_space<vmem>>
    %dma_wait3A_1240 = tpu.memref_squeeze %dma_wait3A_1239 : memref<1x128xf32, #tpu.memory_space<vmem>> -> memref<128xf32, #tpu.memory_space<vmem>>
    %dma_wait3A_1241 = arith.constant 0 : i32
    %dma_wait3A_1242 = tpu.memref_slice %arg6[%dma_wait3A_1237, %dma_wait3A_1241] : memref<100x128xi32, #tpu.memory_space<vmem>> -> memref<1x128xi32, #tpu.memory_space<vmem>>
    %dma_wait3A_1243 = tpu.memref_squeeze %dma_wait3A_1242 : memref<1x128xi32, #tpu.memory_space<vmem>> -> memref<128xi32, #tpu.memory_space<vmem>>
    %dma_wait3A_1244 = arith.constant 0 : i32
    %dma_wait3A_1245 = tpu.memref_slice %arg8[%dma_wait3A_1244] : memref<896xf32, #tpu.memory_space<vmem_shared>> -> memref<896xf32, #tpu.memory_space<vmem_shared>>
    tpu.wait_indirect_dma semaphore(%arg9 : memref<!tpu.dma_semaphore, #tpu.memory_space<semaphore_mem>>) src(%dma_wait3A_1240 : memref<128xf32, #tpu.memory_space<vmem>>) dst(%dma_wait3A_1245 : memref<896xf32, #tpu.memory_space<vmem_shared>>)
    %dma_wait3A_1246 = arith.constant 24 : i32
    %dma_wait3A_1247 = arith.constant 24 : i32
    %dma_wait3A_1248 = arith.constant 0 : i32
    %dma_wait3A_1249 = tpu.memref_slice %arg5[%dma_wait3A_1246, %dma_wait3A_1248] : memref<100x128xf32, #tpu.memory_space<vmem>> -> memref<1x128xf32, #tpu.memory_space<vmem>>
    %dma_wait3A_1250 = tpu.memref_squeeze %dma_wait3A_1249 : memref<1x128xf32, #tpu.memory_space<vmem>> -> memref<128xf32, #tpu.memory_space<vmem>>
    %dma_wait3A_1251 = arith.constant 0 : i32
    %dma_wait3A_1252 = tpu.memref_slice %arg6[%dma_wait3A_1247, %dma_wait3A_1251] : memref<100x128xi32, #tpu.memory_space<vmem>> -> memref<1x128xi32, #tpu.memory_space<vmem>>
    %dma_wait3A_1253 = tpu.memref_squeeze %dma_wait3A_1252 : memref<1x128xi32, #tpu.memory_space<vmem>> -> memref<128xi32, #tpu.memory_space<vmem>>
    %dma_wait3A_1254 = arith.constant 0 : i32
    %dma_wait3A_1255 = tpu.memref_slice %arg8[%dma_wait3A_1254] : memref<896xf32, #tpu.memory_space<vmem_shared>> -> memref<896xf32, #tpu.memory_space<vmem_shared>>
    tpu.wait_indirect_dma semaphore(%arg9 : memref<!tpu.dma_semaphore, #tpu.memory_space<semaphore_mem>>) src(%dma_wait3A_1250 : memref<128xf32, #tpu.memory_space<vmem>>) dst(%dma_wait3A_1255 : memref<896xf32, #tpu.memory_space<vmem_shared>>)
    %dma_wait3A_1256 = arith.constant 25 : i32
    %dma_wait3A_1257 = arith.constant 25 : i32
    %dma_wait3A_1258 = arith.constant 0 : i32
    %dma_wait3A_1259 = tpu.memref_slice %arg5[%dma_wait3A_1256, %dma_wait3A_1258] : memref<100x128xf32, #tpu.memory_space<vmem>> -> memref<1x128xf32, #tpu.memory_space<vmem>>
    %dma_wait3A_1260 = tpu.memref_squeeze %dma_wait3A_1259 : memref<1x128xf32, #tpu.memory_space<vmem>> -> memref<128xf32, #tpu.memory_space<vmem>>
    %dma_wait3A_1261 = arith.constant 0 : i32
    %dma_wait3A_1262 = tpu.memref_slice %arg6[%dma_wait3A_1257, %dma_wait3A_1261] : memref<100x128xi32, #tpu.memory_space<vmem>> -> memref<1x128xi32, #tpu.memory_space<vmem>>
    %dma_wait3A_1263 = tpu.memref_squeeze %dma_wait3A_1262 : memref<1x128xi32, #tpu.memory_space<vmem>> -> memref<128xi32, #tpu.memory_space<vmem>>
    %dma_wait3A_1264 = arith.constant 0 : i32
    %dma_wait3A_1265 = tpu.memref_slice %arg8[%dma_wait3A_1264] : memref<896xf32, #tpu.memory_space<vmem_shared>> -> memref<896xf32, #tpu.memory_space<vmem_shared>>
    tpu.wait_indirect_dma semaphore(%arg9 : memref<!tpu.dma_semaphore, #tpu.memory_space<semaphore_mem>>) src(%dma_wait3A_1260 : memref<128xf32, #tpu.memory_space<vmem>>) dst(%dma_wait3A_1265 : memref<896xf32, #tpu.memory_space<vmem_shared>>)
    %dma_wait3A_1266 = arith.constant 26 : i32
    %dma_wait3A_1267 = arith.constant 26 : i32
    %dma_wait3A_1268 = arith.constant 0 : i32
    %dma_wait3A_1269 = tpu.memref_slice %arg5[%dma_wait3A_1266, %dma_wait3A_1268] : memref<100x128xf32, #tpu.memory_space<vmem>> -> memref<1x128xf32, #tpu.memory_space<vmem>>
    %dma_wait3A_1270 = tpu.memref_squeeze %dma_wait3A_1269 : memref<1x128xf32, #tpu.memory_space<vmem>> -> memref<128xf32, #tpu.memory_space<vmem>>
    %dma_wait3A_1271 = arith.constant 0 : i32
    %dma_wait3A_1272 = tpu.memref_slice %arg6[%dma_wait3A_1267, %dma_wait3A_1271] : memref<100x128xi32, #tpu.memory_space<vmem>> -> memref<1x128xi32, #tpu.memory_space<vmem>>
    %dma_wait3A_1273 = tpu.memref_squeeze %dma_wait3A_1272 : memref<1x128xi32, #tpu.memory_space<vmem>> -> memref<128xi32, #tpu.memory_space<vmem>>
    %dma_wait3A_1274 = arith.constant 0 : i32
    %dma_wait3A_1275 = tpu.memref_slice %arg8[%dma_wait3A_1274] : memref<896xf32, #tpu.memory_space<vmem_shared>> -> memref<896xf32, #tpu.memory_space<vmem_shared>>
    tpu.wait_indirect_dma semaphore(%arg9 : memref<!tpu.dma_semaphore, #tpu.memory_space<semaphore_mem>>) src(%dma_wait3A_1270 : memref<128xf32, #tpu.memory_space<vmem>>) dst(%dma_wait3A_1275 : memref<896xf32, #tpu.memory_space<vmem_shared>>)
    %dma_wait3A_1276 = arith.constant 27 : i32
    %dma_wait3A_1277 = arith.constant 27 : i32
    %dma_wait3A_1278 = arith.constant 0 : i32
    %dma_wait3A_1279 = tpu.memref_slice %arg5[%dma_wait3A_1276, %dma_wait3A_1278] : memref<100x128xf32, #tpu.memory_space<vmem>> -> memref<1x128xf32, #tpu.memory_space<vmem>>
    %dma_wait3A_1280 = tpu.memref_squeeze %dma_wait3A_1279 : memref<1x128xf32, #tpu.memory_space<vmem>> -> memref<128xf32, #tpu.memory_space<vmem>>
    %dma_wait3A_1281 = arith.constant 0 : i32
    %dma_wait3A_1282 = tpu.memref_slice %arg6[%dma_wait3A_1277, %dma_wait3A_1281] : memref<100x128xi32, #tpu.memory_space<vmem>> -> memref<1x128xi32, #tpu.memory_space<vmem>>
    %dma_wait3A_1283 = tpu.memref_squeeze %dma_wait3A_1282 : memref<1x128xi32, #tpu.memory_space<vmem>> -> memref<128xi32, #tpu.memory_space<vmem>>
    %dma_wait3A_1284 = arith.constant 0 : i32
    %dma_wait3A_1285 = tpu.memref_slice %arg8[%dma_wait3A_1284] : memref<896xf32, #tpu.memory_space<vmem_shared>> -> memref<896xf32, #tpu.memory_space<vmem_shared>>
    tpu.wait_indirect_dma semaphore(%arg9 : memref<!tpu.dma_semaphore, #tpu.memory_space<semaphore_mem>>) src(%dma_wait3A_1280 : memref<128xf32, #tpu.memory_space<vmem>>) dst(%dma_wait3A_1285 : memref<896xf32, #tpu.memory_space<vmem_shared>>)
    %dma_wait3A_1286 = arith.constant 28 : i32
    %dma_wait3A_1287 = arith.constant 28 : i32
    %dma_wait3A_1288 = arith.constant 0 : i32
    %dma_wait3A_1289 = tpu.memref_slice %arg5[%dma_wait3A_1286, %dma_wait3A_1288] : memref<100x128xf32, #tpu.memory_space<vmem>> -> memref<1x128xf32, #tpu.memory_space<vmem>>
    %dma_wait3A_1290 = tpu.memref_squeeze %dma_wait3A_1289 : memref<1x128xf32, #tpu.memory_space<vmem>> -> memref<128xf32, #tpu.memory_space<vmem>>
    %dma_wait3A_1291 = arith.constant 0 : i32
    %dma_wait3A_1292 = tpu.memref_slice %arg6[%dma_wait3A_1287, %dma_wait3A_1291] : memref<100x128xi32, #tpu.memory_space<vmem>> -> memref<1x128xi32, #tpu.memory_space<vmem>>
    %dma_wait3A_1293 = tpu.memref_squeeze %dma_wait3A_1292 : memref<1x128xi32, #tpu.memory_space<vmem>> -> memref<128xi32, #tpu.memory_space<vmem>>
    %dma_wait3A_1294 = arith.constant 0 : i32
    %dma_wait3A_1295 = tpu.memref_slice %arg8[%dma_wait3A_1294] : memref<896xf32, #tpu.memory_space<vmem_shared>> -> memref<896xf32, #tpu.memory_space<vmem_shared>>
    tpu.wait_indirect_dma semaphore(%arg9 : memref<!tpu.dma_semaphore, #tpu.memory_space<semaphore_mem>>) src(%dma_wait3A_1290 : memref<128xf32, #tpu.memory_space<vmem>>) dst(%dma_wait3A_1295 : memref<896xf32, #tpu.memory_space<vmem_shared>>)
    %dma_wait3A_1296 = arith.constant 29 : i32
    %dma_wait3A_1297 = arith.constant 29 : i32
    %dma_wait3A_1298 = arith.constant 0 : i32
    %dma_wait3A_1299 = tpu.memref_slice %arg5[%dma_wait3A_1296, %dma_wait3A_1298] : memref<100x128xf32, #tpu.memory_space<vmem>> -> memref<1x128xf32, #tpu.memory_space<vmem>>
    %dma_wait3A_1300 = tpu.memref_squeeze %dma_wait3A_1299 : memref<1x128xf32, #tpu.memory_space<vmem>> -> memref<128xf32, #tpu.memory_space<vmem>>
    %dma_wait3A_1301 = arith.constant 0 : i32
    %dma_wait3A_1302 = tpu.memref_slice %arg6[%dma_wait3A_1297, %dma_wait3A_1301] : memref<100x128xi32, #tpu.memory_space<vmem>> -> memref<1x128xi32, #tpu.memory_space<vmem>>
    %dma_wait3A_1303 = tpu.memref_squeeze %dma_wait3A_1302 : memref<1x128xi32, #tpu.memory_space<vmem>> -> memref<128xi32, #tpu.memory_space<vmem>>
    %dma_wait3A_1304 = arith.constant 0 : i32
    %dma_wait3A_1305 = tpu.memref_slice %arg8[%dma_wait3A_1304] : memref<896xf32, #tpu.memory_space<vmem_shared>> -> memref<896xf32, #tpu.memory_space<vmem_shared>>
    tpu.wait_indirect_dma semaphore(%arg9 : memref<!tpu.dma_semaphore, #tpu.memory_space<semaphore_mem>>) src(%dma_wait3A_1300 : memref<128xf32, #tpu.memory_space<vmem>>) dst(%dma_wait3A_1305 : memref<896xf32, #tpu.memory_space<vmem_shared>>)
    %dma_wait3A_1306 = arith.constant 30 : i32
    %dma_wait3A_1307 = arith.constant 30 : i32
    %dma_wait3A_1308 = arith.constant 0 : i32
    %dma_wait3A_1309 = tpu.memref_slice %arg5[%dma_wait3A_1306, %dma_wait3A_1308] : memref<100x128xf32, #tpu.memory_space<vmem>> -> memref<1x128xf32, #tpu.memory_space<vmem>>
    %dma_wait3A_1310 = tpu.memref_squeeze %dma_wait3A_1309 : memref<1x128xf32, #tpu.memory_space<vmem>> -> memref<128xf32, #tpu.memory_space<vmem>>
    %dma_wait3A_1311 = arith.constant 0 : i32
    %dma_wait3A_1312 = tpu.memref_slice %arg6[%dma_wait3A_1307, %dma_wait3A_1311] : memref<100x128xi32, #tpu.memory_space<vmem>> -> memref<1x128xi32, #tpu.memory_space<vmem>>
    %dma_wait3A_1313 = tpu.memref_squeeze %dma_wait3A_1312 : memref<1x128xi32, #tpu.memory_space<vmem>> -> memref<128xi32, #tpu.memory_space<vmem>>
    %dma_wait3A_1314 = arith.constant 0 : i32
    %dma_wait3A_1315 = tpu.memref_slice %arg8[%dma_wait3A_1314] : memref<896xf32, #tpu.memory_space<vmem_shared>> -> memref<896xf32, #tpu.memory_space<vmem_shared>>
    tpu.wait_indirect_dma semaphore(%arg9 : memref<!tpu.dma_semaphore, #tpu.memory_space<semaphore_mem>>) src(%dma_wait3A_1310 : memref<128xf32, #tpu.memory_space<vmem>>) dst(%dma_wait3A_1315 : memref<896xf32, #tpu.memory_space<vmem_shared>>)
    %dma_wait3A_1316 = arith.constant 31 : i32
    %dma_wait3A_1317 = arith.constant 31 : i32
    %dma_wait3A_1318 = arith.constant 0 : i32
    %dma_wait3A_1319 = tpu.memref_slice %arg5[%dma_wait3A_1316, %dma_wait3A_1318] : memref<100x128xf32, #tpu.memory_space<vmem>> -> memref<1x128xf32, #tpu.memory_space<vmem>>
    %dma_wait3A_1320 = tpu.memref_squeeze %dma_wait3A_1319 : memref<1x128xf32, #tpu.memory_space<vmem>> -> memref<128xf32, #tpu.memory_space<vmem>>
    %dma_wait3A_1321 = arith.constant 0 : i32
    %dma_wait3A_1322 = tpu.memref_slice %arg6[%dma_wait3A_1317, %dma_wait3A_1321] : memref<100x128xi32, #tpu.memory_space<vmem>> -> memref<1x128xi32, #tpu.memory_space<vmem>>
    %dma_wait3A_1323 = tpu.memref_squeeze %dma_wait3A_1322 : memref<1x128xi32, #tpu.memory_space<vmem>> -> memref<128xi32, #tpu.memory_space<vmem>>
    %dma_wait3A_1324 = arith.constant 0 : i32
    %dma_wait3A_1325 = tpu.memref_slice %arg8[%dma_wait3A_1324] : memref<896xf32, #tpu.memory_space<vmem_shared>> -> memref<896xf32, #tpu.memory_space<vmem_shared>>
    tpu.wait_indirect_dma semaphore(%arg9 : memref<!tpu.dma_semaphore, #tpu.memory_space<semaphore_mem>>) src(%dma_wait3A_1320 : memref<128xf32, #tpu.memory_space<vmem>>) dst(%dma_wait3A_1325 : memref<896xf32, #tpu.memory_space<vmem_shared>>)
    %dma_wait3A_1326 = arith.constant 32 : i32
    %dma_wait3A_1327 = arith.constant 32 : i32
    %dma_wait3A_1328 = arith.constant 0 : i32
    %dma_wait3A_1329 = tpu.memref_slice %arg5[%dma_wait3A_1326, %dma_wait3A_1328] : memref<100x128xf32, #tpu.memory_space<vmem>> -> memref<1x128xf32, #tpu.memory_space<vmem>>
    %dma_wait3A_1330 = tpu.memref_squeeze %dma_wait3A_1329 : memref<1x128xf32, #tpu.memory_space<vmem>> -> memref<128xf32, #tpu.memory_space<vmem>>
    %dma_wait3A_1331 = arith.constant 0 : i32
    %dma_wait3A_1332 = tpu.memref_slice %arg6[%dma_wait3A_1327, %dma_wait3A_1331] : memref<100x128xi32, #tpu.memory_space<vmem>> -> memref<1x128xi32, #tpu.memory_space<vmem>>
    %dma_wait3A_1333 = tpu.memref_squeeze %dma_wait3A_1332 : memref<1x128xi32, #tpu.memory_space<vmem>> -> memref<128xi32, #tpu.memory_space<vmem>>
    %dma_wait3A_1334 = arith.constant 0 : i32
    %dma_wait3A_1335 = tpu.memref_slice %arg8[%dma_wait3A_1334] : memref<896xf32, #tpu.memory_space<vmem_shared>> -> memref<896xf32, #tpu.memory_space<vmem_shared>>
    tpu.wait_indirect_dma semaphore(%arg9 : memref<!tpu.dma_semaphore, #tpu.memory_space<semaphore_mem>>) src(%dma_wait3A_1330 : memref<128xf32, #tpu.memory_space<vmem>>) dst(%dma_wait3A_1335 : memref<896xf32, #tpu.memory_space<vmem_shared>>)
    %dma_wait3A_1336 = arith.constant 33 : i32
    %dma_wait3A_1337 = arith.constant 33 : i32
    %dma_wait3A_1338 = arith.constant 0 : i32
    %dma_wait3A_1339 = tpu.memref_slice %arg5[%dma_wait3A_1336, %dma_wait3A_1338] : memref<100x128xf32, #tpu.memory_space<vmem>> -> memref<1x128xf32, #tpu.memory_space<vmem>>
    %dma_wait3A_1340 = tpu.memref_squeeze %dma_wait3A_1339 : memref<1x128xf32, #tpu.memory_space<vmem>> -> memref<128xf32, #tpu.memory_space<vmem>>
    %dma_wait3A_1341 = arith.constant 0 : i32
    %dma_wait3A_1342 = tpu.memref_slice %arg6[%dma_wait3A_1337, %dma_wait3A_1341] : memref<100x128xi32, #tpu.memory_space<vmem>> -> memref<1x128xi32, #tpu.memory_space<vmem>>
    %dma_wait3A_1343 = tpu.memref_squeeze %dma_wait3A_1342 : memref<1x128xi32, #tpu.memory_space<vmem>> -> memref<128xi32, #tpu.memory_space<vmem>>
    %dma_wait3A_1344 = arith.constant 0 : i32
    %dma_wait3A_1345 = tpu.memref_slice %arg8[%dma_wait3A_1344] : memref<896xf32, #tpu.memory_space<vmem_shared>> -> memref<896xf32, #tpu.memory_space<vmem_shared>>
    tpu.wait_indirect_dma semaphore(%arg9 : memref<!tpu.dma_semaphore, #tpu.memory_space<semaphore_mem>>) src(%dma_wait3A_1340 : memref<128xf32, #tpu.memory_space<vmem>>) dst(%dma_wait3A_1345 : memref<896xf32, #tpu.memory_space<vmem_shared>>)
    %dma_wait3A_1346 = arith.constant 34 : i32
    %dma_wait3A_1347 = arith.constant 34 : i32
    %dma_wait3A_1348 = arith.constant 0 : i32
    %dma_wait3A_1349 = tpu.memref_slice %arg5[%dma_wait3A_1346, %dma_wait3A_1348] : memref<100x128xf32, #tpu.memory_space<vmem>> -> memref<1x128xf32, #tpu.memory_space<vmem>>
    %dma_wait3A_1350 = tpu.memref_squeeze %dma_wait3A_1349 : memref<1x128xf32, #tpu.memory_space<vmem>> -> memref<128xf32, #tpu.memory_space<vmem>>
    %dma_wait3A_1351 = arith.constant 0 : i32
    %dma_wait3A_1352 = tpu.memref_slice %arg6[%dma_wait3A_1347, %dma_wait3A_1351] : memref<100x128xi32, #tpu.memory_space<vmem>> -> memref<1x128xi32, #tpu.memory_space<vmem>>
    %dma_wait3A_1353 = tpu.memref_squeeze %dma_wait3A_1352 : memref<1x128xi32, #tpu.memory_space<vmem>> -> memref<128xi32, #tpu.memory_space<vmem>>
    %dma_wait3A_1354 = arith.constant 0 : i32
    %dma_wait3A_1355 = tpu.memref_slice %arg8[%dma_wait3A_1354] : memref<896xf32, #tpu.memory_space<vmem_shared>> -> memref<896xf32, #tpu.memory_space<vmem_shared>>
    tpu.wait_indirect_dma semaphore(%arg9 : memref<!tpu.dma_semaphore, #tpu.memory_space<semaphore_mem>>) src(%dma_wait3A_1350 : memref<128xf32, #tpu.memory_space<vmem>>) dst(%dma_wait3A_1355 : memref<896xf32, #tpu.memory_space<vmem_shared>>)
    %dma_wait3A_1356 = arith.constant 35 : i32
    %dma_wait3A_1357 = arith.constant 35 : i32
    %dma_wait3A_1358 = arith.constant 0 : i32
    %dma_wait3A_1359 = tpu.memref_slice %arg5[%dma_wait3A_1356, %dma_wait3A_1358] : memref<100x128xf32, #tpu.memory_space<vmem>> -> memref<1x128xf32, #tpu.memory_space<vmem>>
    %dma_wait3A_1360 = tpu.memref_squeeze %dma_wait3A_1359 : memref<1x128xf32, #tpu.memory_space<vmem>> -> memref<128xf32, #tpu.memory_space<vmem>>
    %dma_wait3A_1361 = arith.constant 0 : i32
    %dma_wait3A_1362 = tpu.memref_slice %arg6[%dma_wait3A_1357, %dma_wait3A_1361] : memref<100x128xi32, #tpu.memory_space<vmem>> -> memref<1x128xi32, #tpu.memory_space<vmem>>
    %dma_wait3A_1363 = tpu.memref_squeeze %dma_wait3A_1362 : memref<1x128xi32, #tpu.memory_space<vmem>> -> memref<128xi32, #tpu.memory_space<vmem>>
    %dma_wait3A_1364 = arith.constant 0 : i32
    %dma_wait3A_1365 = tpu.memref_slice %arg8[%dma_wait3A_1364] : memref<896xf32, #tpu.memory_space<vmem_shared>> -> memref<896xf32, #tpu.memory_space<vmem_shared>>
    tpu.wait_indirect_dma semaphore(%arg9 : memref<!tpu.dma_semaphore, #tpu.memory_space<semaphore_mem>>) src(%dma_wait3A_1360 : memref<128xf32, #tpu.memory_space<vmem>>) dst(%dma_wait3A_1365 : memref<896xf32, #tpu.memory_space<vmem_shared>>)
    %dma_wait3A_1366 = arith.constant 36 : i32
    %dma_wait3A_1367 = arith.constant 36 : i32
    %dma_wait3A_1368 = arith.constant 0 : i32
    %dma_wait3A_1369 = tpu.memref_slice %arg5[%dma_wait3A_1366, %dma_wait3A_1368] : memref<100x128xf32, #tpu.memory_space<vmem>> -> memref<1x128xf32, #tpu.memory_space<vmem>>
    %dma_wait3A_1370 = tpu.memref_squeeze %dma_wait3A_1369 : memref<1x128xf32, #tpu.memory_space<vmem>> -> memref<128xf32, #tpu.memory_space<vmem>>
    %dma_wait3A_1371 = arith.constant 0 : i32
    %dma_wait3A_1372 = tpu.memref_slice %arg6[%dma_wait3A_1367, %dma_wait3A_1371] : memref<100x128xi32, #tpu.memory_space<vmem>> -> memref<1x128xi32, #tpu.memory_space<vmem>>
    %dma_wait3A_1373 = tpu.memref_squeeze %dma_wait3A_1372 : memref<1x128xi32, #tpu.memory_space<vmem>> -> memref<128xi32, #tpu.memory_space<vmem>>
    %dma_wait3A_1374 = arith.constant 0 : i32
    %dma_wait3A_1375 = tpu.memref_slice %arg8[%dma_wait3A_1374] : memref<896xf32, #tpu.memory_space<vmem_shared>> -> memref<896xf32, #tpu.memory_space<vmem_shared>>
    tpu.wait_indirect_dma semaphore(%arg9 : memref<!tpu.dma_semaphore, #tpu.memory_space<semaphore_mem>>) src(%dma_wait3A_1370 : memref<128xf32, #tpu.memory_space<vmem>>) dst(%dma_wait3A_1375 : memref<896xf32, #tpu.memory_space<vmem_shared>>)
    %dma_wait3A_1376 = arith.constant 37 : i32
    %dma_wait3A_1377 = arith.constant 37 : i32
    %dma_wait3A_1378 = arith.constant 0 : i32
    %dma_wait3A_1379 = tpu.memref_slice %arg5[%dma_wait3A_1376, %dma_wait3A_1378] : memref<100x128xf32, #tpu.memory_space<vmem>> -> memref<1x128xf32, #tpu.memory_space<vmem>>
    %dma_wait3A_1380 = tpu.memref_squeeze %dma_wait3A_1379 : memref<1x128xf32, #tpu.memory_space<vmem>> -> memref<128xf32, #tpu.memory_space<vmem>>
    %dma_wait3A_1381 = arith.constant 0 : i32
    %dma_wait3A_1382 = tpu.memref_slice %arg6[%dma_wait3A_1377, %dma_wait3A_1381] : memref<100x128xi32, #tpu.memory_space<vmem>> -> memref<1x128xi32, #tpu.memory_space<vmem>>
    %dma_wait3A_1383 = tpu.memref_squeeze %dma_wait3A_1382 : memref<1x128xi32, #tpu.memory_space<vmem>> -> memref<128xi32, #tpu.memory_space<vmem>>
    %dma_wait3A_1384 = arith.constant 0 : i32
    %dma_wait3A_1385 = tpu.memref_slice %arg8[%dma_wait3A_1384] : memref<896xf32, #tpu.memory_space<vmem_shared>> -> memref<896xf32, #tpu.memory_space<vmem_shared>>
    tpu.wait_indirect_dma semaphore(%arg9 : memref<!tpu.dma_semaphore, #tpu.memory_space<semaphore_mem>>) src(%dma_wait3A_1380 : memref<128xf32, #tpu.memory_space<vmem>>) dst(%dma_wait3A_1385 : memref<896xf32, #tpu.memory_space<vmem_shared>>)
    %dma_wait3A_1386 = arith.constant 38 : i32
    %dma_wait3A_1387 = arith.constant 38 : i32
    %dma_wait3A_1388 = arith.constant 0 : i32
    %dma_wait3A_1389 = tpu.memref_slice %arg5[%dma_wait3A_1386, %dma_wait3A_1388] : memref<100x128xf32, #tpu.memory_space<vmem>> -> memref<1x128xf32, #tpu.memory_space<vmem>>
    %dma_wait3A_1390 = tpu.memref_squeeze %dma_wait3A_1389 : memref<1x128xf32, #tpu.memory_space<vmem>> -> memref<128xf32, #tpu.memory_space<vmem>>
    %dma_wait3A_1391 = arith.constant 0 : i32
    %dma_wait3A_1392 = tpu.memref_slice %arg6[%dma_wait3A_1387, %dma_wait3A_1391] : memref<100x128xi32, #tpu.memory_space<vmem>> -> memref<1x128xi32, #tpu.memory_space<vmem>>
    %dma_wait3A_1393 = tpu.memref_squeeze %dma_wait3A_1392 : memref<1x128xi32, #tpu.memory_space<vmem>> -> memref<128xi32, #tpu.memory_space<vmem>>
    %dma_wait3A_1394 = arith.constant 0 : i32
    %dma_wait3A_1395 = tpu.memref_slice %arg8[%dma_wait3A_1394] : memref<896xf32, #tpu.memory_space<vmem_shared>> -> memref<896xf32, #tpu.memory_space<vmem_shared>>
    tpu.wait_indirect_dma semaphore(%arg9 : memref<!tpu.dma_semaphore, #tpu.memory_space<semaphore_mem>>) src(%dma_wait3A_1390 : memref<128xf32, #tpu.memory_space<vmem>>) dst(%dma_wait3A_1395 : memref<896xf32, #tpu.memory_space<vmem_shared>>)
    %dma_wait3A_1396 = arith.constant 39 : i32
    %dma_wait3A_1397 = arith.constant 39 : i32
    %dma_wait3A_1398 = arith.constant 0 : i32
    %dma_wait3A_1399 = tpu.memref_slice %arg5[%dma_wait3A_1396, %dma_wait3A_1398] : memref<100x128xf32, #tpu.memory_space<vmem>> -> memref<1x128xf32, #tpu.memory_space<vmem>>
    %dma_wait3A_1400 = tpu.memref_squeeze %dma_wait3A_1399 : memref<1x128xf32, #tpu.memory_space<vmem>> -> memref<128xf32, #tpu.memory_space<vmem>>
    %dma_wait3A_1401 = arith.constant 0 : i32
    %dma_wait3A_1402 = tpu.memref_slice %arg6[%dma_wait3A_1397, %dma_wait3A_1401] : memref<100x128xi32, #tpu.memory_space<vmem>> -> memref<1x128xi32, #tpu.memory_space<vmem>>
    %dma_wait3A_1403 = tpu.memref_squeeze %dma_wait3A_1402 : memref<1x128xi32, #tpu.memory_space<vmem>> -> memref<128xi32, #tpu.memory_space<vmem>>
    %dma_wait3A_1404 = arith.constant 0 : i32
    %dma_wait3A_1405 = tpu.memref_slice %arg8[%dma_wait3A_1404] : memref<896xf32, #tpu.memory_space<vmem_shared>> -> memref<896xf32, #tpu.memory_space<vmem_shared>>
    tpu.wait_indirect_dma semaphore(%arg9 : memref<!tpu.dma_semaphore, #tpu.memory_space<semaphore_mem>>) src(%dma_wait3A_1400 : memref<128xf32, #tpu.memory_space<vmem>>) dst(%dma_wait3A_1405 : memref<896xf32, #tpu.memory_space<vmem_shared>>)
    %dma_wait3A_1406 = arith.constant 40 : i32
    %dma_wait3A_1407 = arith.constant 40 : i32
    %dma_wait3A_1408 = arith.constant 0 : i32
    %dma_wait3A_1409 = tpu.memref_slice %arg5[%dma_wait3A_1406, %dma_wait3A_1408] : memref<100x128xf32, #tpu.memory_space<vmem>> -> memref<1x128xf32, #tpu.memory_space<vmem>>
    %dma_wait3A_1410 = tpu.memref_squeeze %dma_wait3A_1409 : memref<1x128xf32, #tpu.memory_space<vmem>> -> memref<128xf32, #tpu.memory_space<vmem>>
    %dma_wait3A_1411 = arith.constant 0 : i32
    %dma_wait3A_1412 = tpu.memref_slice %arg6[%dma_wait3A_1407, %dma_wait3A_1411] : memref<100x128xi32, #tpu.memory_space<vmem>> -> memref<1x128xi32, #tpu.memory_space<vmem>>
    %dma_wait3A_1413 = tpu.memref_squeeze %dma_wait3A_1412 : memref<1x128xi32, #tpu.memory_space<vmem>> -> memref<128xi32, #tpu.memory_space<vmem>>
    %dma_wait3A_1414 = arith.constant 0 : i32
    %dma_wait3A_1415 = tpu.memref_slice %arg8[%dma_wait3A_1414] : memref<896xf32, #tpu.memory_space<vmem_shared>> -> memref<896xf32, #tpu.memory_space<vmem_shared>>
    tpu.wait_indirect_dma semaphore(%arg9 : memref<!tpu.dma_semaphore, #tpu.memory_space<semaphore_mem>>) src(%dma_wait3A_1410 : memref<128xf32, #tpu.memory_space<vmem>>) dst(%dma_wait3A_1415 : memref<896xf32, #tpu.memory_space<vmem_shared>>)
    %dma_wait3A_1416 = arith.constant 41 : i32
    %dma_wait3A_1417 = arith.constant 41 : i32
    %dma_wait3A_1418 = arith.constant 0 : i32
    %dma_wait3A_1419 = tpu.memref_slice %arg5[%dma_wait3A_1416, %dma_wait3A_1418] : memref<100x128xf32, #tpu.memory_space<vmem>> -> memref<1x128xf32, #tpu.memory_space<vmem>>
    %dma_wait3A_1420 = tpu.memref_squeeze %dma_wait3A_1419 : memref<1x128xf32, #tpu.memory_space<vmem>> -> memref<128xf32, #tpu.memory_space<vmem>>
    %dma_wait3A_1421 = arith.constant 0 : i32
    %dma_wait3A_1422 = tpu.memref_slice %arg6[%dma_wait3A_1417, %dma_wait3A_1421] : memref<100x128xi32, #tpu.memory_space<vmem>> -> memref<1x128xi32, #tpu.memory_space<vmem>>
    %dma_wait3A_1423 = tpu.memref_squeeze %dma_wait3A_1422 : memref<1x128xi32, #tpu.memory_space<vmem>> -> memref<128xi32, #tpu.memory_space<vmem>>
    %dma_wait3A_1424 = arith.constant 0 : i32
    %dma_wait3A_1425 = tpu.memref_slice %arg8[%dma_wait3A_1424] : memref<896xf32, #tpu.memory_space<vmem_shared>> -> memref<896xf32, #tpu.memory_space<vmem_shared>>
    tpu.wait_indirect_dma semaphore(%arg9 : memref<!tpu.dma_semaphore, #tpu.memory_space<semaphore_mem>>) src(%dma_wait3A_1420 : memref<128xf32, #tpu.memory_space<vmem>>) dst(%dma_wait3A_1425 : memref<896xf32, #tpu.memory_space<vmem_shared>>)
    %dma_wait3A_1426 = arith.constant 42 : i32
    %dma_wait3A_1427 = arith.constant 42 : i32
    %dma_wait3A_1428 = arith.constant 0 : i32
    %dma_wait3A_1429 = tpu.memref_slice %arg5[%dma_wait3A_1426, %dma_wait3A_1428] : memref<100x128xf32, #tpu.memory_space<vmem>> -> memref<1x128xf32, #tpu.memory_space<vmem>>
    %dma_wait3A_1430 = tpu.memref_squeeze %dma_wait3A_1429 : memref<1x128xf32, #tpu.memory_space<vmem>> -> memref<128xf32, #tpu.memory_space<vmem>>
    %dma_wait3A_1431 = arith.constant 0 : i32
    %dma_wait3A_1432 = tpu.memref_slice %arg6[%dma_wait3A_1427, %dma_wait3A_1431] : memref<100x128xi32, #tpu.memory_space<vmem>> -> memref<1x128xi32, #tpu.memory_space<vmem>>
    %dma_wait3A_1433 = tpu.memref_squeeze %dma_wait3A_1432 : memref<1x128xi32, #tpu.memory_space<vmem>> -> memref<128xi32, #tpu.memory_space<vmem>>
    %dma_wait3A_1434 = arith.constant 0 : i32
    %dma_wait3A_1435 = tpu.memref_slice %arg8[%dma_wait3A_1434] : memref<896xf32, #tpu.memory_space<vmem_shared>> -> memref<896xf32, #tpu.memory_space<vmem_shared>>
    tpu.wait_indirect_dma semaphore(%arg9 : memref<!tpu.dma_semaphore, #tpu.memory_space<semaphore_mem>>) src(%dma_wait3A_1430 : memref<128xf32, #tpu.memory_space<vmem>>) dst(%dma_wait3A_1435 : memref<896xf32, #tpu.memory_space<vmem_shared>>)
    %dma_wait3A_1436 = arith.constant 43 : i32
    %dma_wait3A_1437 = arith.constant 43 : i32
    %dma_wait3A_1438 = arith.constant 0 : i32
    %dma_wait3A_1439 = tpu.memref_slice %arg5[%dma_wait3A_1436, %dma_wait3A_1438] : memref<100x128xf32, #tpu.memory_space<vmem>> -> memref<1x128xf32, #tpu.memory_space<vmem>>
    %dma_wait3A_1440 = tpu.memref_squeeze %dma_wait3A_1439 : memref<1x128xf32, #tpu.memory_space<vmem>> -> memref<128xf32, #tpu.memory_space<vmem>>
    %dma_wait3A_1441 = arith.constant 0 : i32
    %dma_wait3A_1442 = tpu.memref_slice %arg6[%dma_wait3A_1437, %dma_wait3A_1441] : memref<100x128xi32, #tpu.memory_space<vmem>> -> memref<1x128xi32, #tpu.memory_space<vmem>>
    %dma_wait3A_1443 = tpu.memref_squeeze %dma_wait3A_1442 : memref<1x128xi32, #tpu.memory_space<vmem>> -> memref<128xi32, #tpu.memory_space<vmem>>
    %dma_wait3A_1444 = arith.constant 0 : i32
    %dma_wait3A_1445 = tpu.memref_slice %arg8[%dma_wait3A_1444] : memref<896xf32, #tpu.memory_space<vmem_shared>> -> memref<896xf32, #tpu.memory_space<vmem_shared>>
    tpu.wait_indirect_dma semaphore(%arg9 : memref<!tpu.dma_semaphore, #tpu.memory_space<semaphore_mem>>) src(%dma_wait3A_1440 : memref<128xf32, #tpu.memory_space<vmem>>) dst(%dma_wait3A_1445 : memref<896xf32, #tpu.memory_space<vmem_shared>>)
    %dma_wait3A_1446 = arith.constant 44 : i32
    %dma_wait3A_1447 = arith.constant 44 : i32
    %dma_wait3A_1448 = arith.constant 0 : i32
    %dma_wait3A_1449 = tpu.memref_slice %arg5[%dma_wait3A_1446, %dma_wait3A_1448] : memref<100x128xf32, #tpu.memory_space<vmem>> -> memref<1x128xf32, #tpu.memory_space<vmem>>
    %dma_wait3A_1450 = tpu.memref_squeeze %dma_wait3A_1449 : memref<1x128xf32, #tpu.memory_space<vmem>> -> memref<128xf32, #tpu.memory_space<vmem>>
    %dma_wait3A_1451 = arith.constant 0 : i32
    %dma_wait3A_1452 = tpu.memref_slice %arg6[%dma_wait3A_1447, %dma_wait3A_1451] : memref<100x128xi32, #tpu.memory_space<vmem>> -> memref<1x128xi32, #tpu.memory_space<vmem>>
    %dma_wait3A_1453 = tpu.memref_squeeze %dma_wait3A_1452 : memref<1x128xi32, #tpu.memory_space<vmem>> -> memref<128xi32, #tpu.memory_space<vmem>>
    %dma_wait3A_1454 = arith.constant 0 : i32
    %dma_wait3A_1455 = tpu.memref_slice %arg8[%dma_wait3A_1454] : memref<896xf32, #tpu.memory_space<vmem_shared>> -> memref<896xf32, #tpu.memory_space<vmem_shared>>
    tpu.wait_indirect_dma semaphore(%arg9 : memref<!tpu.dma_semaphore, #tpu.memory_space<semaphore_mem>>) src(%dma_wait3A_1450 : memref<128xf32, #tpu.memory_space<vmem>>) dst(%dma_wait3A_1455 : memref<896xf32, #tpu.memory_space<vmem_shared>>)
    %dma_wait3A_1456 = arith.constant 45 : i32
    %dma_wait3A_1457 = arith.constant 45 : i32
    %dma_wait3A_1458 = arith.constant 0 : i32
    %dma_wait3A_1459 = tpu.memref_slice %arg5[%dma_wait3A_1456, %dma_wait3A_1458] : memref<100x128xf32, #tpu.memory_space<vmem>> -> memref<1x128xf32, #tpu.memory_space<vmem>>
    %dma_wait3A_1460 = tpu.memref_squeeze %dma_wait3A_1459 : memref<1x128xf32, #tpu.memory_space<vmem>> -> memref<128xf32, #tpu.memory_space<vmem>>
    %dma_wait3A_1461 = arith.constant 0 : i32
    %dma_wait3A_1462 = tpu.memref_slice %arg6[%dma_wait3A_1457, %dma_wait3A_1461] : memref<100x128xi32, #tpu.memory_space<vmem>> -> memref<1x128xi32, #tpu.memory_space<vmem>>
    %dma_wait3A_1463 = tpu.memref_squeeze %dma_wait3A_1462 : memref<1x128xi32, #tpu.memory_space<vmem>> -> memref<128xi32, #tpu.memory_space<vmem>>
    %dma_wait3A_1464 = arith.constant 0 : i32
    %dma_wait3A_1465 = tpu.memref_slice %arg8[%dma_wait3A_1464] : memref<896xf32, #tpu.memory_space<vmem_shared>> -> memref<896xf32, #tpu.memory_space<vmem_shared>>
    tpu.wait_indirect_dma semaphore(%arg9 : memref<!tpu.dma_semaphore, #tpu.memory_space<semaphore_mem>>) src(%dma_wait3A_1460 : memref<128xf32, #tpu.memory_space<vmem>>) dst(%dma_wait3A_1465 : memref<896xf32, #tpu.memory_space<vmem_shared>>)
    %dma_wait3A_1466 = arith.constant 46 : i32
    %dma_wait3A_1467 = arith.constant 46 : i32
    %dma_wait3A_1468 = arith.constant 0 : i32
    %dma_wait3A_1469 = tpu.memref_slice %arg5[%dma_wait3A_1466, %dma_wait3A_1468] : memref<100x128xf32, #tpu.memory_space<vmem>> -> memref<1x128xf32, #tpu.memory_space<vmem>>
    %dma_wait3A_1470 = tpu.memref_squeeze %dma_wait3A_1469 : memref<1x128xf32, #tpu.memory_space<vmem>> -> memref<128xf32, #tpu.memory_space<vmem>>
    %dma_wait3A_1471 = arith.constant 0 : i32
    %dma_wait3A_1472 = tpu.memref_slice %arg6[%dma_wait3A_1467, %dma_wait3A_1471] : memref<100x128xi32, #tpu.memory_space<vmem>> -> memref<1x128xi32, #tpu.memory_space<vmem>>
    %dma_wait3A_1473 = tpu.memref_squeeze %dma_wait3A_1472 : memref<1x128xi32, #tpu.memory_space<vmem>> -> memref<128xi32, #tpu.memory_space<vmem>>
    %dma_wait3A_1474 = arith.constant 0 : i32
    %dma_wait3A_1475 = tpu.memref_slice %arg8[%dma_wait3A_1474] : memref<896xf32, #tpu.memory_space<vmem_shared>> -> memref<896xf32, #tpu.memory_space<vmem_shared>>
    tpu.wait_indirect_dma semaphore(%arg9 : memref<!tpu.dma_semaphore, #tpu.memory_space<semaphore_mem>>) src(%dma_wait3A_1470 : memref<128xf32, #tpu.memory_space<vmem>>) dst(%dma_wait3A_1475 : memref<896xf32, #tpu.memory_space<vmem_shared>>)
    %dma_wait3A_1476 = arith.constant 47 : i32
    %dma_wait3A_1477 = arith.constant 47 : i32
    %dma_wait3A_1478 = arith.constant 0 : i32
    %dma_wait3A_1479 = tpu.memref_slice %arg5[%dma_wait3A_1476, %dma_wait3A_1478] : memref<100x128xf32, #tpu.memory_space<vmem>> -> memref<1x128xf32, #tpu.memory_space<vmem>>
    %dma_wait3A_1480 = tpu.memref_squeeze %dma_wait3A_1479 : memref<1x128xf32, #tpu.memory_space<vmem>> -> memref<128xf32, #tpu.memory_space<vmem>>
    %dma_wait3A_1481 = arith.constant 0 : i32
    %dma_wait3A_1482 = tpu.memref_slice %arg6[%dma_wait3A_1477, %dma_wait3A_1481] : memref<100x128xi32, #tpu.memory_space<vmem>> -> memref<1x128xi32, #tpu.memory_space<vmem>>
    %dma_wait3A_1483 = tpu.memref_squeeze %dma_wait3A_1482 : memref<1x128xi32, #tpu.memory_space<vmem>> -> memref<128xi32, #tpu.memory_space<vmem>>
    %dma_wait3A_1484 = arith.constant 0 : i32
    %dma_wait3A_1485 = tpu.memref_slice %arg8[%dma_wait3A_1484] : memref<896xf32, #tpu.memory_space<vmem_shared>> -> memref<896xf32, #tpu.memory_space<vmem_shared>>
    tpu.wait_indirect_dma semaphore(%arg9 : memref<!tpu.dma_semaphore, #tpu.memory_space<semaphore_mem>>) src(%dma_wait3A_1480 : memref<128xf32, #tpu.memory_space<vmem>>) dst(%dma_wait3A_1485 : memref<896xf32, #tpu.memory_space<vmem_shared>>)
    %dma_wait3A_1486 = arith.constant 48 : i32
    %dma_wait3A_1487 = arith.constant 48 : i32
    %dma_wait3A_1488 = arith.constant 0 : i32
    %dma_wait3A_1489 = tpu.memref_slice %arg5[%dma_wait3A_1486, %dma_wait3A_1488] : memref<100x128xf32, #tpu.memory_space<vmem>> -> memref<1x128xf32, #tpu.memory_space<vmem>>
    %dma_wait3A_1490 = tpu.memref_squeeze %dma_wait3A_1489 : memref<1x128xf32, #tpu.memory_space<vmem>> -> memref<128xf32, #tpu.memory_space<vmem>>
    %dma_wait3A_1491 = arith.constant 0 : i32
    %dma_wait3A_1492 = tpu.memref_slice %arg6[%dma_wait3A_1487, %dma_wait3A_1491] : memref<100x128xi32, #tpu.memory_space<vmem>> -> memref<1x128xi32, #tpu.memory_space<vmem>>
    %dma_wait3A_1493 = tpu.memref_squeeze %dma_wait3A_1492 : memref<1x128xi32, #tpu.memory_space<vmem>> -> memref<128xi32, #tpu.memory_space<vmem>>
    %dma_wait3A_1494 = arith.constant 0 : i32
    %dma_wait3A_1495 = tpu.memref_slice %arg8[%dma_wait3A_1494] : memref<896xf32, #tpu.memory_space<vmem_shared>> -> memref<896xf32, #tpu.memory_space<vmem_shared>>
    tpu.wait_indirect_dma semaphore(%arg9 : memref<!tpu.dma_semaphore, #tpu.memory_space<semaphore_mem>>) src(%dma_wait3A_1490 : memref<128xf32, #tpu.memory_space<vmem>>) dst(%dma_wait3A_1495 : memref<896xf32, #tpu.memory_space<vmem_shared>>)
    %dma_wait3A_1496 = arith.constant 49 : i32
    %dma_wait3A_1497 = arith.constant 49 : i32
    %dma_wait3A_1498 = arith.constant 0 : i32
    %dma_wait3A_1499 = tpu.memref_slice %arg5[%dma_wait3A_1496, %dma_wait3A_1498] : memref<100x128xf32, #tpu.memory_space<vmem>> -> memref<1x128xf32, #tpu.memory_space<vmem>>
    %dma_wait3A_1500 = tpu.memref_squeeze %dma_wait3A_1499 : memref<1x128xf32, #tpu.memory_space<vmem>> -> memref<128xf32, #tpu.memory_space<vmem>>
    %dma_wait3A_1501 = arith.constant 0 : i32
    %dma_wait3A_1502 = tpu.memref_slice %arg6[%dma_wait3A_1497, %dma_wait3A_1501] : memref<100x128xi32, #tpu.memory_space<vmem>> -> memref<1x128xi32, #tpu.memory_space<vmem>>
    %dma_wait3A_1503 = tpu.memref_squeeze %dma_wait3A_1502 : memref<1x128xi32, #tpu.memory_space<vmem>> -> memref<128xi32, #tpu.memory_space<vmem>>
    %dma_wait3A_1504 = arith.constant 0 : i32
    %dma_wait3A_1505 = tpu.memref_slice %arg8[%dma_wait3A_1504] : memref<896xf32, #tpu.memory_space<vmem_shared>> -> memref<896xf32, #tpu.memory_space<vmem_shared>>
    tpu.wait_indirect_dma semaphore(%arg9 : memref<!tpu.dma_semaphore, #tpu.memory_space<semaphore_mem>>) src(%dma_wait3A_1500 : memref<128xf32, #tpu.memory_space<vmem>>) dst(%dma_wait3A_1505 : memref<896xf32, #tpu.memory_space<vmem_shared>>)
    %dma_wait3A_1506 = arith.constant 50 : i32
    %dma_wait3A_1507 = arith.constant 50 : i32
    %dma_wait3A_1508 = arith.constant 0 : i32
    %dma_wait3A_1509 = tpu.memref_slice %arg5[%dma_wait3A_1506, %dma_wait3A_1508] : memref<100x128xf32, #tpu.memory_space<vmem>> -> memref<1x128xf32, #tpu.memory_space<vmem>>
    %dma_wait3A_1510 = tpu.memref_squeeze %dma_wait3A_1509 : memref<1x128xf32, #tpu.memory_space<vmem>> -> memref<128xf32, #tpu.memory_space<vmem>>
    %dma_wait3A_1511 = arith.constant 0 : i32
    %dma_wait3A_1512 = tpu.memref_slice %arg6[%dma_wait3A_1507, %dma_wait3A_1511] : memref<100x128xi32, #tpu.memory_space<vmem>> -> memref<1x128xi32, #tpu.memory_space<vmem>>
    %dma_wait3A_1513 = tpu.memref_squeeze %dma_wait3A_1512 : memref<1x128xi32, #tpu.memory_space<vmem>> -> memref<128xi32, #tpu.memory_space<vmem>>
    %dma_wait3A_1514 = arith.constant 0 : i32
    %dma_wait3A_1515 = tpu.memref_slice %arg8[%dma_wait3A_1514] : memref<896xf32, #tpu.memory_space<vmem_shared>> -> memref<896xf32, #tpu.memory_space<vmem_shared>>
    tpu.wait_indirect_dma semaphore(%arg9 : memref<!tpu.dma_semaphore, #tpu.memory_space<semaphore_mem>>) src(%dma_wait3A_1510 : memref<128xf32, #tpu.memory_space<vmem>>) dst(%dma_wait3A_1515 : memref<896xf32, #tpu.memory_space<vmem_shared>>)
    %dma_wait3A_1516 = arith.constant 51 : i32
    %dma_wait3A_1517 = arith.constant 51 : i32
    %dma_wait3A_1518 = arith.constant 0 : i32
    %dma_wait3A_1519 = tpu.memref_slice %arg5[%dma_wait3A_1516, %dma_wait3A_1518] : memref<100x128xf32, #tpu.memory_space<vmem>> -> memref<1x128xf32, #tpu.memory_space<vmem>>
    %dma_wait3A_1520 = tpu.memref_squeeze %dma_wait3A_1519 : memref<1x128xf32, #tpu.memory_space<vmem>> -> memref<128xf32, #tpu.memory_space<vmem>>
    %dma_wait3A_1521 = arith.constant 0 : i32
    %dma_wait3A_1522 = tpu.memref_slice %arg6[%dma_wait3A_1517, %dma_wait3A_1521] : memref<100x128xi32, #tpu.memory_space<vmem>> -> memref<1x128xi32, #tpu.memory_space<vmem>>
    %dma_wait3A_1523 = tpu.memref_squeeze %dma_wait3A_1522 : memref<1x128xi32, #tpu.memory_space<vmem>> -> memref<128xi32, #tpu.memory_space<vmem>>
    %dma_wait3A_1524 = arith.constant 0 : i32
    %dma_wait3A_1525 = tpu.memref_slice %arg8[%dma_wait3A_1524] : memref<896xf32, #tpu.memory_space<vmem_shared>> -> memref<896xf32, #tpu.memory_space<vmem_shared>>
    tpu.wait_indirect_dma semaphore(%arg9 : memref<!tpu.dma_semaphore, #tpu.memory_space<semaphore_mem>>) src(%dma_wait3A_1520 : memref<128xf32, #tpu.memory_space<vmem>>) dst(%dma_wait3A_1525 : memref<896xf32, #tpu.memory_space<vmem_shared>>)
    %dma_wait3A_1526 = arith.constant 52 : i32
    %dma_wait3A_1527 = arith.constant 52 : i32
    %dma_wait3A_1528 = arith.constant 0 : i32
    %dma_wait3A_1529 = tpu.memref_slice %arg5[%dma_wait3A_1526, %dma_wait3A_1528] : memref<100x128xf32, #tpu.memory_space<vmem>> -> memref<1x128xf32, #tpu.memory_space<vmem>>
    %dma_wait3A_1530 = tpu.memref_squeeze %dma_wait3A_1529 : memref<1x128xf32, #tpu.memory_space<vmem>> -> memref<128xf32, #tpu.memory_space<vmem>>
    %dma_wait3A_1531 = arith.constant 0 : i32
    %dma_wait3A_1532 = tpu.memref_slice %arg6[%dma_wait3A_1527, %dma_wait3A_1531] : memref<100x128xi32, #tpu.memory_space<vmem>> -> memref<1x128xi32, #tpu.memory_space<vmem>>
    %dma_wait3A_1533 = tpu.memref_squeeze %dma_wait3A_1532 : memref<1x128xi32, #tpu.memory_space<vmem>> -> memref<128xi32, #tpu.memory_space<vmem>>
    %dma_wait3A_1534 = arith.constant 0 : i32
    %dma_wait3A_1535 = tpu.memref_slice %arg8[%dma_wait3A_1534] : memref<896xf32, #tpu.memory_space<vmem_shared>> -> memref<896xf32, #tpu.memory_space<vmem_shared>>
    tpu.wait_indirect_dma semaphore(%arg9 : memref<!tpu.dma_semaphore, #tpu.memory_space<semaphore_mem>>) src(%dma_wait3A_1530 : memref<128xf32, #tpu.memory_space<vmem>>) dst(%dma_wait3A_1535 : memref<896xf32, #tpu.memory_space<vmem_shared>>)
    %dma_wait3A_1536 = arith.constant 53 : i32
    %dma_wait3A_1537 = arith.constant 53 : i32
    %dma_wait3A_1538 = arith.constant 0 : i32
    %dma_wait3A_1539 = tpu.memref_slice %arg5[%dma_wait3A_1536, %dma_wait3A_1538] : memref<100x128xf32, #tpu.memory_space<vmem>> -> memref<1x128xf32, #tpu.memory_space<vmem>>
    %dma_wait3A_1540 = tpu.memref_squeeze %dma_wait3A_1539 : memref<1x128xf32, #tpu.memory_space<vmem>> -> memref<128xf32, #tpu.memory_space<vmem>>
    %dma_wait3A_1541 = arith.constant 0 : i32
    %dma_wait3A_1542 = tpu.memref_slice %arg6[%dma_wait3A_1537, %dma_wait3A_1541] : memref<100x128xi32, #tpu.memory_space<vmem>> -> memref<1x128xi32, #tpu.memory_space<vmem>>
    %dma_wait3A_1543 = tpu.memref_squeeze %dma_wait3A_1542 : memref<1x128xi32, #tpu.memory_space<vmem>> -> memref<128xi32, #tpu.memory_space<vmem>>
    %dma_wait3A_1544 = arith.constant 0 : i32
    %dma_wait3A_1545 = tpu.memref_slice %arg8[%dma_wait3A_1544] : memref<896xf32, #tpu.memory_space<vmem_shared>> -> memref<896xf32, #tpu.memory_space<vmem_shared>>
    tpu.wait_indirect_dma semaphore(%arg9 : memref<!tpu.dma_semaphore, #tpu.memory_space<semaphore_mem>>) src(%dma_wait3A_1540 : memref<128xf32, #tpu.memory_space<vmem>>) dst(%dma_wait3A_1545 : memref<896xf32, #tpu.memory_space<vmem_shared>>)
    %dma_wait3A_1546 = arith.constant 54 : i32
    %dma_wait3A_1547 = arith.constant 54 : i32
    %dma_wait3A_1548 = arith.constant 0 : i32
    %dma_wait3A_1549 = tpu.memref_slice %arg5[%dma_wait3A_1546, %dma_wait3A_1548] : memref<100x128xf32, #tpu.memory_space<vmem>> -> memref<1x128xf32, #tpu.memory_space<vmem>>
    %dma_wait3A_1550 = tpu.memref_squeeze %dma_wait3A_1549 : memref<1x128xf32, #tpu.memory_space<vmem>> -> memref<128xf32, #tpu.memory_space<vmem>>
    %dma_wait3A_1551 = arith.constant 0 : i32
    %dma_wait3A_1552 = tpu.memref_slice %arg6[%dma_wait3A_1547, %dma_wait3A_1551] : memref<100x128xi32, #tpu.memory_space<vmem>> -> memref<1x128xi32, #tpu.memory_space<vmem>>
    %dma_wait3A_1553 = tpu.memref_squeeze %dma_wait3A_1552 : memref<1x128xi32, #tpu.memory_space<vmem>> -> memref<128xi32, #tpu.memory_space<vmem>>
    %dma_wait3A_1554 = arith.constant 0 : i32
    %dma_wait3A_1555 = tpu.memref_slice %arg8[%dma_wait3A_1554] : memref<896xf32, #tpu.memory_space<vmem_shared>> -> memref<896xf32, #tpu.memory_space<vmem_shared>>
    tpu.wait_indirect_dma semaphore(%arg9 : memref<!tpu.dma_semaphore, #tpu.memory_space<semaphore_mem>>) src(%dma_wait3A_1550 : memref<128xf32, #tpu.memory_space<vmem>>) dst(%dma_wait3A_1555 : memref<896xf32, #tpu.memory_space<vmem_shared>>)
    %dma_wait3A_1556 = arith.constant 55 : i32
    %dma_wait3A_1557 = arith.constant 55 : i32
    %dma_wait3A_1558 = arith.constant 0 : i32
    %dma_wait3A_1559 = tpu.memref_slice %arg5[%dma_wait3A_1556, %dma_wait3A_1558] : memref<100x128xf32, #tpu.memory_space<vmem>> -> memref<1x128xf32, #tpu.memory_space<vmem>>
    %dma_wait3A_1560 = tpu.memref_squeeze %dma_wait3A_1559 : memref<1x128xf32, #tpu.memory_space<vmem>> -> memref<128xf32, #tpu.memory_space<vmem>>
    %dma_wait3A_1561 = arith.constant 0 : i32
    %dma_wait3A_1562 = tpu.memref_slice %arg6[%dma_wait3A_1557, %dma_wait3A_1561] : memref<100x128xi32, #tpu.memory_space<vmem>> -> memref<1x128xi32, #tpu.memory_space<vmem>>
    %dma_wait3A_1563 = tpu.memref_squeeze %dma_wait3A_1562 : memref<1x128xi32, #tpu.memory_space<vmem>> -> memref<128xi32, #tpu.memory_space<vmem>>
    %dma_wait3A_1564 = arith.constant 0 : i32
    %dma_wait3A_1565 = tpu.memref_slice %arg8[%dma_wait3A_1564] : memref<896xf32, #tpu.memory_space<vmem_shared>> -> memref<896xf32, #tpu.memory_space<vmem_shared>>
    tpu.wait_indirect_dma semaphore(%arg9 : memref<!tpu.dma_semaphore, #tpu.memory_space<semaphore_mem>>) src(%dma_wait3A_1560 : memref<128xf32, #tpu.memory_space<vmem>>) dst(%dma_wait3A_1565 : memref<896xf32, #tpu.memory_space<vmem_shared>>)
    %dma_wait3A_1566 = arith.constant 56 : i32
    %dma_wait3A_1567 = arith.constant 56 : i32
    %dma_wait3A_1568 = arith.constant 0 : i32
    %dma_wait3A_1569 = tpu.memref_slice %arg5[%dma_wait3A_1566, %dma_wait3A_1568] : memref<100x128xf32, #tpu.memory_space<vmem>> -> memref<1x128xf32, #tpu.memory_space<vmem>>
    %dma_wait3A_1570 = tpu.memref_squeeze %dma_wait3A_1569 : memref<1x128xf32, #tpu.memory_space<vmem>> -> memref<128xf32, #tpu.memory_space<vmem>>
    %dma_wait3A_1571 = arith.constant 0 : i32
    %dma_wait3A_1572 = tpu.memref_slice %arg6[%dma_wait3A_1567, %dma_wait3A_1571] : memref<100x128xi32, #tpu.memory_space<vmem>> -> memref<1x128xi32, #tpu.memory_space<vmem>>
    %dma_wait3A_1573 = tpu.memref_squeeze %dma_wait3A_1572 : memref<1x128xi32, #tpu.memory_space<vmem>> -> memref<128xi32, #tpu.memory_space<vmem>>
    %dma_wait3A_1574 = arith.constant 0 : i32
    %dma_wait3A_1575 = tpu.memref_slice %arg8[%dma_wait3A_1574] : memref<896xf32, #tpu.memory_space<vmem_shared>> -> memref<896xf32, #tpu.memory_space<vmem_shared>>
    tpu.wait_indirect_dma semaphore(%arg9 : memref<!tpu.dma_semaphore, #tpu.memory_space<semaphore_mem>>) src(%dma_wait3A_1570 : memref<128xf32, #tpu.memory_space<vmem>>) dst(%dma_wait3A_1575 : memref<896xf32, #tpu.memory_space<vmem_shared>>)
    %dma_wait3A_1576 = arith.constant 57 : i32
    %dma_wait3A_1577 = arith.constant 57 : i32
    %dma_wait3A_1578 = arith.constant 0 : i32
    %dma_wait3A_1579 = tpu.memref_slice %arg5[%dma_wait3A_1576, %dma_wait3A_1578] : memref<100x128xf32, #tpu.memory_space<vmem>> -> memref<1x128xf32, #tpu.memory_space<vmem>>
    %dma_wait3A_1580 = tpu.memref_squeeze %dma_wait3A_1579 : memref<1x128xf32, #tpu.memory_space<vmem>> -> memref<128xf32, #tpu.memory_space<vmem>>
    %dma_wait3A_1581 = arith.constant 0 : i32
    %dma_wait3A_1582 = tpu.memref_slice %arg6[%dma_wait3A_1577, %dma_wait3A_1581] : memref<100x128xi32, #tpu.memory_space<vmem>> -> memref<1x128xi32, #tpu.memory_space<vmem>>
    %dma_wait3A_1583 = tpu.memref_squeeze %dma_wait3A_1582 : memref<1x128xi32, #tpu.memory_space<vmem>> -> memref<128xi32, #tpu.memory_space<vmem>>
    %dma_wait3A_1584 = arith.constant 0 : i32
    %dma_wait3A_1585 = tpu.memref_slice %arg8[%dma_wait3A_1584] : memref<896xf32, #tpu.memory_space<vmem_shared>> -> memref<896xf32, #tpu.memory_space<vmem_shared>>
    tpu.wait_indirect_dma semaphore(%arg9 : memref<!tpu.dma_semaphore, #tpu.memory_space<semaphore_mem>>) src(%dma_wait3A_1580 : memref<128xf32, #tpu.memory_space<vmem>>) dst(%dma_wait3A_1585 : memref<896xf32, #tpu.memory_space<vmem_shared>>)
    %dma_wait3A_1586 = arith.constant 58 : i32
    %dma_wait3A_1587 = arith.constant 58 : i32
    %dma_wait3A_1588 = arith.constant 0 : i32
    %dma_wait3A_1589 = tpu.memref_slice %arg5[%dma_wait3A_1586, %dma_wait3A_1588] : memref<100x128xf32, #tpu.memory_space<vmem>> -> memref<1x128xf32, #tpu.memory_space<vmem>>
    %dma_wait3A_1590 = tpu.memref_squeeze %dma_wait3A_1589 : memref<1x128xf32, #tpu.memory_space<vmem>> -> memref<128xf32, #tpu.memory_space<vmem>>
    %dma_wait3A_1591 = arith.constant 0 : i32
    %dma_wait3A_1592 = tpu.memref_slice %arg6[%dma_wait3A_1587, %dma_wait3A_1591] : memref<100x128xi32, #tpu.memory_space<vmem>> -> memref<1x128xi32, #tpu.memory_space<vmem>>
    %dma_wait3A_1593 = tpu.memref_squeeze %dma_wait3A_1592 : memref<1x128xi32, #tpu.memory_space<vmem>> -> memref<128xi32, #tpu.memory_space<vmem>>
    %dma_wait3A_1594 = arith.constant 0 : i32
    %dma_wait3A_1595 = tpu.memref_slice %arg8[%dma_wait3A_1594] : memref<896xf32, #tpu.memory_space<vmem_shared>> -> memref<896xf32, #tpu.memory_space<vmem_shared>>
    tpu.wait_indirect_dma semaphore(%arg9 : memref<!tpu.dma_semaphore, #tpu.memory_space<semaphore_mem>>) src(%dma_wait3A_1590 : memref<128xf32, #tpu.memory_space<vmem>>) dst(%dma_wait3A_1595 : memref<896xf32, #tpu.memory_space<vmem_shared>>)
    %dma_wait3A_1596 = arith.constant 59 : i32
    %dma_wait3A_1597 = arith.constant 59 : i32
    %dma_wait3A_1598 = arith.constant 0 : i32
    %dma_wait3A_1599 = tpu.memref_slice %arg5[%dma_wait3A_1596, %dma_wait3A_1598] : memref<100x128xf32, #tpu.memory_space<vmem>> -> memref<1x128xf32, #tpu.memory_space<vmem>>
    %dma_wait3A_1600 = tpu.memref_squeeze %dma_wait3A_1599 : memref<1x128xf32, #tpu.memory_space<vmem>> -> memref<128xf32, #tpu.memory_space<vmem>>
    %dma_wait3A_1601 = arith.constant 0 : i32
    %dma_wait3A_1602 = tpu.memref_slice %arg6[%dma_wait3A_1597, %dma_wait3A_1601] : memref<100x128xi32, #tpu.memory_space<vmem>> -> memref<1x128xi32, #tpu.memory_space<vmem>>
    %dma_wait3A_1603 = tpu.memref_squeeze %dma_wait3A_1602 : memref<1x128xi32, #tpu.memory_space<vmem>> -> memref<128xi32, #tpu.memory_space<vmem>>
    %dma_wait3A_1604 = arith.constant 0 : i32
    %dma_wait3A_1605 = tpu.memref_slice %arg8[%dma_wait3A_1604] : memref<896xf32, #tpu.memory_space<vmem_shared>> -> memref<896xf32, #tpu.memory_space<vmem_shared>>
    tpu.wait_indirect_dma semaphore(%arg9 : memref<!tpu.dma_semaphore, #tpu.memory_space<semaphore_mem>>) src(%dma_wait3A_1600 : memref<128xf32, #tpu.memory_space<vmem>>) dst(%dma_wait3A_1605 : memref<896xf32, #tpu.memory_space<vmem_shared>>)
    %dma_wait3A_1606 = arith.constant 60 : i32
    %dma_wait3A_1607 = arith.constant 60 : i32
    %dma_wait3A_1608 = arith.constant 0 : i32
    %dma_wait3A_1609 = tpu.memref_slice %arg5[%dma_wait3A_1606, %dma_wait3A_1608] : memref<100x128xf32, #tpu.memory_space<vmem>> -> memref<1x128xf32, #tpu.memory_space<vmem>>
    %dma_wait3A_1610 = tpu.memref_squeeze %dma_wait3A_1609 : memref<1x128xf32, #tpu.memory_space<vmem>> -> memref<128xf32, #tpu.memory_space<vmem>>
    %dma_wait3A_1611 = arith.constant 0 : i32
    %dma_wait3A_1612 = tpu.memref_slice %arg6[%dma_wait3A_1607, %dma_wait3A_1611] : memref<100x128xi32, #tpu.memory_space<vmem>> -> memref<1x128xi32, #tpu.memory_space<vmem>>
    %dma_wait3A_1613 = tpu.memref_squeeze %dma_wait3A_1612 : memref<1x128xi32, #tpu.memory_space<vmem>> -> memref<128xi32, #tpu.memory_space<vmem>>
    %dma_wait3A_1614 = arith.constant 0 : i32
    %dma_wait3A_1615 = tpu.memref_slice %arg8[%dma_wait3A_1614] : memref<896xf32, #tpu.memory_space<vmem_shared>> -> memref<896xf32, #tpu.memory_space<vmem_shared>>
    tpu.wait_indirect_dma semaphore(%arg9 : memref<!tpu.dma_semaphore, #tpu.memory_space<semaphore_mem>>) src(%dma_wait3A_1610 : memref<128xf32, #tpu.memory_space<vmem>>) dst(%dma_wait3A_1615 : memref<896xf32, #tpu.memory_space<vmem_shared>>)
    %dma_wait3A_1616 = arith.constant 61 : i32
    %dma_wait3A_1617 = arith.constant 61 : i32
    %dma_wait3A_1618 = arith.constant 0 : i32
    %dma_wait3A_1619 = tpu.memref_slice %arg5[%dma_wait3A_1616, %dma_wait3A_1618] : memref<100x128xf32, #tpu.memory_space<vmem>> -> memref<1x128xf32, #tpu.memory_space<vmem>>
    %dma_wait3A_1620 = tpu.memref_squeeze %dma_wait3A_1619 : memref<1x128xf32, #tpu.memory_space<vmem>> -> memref<128xf32, #tpu.memory_space<vmem>>
    %dma_wait3A_1621 = arith.constant 0 : i32
    %dma_wait3A_1622 = tpu.memref_slice %arg6[%dma_wait3A_1617, %dma_wait3A_1621] : memref<100x128xi32, #tpu.memory_space<vmem>> -> memref<1x128xi32, #tpu.memory_space<vmem>>
    %dma_wait3A_1623 = tpu.memref_squeeze %dma_wait3A_1622 : memref<1x128xi32, #tpu.memory_space<vmem>> -> memref<128xi32, #tpu.memory_space<vmem>>
    %dma_wait3A_1624 = arith.constant 0 : i32
    %dma_wait3A_1625 = tpu.memref_slice %arg8[%dma_wait3A_1624] : memref<896xf32, #tpu.memory_space<vmem_shared>> -> memref<896xf32, #tpu.memory_space<vmem_shared>>
    tpu.wait_indirect_dma semaphore(%arg9 : memref<!tpu.dma_semaphore, #tpu.memory_space<semaphore_mem>>) src(%dma_wait3A_1620 : memref<128xf32, #tpu.memory_space<vmem>>) dst(%dma_wait3A_1625 : memref<896xf32, #tpu.memory_space<vmem_shared>>)
    %dma_wait3A_1626 = arith.constant 62 : i32
    %dma_wait3A_1627 = arith.constant 62 : i32
    %dma_wait3A_1628 = arith.constant 0 : i32
    %dma_wait3A_1629 = tpu.memref_slice %arg5[%dma_wait3A_1626, %dma_wait3A_1628] : memref<100x128xf32, #tpu.memory_space<vmem>> -> memref<1x128xf32, #tpu.memory_space<vmem>>
    %dma_wait3A_1630 = tpu.memref_squeeze %dma_wait3A_1629 : memref<1x128xf32, #tpu.memory_space<vmem>> -> memref<128xf32, #tpu.memory_space<vmem>>
    %dma_wait3A_1631 = arith.constant 0 : i32
    %dma_wait3A_1632 = tpu.memref_slice %arg6[%dma_wait3A_1627, %dma_wait3A_1631] : memref<100x128xi32, #tpu.memory_space<vmem>> -> memref<1x128xi32, #tpu.memory_space<vmem>>
    %dma_wait3A_1633 = tpu.memref_squeeze %dma_wait3A_1632 : memref<1x128xi32, #tpu.memory_space<vmem>> -> memref<128xi32, #tpu.memory_space<vmem>>
    %dma_wait3A_1634 = arith.constant 0 : i32
    %dma_wait3A_1635 = tpu.memref_slice %arg8[%dma_wait3A_1634] : memref<896xf32, #tpu.memory_space<vmem_shared>> -> memref<896xf32, #tpu.memory_space<vmem_shared>>
    tpu.wait_indirect_dma semaphore(%arg9 : memref<!tpu.dma_semaphore, #tpu.memory_space<semaphore_mem>>) src(%dma_wait3A_1630 : memref<128xf32, #tpu.memory_space<vmem>>) dst(%dma_wait3A_1635 : memref<896xf32, #tpu.memory_space<vmem_shared>>)
    %dma_wait3A_1636 = arith.constant 63 : i32
    %dma_wait3A_1637 = arith.constant 63 : i32
    %dma_wait3A_1638 = arith.constant 0 : i32
    %dma_wait3A_1639 = tpu.memref_slice %arg5[%dma_wait3A_1636, %dma_wait3A_1638] : memref<100x128xf32, #tpu.memory_space<vmem>> -> memref<1x128xf32, #tpu.memory_space<vmem>>
    %dma_wait3A_1640 = tpu.memref_squeeze %dma_wait3A_1639 : memref<1x128xf32, #tpu.memory_space<vmem>> -> memref<128xf32, #tpu.memory_space<vmem>>
    %dma_wait3A_1641 = arith.constant 0 : i32
    %dma_wait3A_1642 = tpu.memref_slice %arg6[%dma_wait3A_1637, %dma_wait3A_1641] : memref<100x128xi32, #tpu.memory_space<vmem>> -> memref<1x128xi32, #tpu.memory_space<vmem>>
    %dma_wait3A_1643 = tpu.memref_squeeze %dma_wait3A_1642 : memref<1x128xi32, #tpu.memory_space<vmem>> -> memref<128xi32, #tpu.memory_space<vmem>>
    %dma_wait3A_1644 = arith.constant 0 : i32
    %dma_wait3A_1645 = tpu.memref_slice %arg8[%dma_wait3A_1644] : memref<896xf32, #tpu.memory_space<vmem_shared>> -> memref<896xf32, #tpu.memory_space<vmem_shared>>
    tpu.wait_indirect_dma semaphore(%arg9 : memref<!tpu.dma_semaphore, #tpu.memory_space<semaphore_mem>>) src(%dma_wait3A_1640 : memref<128xf32, #tpu.memory_space<vmem>>) dst(%dma_wait3A_1645 : memref<896xf32, #tpu.memory_space<vmem_shared>>)
    %dma_wait3A_1646 = arith.constant 64 : i32
    %dma_wait3A_1647 = arith.constant 64 : i32
    %dma_wait3A_1648 = arith.constant 0 : i32
    %dma_wait3A_1649 = tpu.memref_slice %arg5[%dma_wait3A_1646, %dma_wait3A_1648] : memref<100x128xf32, #tpu.memory_space<vmem>> -> memref<1x128xf32, #tpu.memory_space<vmem>>
    %dma_wait3A_1650 = tpu.memref_squeeze %dma_wait3A_1649 : memref<1x128xf32, #tpu.memory_space<vmem>> -> memref<128xf32, #tpu.memory_space<vmem>>
    %dma_wait3A_1651 = arith.constant 0 : i32
    %dma_wait3A_1652 = tpu.memref_slice %arg6[%dma_wait3A_1647, %dma_wait3A_1651] : memref<100x128xi32, #tpu.memory_space<vmem>> -> memref<1x128xi32, #tpu.memory_space<vmem>>
    %dma_wait3A_1653 = tpu.memref_squeeze %dma_wait3A_1652 : memref<1x128xi32, #tpu.memory_space<vmem>> -> memref<128xi32, #tpu.memory_space<vmem>>
    %dma_wait3A_1654 = arith.constant 0 : i32
    %dma_wait3A_1655 = tpu.memref_slice %arg8[%dma_wait3A_1654] : memref<896xf32, #tpu.memory_space<vmem_shared>> -> memref<896xf32, #tpu.memory_space<vmem_shared>>
    tpu.wait_indirect_dma semaphore(%arg9 : memref<!tpu.dma_semaphore, #tpu.memory_space<semaphore_mem>>) src(%dma_wait3A_1650 : memref<128xf32, #tpu.memory_space<vmem>>) dst(%dma_wait3A_1655 : memref<896xf32, #tpu.memory_space<vmem_shared>>)
    %dma_wait3A_1656 = arith.constant 65 : i32
    %dma_wait3A_1657 = arith.constant 65 : i32
    %dma_wait3A_1658 = arith.constant 0 : i32
    %dma_wait3A_1659 = tpu.memref_slice %arg5[%dma_wait3A_1656, %dma_wait3A_1658] : memref<100x128xf32, #tpu.memory_space<vmem>> -> memref<1x128xf32, #tpu.memory_space<vmem>>
    %dma_wait3A_1660 = tpu.memref_squeeze %dma_wait3A_1659 : memref<1x128xf32, #tpu.memory_space<vmem>> -> memref<128xf32, #tpu.memory_space<vmem>>
    %dma_wait3A_1661 = arith.constant 0 : i32
    %dma_wait3A_1662 = tpu.memref_slice %arg6[%dma_wait3A_1657, %dma_wait3A_1661] : memref<100x128xi32, #tpu.memory_space<vmem>> -> memref<1x128xi32, #tpu.memory_space<vmem>>
    %dma_wait3A_1663 = tpu.memref_squeeze %dma_wait3A_1662 : memref<1x128xi32, #tpu.memory_space<vmem>> -> memref<128xi32, #tpu.memory_space<vmem>>
    %dma_wait3A_1664 = arith.constant 0 : i32
    %dma_wait3A_1665 = tpu.memref_slice %arg8[%dma_wait3A_1664] : memref<896xf32, #tpu.memory_space<vmem_shared>> -> memref<896xf32, #tpu.memory_space<vmem_shared>>
    tpu.wait_indirect_dma semaphore(%arg9 : memref<!tpu.dma_semaphore, #tpu.memory_space<semaphore_mem>>) src(%dma_wait3A_1660 : memref<128xf32, #tpu.memory_space<vmem>>) dst(%dma_wait3A_1665 : memref<896xf32, #tpu.memory_space<vmem_shared>>)
    %dma_wait3A_1666 = arith.constant 66 : i32
    %dma_wait3A_1667 = arith.constant 66 : i32
    %dma_wait3A_1668 = arith.constant 0 : i32
    %dma_wait3A_1669 = tpu.memref_slice %arg5[%dma_wait3A_1666, %dma_wait3A_1668] : memref<100x128xf32, #tpu.memory_space<vmem>> -> memref<1x128xf32, #tpu.memory_space<vmem>>
    %dma_wait3A_1670 = tpu.memref_squeeze %dma_wait3A_1669 : memref<1x128xf32, #tpu.memory_space<vmem>> -> memref<128xf32, #tpu.memory_space<vmem>>
    %dma_wait3A_1671 = arith.constant 0 : i32
    %dma_wait3A_1672 = tpu.memref_slice %arg6[%dma_wait3A_1667, %dma_wait3A_1671] : memref<100x128xi32, #tpu.memory_space<vmem>> -> memref<1x128xi32, #tpu.memory_space<vmem>>
    %dma_wait3A_1673 = tpu.memref_squeeze %dma_wait3A_1672 : memref<1x128xi32, #tpu.memory_space<vmem>> -> memref<128xi32, #tpu.memory_space<vmem>>
    %dma_wait3A_1674 = arith.constant 0 : i32
    %dma_wait3A_1675 = tpu.memref_slice %arg8[%dma_wait3A_1674] : memref<896xf32, #tpu.memory_space<vmem_shared>> -> memref<896xf32, #tpu.memory_space<vmem_shared>>
    tpu.wait_indirect_dma semaphore(%arg9 : memref<!tpu.dma_semaphore, #tpu.memory_space<semaphore_mem>>) src(%dma_wait3A_1670 : memref<128xf32, #tpu.memory_space<vmem>>) dst(%dma_wait3A_1675 : memref<896xf32, #tpu.memory_space<vmem_shared>>)
    %dma_wait3A_1676 = arith.constant 67 : i32
    %dma_wait3A_1677 = arith.constant 67 : i32
    %dma_wait3A_1678 = arith.constant 0 : i32
    %dma_wait3A_1679 = tpu.memref_slice %arg5[%dma_wait3A_1676, %dma_wait3A_1678] : memref<100x128xf32, #tpu.memory_space<vmem>> -> memref<1x128xf32, #tpu.memory_space<vmem>>
    %dma_wait3A_1680 = tpu.memref_squeeze %dma_wait3A_1679 : memref<1x128xf32, #tpu.memory_space<vmem>> -> memref<128xf32, #tpu.memory_space<vmem>>
    %dma_wait3A_1681 = arith.constant 0 : i32
    %dma_wait3A_1682 = tpu.memref_slice %arg6[%dma_wait3A_1677, %dma_wait3A_1681] : memref<100x128xi32, #tpu.memory_space<vmem>> -> memref<1x128xi32, #tpu.memory_space<vmem>>
    %dma_wait3A_1683 = tpu.memref_squeeze %dma_wait3A_1682 : memref<1x128xi32, #tpu.memory_space<vmem>> -> memref<128xi32, #tpu.memory_space<vmem>>
    %dma_wait3A_1684 = arith.constant 0 : i32
    %dma_wait3A_1685 = tpu.memref_slice %arg8[%dma_wait3A_1684] : memref<896xf32, #tpu.memory_space<vmem_shared>> -> memref<896xf32, #tpu.memory_space<vmem_shared>>
    tpu.wait_indirect_dma semaphore(%arg9 : memref<!tpu.dma_semaphore, #tpu.memory_space<semaphore_mem>>) src(%dma_wait3A_1680 : memref<128xf32, #tpu.memory_space<vmem>>) dst(%dma_wait3A_1685 : memref<896xf32, #tpu.memory_space<vmem_shared>>)
    %dma_wait3A_1686 = arith.constant 68 : i32
    %dma_wait3A_1687 = arith.constant 68 : i32
    %dma_wait3A_1688 = arith.constant 0 : i32
    %dma_wait3A_1689 = tpu.memref_slice %arg5[%dma_wait3A_1686, %dma_wait3A_1688] : memref<100x128xf32, #tpu.memory_space<vmem>> -> memref<1x128xf32, #tpu.memory_space<vmem>>
    %dma_wait3A_1690 = tpu.memref_squeeze %dma_wait3A_1689 : memref<1x128xf32, #tpu.memory_space<vmem>> -> memref<128xf32, #tpu.memory_space<vmem>>
    %dma_wait3A_1691 = arith.constant 0 : i32
    %dma_wait3A_1692 = tpu.memref_slice %arg6[%dma_wait3A_1687, %dma_wait3A_1691] : memref<100x128xi32, #tpu.memory_space<vmem>> -> memref<1x128xi32, #tpu.memory_space<vmem>>
    %dma_wait3A_1693 = tpu.memref_squeeze %dma_wait3A_1692 : memref<1x128xi32, #tpu.memory_space<vmem>> -> memref<128xi32, #tpu.memory_space<vmem>>
    %dma_wait3A_1694 = arith.constant 0 : i32
    %dma_wait3A_1695 = tpu.memref_slice %arg8[%dma_wait3A_1694] : memref<896xf32, #tpu.memory_space<vmem_shared>> -> memref<896xf32, #tpu.memory_space<vmem_shared>>
    tpu.wait_indirect_dma semaphore(%arg9 : memref<!tpu.dma_semaphore, #tpu.memory_space<semaphore_mem>>) src(%dma_wait3A_1690 : memref<128xf32, #tpu.memory_space<vmem>>) dst(%dma_wait3A_1695 : memref<896xf32, #tpu.memory_space<vmem_shared>>)
    %dma_wait3A_1696 = arith.constant 69 : i32
    %dma_wait3A_1697 = arith.constant 69 : i32
    %dma_wait3A_1698 = arith.constant 0 : i32
    %dma_wait3A_1699 = tpu.memref_slice %arg5[%dma_wait3A_1696, %dma_wait3A_1698] : memref<100x128xf32, #tpu.memory_space<vmem>> -> memref<1x128xf32, #tpu.memory_space<vmem>>
    %dma_wait3A_1700 = tpu.memref_squeeze %dma_wait3A_1699 : memref<1x128xf32, #tpu.memory_space<vmem>> -> memref<128xf32, #tpu.memory_space<vmem>>
    %dma_wait3A_1701 = arith.constant 0 : i32
    %dma_wait3A_1702 = tpu.memref_slice %arg6[%dma_wait3A_1697, %dma_wait3A_1701] : memref<100x128xi32, #tpu.memory_space<vmem>> -> memref<1x128xi32, #tpu.memory_space<vmem>>
    %dma_wait3A_1703 = tpu.memref_squeeze %dma_wait3A_1702 : memref<1x128xi32, #tpu.memory_space<vmem>> -> memref<128xi32, #tpu.memory_space<vmem>>
    %dma_wait3A_1704 = arith.constant 0 : i32
    %dma_wait3A_1705 = tpu.memref_slice %arg8[%dma_wait3A_1704] : memref<896xf32, #tpu.memory_space<vmem_shared>> -> memref<896xf32, #tpu.memory_space<vmem_shared>>
    tpu.wait_indirect_dma semaphore(%arg9 : memref<!tpu.dma_semaphore, #tpu.memory_space<semaphore_mem>>) src(%dma_wait3A_1700 : memref<128xf32, #tpu.memory_space<vmem>>) dst(%dma_wait3A_1705 : memref<896xf32, #tpu.memory_space<vmem_shared>>)
    %dma_wait3A_1706 = arith.constant 70 : i32
    %dma_wait3A_1707 = arith.constant 70 : i32
    %dma_wait3A_1708 = arith.constant 0 : i32
    %dma_wait3A_1709 = tpu.memref_slice %arg5[%dma_wait3A_1706, %dma_wait3A_1708] : memref<100x128xf32, #tpu.memory_space<vmem>> -> memref<1x128xf32, #tpu.memory_space<vmem>>
    %dma_wait3A_1710 = tpu.memref_squeeze %dma_wait3A_1709 : memref<1x128xf32, #tpu.memory_space<vmem>> -> memref<128xf32, #tpu.memory_space<vmem>>
    %dma_wait3A_1711 = arith.constant 0 : i32
    %dma_wait3A_1712 = tpu.memref_slice %arg6[%dma_wait3A_1707, %dma_wait3A_1711] : memref<100x128xi32, #tpu.memory_space<vmem>> -> memref<1x128xi32, #tpu.memory_space<vmem>>
    %dma_wait3A_1713 = tpu.memref_squeeze %dma_wait3A_1712 : memref<1x128xi32, #tpu.memory_space<vmem>> -> memref<128xi32, #tpu.memory_space<vmem>>
    %dma_wait3A_1714 = arith.constant 0 : i32
    %dma_wait3A_1715 = tpu.memref_slice %arg8[%dma_wait3A_1714] : memref<896xf32, #tpu.memory_space<vmem_shared>> -> memref<896xf32, #tpu.memory_space<vmem_shared>>
    tpu.wait_indirect_dma semaphore(%arg9 : memref<!tpu.dma_semaphore, #tpu.memory_space<semaphore_mem>>) src(%dma_wait3A_1710 : memref<128xf32, #tpu.memory_space<vmem>>) dst(%dma_wait3A_1715 : memref<896xf32, #tpu.memory_space<vmem_shared>>)
    %dma_wait3A_1716 = arith.constant 71 : i32
    %dma_wait3A_1717 = arith.constant 71 : i32
    %dma_wait3A_1718 = arith.constant 0 : i32
    %dma_wait3A_1719 = tpu.memref_slice %arg5[%dma_wait3A_1716, %dma_wait3A_1718] : memref<100x128xf32, #tpu.memory_space<vmem>> -> memref<1x128xf32, #tpu.memory_space<vmem>>
    %dma_wait3A_1720 = tpu.memref_squeeze %dma_wait3A_1719 : memref<1x128xf32, #tpu.memory_space<vmem>> -> memref<128xf32, #tpu.memory_space<vmem>>
    %dma_wait3A_1721 = arith.constant 0 : i32
    %dma_wait3A_1722 = tpu.memref_slice %arg6[%dma_wait3A_1717, %dma_wait3A_1721] : memref<100x128xi32, #tpu.memory_space<vmem>> -> memref<1x128xi32, #tpu.memory_space<vmem>>
    %dma_wait3A_1723 = tpu.memref_squeeze %dma_wait3A_1722 : memref<1x128xi32, #tpu.memory_space<vmem>> -> memref<128xi32, #tpu.memory_space<vmem>>
    %dma_wait3A_1724 = arith.constant 0 : i32
    %dma_wait3A_1725 = tpu.memref_slice %arg8[%dma_wait3A_1724] : memref<896xf32, #tpu.memory_space<vmem_shared>> -> memref<896xf32, #tpu.memory_space<vmem_shared>>
    tpu.wait_indirect_dma semaphore(%arg9 : memref<!tpu.dma_semaphore, #tpu.memory_space<semaphore_mem>>) src(%dma_wait3A_1720 : memref<128xf32, #tpu.memory_space<vmem>>) dst(%dma_wait3A_1725 : memref<896xf32, #tpu.memory_space<vmem_shared>>)
    %dma_wait3A_1726 = arith.constant 72 : i32
    %dma_wait3A_1727 = arith.constant 72 : i32
    %dma_wait3A_1728 = arith.constant 0 : i32
    %dma_wait3A_1729 = tpu.memref_slice %arg5[%dma_wait3A_1726, %dma_wait3A_1728] : memref<100x128xf32, #tpu.memory_space<vmem>> -> memref<1x128xf32, #tpu.memory_space<vmem>>
    %dma_wait3A_1730 = tpu.memref_squeeze %dma_wait3A_1729 : memref<1x128xf32, #tpu.memory_space<vmem>> -> memref<128xf32, #tpu.memory_space<vmem>>
    %dma_wait3A_1731 = arith.constant 0 : i32
    %dma_wait3A_1732 = tpu.memref_slice %arg6[%dma_wait3A_1727, %dma_wait3A_1731] : memref<100x128xi32, #tpu.memory_space<vmem>> -> memref<1x128xi32, #tpu.memory_space<vmem>>
    %dma_wait3A_1733 = tpu.memref_squeeze %dma_wait3A_1732 : memref<1x128xi32, #tpu.memory_space<vmem>> -> memref<128xi32, #tpu.memory_space<vmem>>
    %dma_wait3A_1734 = arith.constant 0 : i32
    %dma_wait3A_1735 = tpu.memref_slice %arg8[%dma_wait3A_1734] : memref<896xf32, #tpu.memory_space<vmem_shared>> -> memref<896xf32, #tpu.memory_space<vmem_shared>>
    tpu.wait_indirect_dma semaphore(%arg9 : memref<!tpu.dma_semaphore, #tpu.memory_space<semaphore_mem>>) src(%dma_wait3A_1730 : memref<128xf32, #tpu.memory_space<vmem>>) dst(%dma_wait3A_1735 : memref<896xf32, #tpu.memory_space<vmem_shared>>)
    %dma_wait3A_1736 = arith.constant 73 : i32
    %dma_wait3A_1737 = arith.constant 73 : i32
    %dma_wait3A_1738 = arith.constant 0 : i32
    %dma_wait3A_1739 = tpu.memref_slice %arg5[%dma_wait3A_1736, %dma_wait3A_1738] : memref<100x128xf32, #tpu.memory_space<vmem>> -> memref<1x128xf32, #tpu.memory_space<vmem>>
    %dma_wait3A_1740 = tpu.memref_squeeze %dma_wait3A_1739 : memref<1x128xf32, #tpu.memory_space<vmem>> -> memref<128xf32, #tpu.memory_space<vmem>>
    %dma_wait3A_1741 = arith.constant 0 : i32
    %dma_wait3A_1742 = tpu.memref_slice %arg6[%dma_wait3A_1737, %dma_wait3A_1741] : memref<100x128xi32, #tpu.memory_space<vmem>> -> memref<1x128xi32, #tpu.memory_space<vmem>>
    %dma_wait3A_1743 = tpu.memref_squeeze %dma_wait3A_1742 : memref<1x128xi32, #tpu.memory_space<vmem>> -> memref<128xi32, #tpu.memory_space<vmem>>
    %dma_wait3A_1744 = arith.constant 0 : i32
    %dma_wait3A_1745 = tpu.memref_slice %arg8[%dma_wait3A_1744] : memref<896xf32, #tpu.memory_space<vmem_shared>> -> memref<896xf32, #tpu.memory_space<vmem_shared>>
    tpu.wait_indirect_dma semaphore(%arg9 : memref<!tpu.dma_semaphore, #tpu.memory_space<semaphore_mem>>) src(%dma_wait3A_1740 : memref<128xf32, #tpu.memory_space<vmem>>) dst(%dma_wait3A_1745 : memref<896xf32, #tpu.memory_space<vmem_shared>>)
    %dma_wait3A_1746 = arith.constant 74 : i32
    %dma_wait3A_1747 = arith.constant 74 : i32
    %dma_wait3A_1748 = arith.constant 0 : i32
    %dma_wait3A_1749 = tpu.memref_slice %arg5[%dma_wait3A_1746, %dma_wait3A_1748] : memref<100x128xf32, #tpu.memory_space<vmem>> -> memref<1x128xf32, #tpu.memory_space<vmem>>
    %dma_wait3A_1750 = tpu.memref_squeeze %dma_wait3A_1749 : memref<1x128xf32, #tpu.memory_space<vmem>> -> memref<128xf32, #tpu.memory_space<vmem>>
    %dma_wait3A_1751 = arith.constant 0 : i32
    %dma_wait3A_1752 = tpu.memref_slice %arg6[%dma_wait3A_1747, %dma_wait3A_1751] : memref<100x128xi32, #tpu.memory_space<vmem>> -> memref<1x128xi32, #tpu.memory_space<vmem>>
    %dma_wait3A_1753 = tpu.memref_squeeze %dma_wait3A_1752 : memref<1x128xi32, #tpu.memory_space<vmem>> -> memref<128xi32, #tpu.memory_space<vmem>>
    %dma_wait3A_1754 = arith.constant 0 : i32
    %dma_wait3A_1755 = tpu.memref_slice %arg8[%dma_wait3A_1754] : memref<896xf32, #tpu.memory_space<vmem_shared>> -> memref<896xf32, #tpu.memory_space<vmem_shared>>
    tpu.wait_indirect_dma semaphore(%arg9 : memref<!tpu.dma_semaphore, #tpu.memory_space<semaphore_mem>>) src(%dma_wait3A_1750 : memref<128xf32, #tpu.memory_space<vmem>>) dst(%dma_wait3A_1755 : memref<896xf32, #tpu.memory_space<vmem_shared>>)
    %dma_wait3A_1756 = arith.constant 75 : i32
    %dma_wait3A_1757 = arith.constant 75 : i32
    %dma_wait3A_1758 = arith.constant 0 : i32
    %dma_wait3A_1759 = tpu.memref_slice %arg5[%dma_wait3A_1756, %dma_wait3A_1758] : memref<100x128xf32, #tpu.memory_space<vmem>> -> memref<1x128xf32, #tpu.memory_space<vmem>>
    %dma_wait3A_1760 = tpu.memref_squeeze %dma_wait3A_1759 : memref<1x128xf32, #tpu.memory_space<vmem>> -> memref<128xf32, #tpu.memory_space<vmem>>
    %dma_wait3A_1761 = arith.constant 0 : i32
    %dma_wait3A_1762 = tpu.memref_slice %arg6[%dma_wait3A_1757, %dma_wait3A_1761] : memref<100x128xi32, #tpu.memory_space<vmem>> -> memref<1x128xi32, #tpu.memory_space<vmem>>
    %dma_wait3A_1763 = tpu.memref_squeeze %dma_wait3A_1762 : memref<1x128xi32, #tpu.memory_space<vmem>> -> memref<128xi32, #tpu.memory_space<vmem>>
    %dma_wait3A_1764 = arith.constant 0 : i32
    %dma_wait3A_1765 = tpu.memref_slice %arg8[%dma_wait3A_1764] : memref<896xf32, #tpu.memory_space<vmem_shared>> -> memref<896xf32, #tpu.memory_space<vmem_shared>>
    tpu.wait_indirect_dma semaphore(%arg9 : memref<!tpu.dma_semaphore, #tpu.memory_space<semaphore_mem>>) src(%dma_wait3A_1760 : memref<128xf32, #tpu.memory_space<vmem>>) dst(%dma_wait3A_1765 : memref<896xf32, #tpu.memory_space<vmem_shared>>)
    %dma_wait3A_1766 = arith.constant 76 : i32
    %dma_wait3A_1767 = arith.constant 76 : i32
    %dma_wait3A_1768 = arith.constant 0 : i32
    %dma_wait3A_1769 = tpu.memref_slice %arg5[%dma_wait3A_1766, %dma_wait3A_1768] : memref<100x128xf32, #tpu.memory_space<vmem>> -> memref<1x128xf32, #tpu.memory_space<vmem>>
    %dma_wait3A_1770 = tpu.memref_squeeze %dma_wait3A_1769 : memref<1x128xf32, #tpu.memory_space<vmem>> -> memref<128xf32, #tpu.memory_space<vmem>>
    %dma_wait3A_1771 = arith.constant 0 : i32
    %dma_wait3A_1772 = tpu.memref_slice %arg6[%dma_wait3A_1767, %dma_wait3A_1771] : memref<100x128xi32, #tpu.memory_space<vmem>> -> memref<1x128xi32, #tpu.memory_space<vmem>>
    %dma_wait3A_1773 = tpu.memref_squeeze %dma_wait3A_1772 : memref<1x128xi32, #tpu.memory_space<vmem>> -> memref<128xi32, #tpu.memory_space<vmem>>
    %dma_wait3A_1774 = arith.constant 0 : i32
    %dma_wait3A_1775 = tpu.memref_slice %arg8[%dma_wait3A_1774] : memref<896xf32, #tpu.memory_space<vmem_shared>> -> memref<896xf32, #tpu.memory_space<vmem_shared>>
    tpu.wait_indirect_dma semaphore(%arg9 : memref<!tpu.dma_semaphore, #tpu.memory_space<semaphore_mem>>) src(%dma_wait3A_1770 : memref<128xf32, #tpu.memory_space<vmem>>) dst(%dma_wait3A_1775 : memref<896xf32, #tpu.memory_space<vmem_shared>>)
    %dma_wait3A_1776 = arith.constant 77 : i32
    %dma_wait3A_1777 = arith.constant 77 : i32
    %dma_wait3A_1778 = arith.constant 0 : i32
    %dma_wait3A_1779 = tpu.memref_slice %arg5[%dma_wait3A_1776, %dma_wait3A_1778] : memref<100x128xf32, #tpu.memory_space<vmem>> -> memref<1x128xf32, #tpu.memory_space<vmem>>
    %dma_wait3A_1780 = tpu.memref_squeeze %dma_wait3A_1779 : memref<1x128xf32, #tpu.memory_space<vmem>> -> memref<128xf32, #tpu.memory_space<vmem>>
    %dma_wait3A_1781 = arith.constant 0 : i32
    %dma_wait3A_1782 = tpu.memref_slice %arg6[%dma_wait3A_1777, %dma_wait3A_1781] : memref<100x128xi32, #tpu.memory_space<vmem>> -> memref<1x128xi32, #tpu.memory_space<vmem>>
    %dma_wait3A_1783 = tpu.memref_squeeze %dma_wait3A_1782 : memref<1x128xi32, #tpu.memory_space<vmem>> -> memref<128xi32, #tpu.memory_space<vmem>>
    %dma_wait3A_1784 = arith.constant 0 : i32
    %dma_wait3A_1785 = tpu.memref_slice %arg8[%dma_wait3A_1784] : memref<896xf32, #tpu.memory_space<vmem_shared>> -> memref<896xf32, #tpu.memory_space<vmem_shared>>
    tpu.wait_indirect_dma semaphore(%arg9 : memref<!tpu.dma_semaphore, #tpu.memory_space<semaphore_mem>>) src(%dma_wait3A_1780 : memref<128xf32, #tpu.memory_space<vmem>>) dst(%dma_wait3A_1785 : memref<896xf32, #tpu.memory_space<vmem_shared>>)
    %dma_wait3A_1786 = arith.constant 78 : i32
    %dma_wait3A_1787 = arith.constant 78 : i32
    %dma_wait3A_1788 = arith.constant 0 : i32
    %dma_wait3A_1789 = tpu.memref_slice %arg5[%dma_wait3A_1786, %dma_wait3A_1788] : memref<100x128xf32, #tpu.memory_space<vmem>> -> memref<1x128xf32, #tpu.memory_space<vmem>>
    %dma_wait3A_1790 = tpu.memref_squeeze %dma_wait3A_1789 : memref<1x128xf32, #tpu.memory_space<vmem>> -> memref<128xf32, #tpu.memory_space<vmem>>
    %dma_wait3A_1791 = arith.constant 0 : i32
    %dma_wait3A_1792 = tpu.memref_slice %arg6[%dma_wait3A_1787, %dma_wait3A_1791] : memref<100x128xi32, #tpu.memory_space<vmem>> -> memref<1x128xi32, #tpu.memory_space<vmem>>
    %dma_wait3A_1793 = tpu.memref_squeeze %dma_wait3A_1792 : memref<1x128xi32, #tpu.memory_space<vmem>> -> memref<128xi32, #tpu.memory_space<vmem>>
    %dma_wait3A_1794 = arith.constant 0 : i32
    %dma_wait3A_1795 = tpu.memref_slice %arg8[%dma_wait3A_1794] : memref<896xf32, #tpu.memory_space<vmem_shared>> -> memref<896xf32, #tpu.memory_space<vmem_shared>>
    tpu.wait_indirect_dma semaphore(%arg9 : memref<!tpu.dma_semaphore, #tpu.memory_space<semaphore_mem>>) src(%dma_wait3A_1790 : memref<128xf32, #tpu.memory_space<vmem>>) dst(%dma_wait3A_1795 : memref<896xf32, #tpu.memory_space<vmem_shared>>)
    %dma_wait3A_1796 = arith.constant 79 : i32
    %dma_wait3A_1797 = arith.constant 79 : i32
    %dma_wait3A_1798 = arith.constant 0 : i32
    %dma_wait3A_1799 = tpu.memref_slice %arg5[%dma_wait3A_1796, %dma_wait3A_1798] : memref<100x128xf32, #tpu.memory_space<vmem>> -> memref<1x128xf32, #tpu.memory_space<vmem>>
    %dma_wait3A_1800 = tpu.memref_squeeze %dma_wait3A_1799 : memref<1x128xf32, #tpu.memory_space<vmem>> -> memref<128xf32, #tpu.memory_space<vmem>>
    %dma_wait3A_1801 = arith.constant 0 : i32
    %dma_wait3A_1802 = tpu.memref_slice %arg6[%dma_wait3A_1797, %dma_wait3A_1801] : memref<100x128xi32, #tpu.memory_space<vmem>> -> memref<1x128xi32, #tpu.memory_space<vmem>>
    %dma_wait3A_1803 = tpu.memref_squeeze %dma_wait3A_1802 : memref<1x128xi32, #tpu.memory_space<vmem>> -> memref<128xi32, #tpu.memory_space<vmem>>
    %dma_wait3A_1804 = arith.constant 0 : i32
    %dma_wait3A_1805 = tpu.memref_slice %arg8[%dma_wait3A_1804] : memref<896xf32, #tpu.memory_space<vmem_shared>> -> memref<896xf32, #tpu.memory_space<vmem_shared>>
    tpu.wait_indirect_dma semaphore(%arg9 : memref<!tpu.dma_semaphore, #tpu.memory_space<semaphore_mem>>) src(%dma_wait3A_1800 : memref<128xf32, #tpu.memory_space<vmem>>) dst(%dma_wait3A_1805 : memref<896xf32, #tpu.memory_space<vmem_shared>>)
    %dma_wait3A_1806 = arith.constant 80 : i32
    %dma_wait3A_1807 = arith.constant 80 : i32
    %dma_wait3A_1808 = arith.constant 0 : i32
    %dma_wait3A_1809 = tpu.memref_slice %arg5[%dma_wait3A_1806, %dma_wait3A_1808] : memref<100x128xf32, #tpu.memory_space<vmem>> -> memref<1x128xf32, #tpu.memory_space<vmem>>
    %dma_wait3A_1810 = tpu.memref_squeeze %dma_wait3A_1809 : memref<1x128xf32, #tpu.memory_space<vmem>> -> memref<128xf32, #tpu.memory_space<vmem>>
    %dma_wait3A_1811 = arith.constant 0 : i32
    %dma_wait3A_1812 = tpu.memref_slice %arg6[%dma_wait3A_1807, %dma_wait3A_1811] : memref<100x128xi32, #tpu.memory_space<vmem>> -> memref<1x128xi32, #tpu.memory_space<vmem>>
    %dma_wait3A_1813 = tpu.memref_squeeze %dma_wait3A_1812 : memref<1x128xi32, #tpu.memory_space<vmem>> -> memref<128xi32, #tpu.memory_space<vmem>>
    %dma_wait3A_1814 = arith.constant 0 : i32
    %dma_wait3A_1815 = tpu.memref_slice %arg8[%dma_wait3A_1814] : memref<896xf32, #tpu.memory_space<vmem_shared>> -> memref<896xf32, #tpu.memory_space<vmem_shared>>
    tpu.wait_indirect_dma semaphore(%arg9 : memref<!tpu.dma_semaphore, #tpu.memory_space<semaphore_mem>>) src(%dma_wait3A_1810 : memref<128xf32, #tpu.memory_space<vmem>>) dst(%dma_wait3A_1815 : memref<896xf32, #tpu.memory_space<vmem_shared>>)
    %dma_wait3A_1816 = arith.constant 81 : i32
    %dma_wait3A_1817 = arith.constant 81 : i32
    %dma_wait3A_1818 = arith.constant 0 : i32
    %dma_wait3A_1819 = tpu.memref_slice %arg5[%dma_wait3A_1816, %dma_wait3A_1818] : memref<100x128xf32, #tpu.memory_space<vmem>> -> memref<1x128xf32, #tpu.memory_space<vmem>>
    %dma_wait3A_1820 = tpu.memref_squeeze %dma_wait3A_1819 : memref<1x128xf32, #tpu.memory_space<vmem>> -> memref<128xf32, #tpu.memory_space<vmem>>
    %dma_wait3A_1821 = arith.constant 0 : i32
    %dma_wait3A_1822 = tpu.memref_slice %arg6[%dma_wait3A_1817, %dma_wait3A_1821] : memref<100x128xi32, #tpu.memory_space<vmem>> -> memref<1x128xi32, #tpu.memory_space<vmem>>
    %dma_wait3A_1823 = tpu.memref_squeeze %dma_wait3A_1822 : memref<1x128xi32, #tpu.memory_space<vmem>> -> memref<128xi32, #tpu.memory_space<vmem>>
    %dma_wait3A_1824 = arith.constant 0 : i32
    %dma_wait3A_1825 = tpu.memref_slice %arg8[%dma_wait3A_1824] : memref<896xf32, #tpu.memory_space<vmem_shared>> -> memref<896xf32, #tpu.memory_space<vmem_shared>>
    tpu.wait_indirect_dma semaphore(%arg9 : memref<!tpu.dma_semaphore, #tpu.memory_space<semaphore_mem>>) src(%dma_wait3A_1820 : memref<128xf32, #tpu.memory_space<vmem>>) dst(%dma_wait3A_1825 : memref<896xf32, #tpu.memory_space<vmem_shared>>)
    %dma_wait3A_1826 = arith.constant 82 : i32
    %dma_wait3A_1827 = arith.constant 82 : i32
    %dma_wait3A_1828 = arith.constant 0 : i32
    %dma_wait3A_1829 = tpu.memref_slice %arg5[%dma_wait3A_1826, %dma_wait3A_1828] : memref<100x128xf32, #tpu.memory_space<vmem>> -> memref<1x128xf32, #tpu.memory_space<vmem>>
    %dma_wait3A_1830 = tpu.memref_squeeze %dma_wait3A_1829 : memref<1x128xf32, #tpu.memory_space<vmem>> -> memref<128xf32, #tpu.memory_space<vmem>>
    %dma_wait3A_1831 = arith.constant 0 : i32
    %dma_wait3A_1832 = tpu.memref_slice %arg6[%dma_wait3A_1827, %dma_wait3A_1831] : memref<100x128xi32, #tpu.memory_space<vmem>> -> memref<1x128xi32, #tpu.memory_space<vmem>>
    %dma_wait3A_1833 = tpu.memref_squeeze %dma_wait3A_1832 : memref<1x128xi32, #tpu.memory_space<vmem>> -> memref<128xi32, #tpu.memory_space<vmem>>
    %dma_wait3A_1834 = arith.constant 0 : i32
    %dma_wait3A_1835 = tpu.memref_slice %arg8[%dma_wait3A_1834] : memref<896xf32, #tpu.memory_space<vmem_shared>> -> memref<896xf32, #tpu.memory_space<vmem_shared>>
    tpu.wait_indirect_dma semaphore(%arg9 : memref<!tpu.dma_semaphore, #tpu.memory_space<semaphore_mem>>) src(%dma_wait3A_1830 : memref<128xf32, #tpu.memory_space<vmem>>) dst(%dma_wait3A_1835 : memref<896xf32, #tpu.memory_space<vmem_shared>>)
    %dma_wait3A_1836 = arith.constant 83 : i32
    %dma_wait3A_1837 = arith.constant 83 : i32
    %dma_wait3A_1838 = arith.constant 0 : i32
    %dma_wait3A_1839 = tpu.memref_slice %arg5[%dma_wait3A_1836, %dma_wait3A_1838] : memref<100x128xf32, #tpu.memory_space<vmem>> -> memref<1x128xf32, #tpu.memory_space<vmem>>
    %dma_wait3A_1840 = tpu.memref_squeeze %dma_wait3A_1839 : memref<1x128xf32, #tpu.memory_space<vmem>> -> memref<128xf32, #tpu.memory_space<vmem>>
    %dma_wait3A_1841 = arith.constant 0 : i32
    %dma_wait3A_1842 = tpu.memref_slice %arg6[%dma_wait3A_1837, %dma_wait3A_1841] : memref<100x128xi32, #tpu.memory_space<vmem>> -> memref<1x128xi32, #tpu.memory_space<vmem>>
    %dma_wait3A_1843 = tpu.memref_squeeze %dma_wait3A_1842 : memref<1x128xi32, #tpu.memory_space<vmem>> -> memref<128xi32, #tpu.memory_space<vmem>>
    %dma_wait3A_1844 = arith.constant 0 : i32
    %dma_wait3A_1845 = tpu.memref_slice %arg8[%dma_wait3A_1844] : memref<896xf32, #tpu.memory_space<vmem_shared>> -> memref<896xf32, #tpu.memory_space<vmem_shared>>
    tpu.wait_indirect_dma semaphore(%arg9 : memref<!tpu.dma_semaphore, #tpu.memory_space<semaphore_mem>>) src(%dma_wait3A_1840 : memref<128xf32, #tpu.memory_space<vmem>>) dst(%dma_wait3A_1845 : memref<896xf32, #tpu.memory_space<vmem_shared>>)
    %dma_wait3A_1846 = arith.constant 84 : i32
    %dma_wait3A_1847 = arith.constant 84 : i32
    %dma_wait3A_1848 = arith.constant 0 : i32
    %dma_wait3A_1849 = tpu.memref_slice %arg5[%dma_wait3A_1846, %dma_wait3A_1848] : memref<100x128xf32, #tpu.memory_space<vmem>> -> memref<1x128xf32, #tpu.memory_space<vmem>>
    %dma_wait3A_1850 = tpu.memref_squeeze %dma_wait3A_1849 : memref<1x128xf32, #tpu.memory_space<vmem>> -> memref<128xf32, #tpu.memory_space<vmem>>
    %dma_wait3A_1851 = arith.constant 0 : i32
    %dma_wait3A_1852 = tpu.memref_slice %arg6[%dma_wait3A_1847, %dma_wait3A_1851] : memref<100x128xi32, #tpu.memory_space<vmem>> -> memref<1x128xi32, #tpu.memory_space<vmem>>
    %dma_wait3A_1853 = tpu.memref_squeeze %dma_wait3A_1852 : memref<1x128xi32, #tpu.memory_space<vmem>> -> memref<128xi32, #tpu.memory_space<vmem>>
    %dma_wait3A_1854 = arith.constant 0 : i32
    %dma_wait3A_1855 = tpu.memref_slice %arg8[%dma_wait3A_1854] : memref<896xf32, #tpu.memory_space<vmem_shared>> -> memref<896xf32, #tpu.memory_space<vmem_shared>>
    tpu.wait_indirect_dma semaphore(%arg9 : memref<!tpu.dma_semaphore, #tpu.memory_space<semaphore_mem>>) src(%dma_wait3A_1850 : memref<128xf32, #tpu.memory_space<vmem>>) dst(%dma_wait3A_1855 : memref<896xf32, #tpu.memory_space<vmem_shared>>)
    %dma_wait3A_1856 = arith.constant 85 : i32
    %dma_wait3A_1857 = arith.constant 85 : i32
    %dma_wait3A_1858 = arith.constant 0 : i32
    %dma_wait3A_1859 = tpu.memref_slice %arg5[%dma_wait3A_1856, %dma_wait3A_1858] : memref<100x128xf32, #tpu.memory_space<vmem>> -> memref<1x128xf32, #tpu.memory_space<vmem>>
    %dma_wait3A_1860 = tpu.memref_squeeze %dma_wait3A_1859 : memref<1x128xf32, #tpu.memory_space<vmem>> -> memref<128xf32, #tpu.memory_space<vmem>>
    %dma_wait3A_1861 = arith.constant 0 : i32
    %dma_wait3A_1862 = tpu.memref_slice %arg6[%dma_wait3A_1857, %dma_wait3A_1861] : memref<100x128xi32, #tpu.memory_space<vmem>> -> memref<1x128xi32, #tpu.memory_space<vmem>>
    %dma_wait3A_1863 = tpu.memref_squeeze %dma_wait3A_1862 : memref<1x128xi32, #tpu.memory_space<vmem>> -> memref<128xi32, #tpu.memory_space<vmem>>
    %dma_wait3A_1864 = arith.constant 0 : i32
    %dma_wait3A_1865 = tpu.memref_slice %arg8[%dma_wait3A_1864] : memref<896xf32, #tpu.memory_space<vmem_shared>> -> memref<896xf32, #tpu.memory_space<vmem_shared>>
    tpu.wait_indirect_dma semaphore(%arg9 : memref<!tpu.dma_semaphore, #tpu.memory_space<semaphore_mem>>) src(%dma_wait3A_1860 : memref<128xf32, #tpu.memory_space<vmem>>) dst(%dma_wait3A_1865 : memref<896xf32, #tpu.memory_space<vmem_shared>>)
    %dma_wait3A_1866 = arith.constant 86 : i32
    %dma_wait3A_1867 = arith.constant 86 : i32
    %dma_wait3A_1868 = arith.constant 0 : i32
    %dma_wait3A_1869 = tpu.memref_slice %arg5[%dma_wait3A_1866, %dma_wait3A_1868] : memref<100x128xf32, #tpu.memory_space<vmem>> -> memref<1x128xf32, #tpu.memory_space<vmem>>
    %dma_wait3A_1870 = tpu.memref_squeeze %dma_wait3A_1869 : memref<1x128xf32, #tpu.memory_space<vmem>> -> memref<128xf32, #tpu.memory_space<vmem>>
    %dma_wait3A_1871 = arith.constant 0 : i32
    %dma_wait3A_1872 = tpu.memref_slice %arg6[%dma_wait3A_1867, %dma_wait3A_1871] : memref<100x128xi32, #tpu.memory_space<vmem>> -> memref<1x128xi32, #tpu.memory_space<vmem>>
    %dma_wait3A_1873 = tpu.memref_squeeze %dma_wait3A_1872 : memref<1x128xi32, #tpu.memory_space<vmem>> -> memref<128xi32, #tpu.memory_space<vmem>>
    %dma_wait3A_1874 = arith.constant 0 : i32
    %dma_wait3A_1875 = tpu.memref_slice %arg8[%dma_wait3A_1874] : memref<896xf32, #tpu.memory_space<vmem_shared>> -> memref<896xf32, #tpu.memory_space<vmem_shared>>
    tpu.wait_indirect_dma semaphore(%arg9 : memref<!tpu.dma_semaphore, #tpu.memory_space<semaphore_mem>>) src(%dma_wait3A_1870 : memref<128xf32, #tpu.memory_space<vmem>>) dst(%dma_wait3A_1875 : memref<896xf32, #tpu.memory_space<vmem_shared>>)
    %dma_wait3A_1876 = arith.constant 87 : i32
    %dma_wait3A_1877 = arith.constant 87 : i32
    %dma_wait3A_1878 = arith.constant 0 : i32
    %dma_wait3A_1879 = tpu.memref_slice %arg5[%dma_wait3A_1876, %dma_wait3A_1878] : memref<100x128xf32, #tpu.memory_space<vmem>> -> memref<1x128xf32, #tpu.memory_space<vmem>>
    %dma_wait3A_1880 = tpu.memref_squeeze %dma_wait3A_1879 : memref<1x128xf32, #tpu.memory_space<vmem>> -> memref<128xf32, #tpu.memory_space<vmem>>
    %dma_wait3A_1881 = arith.constant 0 : i32
    %dma_wait3A_1882 = tpu.memref_slice %arg6[%dma_wait3A_1877, %dma_wait3A_1881] : memref<100x128xi32, #tpu.memory_space<vmem>> -> memref<1x128xi32, #tpu.memory_space<vmem>>
    %dma_wait3A_1883 = tpu.memref_squeeze %dma_wait3A_1882 : memref<1x128xi32, #tpu.memory_space<vmem>> -> memref<128xi32, #tpu.memory_space<vmem>>
    %dma_wait3A_1884 = arith.constant 0 : i32
    %dma_wait3A_1885 = tpu.memref_slice %arg8[%dma_wait3A_1884] : memref<896xf32, #tpu.memory_space<vmem_shared>> -> memref<896xf32, #tpu.memory_space<vmem_shared>>
    tpu.wait_indirect_dma semaphore(%arg9 : memref<!tpu.dma_semaphore, #tpu.memory_space<semaphore_mem>>) src(%dma_wait3A_1880 : memref<128xf32, #tpu.memory_space<vmem>>) dst(%dma_wait3A_1885 : memref<896xf32, #tpu.memory_space<vmem_shared>>)
    %dma_wait3A_1886 = arith.constant 88 : i32
    %dma_wait3A_1887 = arith.constant 88 : i32
    %dma_wait3A_1888 = arith.constant 0 : i32
    %dma_wait3A_1889 = tpu.memref_slice %arg5[%dma_wait3A_1886, %dma_wait3A_1888] : memref<100x128xf32, #tpu.memory_space<vmem>> -> memref<1x128xf32, #tpu.memory_space<vmem>>
    %dma_wait3A_1890 = tpu.memref_squeeze %dma_wait3A_1889 : memref<1x128xf32, #tpu.memory_space<vmem>> -> memref<128xf32, #tpu.memory_space<vmem>>
    %dma_wait3A_1891 = arith.constant 0 : i32
    %dma_wait3A_1892 = tpu.memref_slice %arg6[%dma_wait3A_1887, %dma_wait3A_1891] : memref<100x128xi32, #tpu.memory_space<vmem>> -> memref<1x128xi32, #tpu.memory_space<vmem>>
    %dma_wait3A_1893 = tpu.memref_squeeze %dma_wait3A_1892 : memref<1x128xi32, #tpu.memory_space<vmem>> -> memref<128xi32, #tpu.memory_space<vmem>>
    %dma_wait3A_1894 = arith.constant 0 : i32
    %dma_wait3A_1895 = tpu.memref_slice %arg8[%dma_wait3A_1894] : memref<896xf32, #tpu.memory_space<vmem_shared>> -> memref<896xf32, #tpu.memory_space<vmem_shared>>
    tpu.wait_indirect_dma semaphore(%arg9 : memref<!tpu.dma_semaphore, #tpu.memory_space<semaphore_mem>>) src(%dma_wait3A_1890 : memref<128xf32, #tpu.memory_space<vmem>>) dst(%dma_wait3A_1895 : memref<896xf32, #tpu.memory_space<vmem_shared>>)
    %dma_wait3A_1896 = arith.constant 89 : i32
    %dma_wait3A_1897 = arith.constant 89 : i32
    %dma_wait3A_1898 = arith.constant 0 : i32
    %dma_wait3A_1899 = tpu.memref_slice %arg5[%dma_wait3A_1896, %dma_wait3A_1898] : memref<100x128xf32, #tpu.memory_space<vmem>> -> memref<1x128xf32, #tpu.memory_space<vmem>>
    %dma_wait3A_1900 = tpu.memref_squeeze %dma_wait3A_1899 : memref<1x128xf32, #tpu.memory_space<vmem>> -> memref<128xf32, #tpu.memory_space<vmem>>
    %dma_wait3A_1901 = arith.constant 0 : i32
    %dma_wait3A_1902 = tpu.memref_slice %arg6[%dma_wait3A_1897, %dma_wait3A_1901] : memref<100x128xi32, #tpu.memory_space<vmem>> -> memref<1x128xi32, #tpu.memory_space<vmem>>
    %dma_wait3A_1903 = tpu.memref_squeeze %dma_wait3A_1902 : memref<1x128xi32, #tpu.memory_space<vmem>> -> memref<128xi32, #tpu.memory_space<vmem>>
    %dma_wait3A_1904 = arith.constant 0 : i32
    %dma_wait3A_1905 = tpu.memref_slice %arg8[%dma_wait3A_1904] : memref<896xf32, #tpu.memory_space<vmem_shared>> -> memref<896xf32, #tpu.memory_space<vmem_shared>>
    tpu.wait_indirect_dma semaphore(%arg9 : memref<!tpu.dma_semaphore, #tpu.memory_space<semaphore_mem>>) src(%dma_wait3A_1900 : memref<128xf32, #tpu.memory_space<vmem>>) dst(%dma_wait3A_1905 : memref<896xf32, #tpu.memory_space<vmem_shared>>)
    %dma_wait3A_1906 = arith.constant 90 : i32
    %dma_wait3A_1907 = arith.constant 90 : i32
    %dma_wait3A_1908 = arith.constant 0 : i32
    %dma_wait3A_1909 = tpu.memref_slice %arg5[%dma_wait3A_1906, %dma_wait3A_1908] : memref<100x128xf32, #tpu.memory_space<vmem>> -> memref<1x128xf32, #tpu.memory_space<vmem>>
    %dma_wait3A_1910 = tpu.memref_squeeze %dma_wait3A_1909 : memref<1x128xf32, #tpu.memory_space<vmem>> -> memref<128xf32, #tpu.memory_space<vmem>>
    %dma_wait3A_1911 = arith.constant 0 : i32
    %dma_wait3A_1912 = tpu.memref_slice %arg6[%dma_wait3A_1907, %dma_wait3A_1911] : memref<100x128xi32, #tpu.memory_space<vmem>> -> memref<1x128xi32, #tpu.memory_space<vmem>>
    %dma_wait3A_1913 = tpu.memref_squeeze %dma_wait3A_1912 : memref<1x128xi32, #tpu.memory_space<vmem>> -> memref<128xi32, #tpu.memory_space<vmem>>
    %dma_wait3A_1914 = arith.constant 0 : i32
    %dma_wait3A_1915 = tpu.memref_slice %arg8[%dma_wait3A_1914] : memref<896xf32, #tpu.memory_space<vmem_shared>> -> memref<896xf32, #tpu.memory_space<vmem_shared>>
    tpu.wait_indirect_dma semaphore(%arg9 : memref<!tpu.dma_semaphore, #tpu.memory_space<semaphore_mem>>) src(%dma_wait3A_1910 : memref<128xf32, #tpu.memory_space<vmem>>) dst(%dma_wait3A_1915 : memref<896xf32, #tpu.memory_space<vmem_shared>>)
    %dma_wait3A_1916 = arith.constant 91 : i32
    %dma_wait3A_1917 = arith.constant 91 : i32
    %dma_wait3A_1918 = arith.constant 0 : i32
    %dma_wait3A_1919 = tpu.memref_slice %arg5[%dma_wait3A_1916, %dma_wait3A_1918] : memref<100x128xf32, #tpu.memory_space<vmem>> -> memref<1x128xf32, #tpu.memory_space<vmem>>
    %dma_wait3A_1920 = tpu.memref_squeeze %dma_wait3A_1919 : memref<1x128xf32, #tpu.memory_space<vmem>> -> memref<128xf32, #tpu.memory_space<vmem>>
    %dma_wait3A_1921 = arith.constant 0 : i32
    %dma_wait3A_1922 = tpu.memref_slice %arg6[%dma_wait3A_1917, %dma_wait3A_1921] : memref<100x128xi32, #tpu.memory_space<vmem>> -> memref<1x128xi32, #tpu.memory_space<vmem>>
    %dma_wait3A_1923 = tpu.memref_squeeze %dma_wait3A_1922 : memref<1x128xi32, #tpu.memory_space<vmem>> -> memref<128xi32, #tpu.memory_space<vmem>>
    %dma_wait3A_1924 = arith.constant 0 : i32
    %dma_wait3A_1925 = tpu.memref_slice %arg8[%dma_wait3A_1924] : memref<896xf32, #tpu.memory_space<vmem_shared>> -> memref<896xf32, #tpu.memory_space<vmem_shared>>
    tpu.wait_indirect_dma semaphore(%arg9 : memref<!tpu.dma_semaphore, #tpu.memory_space<semaphore_mem>>) src(%dma_wait3A_1920 : memref<128xf32, #tpu.memory_space<vmem>>) dst(%dma_wait3A_1925 : memref<896xf32, #tpu.memory_space<vmem_shared>>)
    %dma_wait3A_1926 = arith.constant 92 : i32
    %dma_wait3A_1927 = arith.constant 92 : i32
    %dma_wait3A_1928 = arith.constant 0 : i32
    %dma_wait3A_1929 = tpu.memref_slice %arg5[%dma_wait3A_1926, %dma_wait3A_1928] : memref<100x128xf32, #tpu.memory_space<vmem>> -> memref<1x128xf32, #tpu.memory_space<vmem>>
    %dma_wait3A_1930 = tpu.memref_squeeze %dma_wait3A_1929 : memref<1x128xf32, #tpu.memory_space<vmem>> -> memref<128xf32, #tpu.memory_space<vmem>>
    %dma_wait3A_1931 = arith.constant 0 : i32
    %dma_wait3A_1932 = tpu.memref_slice %arg6[%dma_wait3A_1927, %dma_wait3A_1931] : memref<100x128xi32, #tpu.memory_space<vmem>> -> memref<1x128xi32, #tpu.memory_space<vmem>>
    %dma_wait3A_1933 = tpu.memref_squeeze %dma_wait3A_1932 : memref<1x128xi32, #tpu.memory_space<vmem>> -> memref<128xi32, #tpu.memory_space<vmem>>
    %dma_wait3A_1934 = arith.constant 0 : i32
    %dma_wait3A_1935 = tpu.memref_slice %arg8[%dma_wait3A_1934] : memref<896xf32, #tpu.memory_space<vmem_shared>> -> memref<896xf32, #tpu.memory_space<vmem_shared>>
    tpu.wait_indirect_dma semaphore(%arg9 : memref<!tpu.dma_semaphore, #tpu.memory_space<semaphore_mem>>) src(%dma_wait3A_1930 : memref<128xf32, #tpu.memory_space<vmem>>) dst(%dma_wait3A_1935 : memref<896xf32, #tpu.memory_space<vmem_shared>>)
    %dma_wait3A_1936 = arith.constant 93 : i32
    %dma_wait3A_1937 = arith.constant 93 : i32
    %dma_wait3A_1938 = arith.constant 0 : i32
    %dma_wait3A_1939 = tpu.memref_slice %arg5[%dma_wait3A_1936, %dma_wait3A_1938] : memref<100x128xf32, #tpu.memory_space<vmem>> -> memref<1x128xf32, #tpu.memory_space<vmem>>
    %dma_wait3A_1940 = tpu.memref_squeeze %dma_wait3A_1939 : memref<1x128xf32, #tpu.memory_space<vmem>> -> memref<128xf32, #tpu.memory_space<vmem>>
    %dma_wait3A_1941 = arith.constant 0 : i32
    %dma_wait3A_1942 = tpu.memref_slice %arg6[%dma_wait3A_1937, %dma_wait3A_1941] : memref<100x128xi32, #tpu.memory_space<vmem>> -> memref<1x128xi32, #tpu.memory_space<vmem>>
    %dma_wait3A_1943 = tpu.memref_squeeze %dma_wait3A_1942 : memref<1x128xi32, #tpu.memory_space<vmem>> -> memref<128xi32, #tpu.memory_space<vmem>>
    %dma_wait3A_1944 = arith.constant 0 : i32
    %dma_wait3A_1945 = tpu.memref_slice %arg8[%dma_wait3A_1944] : memref<896xf32, #tpu.memory_space<vmem_shared>> -> memref<896xf32, #tpu.memory_space<vmem_shared>>
    tpu.wait_indirect_dma semaphore(%arg9 : memref<!tpu.dma_semaphore, #tpu.memory_space<semaphore_mem>>) src(%dma_wait3A_1940 : memref<128xf32, #tpu.memory_space<vmem>>) dst(%dma_wait3A_1945 : memref<896xf32, #tpu.memory_space<vmem_shared>>)
    %dma_wait3A_1946 = arith.constant 94 : i32
    %dma_wait3A_1947 = arith.constant 94 : i32
    %dma_wait3A_1948 = arith.constant 0 : i32
    %dma_wait3A_1949 = tpu.memref_slice %arg5[%dma_wait3A_1946, %dma_wait3A_1948] : memref<100x128xf32, #tpu.memory_space<vmem>> -> memref<1x128xf32, #tpu.memory_space<vmem>>
    %dma_wait3A_1950 = tpu.memref_squeeze %dma_wait3A_1949 : memref<1x128xf32, #tpu.memory_space<vmem>> -> memref<128xf32, #tpu.memory_space<vmem>>
    %dma_wait3A_1951 = arith.constant 0 : i32
    %dma_wait3A_1952 = tpu.memref_slice %arg6[%dma_wait3A_1947, %dma_wait3A_1951] : memref<100x128xi32, #tpu.memory_space<vmem>> -> memref<1x128xi32, #tpu.memory_space<vmem>>
    %dma_wait3A_1953 = tpu.memref_squeeze %dma_wait3A_1952 : memref<1x128xi32, #tpu.memory_space<vmem>> -> memref<128xi32, #tpu.memory_space<vmem>>
    %dma_wait3A_1954 = arith.constant 0 : i32
    %dma_wait3A_1955 = tpu.memref_slice %arg8[%dma_wait3A_1954] : memref<896xf32, #tpu.memory_space<vmem_shared>> -> memref<896xf32, #tpu.memory_space<vmem_shared>>
    tpu.wait_indirect_dma semaphore(%arg9 : memref<!tpu.dma_semaphore, #tpu.memory_space<semaphore_mem>>) src(%dma_wait3A_1950 : memref<128xf32, #tpu.memory_space<vmem>>) dst(%dma_wait3A_1955 : memref<896xf32, #tpu.memory_space<vmem_shared>>)
    %dma_wait3A_1956 = arith.constant 95 : i32
    %dma_wait3A_1957 = arith.constant 95 : i32
    %dma_wait3A_1958 = arith.constant 0 : i32
    %dma_wait3A_1959 = tpu.memref_slice %arg5[%dma_wait3A_1956, %dma_wait3A_1958] : memref<100x128xf32, #tpu.memory_space<vmem>> -> memref<1x128xf32, #tpu.memory_space<vmem>>
    %dma_wait3A_1960 = tpu.memref_squeeze %dma_wait3A_1959 : memref<1x128xf32, #tpu.memory_space<vmem>> -> memref<128xf32, #tpu.memory_space<vmem>>
    %dma_wait3A_1961 = arith.constant 0 : i32
    %dma_wait3A_1962 = tpu.memref_slice %arg6[%dma_wait3A_1957, %dma_wait3A_1961] : memref<100x128xi32, #tpu.memory_space<vmem>> -> memref<1x128xi32, #tpu.memory_space<vmem>>
    %dma_wait3A_1963 = tpu.memref_squeeze %dma_wait3A_1962 : memref<1x128xi32, #tpu.memory_space<vmem>> -> memref<128xi32, #tpu.memory_space<vmem>>
    %dma_wait3A_1964 = arith.constant 0 : i32
    %dma_wait3A_1965 = tpu.memref_slice %arg8[%dma_wait3A_1964] : memref<896xf32, #tpu.memory_space<vmem_shared>> -> memref<896xf32, #tpu.memory_space<vmem_shared>>
    tpu.wait_indirect_dma semaphore(%arg9 : memref<!tpu.dma_semaphore, #tpu.memory_space<semaphore_mem>>) src(%dma_wait3A_1960 : memref<128xf32, #tpu.memory_space<vmem>>) dst(%dma_wait3A_1965 : memref<896xf32, #tpu.memory_space<vmem_shared>>)
    %dma_wait3A_1966 = arith.constant 96 : i32
    %dma_wait3A_1967 = arith.constant 96 : i32
    %dma_wait3A_1968 = arith.constant 0 : i32
    %dma_wait3A_1969 = tpu.memref_slice %arg5[%dma_wait3A_1966, %dma_wait3A_1968] : memref<100x128xf32, #tpu.memory_space<vmem>> -> memref<1x128xf32, #tpu.memory_space<vmem>>
    %dma_wait3A_1970 = tpu.memref_squeeze %dma_wait3A_1969 : memref<1x128xf32, #tpu.memory_space<vmem>> -> memref<128xf32, #tpu.memory_space<vmem>>
    %dma_wait3A_1971 = arith.constant 0 : i32
    %dma_wait3A_1972 = tpu.memref_slice %arg6[%dma_wait3A_1967, %dma_wait3A_1971] : memref<100x128xi32, #tpu.memory_space<vmem>> -> memref<1x128xi32, #tpu.memory_space<vmem>>
    %dma_wait3A_1973 = tpu.memref_squeeze %dma_wait3A_1972 : memref<1x128xi32, #tpu.memory_space<vmem>> -> memref<128xi32, #tpu.memory_space<vmem>>
    %dma_wait3A_1974 = arith.constant 0 : i32
    %dma_wait3A_1975 = tpu.memref_slice %arg8[%dma_wait3A_1974] : memref<896xf32, #tpu.memory_space<vmem_shared>> -> memref<896xf32, #tpu.memory_space<vmem_shared>>
    tpu.wait_indirect_dma semaphore(%arg9 : memref<!tpu.dma_semaphore, #tpu.memory_space<semaphore_mem>>) src(%dma_wait3A_1970 : memref<128xf32, #tpu.memory_space<vmem>>) dst(%dma_wait3A_1975 : memref<896xf32, #tpu.memory_space<vmem_shared>>)
    %dma_wait3A_1976 = arith.constant 97 : i32
    %dma_wait3A_1977 = arith.constant 97 : i32
    %dma_wait3A_1978 = arith.constant 0 : i32
    %dma_wait3A_1979 = tpu.memref_slice %arg5[%dma_wait3A_1976, %dma_wait3A_1978] : memref<100x128xf32, #tpu.memory_space<vmem>> -> memref<1x128xf32, #tpu.memory_space<vmem>>
    %dma_wait3A_1980 = tpu.memref_squeeze %dma_wait3A_1979 : memref<1x128xf32, #tpu.memory_space<vmem>> -> memref<128xf32, #tpu.memory_space<vmem>>
    %dma_wait3A_1981 = arith.constant 0 : i32
    %dma_wait3A_1982 = tpu.memref_slice %arg6[%dma_wait3A_1977, %dma_wait3A_1981] : memref<100x128xi32, #tpu.memory_space<vmem>> -> memref<1x128xi32, #tpu.memory_space<vmem>>
    %dma_wait3A_1983 = tpu.memref_squeeze %dma_wait3A_1982 : memref<1x128xi32, #tpu.memory_space<vmem>> -> memref<128xi32, #tpu.memory_space<vmem>>
    %dma_wait3A_1984 = arith.constant 0 : i32
    %dma_wait3A_1985 = tpu.memref_slice %arg8[%dma_wait3A_1984] : memref<896xf32, #tpu.memory_space<vmem_shared>> -> memref<896xf32, #tpu.memory_space<vmem_shared>>
    tpu.wait_indirect_dma semaphore(%arg9 : memref<!tpu.dma_semaphore, #tpu.memory_space<semaphore_mem>>) src(%dma_wait3A_1980 : memref<128xf32, #tpu.memory_space<vmem>>) dst(%dma_wait3A_1985 : memref<896xf32, #tpu.memory_space<vmem_shared>>)
    %dma_wait3A_1986 = arith.constant 98 : i32
    %dma_wait3A_1987 = arith.constant 98 : i32
    %dma_wait3A_1988 = arith.constant 0 : i32
    %dma_wait3A_1989 = tpu.memref_slice %arg5[%dma_wait3A_1986, %dma_wait3A_1988] : memref<100x128xf32, #tpu.memory_space<vmem>> -> memref<1x128xf32, #tpu.memory_space<vmem>>
    %dma_wait3A_1990 = tpu.memref_squeeze %dma_wait3A_1989 : memref<1x128xf32, #tpu.memory_space<vmem>> -> memref<128xf32, #tpu.memory_space<vmem>>
    %dma_wait3A_1991 = arith.constant 0 : i32
    %dma_wait3A_1992 = tpu.memref_slice %arg6[%dma_wait3A_1987, %dma_wait3A_1991] : memref<100x128xi32, #tpu.memory_space<vmem>> -> memref<1x128xi32, #tpu.memory_space<vmem>>
    %dma_wait3A_1993 = tpu.memref_squeeze %dma_wait3A_1992 : memref<1x128xi32, #tpu.memory_space<vmem>> -> memref<128xi32, #tpu.memory_space<vmem>>
    %dma_wait3A_1994 = arith.constant 0 : i32
    %dma_wait3A_1995 = tpu.memref_slice %arg8[%dma_wait3A_1994] : memref<896xf32, #tpu.memory_space<vmem_shared>> -> memref<896xf32, #tpu.memory_space<vmem_shared>>
    tpu.wait_indirect_dma semaphore(%arg9 : memref<!tpu.dma_semaphore, #tpu.memory_space<semaphore_mem>>) src(%dma_wait3A_1990 : memref<128xf32, #tpu.memory_space<vmem>>) dst(%dma_wait3A_1995 : memref<896xf32, #tpu.memory_space<vmem_shared>>)
    %dma_wait3A_1996 = arith.constant 99 : i32
    %dma_wait3A_1997 = arith.constant 99 : i32
    %dma_wait3A_1998 = arith.constant 0 : i32
    %dma_wait3A_1999 = tpu.memref_slice %arg5[%dma_wait3A_1996, %dma_wait3A_1998] : memref<100x128xf32, #tpu.memory_space<vmem>> -> memref<1x128xf32, #tpu.memory_space<vmem>>
    %dma_wait3A_2000 = tpu.memref_squeeze %dma_wait3A_1999 : memref<1x128xf32, #tpu.memory_space<vmem>> -> memref<128xf32, #tpu.memory_space<vmem>>
    %dma_wait3A_2001 = arith.constant 0 : i32
    %dma_wait3A_2002 = tpu.memref_slice %arg6[%dma_wait3A_1997, %dma_wait3A_2001] : memref<100x128xi32, #tpu.memory_space<vmem>> -> memref<1x128xi32, #tpu.memory_space<vmem>>
    %dma_wait3A_2003 = tpu.memref_squeeze %dma_wait3A_2002 : memref<1x128xi32, #tpu.memory_space<vmem>> -> memref<128xi32, #tpu.memory_space<vmem>>
    %dma_wait3A_2004 = arith.constant 0 : i32
    %dma_wait3A_2005 = tpu.memref_slice %arg8[%dma_wait3A_2004] : memref<896xf32, #tpu.memory_space<vmem_shared>> -> memref<896xf32, #tpu.memory_space<vmem_shared>>
    tpu.wait_indirect_dma semaphore(%arg9 : memref<!tpu.dma_semaphore, #tpu.memory_space<semaphore_mem>>) src(%dma_wait3A_2000 : memref<128xf32, #tpu.memory_space<vmem>>) dst(%dma_wait3A_2005 : memref<896xf32, #tpu.memory_space<vmem_shared>>)
    %barrier3A_2006 = arith.constant 0 : index
    tpu.barrier barrier_id(%barrier3A_2006)
    %eq3A_2007 = arith.constant 0 : i32
    %eq3A_2008 = arith.cmpi eq, %arg1, %eq3A_2007 : i32
    %convert_element_type3A_2009 = arith.extui %eq3A_2008 : i1 to i32
    %cond3A_2010 = arith.constant 0 : i32
    %cond3A_2011 = arith.cmpi ne, %convert_element_type3A_2009, %cond3A_2010 : i32
    scf.if %cond3A_2011 {
      "tpu.region"() ({
        %run_scoped3A = tpu.sem_alloc : memref<!tpu.dma_semaphore, #tpu.memory_space<semaphore_mem>>
        %dma_start3A_2012 = arith.constant 0 : i32
        %dma_start3A_2013 = tpu.memref_slice %arg4[%arg0, %dma_start3A_2012] : memref<2x896xf32, #tpu.memory_space<hbm>> -> memref<1x896xf32, #tpu.memory_space<hbm>>
        %dma_start3A_2014 = tpu.memref_squeeze %dma_start3A_2013 : memref<1x896xf32, #tpu.memory_space<hbm>> -> memref<896xf32, #tpu.memory_space<hbm>>
        tpu.enqueue_dma source(%arg8 : memref<896xf32, #tpu.memory_space<vmem_shared>>) target(%dma_start3A_2014 : memref<896xf32, #tpu.memory_space<hbm>>) target_semaphore(%run_scoped3A : memref<!tpu.dma_semaphore, #tpu.memory_space<semaphore_mem>>)
        %dma_wait3A_2015 = arith.constant 0 : i32
        %dma_wait3A_2016 = tpu.memref_slice %arg4[%arg0, %dma_wait3A_2015] : memref<2x896xf32, #tpu.memory_space<hbm>> -> memref<1x896xf32, #tpu.memory_space<hbm>>
        %dma_wait3A_2017 = tpu.memref_squeeze %dma_wait3A_2016 : memref<1x896xf32, #tpu.memory_space<hbm>> -> memref<896xf32, #tpu.memory_space<hbm>>
        tpu.wait_dma2 semaphore(%run_scoped3A : memref<!tpu.dma_semaphore, #tpu.memory_space<semaphore_mem>>) src(%arg8 : memref<896xf32, #tpu.memory_space<vmem_shared>>) dst(%dma_wait3A_2017 : memref<896xf32, #tpu.memory_space<hbm>>)
        tpu.yield
      }) : () -> ()
    } else {
    }
    return
  }
}

module attributes {stable_mosaic.version = 14 : i64} {
  func.func @_rank_body(%arg0: memref<1x896xi32, #tpu.memory_space<vmem>>, %arg1: memref<896x1xi32, #tpu.memory_space<vmem>>, %arg2: memref<1x896xi32, #tpu.memory_space<vmem>>) attributes {dimension_semantics = [], scalar_prefetch = 0 : i64, scratch_operands = 0 : i64, tpu.core_type = #tpu.core_type<tc>} {
    %get3A = arith.constant 0 : index
    %get3A_0 = arith.constant 0 : index
    %get3A_1 = vector.load %arg0[%get3A, %get3A_0] : memref<1x896xi32, #tpu.memory_space<vmem>>, vector<1x896xi32>
    %reshape3A = vector.shape_cast %get3A_1 : vector<1x896xi32> to vector<896x1xi32>
    %iota3A = tpu.iota {dimensions = array<i32: 0>} : vector<896x896xi32>
    %iota3A_2 = tpu.iota {dimensions = array<i32: 1>} : vector<896x896xi32>
    %lt3A = vector.broadcast %get3A_1 : vector<1x896xi32> to vector<896x896xi32>
    %lt3A_3 = vector.broadcast %reshape3A : vector<896x1xi32> to vector<896x896xi32>
    %lt3A_4 = arith.cmpi slt, %lt3A, %lt3A_3 : vector<896x896xi32>
    %eq3A = vector.broadcast %get3A_1 : vector<1x896xi32> to vector<896x896xi32>
    %eq3A_5 = vector.broadcast %reshape3A : vector<896x1xi32> to vector<896x896xi32>
    %eq3A_6 = arith.cmpi eq, %eq3A, %eq3A_5 : vector<896x896xi32>
    %lt3A_7 = arith.cmpi slt, %iota3A_2, %iota3A : vector<896x896xi32>
    %and3A = arith.andi %eq3A_6, %lt3A_7 : vector<896x896xi1>
    %or3A = arith.ori %lt3A_4, %and3A : vector<896x896xi1>
    %convert_element_type3A = arith.extui %or3A : vector<896x896xi1> to vector<896x896xi32>
    %reduce_sum3A = arith.constant dense<0> : vector<896xi32>
    %reduce_sum3A_8 = vector.multi_reduction <add>, %convert_element_type3A, %reduce_sum3A [1] : vector<896x896xi32> to vector<896xi32>
    %broadcast_in_dim3A = vector.shape_cast %reduce_sum3A_8 : vector<896xi32> to vector<896x1xi32>
    %swap3A = arith.constant 0 : index
    %swap3A_9 = arith.constant 0 : index
    %swap3A_10 = vector.load %arg1[%swap3A, %swap3A_9] : memref<896x1xi32, #tpu.memory_space<vmem>>, vector<896x1xi32>
    tpu.vector_store %arg1[%swap3A, %swap3A_9], %broadcast_in_dim3A {strides = array<i32>} : memref<896x1xi32, #tpu.memory_space<vmem>>, vector<896x1xi32>,
    %iota3A_11 = tpu.iota {dimensions = array<i32: 1>} : vector<896x896xi32>
    %eq3A_12 = vector.broadcast %broadcast_in_dim3A : vector<896x1xi32> to vector<896x896xi32>
    %eq3A_13 = arith.cmpi eq, %eq3A_12, %iota3A_11 : vector<896x896xi32>
    %jit3A = arith.constant 0 : i32
    %broadcast_in_dim3A_14 = vector.broadcast %jit3A : i32 to vector<896x896xi32>
    %select_n3A = arith.select %eq3A_13, %iota3A, %broadcast_in_dim3A_14 : vector<896x896xi1>, vector<896x896xi32>
    %reduce_sum3A_15 = arith.constant dense<0> : vector<896xi32>
    %reduce_sum3A_16 = vector.multi_reduction <add>, %select_n3A, %reduce_sum3A_15 [0] : vector<896x896xi32> to vector<896xi32>
    %broadcast_in_dim3A_17 = vector.shape_cast %reduce_sum3A_16 : vector<896xi32> to vector<1x896xi32>
    %swap3A_18 = arith.constant 0 : index
    %swap3A_19 = arith.constant 0 : index
    %swap3A_20 = vector.load %arg2[%swap3A_18, %swap3A_19] : memref<1x896xi32, #tpu.memory_space<vmem>>, vector<1x896xi32>
    tpu.vector_store %arg2[%swap3A_18, %swap3A_19], %broadcast_in_dim3A_17 {strides = array<i32>} : memref<1x896xi32, #tpu.memory_space<vmem>>, vector<1x896xi32>,
    return
  }
}

module attributes {stable_mosaic.version = 14 : i64} {
  func.func @_dp_body(%arg0: i32, %arg1: memref<256x128xf32, #tpu.memory_space<vmem>>, %arg2: memref<256x128xbf16, #tpu.memory_space<vmem>>, %arg3: memref<1x1x128xi32, #tpu.memory_space<vmem>>, %arg4: memref<1x1x128xi32, #tpu.memory_space<vmem>>, %arg5: memref<2x896xf32, #tpu.memory_space<vmem>>, %arg6: memref<1x896xi32, #tpu.memory_space<vmem>>, %arg7: memref<896x1xi32, #tpu.memory_space<vmem>>, %arg8: memref<1x1xf32, #tpu.memory_space<vmem>>, %arg9: memref<1x896xf32, #tpu.memory_space<vmem>>) attributes {dimension_semantics = [#tpu.dimension_semantics<arbitrary>], iteration_bounds = array<i64: 7>, scalar_prefetch = 0 : i64, scratch_operands = 1 : i64, tpu.core_type = #tpu.core_type<tc>, window_params = [{transform_indices = @transform_0, window_bounds = array<i64: 256, 128>}, {transform_indices = @transform_1, window_bounds = array<i64: 256, 128>}, {transform_indices = @transform_2, window_bounds = array<i64: 1, 1, 128>}, {transform_indices = @transform_3, window_bounds = array<i64: 1, 1, 128>}, {pipeline_mode = #tpu.pipeline_mode<synchronous>, transform_indices = @transform_4, window_bounds = array<i64: 2, 896>}, {pipeline_mode = #tpu.pipeline_mode<synchronous>, transform_indices = @transform_5, window_bounds = array<i64: 1, 896>}, {pipeline_mode = #tpu.pipeline_mode<synchronous>, transform_indices = @transform_6, window_bounds = array<i64: 896, 1>}, {pipeline_mode = #tpu.pipeline_mode<synchronous>, transform_indices = @transform_7, window_bounds = array<i64: 1, 1>}]} {
    %get3A = arith.constant 0 : index
    %get3A_0 = arith.constant 0 : index
    %get3A_1 = vector.load %arg2[%get3A, %get3A_0] : memref<256x128xbf16, #tpu.memory_space<vmem>>, vector<256x128xbf16>
    %broadcast_in_dim3A = arith.constant 0x7FC0 : bf16
    %broadcast_in_dim3A_2 = vector.broadcast %broadcast_in_dim3A : bf16 to vector<1x128xbf16>
    %slice3A = vector.extract_strided_slice %get3A_1 {offsets = [0, 0], sizes = [255, 128], strides = [1, 1]} : vector<256x128xbf16> to vector<255x128xbf16>
    %concatenate3A = tpu.concatenate %broadcast_in_dim3A_2, %slice3A in 0 : vector<1x128xbf16>, vector<255x128xbf16> -> vector<256x128xbf16>
    %get3A_3 = arith.constant 0 : index
    %get3A_4 = arith.constant 0 : index
    %get3A_5 = arith.constant 0 : index
    %get3A_6 = vector.load %arg3[%get3A_3, %get3A_4, %get3A_5] : memref<1x1x128xi32, #tpu.memory_space<vmem>>, vector<1x1x128xi32>
    %reshape3A = vector.shape_cast %get3A_6 : vector<1x1x128xi32> to vector<1x128xi32>
    %get3A_7 = arith.constant 0 : index
    %get3A_8 = arith.constant 0 : index
    %get3A_9 = arith.constant 0 : index
    %get3A_10 = vector.load %arg4[%get3A_7, %get3A_8, %get3A_9] : memref<1x1x128xi32, #tpu.memory_space<vmem>>, vector<1x1x128xi32>
    %reshape3A_11 = vector.shape_cast %get3A_10 : vector<1x1x128xi32> to vector<1x128xi32>
    %convert_element_type3A = arith.sitofp %reshape3A : vector<1x128xi32> to vector<1x128xbf16>
    %iota3A = tpu.iota {dimensions = array<i32: 0>} : vector<256x128xi32>
    %convert_element_type3A_12 = arith.sitofp %iota3A : vector<256x128xi32> to vector<256x128xbf16>
    %convert_element_type3A_13 = arith.sitofp %reshape3A_11 : vector<1x128xi32> to vector<1x128xbf16>
    %broadcast_in_dim3A_14 = arith.constant 0.000000e+00 : bf16
    %broadcast_in_dim3A_15 = vector.broadcast %broadcast_in_dim3A_14 : bf16 to vector<256x128xbf16>
    %reduce_max3A = vector.shape_cast %reshape3A : vector<1x128xi32> to vector<1x1x128xi32>
    %reduce_max3A_16 = arith.constant dense<-2147483648> : vector<1xi32>
    %reduce_max3A_17 = vector.multi_reduction <maxsi>, %reduce_max3A, %reduce_max3A_16 [1, 2] : vector<1x1x128xi32> to vector<1xi32>
    %reduce_max3A_18 = vector.shape_cast %reduce_max3A_17 : vector<1xi32> to vector<1x1x1xi32>
    %reduce_max3A_19 = vector.extract %reduce_max3A_18[0, 0, 0] : i32 from vector<1x1x1xi32>
    %add3A = arith.constant 1 : i32
    %add3A_20 = arith.addi %reduce_max3A_19, %add3A : i32
    %while3A = arith.constant 5.120000e+02 : bf16
    %while3A_21 = arith.constant 1 : i32
    %while3A_22 = arith.subi %add3A_20, %while3A_21 : i32
    %while3A_23 = arith.addi %while3A_21, %while3A_22 : i32
    %while3A_24 = arith.constant 1 : i32
    %while3A_25 = arith.divsi %while3A_22, %while3A_24 : i32
    %while3A_26 = arith.muli %while3A_25, %while3A_24 : i32
    %while3A_27 = arith.addi %while3A_21, %while3A_26 : i32
    %while3A_28 = arith.constant 1 : i32
    %while3A_29 = scf.for %while3A_48 = %while3A_21 to %while3A_27 step %while3A_28 iter_args(%while3A_49 = %broadcast_in_dim3A_15) -> (vector<256x128xbf16>)  : i32 {
      %sub3A = arith.constant 1 : i32
      %sub3A_50 = arith.subi %while3A_48, %sub3A : i32
      %get3A_51 = arith.index_cast %sub3A_50 : i32 to index
      %get3A_52 = arith.constant 0 : index
      %get3A_53 = vector.load %arg1[%get3A_51, %get3A_52] : memref<256x128xf32, #tpu.memory_space<vmem>>, vector<1x128xf32>
      %convert_element_type3A_54 = arith.truncf %get3A_53 : vector<1x128xf32> to vector<1x128xbf16>
      %eq3A_55 = vector.broadcast %convert_element_type3A_54 : vector<1x128xbf16> to vector<256x128xbf16>
      %eq3A_56 = arith.cmpf oeq, %concatenate3A, %eq3A_55 : vector<256x128xbf16>
      %broadcast_in_dim3A_57 = vector.broadcast %while3A : bf16 to vector<1x128xbf16>
      %slice3A_58 = vector.extract_strided_slice %while3A_49 {offsets = [0, 0], sizes = [255, 128], strides = [1, 1]} : vector<256x128xbf16> to vector<255x128xbf16>
      %concatenate3A_59 = tpu.concatenate %broadcast_in_dim3A_57, %slice3A_58 in 0 : vector<1x128xbf16>, vector<255x128xbf16> -> vector<256x128xbf16>
      %jit3A_60 = arith.constant -1.000000e+00 : bf16
      %jit3A_61 = arith.constant 0.000000e+00 : bf16
      %broadcast_in_dim3A_62 = vector.broadcast %jit3A_60 : bf16 to vector<256x128xbf16>
      %broadcast_in_dim3A_63 = vector.broadcast %jit3A_61 : bf16 to vector<256x128xbf16>
      %select_n3A_64 = arith.select %eq3A_56, %broadcast_in_dim3A_62, %broadcast_in_dim3A_63 : vector<256x128xi1>, vector<256x128xbf16>
      %add3A_65 = arith.addf %concatenate3A_59, %select_n3A_64 : vector<256x128xbf16>
      %add3A_66 = arith.constant 1.000000e+00 : bf16
      %add3A_67 = vector.broadcast %add3A_66 : bf16 to vector<256x128xbf16>
      %add3A_68 = arith.addf %while3A_49, %add3A_67 : vector<256x128xbf16>
      %min3A = arith.minimumf %add3A_65, %add3A_68 : vector<256x128xbf16>
      %broadcast_in_dim3A_69 = vector.broadcast %while3A : bf16 to vector<1x128xbf16>
      %slice3A_70 = vector.extract_strided_slice %min3A {offsets = [0, 0], sizes = [255, 128], strides = [1, 1]} : vector<256x128xbf16> to vector<255x128xbf16>
      %concatenate3A_71 = tpu.concatenate %broadcast_in_dim3A_69, %slice3A_70 in 0 : vector<1x128xbf16>, vector<255x128xbf16> -> vector<256x128xbf16>
      %min3A_72 = arith.minimumf %min3A, %concatenate3A_71 : vector<256x128xbf16>
      %broadcast_in_dim3A_73 = vector.broadcast %while3A : bf16 to vector<2x128xbf16>
      %slice3A_74 = vector.extract_strided_slice %min3A_72 {offsets = [0, 0], sizes = [254, 128], strides = [1, 1]} : vector<256x128xbf16> to vector<254x128xbf16>
      %concatenate3A_75 = tpu.concatenate %broadcast_in_dim3A_73, %slice3A_74 in 0 : vector<2x128xbf16>, vector<254x128xbf16> -> vector<256x128xbf16>
      %min3A_76 = arith.minimumf %min3A_72, %concatenate3A_75 : vector<256x128xbf16>
      %broadcast_in_dim3A_77 = vector.broadcast %while3A : bf16 to vector<4x128xbf16>
      %slice3A_78 = vector.extract_strided_slice %min3A_76 {offsets = [0, 0], sizes = [252, 128], strides = [1, 1]} : vector<256x128xbf16> to vector<252x128xbf16>
      %concatenate3A_79 = tpu.concatenate %broadcast_in_dim3A_77, %slice3A_78 in 0 : vector<4x128xbf16>, vector<252x128xbf16> -> vector<256x128xbf16>
      %min3A_80 = arith.minimumf %min3A_76, %concatenate3A_79 : vector<256x128xbf16>
      %broadcast_in_dim3A_81 = vector.broadcast %while3A : bf16 to vector<8x128xbf16>
      %slice3A_82 = vector.extract_strided_slice %min3A_80 {offsets = [0, 0], sizes = [248, 128], strides = [1, 1]} : vector<256x128xbf16> to vector<248x128xbf16>
      %concatenate3A_83 = tpu.concatenate %broadcast_in_dim3A_81, %slice3A_82 in 0 : vector<8x128xbf16>, vector<248x128xbf16> -> vector<256x128xbf16>
      %min3A_84 = arith.minimumf %min3A_80, %concatenate3A_83 : vector<256x128xbf16>
      %broadcast_in_dim3A_85 = vector.broadcast %while3A : bf16 to vector<16x128xbf16>
      %slice3A_86 = vector.extract_strided_slice %min3A_84 {offsets = [0, 0], sizes = [240, 128], strides = [1, 1]} : vector<256x128xbf16> to vector<240x128xbf16>
      %concatenate3A_87 = tpu.concatenate %broadcast_in_dim3A_85, %slice3A_86 in 0 : vector<16x128xbf16>, vector<240x128xbf16> -> vector<256x128xbf16>
      %min3A_88 = arith.minimumf %min3A_84, %concatenate3A_87 : vector<256x128xbf16>
      %broadcast_in_dim3A_89 = vector.broadcast %while3A : bf16 to vector<32x128xbf16>
      %slice3A_90 = vector.extract_strided_slice %min3A_88 {offsets = [0, 0], sizes = [224, 128], strides = [1, 1]} : vector<256x128xbf16> to vector<224x128xbf16>
      %concatenate3A_91 = tpu.concatenate %broadcast_in_dim3A_89, %slice3A_90 in 0 : vector<32x128xbf16>, vector<224x128xbf16> -> vector<256x128xbf16>
      %min3A_92 = arith.minimumf %min3A_88, %concatenate3A_91 : vector<256x128xbf16>
      %broadcast_in_dim3A_93 = vector.broadcast %while3A : bf16 to vector<64x128xbf16>
      %slice3A_94 = vector.extract_strided_slice %min3A_92 {offsets = [0, 0], sizes = [192, 128], strides = [1, 1]} : vector<256x128xbf16> to vector<192x128xbf16>
      %concatenate3A_95 = tpu.concatenate %broadcast_in_dim3A_93, %slice3A_94 in 0 : vector<64x128xbf16>, vector<192x128xbf16> -> vector<256x128xbf16>
      %min3A_96 = arith.minimumf %min3A_92, %concatenate3A_95 : vector<256x128xbf16>
      %broadcast_in_dim3A_97 = vector.broadcast %while3A : bf16 to vector<128x128xbf16>
      %slice3A_98 = vector.extract_strided_slice %min3A_96 {offsets = [0, 0], sizes = [128, 128], strides = [1, 1]} : vector<256x128xbf16> to vector<128x128xbf16>
      %concatenate3A_99 = tpu.concatenate %broadcast_in_dim3A_97, %slice3A_98 in 0 : vector<128x128xbf16>, vector<128x128xbf16> -> vector<256x128xbf16>
      %min3A_100 = arith.minimumf %min3A_96, %concatenate3A_99 : vector<256x128xbf16>
      %convert_element_type3A_101 = arith.sitofp %while3A_48 : i32 to bf16
      %le3A = vector.broadcast %convert_element_type3A_101 : bf16 to vector<1x128xbf16>
      %le3A_102 = arith.cmpf ole, %le3A, %convert_element_type3A : vector<1x128xbf16>
      %broadcast_in_dim3A_103 = vector.shape_cast %le3A_102 : vector<1x128xi1> to vector<1x128xi1>
      %broadcast_in_dim3A_104 = vector.broadcast %broadcast_in_dim3A_103 : vector<1x128xi1> to vector<256x128xi1>
      %select_n3A_105 = arith.select %broadcast_in_dim3A_104, %min3A_100, %while3A_49 : vector<256x128xi1>, vector<256x128xbf16>
      scf.yield %select_n3A_105 : vector<256x128xbf16>
    }
    %while3A_30 = arith.constant 1 : i32
    %while3A_31 = scf.for %while3A_48 = %while3A_27 to %while3A_23 step %while3A_30 iter_args(%while3A_49 = %while3A_29) -> (vector<256x128xbf16>)  : i32 {
      %sub3A = arith.constant 1 : i32
      %sub3A_50 = arith.subi %while3A_48, %sub3A : i32
      %get3A_51 = arith.index_cast %sub3A_50 : i32 to index
      %get3A_52 = arith.constant 0 : index
      %get3A_53 = vector.load %arg1[%get3A_51, %get3A_52] : memref<256x128xf32, #tpu.memory_space<vmem>>, vector<1x128xf32>
      %convert_element_type3A_54 = arith.truncf %get3A_53 : vector<1x128xf32> to vector<1x128xbf16>
      %eq3A_55 = vector.broadcast %convert_element_type3A_54 : vector<1x128xbf16> to vector<256x128xbf16>
      %eq3A_56 = arith.cmpf oeq, %concatenate3A, %eq3A_55 : vector<256x128xbf16>
      %broadcast_in_dim3A_57 = vector.broadcast %while3A : bf16 to vector<1x128xbf16>
      %slice3A_58 = vector.extract_strided_slice %while3A_49 {offsets = [0, 0], sizes = [255, 128], strides = [1, 1]} : vector<256x128xbf16> to vector<255x128xbf16>
      %concatenate3A_59 = tpu.concatenate %broadcast_in_dim3A_57, %slice3A_58 in 0 : vector<1x128xbf16>, vector<255x128xbf16> -> vector<256x128xbf16>
      %jit3A_60 = arith.constant -1.000000e+00 : bf16
      %jit3A_61 = arith.constant 0.000000e+00 : bf16
      %broadcast_in_dim3A_62 = vector.broadcast %jit3A_60 : bf16 to vector<256x128xbf16>
      %broadcast_in_dim3A_63 = vector.broadcast %jit3A_61 : bf16 to vector<256x128xbf16>
      %select_n3A_64 = arith.select %eq3A_56, %broadcast_in_dim3A_62, %broadcast_in_dim3A_63 : vector<256x128xi1>, vector<256x128xbf16>
      %add3A_65 = arith.addf %concatenate3A_59, %select_n3A_64 : vector<256x128xbf16>
      %add3A_66 = arith.constant 1.000000e+00 : bf16
      %add3A_67 = vector.broadcast %add3A_66 : bf16 to vector<256x128xbf16>
      %add3A_68 = arith.addf %while3A_49, %add3A_67 : vector<256x128xbf16>
      %min3A = arith.minimumf %add3A_65, %add3A_68 : vector<256x128xbf16>
      %broadcast_in_dim3A_69 = vector.broadcast %while3A : bf16 to vector<1x128xbf16>
      %slice3A_70 = vector.extract_strided_slice %min3A {offsets = [0, 0], sizes = [255, 128], strides = [1, 1]} : vector<256x128xbf16> to vector<255x128xbf16>
      %concatenate3A_71 = tpu.concatenate %broadcast_in_dim3A_69, %slice3A_70 in 0 : vector<1x128xbf16>, vector<255x128xbf16> -> vector<256x128xbf16>
      %min3A_72 = arith.minimumf %min3A, %concatenate3A_71 : vector<256x128xbf16>
      %broadcast_in_dim3A_73 = vector.broadcast %while3A : bf16 to vector<2x128xbf16>
      %slice3A_74 = vector.extract_strided_slice %min3A_72 {offsets = [0, 0], sizes = [254, 128], strides = [1, 1]} : vector<256x128xbf16> to vector<254x128xbf16>
      %concatenate3A_75 = tpu.concatenate %broadcast_in_dim3A_73, %slice3A_74 in 0 : vector<2x128xbf16>, vector<254x128xbf16> -> vector<256x128xbf16>
      %min3A_76 = arith.minimumf %min3A_72, %concatenate3A_75 : vector<256x128xbf16>
      %broadcast_in_dim3A_77 = vector.broadcast %while3A : bf16 to vector<4x128xbf16>
      %slice3A_78 = vector.extract_strided_slice %min3A_76 {offsets = [0, 0], sizes = [252, 128], strides = [1, 1]} : vector<256x128xbf16> to vector<252x128xbf16>
      %concatenate3A_79 = tpu.concatenate %broadcast_in_dim3A_77, %slice3A_78 in 0 : vector<4x128xbf16>, vector<252x128xbf16> -> vector<256x128xbf16>
      %min3A_80 = arith.minimumf %min3A_76, %concatenate3A_79 : vector<256x128xbf16>
      %broadcast_in_dim3A_81 = vector.broadcast %while3A : bf16 to vector<8x128xbf16>
      %slice3A_82 = vector.extract_strided_slice %min3A_80 {offsets = [0, 0], sizes = [248, 128], strides = [1, 1]} : vector<256x128xbf16> to vector<248x128xbf16>
      %concatenate3A_83 = tpu.concatenate %broadcast_in_dim3A_81, %slice3A_82 in 0 : vector<8x128xbf16>, vector<248x128xbf16> -> vector<256x128xbf16>
      %min3A_84 = arith.minimumf %min3A_80, %concatenate3A_83 : vector<256x128xbf16>
      %broadcast_in_dim3A_85 = vector.broadcast %while3A : bf16 to vector<16x128xbf16>
      %slice3A_86 = vector.extract_strided_slice %min3A_84 {offsets = [0, 0], sizes = [240, 128], strides = [1, 1]} : vector<256x128xbf16> to vector<240x128xbf16>
      %concatenate3A_87 = tpu.concatenate %broadcast_in_dim3A_85, %slice3A_86 in 0 : vector<16x128xbf16>, vector<240x128xbf16> -> vector<256x128xbf16>
      %min3A_88 = arith.minimumf %min3A_84, %concatenate3A_87 : vector<256x128xbf16>
      %broadcast_in_dim3A_89 = vector.broadcast %while3A : bf16 to vector<32x128xbf16>
      %slice3A_90 = vector.extract_strided_slice %min3A_88 {offsets = [0, 0], sizes = [224, 128], strides = [1, 1]} : vector<256x128xbf16> to vector<224x128xbf16>
      %concatenate3A_91 = tpu.concatenate %broadcast_in_dim3A_89, %slice3A_90 in 0 : vector<32x128xbf16>, vector<224x128xbf16> -> vector<256x128xbf16>
      %min3A_92 = arith.minimumf %min3A_88, %concatenate3A_91 : vector<256x128xbf16>
      %broadcast_in_dim3A_93 = vector.broadcast %while3A : bf16 to vector<64x128xbf16>
      %slice3A_94 = vector.extract_strided_slice %min3A_92 {offsets = [0, 0], sizes = [192, 128], strides = [1, 1]} : vector<256x128xbf16> to vector<192x128xbf16>
      %concatenate3A_95 = tpu.concatenate %broadcast_in_dim3A_93, %slice3A_94 in 0 : vector<64x128xbf16>, vector<192x128xbf16> -> vector<256x128xbf16>
      %min3A_96 = arith.minimumf %min3A_92, %concatenate3A_95 : vector<256x128xbf16>
      %broadcast_in_dim3A_97 = vector.broadcast %while3A : bf16 to vector<128x128xbf16>
      %slice3A_98 = vector.extract_strided_slice %min3A_96 {offsets = [0, 0], sizes = [128, 128], strides = [1, 1]} : vector<256x128xbf16> to vector<128x128xbf16>
      %concatenate3A_99 = tpu.concatenate %broadcast_in_dim3A_97, %slice3A_98 in 0 : vector<128x128xbf16>, vector<128x128xbf16> -> vector<256x128xbf16>
      %min3A_100 = arith.minimumf %min3A_96, %concatenate3A_99 : vector<256x128xbf16>
      %convert_element_type3A_101 = arith.sitofp %while3A_48 : i32 to bf16
      %le3A = vector.broadcast %convert_element_type3A_101 : bf16 to vector<1x128xbf16>
      %le3A_102 = arith.cmpf ole, %le3A, %convert_element_type3A : vector<1x128xbf16>
      %broadcast_in_dim3A_103 = vector.shape_cast %le3A_102 : vector<1x128xi1> to vector<1x128xi1>
      %broadcast_in_dim3A_104 = vector.broadcast %broadcast_in_dim3A_103 : vector<1x128xi1> to vector<256x128xi1>
      %select_n3A_105 = arith.select %broadcast_in_dim3A_104, %min3A_100, %while3A_49 : vector<256x128xi1>, vector<256x128xbf16>
      scf.yield %select_n3A_105 : vector<256x128xbf16>
    }
    %eq3A = vector.broadcast %convert_element_type3A_13 : vector<1x128xbf16> to vector<256x128xbf16>
    %eq3A_32 = arith.cmpf oeq, %convert_element_type3A_12, %eq3A : vector<256x128xbf16>
    %jit3A = arith.constant 0.000000e+00 : bf16
    %broadcast_in_dim3A_33 = vector.broadcast %jit3A : bf16 to vector<256x128xbf16>
    %select_n3A = arith.select %eq3A_32, %while3A_31, %broadcast_in_dim3A_33 : vector<256x128xi1>, vector<256x128xbf16>
    %convert_element_type3A_34 = arith.extf %select_n3A : vector<256x128xbf16> to vector<256x128xf32>
    %reduce_sum3A = arith.constant dense<0.000000e+00> : vector<128xf32>
    %reduce_sum3A_35 = vector.multi_reduction <add>, %convert_element_type3A_34, %reduce_sum3A [0] : vector<256x128xf32> to vector<128xf32>
    %broadcast_in_dim3A_36 = vector.shape_cast %reduce_sum3A_35 : vector<128xf32> to vector<1x128xf32>
    %convert_element_type3A_37 = arith.truncf %broadcast_in_dim3A_36 : vector<1x128xf32> to vector<1x128xbf16>
    %convert_element_type3A_38 = arith.extf %convert_element_type3A_37 : vector<1x128xbf16> to vector<1x128xf32>
    %convert_element_type3A_39 = arith.sitofp %reshape3A_11 : vector<1x128xi32> to vector<1x128xf32>
    %add3A_40 = arith.addf %convert_element_type3A_38, %convert_element_type3A_39 : vector<1x128xf32>
    %mul3A = arith.constant 128 : i32
    %mul3A_41 = arith.muli %arg0, %mul3A : i32
    %swap3A = arith.constant 0 : index
    %swap3A_42 = arith.index_cast %mul3A_41 : i32 to index
    %swap3A_43 = vector.load %arg9[%swap3A, %swap3A_42] : memref<1x896xf32, #tpu.memory_space<vmem>>, vector<1x128xf32>
    tpu.vector_store %arg9[%swap3A, %swap3A_42], %add3A_40 {strides = array<i32>} : memref<1x896xf32, #tpu.memory_space<vmem>>, vector<1x128xf32>,
    %eq3A_44 = arith.constant 6 : i32
    %eq3A_45 = arith.cmpi eq, %arg0, %eq3A_44 : i32
    %convert_element_type3A_46 = arith.extui %eq3A_45 : i1 to i32
    %cond3A = arith.constant 0 : i32
    %cond3A_47 = arith.cmpi ne, %convert_element_type3A_46, %cond3A : i32
    scf.if %cond3A_47 {
      %get3A_48 = arith.constant 0 : index
      %get3A_49 = arith.constant 0 : index
      %get3A_50 = vector.load %arg5[%get3A_48, %get3A_49] : memref<2x896xf32, #tpu.memory_space<vmem>>, vector<1x896xf32>
      %get3A_51 = arith.constant 1 : index
      %get3A_52 = arith.constant 0 : index
      %get3A_53 = vector.load %arg5[%get3A_51, %get3A_52] : memref<2x896xf32, #tpu.memory_space<vmem>>, vector<1x896xf32>
      %add3A_54 = arith.addf %get3A_50, %get3A_53 : vector<1x896xf32>
      %get3A_55 = arith.constant 0 : index
      %get3A_56 = arith.constant 0 : index
      %get3A_57 = vector.load %arg7[%get3A_55, %get3A_56] : memref<896x1xi32, #tpu.memory_space<vmem>>, vector<896x1xi32>
      %reshape3A_58 = vector.shape_cast %add3A_54 : vector<1x896xf32> to vector<896x1xf32>
      %iota3A_59 = tpu.iota {dimensions = array<i32: 1>} : vector<896x896xi32>
      %eq3A_60 = vector.broadcast %get3A_57 : vector<896x1xi32> to vector<896x896xi32>
      %eq3A_61 = arith.cmpi eq, %eq3A_60, %iota3A_59 : vector<896x896xi32>
      %jit3A_62 = arith.constant 0.000000e+00 : f32
      %broadcast_in_dim3A_63 = vector.shape_cast %reshape3A_58 : vector<896x1xf32> to vector<896x1xf32>
      %broadcast_in_dim3A_64 = vector.broadcast %broadcast_in_dim3A_63 : vector<896x1xf32> to vector<896x896xf32>
      %broadcast_in_dim3A_65 = vector.broadcast %jit3A_62 : f32 to vector<896x896xf32>
      %select_n3A_66 = arith.select %eq3A_61, %broadcast_in_dim3A_64, %broadcast_in_dim3A_65 : vector<896x896xi1>, vector<896x896xf32>
      %reduce_sum3A_67 = arith.constant dense<0.000000e+00> : vector<896xf32>
      %reduce_sum3A_68 = vector.multi_reduction <add>, %select_n3A_66, %reduce_sum3A_67 [0] : vector<896x896xf32> to vector<896xf32>
      %broadcast_in_dim3A_69 = vector.shape_cast %reduce_sum3A_68 : vector<896xf32> to vector<1x896xf32>
      %get3A_70 = arith.constant 0 : index
      %get3A_71 = arith.constant 0 : index
      %get3A_72 = vector.load %arg9[%get3A_70, %get3A_71] : memref<1x896xf32, #tpu.memory_space<vmem>>, vector<1x896xf32>
      %get3A_73 = arith.constant 0 : index
      %get3A_74 = arith.constant 0 : index
      %get3A_75 = vector.load %arg6[%get3A_73, %get3A_74] : memref<1x896xi32, #tpu.memory_space<vmem>>, vector<1x896xi32>
      %iota3A_76 = tpu.iota {dimensions = array<i32: 0>} : vector<8x896xi32>
      %eq3A_77 = vector.broadcast %get3A_75 : vector<1x896xi32> to vector<8x896xi32>
      %eq3A_78 = arith.cmpi eq, %eq3A_77, %iota3A_76 : vector<8x896xi32>
      %jit3A_79 = arith.constant -1.000000e+06 : f32
      %broadcast_in_dim3A_80 = vector.shape_cast %broadcast_in_dim3A_69 : vector<1x896xf32> to vector<1x896xf32>
      %broadcast_in_dim3A_81 = vector.broadcast %broadcast_in_dim3A_80 : vector<1x896xf32> to vector<8x896xf32>
      %broadcast_in_dim3A_82 = vector.broadcast %jit3A_79 : f32 to vector<8x896xf32>
      %select_n3A_83 = arith.select %eq3A_78, %broadcast_in_dim3A_81, %broadcast_in_dim3A_82 : vector<8x896xi1>, vector<8x896xf32>
      %reduce_max3A_84 = arith.constant dense<0xFF800000> : vector<8xf32>
      %reduce_max3A_85 = vector.multi_reduction <maximumf>, %select_n3A_83, %reduce_max3A_84 [1] : vector<8x896xf32> to vector<8xf32>
      %broadcast_in_dim3A_86 = vector.shape_cast %reduce_max3A_85 : vector<8xf32> to vector<8x1xf32>
      %gt3A = arith.constant -5.000000e+05 : f32
      %gt3A_87 = vector.broadcast %gt3A : f32 to vector<8x1xf32>
      %gt3A_88 = arith.cmpf ogt, %broadcast_in_dim3A_86, %gt3A_87 : vector<8x1xf32>
      %jit3A_89 = arith.constant 0.000000e+00 : f32
      %broadcast_in_dim3A_90 = vector.broadcast %jit3A_89 : f32 to vector<8x1xf32>
      %select_n3A_91 = arith.select %gt3A_88, %broadcast_in_dim3A_86, %broadcast_in_dim3A_90 : vector<8x1xi1>, vector<8x1xf32>
      %sub3A = vector.broadcast %broadcast_in_dim3A_69 : vector<1x896xf32> to vector<8x896xf32>
      %sub3A_92 = vector.broadcast %select_n3A_91 : vector<8x1xf32> to vector<8x896xf32>
      %sub3A_93 = arith.subf %sub3A, %sub3A_92 : vector<8x896xf32>
      %exp3A = math.exp %sub3A_93 : vector<8x896xf32>
      %jit3A_94 = arith.constant 0.000000e+00 : f32
      %broadcast_in_dim3A_95 = vector.broadcast %jit3A_94 : f32 to vector<8x896xf32>
      %select_n3A_96 = arith.select %eq3A_78, %exp3A, %broadcast_in_dim3A_95 : vector<8x896xi1>, vector<8x896xf32>
      %reduce_sum3A_97 = arith.constant dense<0.000000e+00> : vector<8xf32>
      %reduce_sum3A_98 = vector.multi_reduction <add>, %select_n3A_96, %reduce_sum3A_97 [1] : vector<8x896xf32> to vector<8xf32>
      %broadcast_in_dim3A_99 = vector.shape_cast %reduce_sum3A_98 : vector<8xf32> to vector<8x1xf32>
      %log3A = math.log %broadcast_in_dim3A_99 : vector<8x1xf32>
      %add3A_100 = arith.addf %log3A, %select_n3A_91 : vector<8x1xf32>
      %sub3A_101 = vector.broadcast %broadcast_in_dim3A_69 : vector<1x896xf32> to vector<8x896xf32>
      %sub3A_102 = vector.broadcast %add3A_100 : vector<8x1xf32> to vector<8x896xf32>
      %sub3A_103 = arith.subf %sub3A_101, %sub3A_102 : vector<8x896xf32>
      %exp3A_104 = math.exp %sub3A_103 : vector<8x896xf32>
      %jit3A_105 = arith.constant 0.000000e+00 : f32
      %broadcast_in_dim3A_106 = vector.broadcast %jit3A_105 : f32 to vector<8x896xf32>
      %select_n3A_107 = arith.select %eq3A_78, %exp3A_104, %broadcast_in_dim3A_106 : vector<8x896xi1>, vector<8x896xf32>
      %mul3A_108 = vector.broadcast %get3A_72 : vector<1x896xf32> to vector<8x896xf32>
      %mul3A_109 = arith.mulf %select_n3A_107, %mul3A_108 : vector<8x896xf32>
      %reduce_sum3A_110 = vector.shape_cast %mul3A_109 : vector<8x896xf32> to vector<1x8x896xf32>
      %reduce_sum3A_111 = arith.constant dense<0.000000e+00> : vector<1xf32>
      %reduce_sum3A_112 = vector.multi_reduction <add>, %reduce_sum3A_110, %reduce_sum3A_111 [1, 2] : vector<1x8x896xf32> to vector<1xf32>
      %reduce_sum3A_113 = vector.shape_cast %reduce_sum3A_112 : vector<1xf32> to vector<1x1x1xf32>
      %reduce_sum3A_114 = vector.extract %reduce_sum3A_113[0, 0, 0] : f32 from vector<1x1x1xf32>
      %reshape3A_115 = vector.broadcast %reduce_sum3A_114 : f32 to vector<1x1xf32>
      %swap3A_116 = arith.constant 0 : index
      %swap3A_117 = arith.constant 0 : index
      %swap3A_118 = vector.load %arg8[%swap3A_116, %swap3A_117] : memref<1x1xf32, #tpu.memory_space<vmem>>, vector<1x1xf32>
      tpu.vector_store %arg8[%swap3A_116, %swap3A_117], %reshape3A_115 {strides = array<i32>} : memref<1x1xf32, #tpu.memory_space<vmem>>, vector<1x1xf32>,
    } else {
    }
    return
  }
  func.func @transform_0(%arg0: i32) -> (i32, i32) {
    %c0_i32 = arith.constant 0 : i32
    %c0_i32_0 = arith.constant 0 : i32
    return %c0_i32, %arg0 : i32, i32
  }
  func.func @transform_1(%arg0: i32) -> (i32, i32) {
    %c0_i32 = arith.constant 0 : i32
    %c0_i32_0 = arith.constant 0 : i32
    return %c0_i32, %arg0 : i32, i32
  }
  func.func @transform_2(%arg0: i32) -> (i32, i32, i32) {
    %c0_i32 = arith.constant 0 : i32
    %c0_i32_0 = arith.constant 0 : i32
    %c0_i32_1 = arith.constant 0 : i32
    return %arg0, %c0_i32, %c0_i32_0 : i32, i32, i32
  }
  func.func @transform_3(%arg0: i32) -> (i32, i32, i32) {
    %c0_i32 = arith.constant 0 : i32
    %c0_i32_0 = arith.constant 0 : i32
    %c0_i32_1 = arith.constant 0 : i32
    return %arg0, %c0_i32, %c0_i32_0 : i32, i32, i32
  }
  func.func @transform_4(%arg0: i32) -> (i32, i32) {
    %c0_i32 = arith.constant 0 : i32
    %c0_i32_0 = arith.constant 0 : i32
    %c0_i32_1 = arith.constant 0 : i32
    return %c0_i32, %c0_i32_0 : i32, i32
  }
  func.func @transform_5(%arg0: i32) -> (i32, i32) {
    %c0_i32 = arith.constant 0 : i32
    %c0_i32_0 = arith.constant 0 : i32
    %c0_i32_1 = arith.constant 0 : i32
    return %c0_i32, %c0_i32_0 : i32, i32
  }
  func.func @transform_6(%arg0: i32) -> (i32, i32) {
    %c0_i32 = arith.constant 0 : i32
    %c0_i32_0 = arith.constant 0 : i32
    %c0_i32_1 = arith.constant 0 : i32
    return %c0_i32, %c0_i32_0 : i32, i32
  }
  func.func @transform_7(%arg0: i32) -> (i32, i32) {
    %c0_i32 = arith.constant 0 : i32
    %c0_i32_0 = arith.constant 0 : i32
    %c0_i32_1 = arith.constant 0 : i32
    return %c0_i32, %c0_i32_0 : i32, i32
  }
}

</mosaic_0001>

<sc_bundles>
// kernel: kernel.5.cloned.1.call-start
scs
__scs_entry_jumppad:
0x0: {  	(pc) =	sbr.rel $0x88, $3  }
0x1: {  	(tag) =	ssettag $0x0;
	lr =	simm.s32 $0x1  }
0x2: {  	[smem:$0x3F9A] =	sst lr;
	_ =	strace $0xD0000000  }
0x3: {  	_ = 	snop  }
0x4: {  	_ = 	snop  }
0x5: {  	_ = 	snop  }
0x6: {  	_ = 	snop  }
0x7: {  	_ = 	snop  }
__scs_overlays_trampoline_lowered:
0x8: {  	[smem:$0x3FA9] =	sst s0  }
0x9: {  	[smem:$0x3FAA] =	sst s1  }
0xa: {  	[smem:$0x3FAB] =	sst s2  }
0xb: {  	[smem:$0x3FAC] =	sst s3  }
0xc: {  	[smem:$0x3FAD] =	sst s4  }
0xd: {  	[smem:$0x3FAE] =	sst s5  }
0xe: {  	[smem:$0x3FAF] =	sst s6  }
0xf: {  	[smem:$0x3FB0] =	sst s7  }
0x10: {  	[smem:$0x3FB1] =	sst s8  }
0x11: {  	[smem:$0x3FB2] =	sst s9;
	s0 =	simm.s32 @!p0 $0x0  }
0x12: {  	s1 =	sld [smem:$0x3F98];
	s0 =	simm.s32 @p0 $0x1  }
0x13: {  	[smem:$0x3FB3] =	sst s0;
	s0 =	simm.s32 @!p1 $0x0  }
0x14: {  	s2 =	sld [smem:$0x3F97];
	s0 =	simm.s32 @p1 $0x1  }
0x15: {  	[smem:$0x3FB4] =	sst s0;
	s0 =	simm.s32 @!p2 $0x0  }
0x16: {  	s3 =	sld [smem:$0x3FDB];
	s0 =	simm.s32 @p2 $0x1  }
0x17: {  	s4 =	simm.s32 $0x1BF5;
	[smem:$0x3FB6] =	sst s0  }
0x18: {  	s0 =	sld [smem:$0x3F99];
	_ =	swait.ge [sflag:s4], $0x0  }
0x19: {  	s7 =	sld [smem:$0x3F9A]  }
0x1a: {  	s8 =	sadd.s32 $0xFFFFE003, lr  }
0x1b: {  	s9 =	sadd.s32 $0xFFFFFEF7, lr;
	s5 =	simm.s32 $0xFFFFFFFF;
	p2 =	slt.u32 s8, $0xFFFFF086  }
0x1c: {  	p1 =	slt.u32 s9, $0xF7A;
	s5 =	simm.s32 @!p2 $0x0  }
0x1d: {  	s5 =	simm.s32 @p1 $0x1;
	p0 =	seq.s32 s7, s2  }
0x1e: {  	s7 =	smul.u32 @!p0 $0xF7A, s2;
	p2 =	seq.s32 @!p0 s5, $0x0  }
0x1f: {  	s9 =	smul.u32 $0xF7A, s1;
	s8 =	simm.s32 @!p0 $0x1BF5;
	p2 =	por !p2, p0  }
0x20: {  	[sflag:s8] =	ssyncset.s32 @!p0 $0xFFFFF086;
	s6 =	sadd.s32 @!p0 s3, s7;
	s7 =	simm.s32 @!p0 $0x108  }
0x21: {  	s3 =	sadd.s32 s3, s9;
	s6 =	sadd.s32 @!p0 $0x88, s6;
	s7 =	simm.s32 @p2 $0x1082  }
0x22: {  	[simem:s7], [sflag:s8] =	dma.local @!p0 [hbm:s6], $0xF7A  }
0x23: {  	s9 =	sor.u32 $0xD0000000, s2;
	s6 =	simm.s32 $0x108;
	_ =	swait.ge @!p0 [sflag:s8], $0x0  }
0x24: {  	s3 =	sadd.s32 $0x88, s3;
	s6 =	simm.s32 @!p1 $0x1082;
	[sflag:s4] =	ssyncset.s32 $0xFFFFF086  }
0x25: {  	[simem:s6], [sflag:s4] =	dma.local [hbm:s3], $0xF7A  }
0x26: {  	[smem:$0x3F9A] =	sst s1;
	(tag) =	ssettag s2;
	_ =	strace s9  }
0x27: {  	s1 =	sld [smem:$0x3FAA]  }
0x28: {  	s2 =	sld [smem:$0x3FAB]  }
0x29: {  	s4 =	sld [smem:$0x3FAD]  }
0x2a: {  	p0 =	seq.s32 s5, $0x0;
	s5 =	sld [smem:$0x3FAE]  }
0x2b: {  	s6 =	sld [smem:$0x3FAF]  }
0x2c: {  	s7 =	sld [smem:$0x3FB0]  }
0x2d: {  	s3 =	simm.s32 $0x108;
	s8 =	sld [smem:$0x3FB1]  }
0x2e: {  	s3 =	simm.s32 @!p0 $0x1082;
	s9 =	sld [smem:$0x3FB2]  }
0x2f: {  	lr =	sadd.s32 s0, s3;
	s0 =	sld [smem:$0x3FA9]  }
0x30: {  	s3 =	sld [smem:$0x3FAC]  }
0x31: {  	[smem:$0x3FB5] =	sst s10  }
0x32: {  	s10 =	sld [smem:$0x3FB3];
	_ =	sdelay $0x3  }
0x33: {  	p0 =	seq.s32 s10, $0x1;
	s10 =	sld [smem:$0x3FB5];
	_ =	sdelay $0x3  }
0x34: {  	[smem:$0x3FB5] =	sst s10  }
0x35: {  	s10 =	sld [smem:$0x3FB4];
	_ =	sdelay $0x3  }
0x36: {  	p1 =	seq.s32 s10, $0x1;
	s10 =	sld [smem:$0x3FB5];
	_ =	sdelay $0x3  }
0x37: {  	[smem:$0x3FB5] =	sst s10  }
0x38: {  	s10 =	sld [smem:$0x3FB6]  }
0x39: {  	_ = 	snop;
	(pc) =	sbr.ind lr, $3  }
0x3a: {  	_ = 	snop  }
0x3b: {  	_ = 	snop  }
0x3c: {  	p2 =	seq.s32 s10, $0x1;
	s10 =	sld [smem:$0x3FB5]  }
0x3d: {  	_ =	shalt  }
0x3e: {  	_ =	shalt  }
0x3f: {  	_ =	shalt  }
0x40: {  	_ =	shalt  }
0x41: {  	_ =	shalt  }
0x42: {  	_ =	shalt  }
0x43: {  	_ =	shalt  }
0x44: {  	_ =	shalt  }
0x45: {  	_ =	shalt  }
0x46: {  	_ =	shalt  }
0x47: {  	_ =	shalt  }
0x48: {  	_ =	shalt  }
0x49: {  	_ =	shalt  }
0x4a: {  	_ =	shalt  }
0x4b: {  	_ =	shalt  }
0x4c: {  	_ =	shalt  }
0x4d: {  	_ =	shalt  }
0x4e: {  	_ =	shalt  }
0x4f: {  	_ =	shalt  }
0x50: {  	_ =	shalt  }
0x51: {  	_ =	shalt  }
0x52: {  	_ =	shalt  }
0x53: {  	_ =	shalt  }
0x54: {  	_ =	shalt  }
0x55: {  	_ =	shalt  }
0x56: {  	_ =	shalt  }
0x57: {  	_ =	shalt  }
0x58: {  	_ =	shalt  }
0x59: {  	_ =	shalt  }
0x5a: {  	_ =	shalt  }
0x5b: {  	_ =	shalt  }
0x5c: {  	_ =	shalt  }
0x5d: {  	_ =	shalt  }
0x5e: {  	_ =	shalt  }
0x5f: {  	_ =	shalt  }
0x60: {  	_ =	shalt  }
0x61: {  	_ =	shalt  }
0x62: {  	_ =	shalt  }
0x63: {  	_ =	shalt  }
0x64: {  	_ =	shalt  }
0x65: {  	_ =	shalt  }
0x66: {  	_ =	shalt  }
0x67: {  	_ =	shalt  }
0x68: {  	_ =	shalt  }
0x69: {  	_ =	shalt  }
0x6a: {  	_ =	shalt  }
0x6b: {  	_ =	shalt  }
0x6c: {  	_ =	shalt  }
0x6d: {  	_ =	shalt  }
0x6e: {  	_ =	shalt  }
0x6f: {  	_ =	shalt  }
0x70: {  	_ =	shalt  }
0x71: {  	_ =	shalt  }
0x72: {  	_ =	shalt  }
0x73: {  	_ =	shalt  }
0x74: {  	_ =	shalt  }
0x75: {  	_ =	shalt  }
0x76: {  	_ =	shalt  }
0x77: {  	_ =	shalt  }
0x78: {  	_ =	shalt  }
0x79: {  	_ =	shalt  }
0x7a: {  	_ =	shalt  }
0x7b: {  	_ =	shalt  }
0x7c: {  	_ =	shalt  }
0x7d: {  	_ =	shalt  }
0x7e: {  	_ =	shalt  }
0x7f: {  	_ =	shalt  }
0x80: {  	_ =	shalt  }
0x81: {  	_ =	shalt  }
0x82: {  	_ =	shalt  }
0x83: {  	_ =	shalt  }
0x84: {  	_ =	shalt  }
0x85: {  	_ =	shalt  }
0x86: {  	_ =	shalt  }
0x87: {  	_ =	shalt  }
.Lfunc_end0:
.L_simem_size_0:
called_computation_lowered:
.L_overlay_start_0:
0x88: {  	s2 =	sld [smem:$0x3FD9]  }
0x89: {  	s3 =	sld [smem:$0x3FFE];
	_ =	sdelay $0x1  }
0x8a: {  	s1 =	srdreg.scid  }
0x8b: {  	s0 =	sand.u32 $0x1, s1  }
0x8c: {  	s16 =	sshll.u32 s0, $0xA;
	s2 =	sadd.s32 s3, s2  }
0x8d: {  	s2 =	sadd.s32 s2, s16  }
0x8e: {  	[smem:$0x3FC1] =	sst s2  }
0x8f: {  	_ = 	snop  }
0x90: {  	(tm) =	ssettm $0x1  }
0x91: {  	s17 =	sld [smem:$0x3FFB];
	_ =	sdelay $0x3  }
0x92: {  	_ =	strace s17  }
0x93: {  	s2 =	sld [smem:$0x3FFC];
	_ =	sdelay $0x3  }
0x94: {  	_ =	strace s2  }
0x95: {  	s2 =	sld [smem:$0x3FFD];
	_ =	sdelay $0x3  }
0x96: {  	_ =	strace s2  }
0x97: {  	_ =	strace $0x8FFFFFFF  }
0x98: {  	s18 =	sld [smem:$0x3FDB];
	_ =	sdelay $0x1  }
0x99: {  	s19 =	simm.s32 $_scs_section_size  }
0x9a: {  	s4 =	simm.s32 $_size__tile_overlayer_lowered;
	s5 =	simm.s32 $_tile_overlayer_lowered  }
0x9b: {  	s22 =	simm.s32 $0x1BFF;
	s21 =	sshll.u32 s5, $0x1;
	s2 =	sadd.s32 s19, s18  }
0x9c: {  	s6 =	simm.s32 $0x0;
	s20 =	sshll.u32 s4, $0x1;
	s4 =	sadd.s32 s21, s2  }
0x9d: {  	[timem:s6], [sflag:s22] =	dma.local [hbm:s4], s20  }
0x9e: {  	_ =	swait.ge [sflag:s22], s20  }
0x9f: {  	s3 =	ssub.s32 $0x0, s20;
	[sflag:s22] =	ssyncset.done $0x0  }
0xa0: {  	[sflag:s22] =	ssyncadd.s32 s3;
	_ =	sdelay $0x1  }
0xa1: {  	s23 =	simm.s32 $0x1B8B  }
0xa2: {  	_ =	swait.ge [sflag:s23], $0x1  }
0xa3: {  	[sflag:s23] =	ssyncset.done $0x0  }
0xa4: {  	s25 =	simm.s32 $0x1B8E;
	s24 =	sld [smem:$0x3FFE];
	[sflag:s23] =	ssyncadd.s32 $0xFFFFFFFF  }
0xa5: {  	s26 =	simm.s32 $execute0_lowered;
	[smem:$0x3FD2] =	sst s25  }
0xa6: {  	s4 =	sshll.u32 s26, $0x1;
	_ =	strace $0x80000046;
	[dreg:$0x1] =	wrdreg $0xFFFFFFFF  }
0xa7: {  	s28 =	simm.s32 $_size_execute0_lowered;
	s2 =	sadd.s32 s2, s4;
	[dreg:$0x0] =	wrdreg $0x0  }
0xa8: {  	s4 =	sshll.u32 s28, $0x1;
	[dreg:$0x2] =	wrdreg s2  }
0xa9: {  	[dreg:$0x3] =	wrdreg s4  }
0xaa: {  	[dreg:$0x4] =	wrdreg $0xC0  }
0xab: {  	_ =	task [dreg:s6], $0x5FFFF  }
0xac: {  	[dreg:$0x1] =	wrdreg $0xFFFFFFFF  }
0xad: {  	[dreg:$0x0] =	wrdreg $0x60  }
0xae: {  	[dreg:$0x2] =	wrdreg s24  }
0xaf: {  	[dreg:$0x3] =	wrdreg $0x6B800  }
0xb0: {  	[dreg:$0x4] =	wrdreg $0x9  }
0xb1: {  	_ =	task.clear_ibuf [dreg:s6], $0x5FFFF;
	_ =	strace $0x90000046  }
0xb2: {  	s29 =	simm.s32 $0x9;
	_ =	strace $0x80000048  }
0xb3: {  	_ =	swait.ge [sflag:s29], $0x1  }
0xb4: {  	[sflag:s29] =	ssyncadd.s32 $0xFFFFFFFF  }
0xb5: {  	_ =	strace $0x90000048  }
0xb6: {  	_ =	sfence  }
0xb7: {  	s30 =	sld [smem:$0x0];
	_ =	sdelay $0x2  }
0xb8: {  	s31 =	sshll.u32 s1, $0xD;
	s1 =	sshrl.u32 s1, $0x2  }
0xb9: {  	s3 =	sand.u32 $0x4000, s31;
	s1 =	sadd.s32 s1, s30  }
0xba: {  	s0 =	sor.u32 s3, s0;
	s1 =	sshll.u32 s1, $0x11  }
0xbb: {  	s0 =	sor.u32 s1, s0  }
0xbc: {  	s0 =	sadd.s32 $0x8F2B, s0  }
0xbd: {  	[sflag:s0] =	ssyncadd.remote.s32 $0x1  }
0xbe: {  	_ =	sfence.sel $0xFFFF  }
0xbf: {  	[dreg:$0x0] =	wrdreg $0xFFFFFFFF;
	(pc) =	sbr.abs _section_cstart, $3  }
0xc0: {  	[dreg:$0x1] =	wrdreg $0xFFFFFFFF  }
0xc1: {  	_ =	task.clear_ibuf [dreg:s6], $0x2FFFF;
	_ =	strace $0x9FFFFFFF  }
0xc2: {  	(tm) =	ssettm $0x7FFFFFFF  }
0xc3: {  	_ =	shalt  }
tec
execute0_lowered:
.L_overlay_start_1:
0x0: {  	(tag) =	ssettag $0x1  }
0x1: {  	s0 =	srdreg.scid;
	s3 =	rddreg [dreg:$0x0]  }
0x2: {  	s1 =	rddreg [dreg:$0x1];
	s9 =	stileid.u32  }
0x3: {  	s2 =	simm.s32 $0x0;
	s8 =	simm.s32 $0x3400;
	s17 =	simm.s32 $0x6280  }
0x4: {  	s18 =	simm.s32 $0x2E80;
	s19 =	simm.s32 $0x6300;
	s20 =	simm.s32 $0x2F00  }
0x5: {  	s21 =	simm.s32 $0x6380;
	s22 =	simm.s32 $0x2F80;
	s23 =	simm.s32 $0x6400  }
0x6: {  	s24 =	simm.s32 $0x3000;
	s25 =	simm.s32 $0x6480;
	s26 =	simm.s32 $0x3080  }
0x7: {  	s28 =	simm.s32 $0x6500;
	s29 =	simm.s32 $0x3100;
	s0 =	sand.u32 $0x1, s0  }
0x8: {  	s30 =	simm.s32 $0x6580;
	s31 =	simm.s32 $0x3180;
	s4 =	sshll.u32 s0, $0x4  }
0x9: {  	s10 =	simm.s32 $0x0;
	[smem:$0x7FF] =	sst s2;
	s5 =	sor.u32 s9, s4  }
0xa: {  	p0 =	sne.s32 s9, $0x0;
	s0 =	ssub.s32 $0x2, s0;
	s5 =	smul.u32 $0x680, s5  }
0xb: {  	_ =	strace $0x80000047;
	s6 =	sshrl.u32 s0, $0x1;
	s7 =	sadd.s32 s4, s3  }
0xc: {  	s9 =	simm.s32 $0x80;
	s0 =	ssub.s32 s0, s6;
	s5 =	sadd.s32 s5, s3  }
0xd: {  	s6 =	smax.u32 s0, $0x1;
	s0 =	simm.s32 $0x1;
	s3 =	sadd.s32 $0x1600, s5  }
0xe: {  	v0 =	vimm.f32 $0.0e+00;
	s4 =	sadd.s32 $0xE600, s5;
	s5 =	sadd.s32 $0x1B600, s7;
	s7 =	simm.s32 $0x2  }
.LBB2_1:
0xf: {  	[tilespmem:s2], [sflag:$0x2] =	stream.linear.gather [hbm4b:s3+s2], $0x3200, $0x38;
	[tilespmem:$0x6BB8] =	vst v63  }
0x10: {  	_ =	swait.ge [sflag:s7], $0x3200  }
0x11: {  	[sflag:s7] =	ssyncset.done $0x0  }
0x12: {  	[sflag:s7] =	ssyncadd.s32 $0xFFFFCE00  }
0x13: {  	[tilespmem:s8], [sflag:$0x2] =	stream.linear.gather [hbm4b:s4+s2], $0x3200, $0x38;
	[tilespmem:$0x6BB8] =	vst v63  }
0x14: {  	_ =	swait.ge [sflag:s7], $0x3200  }
0x15: {  	[sflag:s7] =	ssyncset.done $0x0  }
0x16: {  	s11 =	simm.s32 $0x40;
	s12 =	simm.s32 $0x0;
	[sflag:s7] =	ssyncadd.s32 $0xFFFFCE00  }
.LBB2_2:
0x17: {  	p1 =	sne.s32 s11, $0xDC0;
	[tilespmem:s12+$0x6800] =	vst v0;
	s12 =	smov.u32 s11;
	s11 =	sadd.s32 $0x40, s11  }
.Ltmp0:
0x18: {  	(pc) =	sbr.rel @p1 .LBB2_2-.Ltmp0, $2  }
0x19: {  	_ =	sdelay $0x2  }
0x1a: {  	s12 =	sshra.s32 s12, $0x2  }
0x1b: {  	[tilespmem:s12+$0x6800] =	vst v0;
	s11 =	simm.s32 @!p0 $0x6800  }
0x1c: {  	[spmem:s1] =	stream.linear.scatter @!p0 [tilespmem:s11], [sflag:$0x2], $0x380, $0x38;
	[tilespmem:$0x6BB8] =	vst v63  }
0x1d: {  	s11 =	simm.s32 @!p0 $0x2  }
0x1e: {  	_ =	swait.ge @!p0 [sflag:s11], $0x380  }
0x1f: {  	[sflag:s11] =	ssyncset.done @!p0 $0x0  }
0x20: {  	[sflag:s11] =	ssyncadd.s32 @!p0 $0xFFFFFC80  }
0x21: {  	[bflag:$0x0] =	sbarrier.arrive $0xFFFF  }
0x22: {  	[spmem:s1] =	stream.indirect.scatter.add.f32 [tilespmem:s2], [sflag:$0x1], $0x1, s8, s9, $0xb8;
	[tilespmem:$0x6BB8] =	vst v63  }
0x23: {  	s15 =	simm.s32 $0x3480  }
0x24: {  	[spmem:s1] =	stream.indirect.scatter.add.f32 [tilespmem:s9], [sflag:$0x1], $0x1, s15, s9, $0xb8;
	[tilespmem:$0x6BB8] =	vst v63  }
0x25: {  	s16 =	simm.s32 $0x3500;
	s13 =	simm.s32 $0x100  }
0x26: {  	[spmem:s1] =	stream.indirect.scatter.add.f32 [tilespmem:s13], [sflag:$0x1], $0x1, s16, s9, $0xb8;
	[tilespmem:$0x6BB8] =	vst v63  }
0x27: {  	s14 =	simm.s32 $0x180;
	s13 =	simm.s32 $0x3580  }
0x28: {  	[spmem:s1] =	stream.indirect.scatter.add.f32 [tilespmem:s14], [sflag:$0x1], $0x1, s13, s9, $0xb8;
	[tilespmem:$0x6BB8] =	vst v63  }
0x29: {  	s15 =	simm.s32 $0x3600;
	s16 =	simm.s32 $0x200  }
0x2a: {  	[spmem:s1] =	stream.indirect.scatter.add.f32 [tilespmem:s16], [sflag:$0x1], $0x1, s15, s9, $0xb8;
	[tilespmem:$0x6BB8] =	vst v63  }
0x2b: {  	s13 =	simm.s32 $0x3680;
	s14 =	simm.s32 $0x280  }
0x2c: {  	[spmem:s1] =	stream.indirect.scatter.add.f32 [tilespmem:s14], [sflag:$0x1], $0x1, s13, s9, $0xb8;
	[tilespmem:$0x6BB8] =	vst v63  }
0x2d: {  	s15 =	simm.s32 $0x3700;
	s16 =	simm.s32 $0x300  }
0x2e: {  	[spmem:s1] =	stream.indirect.scatter.add.f32 [tilespmem:s16], [sflag:$0x1], $0x1, s15, s9, $0xb8;
	[tilespmem:$0x6BB8] =	vst v63  }
0x2f: {  	s13 =	simm.s32 $0x3780;
	s14 =	simm.s32 $0x380  }
0x30: {  	[spmem:s1] =	stream.indirect.scatter.add.f32 [tilespmem:s14], [sflag:$0x1], $0x1, s13, s9, $0xb8;
	[tilespmem:$0x6BB8] =	vst v63  }
0x31: {  	s15 =	simm.s32 $0x3800;
	s16 =	simm.s32 $0x400  }
0x32: {  	[spmem:s1] =	stream.indirect.scatter.add.f32 [tilespmem:s16], [sflag:$0x1], $0x1, s15, s9, $0xb8;
	[tilespmem:$0x6BB8] =	vst v63  }
0x33: {  	s13 =	simm.s32 $0x3880;
	s14 =	simm.s32 $0x480  }
0x34: {  	[spmem:s1] =	stream.indirect.scatter.add.f32 [tilespmem:s14], [sflag:$0x1], $0x1, s13, s9, $0xb8;
	[tilespmem:$0x6BB8] =	vst v63  }
0x35: {  	s15 =	simm.s32 $0x3900;
	s16 =	simm.s32 $0x500  }
0x36: {  	[spmem:s1] =	stream.indirect.scatter.add.f32 [tilespmem:s16], [sflag:$0x1], $0x1, s15, s9, $0xb8;
	[tilespmem:$0x6BB8] =	vst v63  }
0x37: {  	s13 =	simm.s32 $0x3980;
	s14 =	simm.s32 $0x580  }
0x38: {  	[spmem:s1] =	stream.indirect.scatter.add.f32 [tilespmem:s14], [sflag:$0x1], $0x1, s13, s9, $0xb8;
	[tilespmem:$0x6BB8] =	vst v63  }
0x39: {  	s15 =	simm.s32 $0x3A00;
	s16 =	simm.s32 $0x600  }
0x3a: {  	[spmem:s1] =	stream.indirect.scatter.add.f32 [tilespmem:s16], [sflag:$0x1], $0x1, s15, s9, $0xb8;
	[tilespmem:$0x6BB8] =	vst v63  }
0x3b: {  	s13 =	simm.s32 $0x3A80;
	s14 =	simm.s32 $0x680  }
0x3c: {  	[spmem:s1] =	stream.indirect.scatter.add.f32 [tilespmem:s14], [sflag:$0x1], $0x1, s13, s9, $0xb8;
	[tilespmem:$0x6BB8] =	vst v63  }
0x3d: {  	s15 =	simm.s32 $0x3B00;
	s16 =	simm.s32 $0x700  }
0x3e: {  	[spmem:s1] =	stream.indirect.scatter.add.f32 [tilespmem:s16], [sflag:$0x1], $0x1, s15, s9, $0xb8;
	[tilespmem:$0x6BB8] =	vst v63  }
0x3f: {  	s13 =	simm.s32 $0x3B80;
	s14 =	simm.s32 $0x780  }
0x40: {  	[spmem:s1] =	stream.indirect.scatter.add.f32 [tilespmem:s14], [sflag:$0x1], $0x1, s13, s9, $0xb8;
	[tilespmem:$0x6BB8] =	vst v63  }
0x41: {  	s15 =	simm.s32 $0x3C00;
	s16 =	simm.s32 $0x800  }
0x42: {  	[spmem:s1] =	stream.indirect.scatter.add.f32 [tilespmem:s16], [sflag:$0x1], $0x1, s15, s9, $0xb8;
	[tilespmem:$0x6BB8] =	vst v63  }
0x43: {  	s13 =	simm.s32 $0x3C80;
	s14 =	simm.s32 $0x880  }
0x44: {  	[spmem:s1] =	stream.indirect.scatter.add.f32 [tilespmem:s14], [sflag:$0x1], $0x1, s13, s9, $0xb8;
	[tilespmem:$0x6BB8] =	vst v63  }
0x45: {  	s15 =	simm.s32 $0x3D00;
	s16 =	simm.s32 $0x900  }
0x46: {  	[spmem:s1] =	stream.indirect.scatter.add.f32 [tilespmem:s16], [sflag:$0x1], $0x1, s15, s9, $0xb8;
	[tilespmem:$0x6BB8] =	vst v63  }
0x47: {  	s13 =	simm.s32 $0x3D80;
	s14 =	simm.s32 $0x980  }
0x48: {  	[spmem:s1] =	stream.indirect.scatter.add.f32 [tilespmem:s14], [sflag:$0x1], $0x1, s13, s9, $0xb8;
	[tilespmem:$0x6BB8] =	vst v63  }
0x49: {  	s15 =	simm.s32 $0x3E00;
	s16 =	simm.s32 $0xA00  }
0x4a: {  	[spmem:s1] =	stream.indirect.scatter.add.f32 [tilespmem:s16], [sflag:$0x1], $0x1, s15, s9, $0xb8;
	[tilespmem:$0x6BB8] =	vst v63  }
0x4b: {  	s13 =	simm.s32 $0x3E80;
	s14 =	simm.s32 $0xA80  }
0x4c: {  	[spmem:s1] =	stream.indirect.scatter.add.f32 [tilespmem:s14], [sflag:$0x1], $0x1, s13, s9, $0xb8;
	[tilespmem:$0x6BB8] =	vst v63  }
0x4d: {  	s15 =	simm.s32 $0x3F00;
	s16 =	simm.s32 $0xB00  }
0x4e: {  	[spmem:s1] =	stream.indirect.scatter.add.f32 [tilespmem:s16], [sflag:$0x1], $0x1, s15, s9, $0xb8;
	[tilespmem:$0x6BB8] =	vst v63  }
0x4f: {  	s13 =	simm.s32 $0x3F80;
	s14 =	simm.s32 $0xB80  }
0x50: {  	[spmem:s1] =	stream.indirect.scatter.add.f32 [tilespmem:s14], [sflag:$0x1], $0x1, s13, s9, $0xb8;
	[tilespmem:$0x6BB8] =	vst v63  }
0x51: {  	s15 =	simm.s32 $0x4000;
	s16 =	simm.s32 $0xC00  }
0x52: {  	[spmem:s1] =	stream.indirect.scatter.add.f32 [tilespmem:s16], [sflag:$0x1], $0x1, s15, s9, $0xb8;
	[tilespmem:$0x6BB8] =	vst v63  }
0x53: {  	s13 =	simm.s32 $0x4080;
	s14 =	simm.s32 $0xC80  }
0x54: {  	[spmem:s1] =	stream.indirect.scatter.add.f32 [tilespmem:s14], [sflag:$0x1], $0x1, s13, s9, $0xb8;
	[tilespmem:$0x6BB8] =	vst v63  }
0x55: {  	s15 =	simm.s32 $0x4100;
	s16 =	simm.s32 $0xD00  }
0x56: {  	[spmem:s1] =	stream.indirect.scatter.add.f32 [tilespmem:s16], [sflag:$0x1], $0x1, s15, s9, $0xb8;
	[tilespmem:$0x6BB8] =	vst v63  }
0x57: {  	s13 =	simm.s32 $0x4180;
	s14 =	simm.s32 $0xD80  }
0x58: {  	[spmem:s1] =	stream.indirect.scatter.add.f32 [tilespmem:s14], [sflag:$0x1], $0x1, s13, s9, $0xb8;
	[tilespmem:$0x6BB8] =	vst v63  }
0x59: {  	s15 =	simm.s32 $0x4200;
	s16 =	simm.s32 $0xE00  }
0x5a: {  	[spmem:s1] =	stream.indirect.scatter.add.f32 [tilespmem:s16], [sflag:$0x1], $0x1, s15, s9, $0xb8;
	[tilespmem:$0x6BB8] =	vst v63  }
0x5b: {  	s13 =	simm.s32 $0x4280;
	s14 =	simm.s32 $0xE80  }
0x5c: {  	[spmem:s1] =	stream.indirect.scatter.add.f32 [tilespmem:s14], [sflag:$0x1], $0x1, s13, s9, $0xb8;
	[tilespmem:$0x6BB8] =	vst v63  }
0x5d: {  	s15 =	simm.s32 $0x4300;
	s16 =	simm.s32 $0xF00  }
0x5e: {  	[spmem:s1] =	stream.indirect.scatter.add.f32 [tilespmem:s16], [sflag:$0x1], $0x1, s15, s9, $0xb8;
	[tilespmem:$0x6BB8] =	vst v63  }
0x5f: {  	s13 =	simm.s32 $0x4380;
	s14 =	simm.s32 $0xF80  }
0x60: {  	[spmem:s1] =	stream.indirect.scatter.add.f32 [tilespmem:s14], [sflag:$0x1], $0x1, s13, s9, $0xb8;
	[tilespmem:$0x6BB8] =	vst v63  }
0x61: {  	s15 =	simm.s32 $0x4400;
	s16 =	simm.s32 $0x1000  }
0x62: {  	[spmem:s1] =	stream.indirect.scatter.add.f32 [tilespmem:s16], [sflag:$0x1], $0x1, s15, s9, $0xb8;
	[tilespmem:$0x6BB8] =	vst v63  }
0x63: {  	s13 =	simm.s32 $0x4480;
	s14 =	simm.s32 $0x1080  }
0x64: {  	[spmem:s1] =	stream.indirect.scatter.add.f32 [tilespmem:s14], [sflag:$0x1], $0x1, s13, s9, $0xb8;
	[tilespmem:$0x6BB8] =	vst v63  }
0x65: {  	s15 =	simm.s32 $0x4500;
	s16 =	simm.s32 $0x1100  }
0x66: {  	[spmem:s1] =	stream.indirect.scatter.add.f32 [tilespmem:s16], [sflag:$0x1], $0x1, s15, s9, $0xb8;
	[tilespmem:$0x6BB8] =	vst v63  }
0x67: {  	s13 =	simm.s32 $0x4580;
	s14 =	simm.s32 $0x1180  }
0x68: {  	[spmem:s1] =	stream.indirect.scatter.add.f32 [tilespmem:s14], [sflag:$0x1], $0x1, s13, s9, $0xb8;
	[tilespmem:$0x6BB8] =	vst v63  }
0x69: {  	s15 =	simm.s32 $0x4600;
	s16 =	simm.s32 $0x1200  }
0x6a: {  	[spmem:s1] =	stream.indirect.scatter.add.f32 [tilespmem:s16], [sflag:$0x1], $0x1, s15, s9, $0xb8;
	[tilespmem:$0x6BB8] =	vst v63  }
0x6b: {  	s13 =	simm.s32 $0x4680;
	s14 =	simm.s32 $0x1280  }
0x6c: {  	[spmem:s1] =	stream.indirect.scatter.add.f32 [tilespmem:s14], [sflag:$0x1], $0x1, s13, s9, $0xb8;
	[tilespmem:$0x6BB8] =	vst v63  }
0x6d: {  	s15 =	simm.s32 $0x4700;
	s16 =	simm.s32 $0x1300  }
0x6e: {  	[spmem:s1] =	stream.indirect.scatter.add.f32 [tilespmem:s16], [sflag:$0x1], $0x1, s15, s9, $0xb8;
	[tilespmem:$0x6BB8] =	vst v63  }
0x6f: {  	s13 =	simm.s32 $0x4780;
	s14 =	simm.s32 $0x1380  }
0x70: {  	[spmem:s1] =	stream.indirect.scatter.add.f32 [tilespmem:s14], [sflag:$0x1], $0x1, s13, s9, $0xb8;
	[tilespmem:$0x6BB8] =	vst v63  }
0x71: {  	s15 =	simm.s32 $0x4800;
	s16 =	simm.s32 $0x1400  }
0x72: {  	[spmem:s1] =	stream.indirect.scatter.add.f32 [tilespmem:s16], [sflag:$0x1], $0x1, s15, s9, $0xb8;
	[tilespmem:$0x6BB8] =	vst v63  }
0x73: {  	s13 =	simm.s32 $0x4880;
	s14 =	simm.s32 $0x1480  }
0x74: {  	[spmem:s1] =	stream.indirect.scatter.add.f32 [tilespmem:s14], [sflag:$0x1], $0x1, s13, s9, $0xb8;
	[tilespmem:$0x6BB8] =	vst v63  }
0x75: {  	s15 =	simm.s32 $0x4900;
	s16 =	simm.s32 $0x1500  }
0x76: {  	[spmem:s1] =	stream.indirect.scatter.add.f32 [tilespmem:s16], [sflag:$0x1], $0x1, s15, s9, $0xb8;
	[tilespmem:$0x6BB8] =	vst v63  }
0x77: {  	s13 =	simm.s32 $0x4980;
	s14 =	simm.s32 $0x1580  }
0x78: {  	[spmem:s1] =	stream.indirect.scatter.add.f32 [tilespmem:s14], [sflag:$0x1], $0x1, s13, s9, $0xb8;
	[tilespmem:$0x6BB8] =	vst v63  }
0x79: {  	s15 =	simm.s32 $0x4A00;
	s16 =	simm.s32 $0x1600  }
0x7a: {  	[spmem:s1] =	stream.indirect.scatter.add.f32 [tilespmem:s16], [sflag:$0x1], $0x1, s15, s9, $0xb8;
	[tilespmem:$0x6BB8] =	vst v63  }
0x7b: {  	s13 =	simm.s32 $0x4A80;
	s14 =	simm.s32 $0x1680  }
0x7c: {  	[spmem:s1] =	stream.indirect.scatter.add.f32 [tilespmem:s14], [sflag:$0x1], $0x1, s13, s9, $0xb8;
	[tilespmem:$0x6BB8] =	vst v63  }
0x7d: {  	s15 =	simm.s32 $0x4B00;
	s16 =	simm.s32 $0x1700  }
0x7e: {  	[spmem:s1] =	stream.indirect.scatter.add.f32 [tilespmem:s16], [sflag:$0x1], $0x1, s15, s9, $0xb8;
	[tilespmem:$0x6BB8] =	vst v63  }
0x7f: {  	s13 =	simm.s32 $0x4B80;
	s14 =	simm.s32 $0x1780  }
0x80: {  	[spmem:s1] =	stream.indirect.scatter.add.f32 [tilespmem:s14], [sflag:$0x1], $0x1, s13, s9, $0xb8;
	[tilespmem:$0x6BB8] =	vst v63  }
0x81: {  	s15 =	simm.s32 $0x4C00;
	s16 =	simm.s32 $0x1800  }
0x82: {  	[spmem:s1] =	stream.indirect.scatter.add.f32 [tilespmem:s16], [sflag:$0x1], $0x1, s15, s9, $0xb8;
	[tilespmem:$0x6BB8] =	vst v63  }
0x83: {  	s13 =	simm.s32 $0x4C80;
	s14 =	simm.s32 $0x1880  }
0x84: {  	[spmem:s1] =	stream.indirect.scatter.add.f32 [tilespmem:s14], [sflag:$0x1], $0x1, s13, s9, $0xb8;
	[tilespmem:$0x6BB8] =	vst v63  }
0x85: {  	s15 =	simm.s32 $0x4D00;
	s16 =	simm.s32 $0x1900  }
0x86: {  	[spmem:s1] =	stream.indirect.scatter.add.f32 [tilespmem:s16], [sflag:$0x1], $0x1, s15, s9, $0xb8;
	[tilespmem:$0x6BB8] =	vst v63  }
0x87: {  	s13 =	simm.s32 $0x4D80;
	s14 =	simm.s32 $0x1980  }
0x88: {  	[spmem:s1] =	stream.indirect.scatter.add.f32 [tilespmem:s14], [sflag:$0x1], $0x1, s13, s9, $0xb8;
	[tilespmem:$0x6BB8] =	vst v63  }
0x89: {  	s15 =	simm.s32 $0x4E00;
	s16 =	simm.s32 $0x1A00  }
0x8a: {  	[spmem:s1] =	stream.indirect.scatter.add.f32 [tilespmem:s16], [sflag:$0x1], $0x1, s15, s9, $0xb8;
	[tilespmem:$0x6BB8] =	vst v63  }
0x8b: {  	s13 =	simm.s32 $0x4E80;
	s14 =	simm.s32 $0x1A80  }
0x8c: {  	[spmem:s1] =	stream.indirect.scatter.add.f32 [tilespmem:s14], [sflag:$0x1], $0x1, s13, s9, $0xb8;
	[tilespmem:$0x6BB8] =	vst v63  }
0x8d: {  	s15 =	simm.s32 $0x4F00;
	s16 =	simm.s32 $0x1B00  }
0x8e: {  	[spmem:s1] =	stream.indirect.scatter.add.f32 [tilespmem:s16], [sflag:$0x1], $0x1, s15, s9, $0xb8;
	[tilespmem:$0x6BB8] =	vst v63  }
0x8f: {  	s13 =	simm.s32 $0x4F80;
	s14 =	simm.s32 $0x1B80  }
0x90: {  	[spmem:s1] =	stream.indirect.scatter.add.f32 [tilespmem:s14], [sflag:$0x1], $0x1, s13, s9, $0xb8;
	[tilespmem:$0x6BB8] =	vst v63  }
0x91: {  	s15 =	simm.s32 $0x5000;
	s16 =	simm.s32 $0x1C00  }
0x92: {  	[spmem:s1] =	stream.indirect.scatter.add.f32 [tilespmem:s16], [sflag:$0x1], $0x1, s15, s9, $0xb8;
	[tilespmem:$0x6BB8] =	vst v63  }
0x93: {  	s13 =	simm.s32 $0x5080;
	s14 =	simm.s32 $0x1C80  }
0x94: {  	[spmem:s1] =	stream.indirect.scatter.add.f32 [tilespmem:s14], [sflag:$0x1], $0x1, s13, s9, $0xb8;
	[tilespmem:$0x6BB8] =	vst v63  }
0x95: {  	s15 =	simm.s32 $0x5100;
	s16 =	simm.s32 $0x1D00  }
0x96: {  	[spmem:s1] =	stream.indirect.scatter.add.f32 [tilespmem:s16], [sflag:$0x1], $0x1, s15, s9, $0xb8;
	[tilespmem:$0x6BB8] =	vst v63  }
0x97: {  	s13 =	simm.s32 $0x5180;
	s14 =	simm.s32 $0x1D80  }
0x98: {  	[spmem:s1] =	stream.indirect.scatter.add.f32 [tilespmem:s14], [sflag:$0x1], $0x1, s13, s9, $0xb8;
	[tilespmem:$0x6BB8] =	vst v63  }
0x99: {  	s15 =	simm.s32 $0x5200;
	s16 =	simm.s32 $0x1E00  }
0x9a: {  	[spmem:s1] =	stream.indirect.scatter.add.f32 [tilespmem:s16], [sflag:$0x1], $0x1, s15, s9, $0xb8;
	[tilespmem:$0x6BB8] =	vst v63  }
0x9b: {  	s13 =	simm.s32 $0x5280;
	s14 =	simm.s32 $0x1E80  }
0x9c: {  	[spmem:s1] =	stream.indirect.scatter.add.f32 [tilespmem:s14], [sflag:$0x1], $0x1, s13, s9, $0xb8;
	[tilespmem:$0x6BB8] =	vst v63  }
0x9d: {  	s15 =	simm.s32 $0x5300;
	s16 =	simm.s32 $0x1F00  }
0x9e: {  	[spmem:s1] =	stream.indirect.scatter.add.f32 [tilespmem:s16], [sflag:$0x1], $0x1, s15, s9, $0xb8;
	[tilespmem:$0x6BB8] =	vst v63  }
0x9f: {  	s13 =	simm.s32 $0x5380;
	s14 =	simm.s32 $0x1F80  }
0xa0: {  	[spmem:s1] =	stream.indirect.scatter.add.f32 [tilespmem:s14], [sflag:$0x1], $0x1, s13, s9, $0xb8;
	[tilespmem:$0x6BB8] =	vst v63  }
0xa1: {  	s15 =	simm.s32 $0x5400;
	s16 =	simm.s32 $0x2000  }
0xa2: {  	[spmem:s1] =	stream.indirect.scatter.add.f32 [tilespmem:s16], [sflag:$0x1], $0x1, s15, s9, $0xb8;
	[tilespmem:$0x6BB8] =	vst v63  }
0xa3: {  	s13 =	simm.s32 $0x5480;
	s14 =	simm.s32 $0x2080  }
0xa4: {  	[spmem:s1] =	stream.indirect.scatter.add.f32 [tilespmem:s14], [sflag:$0x1], $0x1, s13, s9, $0xb8;
	[tilespmem:$0x6BB8] =	vst v63  }
0xa5: {  	s15 =	simm.s32 $0x5500;
	s16 =	simm.s32 $0x2100  }
0xa6: {  	[spmem:s1] =	stream.indirect.scatter.add.f32 [tilespmem:s16], [sflag:$0x1], $0x1, s15, s9, $0xb8;
	[tilespmem:$0x6BB8] =	vst v63  }
0xa7: {  	s13 =	simm.s32 $0x5580;
	s14 =	simm.s32 $0x2180  }
0xa8: {  	[spmem:s1] =	stream.indirect.scatter.add.f32 [tilespmem:s14], [sflag:$0x1], $0x1, s13, s9, $0xb8;
	[tilespmem:$0x6BB8] =	vst v63  }
0xa9: {  	s15 =	simm.s32 $0x5600;
	s16 =	simm.s32 $0x2200  }
0xaa: {  	[spmem:s1] =	stream.indirect.scatter.add.f32 [tilespmem:s16], [sflag:$0x1], $0x1, s15, s9, $0xb8;
	[tilespmem:$0x6BB8] =	vst v63  }
0xab: {  	s13 =	simm.s32 $0x5680;
	s14 =	simm.s32 $0x2280  }
0xac: {  	[spmem:s1] =	stream.indirect.scatter.add.f32 [tilespmem:s14], [sflag:$0x1], $0x1, s13, s9, $0xb8;
	[tilespmem:$0x6BB8] =	vst v63  }
0xad: {  	s15 =	simm.s32 $0x5700;
	s16 =	simm.s32 $0x2300  }
0xae: {  	[spmem:s1] =	stream.indirect.scatter.add.f32 [tilespmem:s16], [sflag:$0x1], $0x1, s15, s9, $0xb8;
	[tilespmem:$0x6BB8] =	vst v63  }
0xaf: {  	s13 =	simm.s32 $0x5780;
	s14 =	simm.s32 $0x2380  }
0xb0: {  	[spmem:s1] =	stream.indirect.scatter.add.f32 [tilespmem:s14], [sflag:$0x1], $0x1, s13, s9, $0xb8;
	[tilespmem:$0x6BB8] =	vst v63  }
0xb1: {  	s15 =	simm.s32 $0x5800;
	s16 =	simm.s32 $0x2400  }
0xb2: {  	[spmem:s1] =	stream.indirect.scatter.add.f32 [tilespmem:s16], [sflag:$0x1], $0x1, s15, s9, $0xb8;
	[tilespmem:$0x6BB8] =	vst v63  }
0xb3: {  	s13 =	simm.s32 $0x5880;
	s14 =	simm.s32 $0x2480  }
0xb4: {  	[spmem:s1] =	stream.indirect.scatter.add.f32 [tilespmem:s14], [sflag:$0x1], $0x1, s13, s9, $0xb8;
	[tilespmem:$0x6BB8] =	vst v63  }
0xb5: {  	s15 =	simm.s32 $0x5900;
	s16 =	simm.s32 $0x2500  }
0xb6: {  	[spmem:s1] =	stream.indirect.scatter.add.f32 [tilespmem:s16], [sflag:$0x1], $0x1, s15, s9, $0xb8;
	[tilespmem:$0x6BB8] =	vst v63  }
0xb7: {  	s13 =	simm.s32 $0x5980;
	s14 =	simm.s32 $0x2580  }
0xb8: {  	[spmem:s1] =	stream.indirect.scatter.add.f32 [tilespmem:s14], [sflag:$0x1], $0x1, s13, s9, $0xb8;
	[tilespmem:$0x6BB8] =	vst v63  }
0xb9: {  	s15 =	simm.s32 $0x5A00;
	s16 =	simm.s32 $0x2600  }
0xba: {  	[spmem:s1] =	stream.indirect.scatter.add.f32 [tilespmem:s16], [sflag:$0x1], $0x1, s15, s9, $0xb8;
	[tilespmem:$0x6BB8] =	vst v63  }
0xbb: {  	s13 =	simm.s32 $0x5A80;
	s14 =	simm.s32 $0x2680  }
0xbc: {  	[spmem:s1] =	stream.indirect.scatter.add.f32 [tilespmem:s14], [sflag:$0x1], $0x1, s13, s9, $0xb8;
	[tilespmem:$0x6BB8] =	vst v63  }
0xbd: {  	s15 =	simm.s32 $0x5B00;
	s16 =	simm.s32 $0x2700  }
0xbe: {  	[spmem:s1] =	stream.indirect.scatter.add.f32 [tilespmem:s16], [sflag:$0x1], $0x1, s15, s9, $0xb8;
	[tilespmem:$0x6BB8] =	vst v63  }
0xbf: {  	s13 =	simm.s32 $0x5B80;
	s14 =	simm.s32 $0x2780  }
0xc0: {  	[spmem:s1] =	stream.indirect.scatter.add.f32 [tilespmem:s14], [sflag:$0x1], $0x1, s13, s9, $0xb8;
	[tilespmem:$0x6BB8] =	vst v63  }
0xc1: {  	s15 =	simm.s32 $0x5C00;
	s16 =	simm.s32 $0x2800  }
0xc2: {  	[spmem:s1] =	stream.indirect.scatter.add.f32 [tilespmem:s16], [sflag:$0x1], $0x1, s15, s9, $0xb8;
	[tilespmem:$0x6BB8] =	vst v63  }
0xc3: {  	s13 =	simm.s32 $0x5C80;
	s14 =	simm.s32 $0x2880  }
0xc4: {  	[spmem:s1] =	stream.indirect.scatter.add.f32 [tilespmem:s14], [sflag:$0x1], $0x1, s13, s9, $0xb8;
	[tilespmem:$0x6BB8] =	vst v63  }
0xc5: {  	s15 =	simm.s32 $0x5D00;
	s16 =	simm.s32 $0x2900  }
0xc6: {  	[spmem:s1] =	stream.indirect.scatter.add.f32 [tilespmem:s16], [sflag:$0x1], $0x1, s15, s9, $0xb8;
	[tilespmem:$0x6BB8] =	vst v63  }
0xc7: {  	s13 =	simm.s32 $0x5D80;
	s14 =	simm.s32 $0x2980  }
0xc8: {  	[spmem:s1] =	stream.indirect.scatter.add.f32 [tilespmem:s14], [sflag:$0x1], $0x1, s13, s9, $0xb8;
	[tilespmem:$0x6BB8] =	vst v63  }
0xc9: {  	s15 =	simm.s32 $0x5E00;
	s16 =	simm.s32 $0x2A00  }
0xca: {  	[spmem:s1] =	stream.indirect.scatter.add.f32 [tilespmem:s16], [sflag:$0x1], $0x1, s15, s9, $0xb8;
	[tilespmem:$0x6BB8] =	vst v63  }
0xcb: {  	s13 =	simm.s32 $0x5E80;
	s14 =	simm.s32 $0x2A80  }
0xcc: {  	[spmem:s1] =	stream.indirect.scatter.add.f32 [tilespmem:s14], [sflag:$0x1], $0x1, s13, s9, $0xb8;
	[tilespmem:$0x6BB8] =	vst v63  }
0xcd: {  	s15 =	simm.s32 $0x5F00;
	s16 =	simm.s32 $0x2B00  }
0xce: {  	[spmem:s1] =	stream.indirect.scatter.add.f32 [tilespmem:s16], [sflag:$0x1], $0x1, s15, s9, $0xb8;
	[tilespmem:$0x6BB8] =	vst v63  }
0xcf: {  	s13 =	simm.s32 $0x5F80;
	s14 =	simm.s32 $0x2B80  }
0xd0: {  	[spmem:s1] =	stream.indirect.scatter.add.f32 [tilespmem:s14], [sflag:$0x1], $0x1, s13, s9, $0xb8;
	[tilespmem:$0x6BB8] =	vst v63  }
0xd1: {  	s15 =	simm.s32 $0x6000;
	s16 =	simm.s32 $0x2C00  }
0xd2: {  	[spmem:s1] =	stream.indirect.scatter.add.f32 [tilespmem:s16], [sflag:$0x1], $0x1, s15, s9, $0xb8;
	[tilespmem:$0x6BB8] =	vst v63  }
0xd3: {  	s13 =	simm.s32 $0x6080;
	s14 =	simm.s32 $0x2C80  }
0xd4: {  	[spmem:s1] =	stream.indirect.scatter.add.f32 [tilespmem:s14], [sflag:$0x1], $0x1, s13, s9, $0xb8;
	[tilespmem:$0x6BB8] =	vst v63  }
0xd5: {  	s15 =	simm.s32 $0x6100;
	s16 =	simm.s32 $0x2D00  }
0xd6: {  	[spmem:s1] =	stream.indirect.scatter.add.f32 [tilespmem:s16], [sflag:$0x1], $0x1, s15, s9, $0xb8;
	[tilespmem:$0x6BB8] =	vst v63  }
0xd7: {  	s13 =	simm.s32 $0x6180;
	s14 =	simm.s32 $0x2D80  }
0xd8: {  	[spmem:s1] =	stream.indirect.scatter.add.f32 [tilespmem:s14], [sflag:$0x1], $0x1, s13, s9, $0xb8;
	[tilespmem:$0x6BB8] =	vst v63  }
0xd9: {  	s15 =	simm.s32 $0x6200;
	s16 =	simm.s32 $0x2E00  }
0xda: {  	[spmem:s1] =	stream.indirect.scatter.add.f32 [tilespmem:s16], [sflag:$0x1], $0x1, s15, s9, $0xb8;
	[tilespmem:$0x6BB8] =	vst v63  }
0xdb: {  	_ = 	snop  }
0xdc: {  	[spmem:s1] =	stream.indirect.scatter.add.f32 [tilespmem:s18], [sflag:$0x1], $0x1, s17, s9, $0xb8;
	[tilespmem:$0x6BB8] =	vst v63  }
0xdd: {  	_ = 	snop  }
0xde: {  	[spmem:s1] =	stream.indirect.scatter.add.f32 [tilespmem:s20], [sflag:$0x1], $0x1, s19, s9, $0xb8;
	[tilespmem:$0x6BB8] =	vst v63  }
0xdf: {  	_ = 	snop  }
0xe0: {  	[spmem:s1] =	stream.indirect.scatter.add.f32 [tilespmem:s22], [sflag:$0x1], $0x1, s21, s9, $0xb8;
	[tilespmem:$0x6BB8] =	vst v63  }
0xe1: {  	_ = 	snop  }
0xe2: {  	[spmem:s1] =	stream.indirect.scatter.add.f32 [tilespmem:s24], [sflag:$0x1], $0x1, s23, s9, $0xb8;
	[tilespmem:$0x6BB8] =	vst v63  }
0xe3: {  	_ = 	snop  }
0xe4: {  	[spmem:s1] =	stream.indirect.scatter.add.f32 [tilespmem:s26], [sflag:$0x1], $0x1, s25, s9, $0xb8;
	[tilespmem:$0x6BB8] =	vst v63  }
0xe5: {  	_ = 	snop  }
0xe6: {  	[spmem:s1] =	stream.indirect.scatter.add.f32 [tilespmem:s29], [sflag:$0x1], $0x1, s28, s9, $0xb8;
	[tilespmem:$0x6BB8] =	vst v63  }
0xe7: {  	_ = 	snop  }
0xe8: {  	[spmem:s1] =	stream.indirect.scatter.add.f32 [tilespmem:s31], [sflag:$0x1], $0x1, s30, s9, $0xb8;
	[tilespmem:$0x6BB8] =	vst v63  }
0xe9: {  	_ =	swait.ge [sflag:s0], $0x80  }
0xea: {  	[sflag:s0] =	ssyncset.done $0x0  }
0xeb: {  	[sflag:s0] =	ssyncadd.s32 $0xFFFFFF80  }
0xec: {  	_ =	swait.ge [sflag:s0], $0x80  }
0xed: {  	[sflag:s0] =	ssyncset.done $0x0  }
0xee: {  	[sflag:s0] =	ssyncadd.s32 $0xFFFFFF80  }
0xef: {  	_ =	swait.ge [sflag:s0], $0x80  }
0xf0: {  	[sflag:s0] =	ssyncset.done $0x0  }
0xf1: {  	[sflag:s0] =	ssyncadd.s32 $0xFFFFFF80  }
0xf2: {  	_ =	swait.ge [sflag:s0], $0x80  }
0xf3: {  	[sflag:s0] =	ssyncset.done $0x0  }
0xf4: {  	[sflag:s0] =	ssyncadd.s32 $0xFFFFFF80  }
0xf5: {  	_ =	swait.ge [sflag:s0], $0x80  }
0xf6: {  	[sflag:s0] =	ssyncset.done $0x0  }
0xf7: {  	[sflag:s0] =	ssyncadd.s32 $0xFFFFFF80  }
0xf8: {  	_ =	swait.ge [sflag:s0], $0x80  }
0xf9: {  	[sflag:s0] =	ssyncset.done $0x0  }
0xfa: {  	[sflag:s0] =	ssyncadd.s32 $0xFFFFFF80  }
0xfb: {  	_ =	swait.ge [sflag:s0], $0x80  }
0xfc: {  	[sflag:s0] =	ssyncset.done $0x0  }
0xfd: {  	[sflag:s0] =	ssyncadd.s32 $0xFFFFFF80  }
0xfe: {  	_ =	swait.ge [sflag:s0], $0x80  }
0xff: {  	[sflag:s0] =	ssyncset.done $0x0  }
0x100: {  	[sflag:s0] =	ssyncadd.s32 $0xFFFFFF80  }
0x101: {  	_ =	swait.ge [sflag:s0], $0x80  }
0x102: {  	[sflag:s0] =	ssyncset.done $0x0  }
0x103: {  	[sflag:s0] =	ssyncadd.s32 $0xFFFFFF80  }
0x104: {  	_ =	swait.ge [sflag:s0], $0x80  }
0x105: {  	[sflag:s0] =	ssyncset.done $0x0  }
0x106: {  	[sflag:s0] =	ssyncadd.s32 $0xFFFFFF80  }
0x107: {  	_ =	swait.ge [sflag:s0], $0x80  }
0x108: {  	[sflag:s0] =	ssyncset.done $0x0  }
0x109: {  	[sflag:s0] =	ssyncadd.s32 $0xFFFFFF80  }
0x10a: {  	_ =	swait.ge [sflag:s0], $0x80  }
0x10b: {  	[sflag:s0] =	ssyncset.done $0x0  }
0x10c: {  	[sflag:s0] =	ssyncadd.s32 $0xFFFFFF80  }
0x10d: {  	_ =	swait.ge [sflag:s0], $0x80  }
0x10e: {  	[sflag:s0] =	ssyncset.done $0x0  }
0x10f: {  	[sflag:s0] =	ssyncadd.s32 $0xFFFFFF80  }
0x110: {  	_ =	swait.ge [sflag:s0], $0x80  }
0x111: {  	[sflag:s0] =	ssyncset.done $0x0  }
0x112: {  	[sflag:s0] =	ssyncadd.s32 $0xFFFFFF80  }
0x113: {  	_ =	swait.ge [sflag:s0], $0x80  }
0x114: {  	[sflag:s0] =	ssyncset.done $0x0  }
0x115: {  	[sflag:s0] =	ssyncadd.s32 $0xFFFFFF80  }
0x116: {  	_ =	swait.ge [sflag:s0], $0x80  }
0x117: {  	[sflag:s0] =	ssyncset.done $0x0  }
0x118: {  	[sflag:s0] =	ssyncadd.s32 $0xFFFFFF80  }
0x119: {  	_ =	swait.ge [sflag:s0], $0x80  }
0x11a: {  	[sflag:s0] =	ssyncset.done $0x0  }
0x11b: {  	[sflag:s0] =	ssyncadd.s32 $0xFFFFFF80  }
0x11c: {  	_ =	swait.ge [sflag:s0], $0x80  }
0x11d: {  	[sflag:s0] =	ssyncset.done $0x0  }
0x11e: {  	[sflag:s0] =	ssyncadd.s32 $0xFFFFFF80  }
0x11f: {  	_ =	swait.ge [sflag:s0], $0x80  }
0x120: {  	[sflag:s0] =	ssyncset.done $0x0  }
0x121: {  	[sflag:s0] =	ssyncadd.s32 $0xFFFFFF80  }
0x122: {  	_ =	swait.ge [sflag:s0], $0x80  }
0x123: {  	[sflag:s0] =	ssyncset.done $0x0  }
0x124: {  	[sflag:s0] =	ssyncadd.s32 $0xFFFFFF80  }
0x125: {  	_ =	swait.ge [sflag:s0], $0x80  }
0x126: {  	[sflag:s0] =	ssyncset.done $0x0  }
0x127: {  	[sflag:s0] =	ssyncadd.s32 $0xFFFFFF80  }
0x128: {  	_ =	swait.ge [sflag:s0], $0x80  }
0x129: {  	[sflag:s0] =	ssyncset.done $0x0  }
0x12a: {  	[sflag:s0] =	ssyncadd.s32 $0xFFFFFF80  }
0x12b: {  	_ =	swait.ge [sflag:s0], $0x80  }
0x12c: {  	[sflag:s0] =	ssyncset.done $0x0  }
0x12d: {  	[sflag:s0] =	ssyncadd.s32 $0xFFFFFF80  }
0x12e: {  	_ =	swait.ge [sflag:s0], $0x80  }
0x12f: {  	[sflag:s0] =	ssyncset.done $0x0  }
0x130: {  	[sflag:s0] =	ssyncadd.s32 $0xFFFFFF80  }
0x131: {  	_ =	swait.ge [sflag:s0], $0x80  }
0x132: {  	[sflag:s0] =	ssyncset.done $0x0  }
0x133: {  	[sflag:s0] =	ssyncadd.s32 $0xFFFFFF80  }
0x134: {  	_ =	swait.ge [sflag:s0], $0x80  }
0x135: {  	[sflag:s0] =	ssyncset.done $0x0  }
0x136: {  	[sflag:s0] =	ssyncadd.s32 $0xFFFFFF80  }
0x137: {  	_ =	swait.ge [sflag:s0], $0x80  }
0x138: {  	[sflag:s0] =	ssyncset.done $0x0  }
0x139: {  	[sflag:s0] =	ssyncadd.s32 $0xFFFFFF80  }
0x13a: {  	_ =	swait.ge [sflag:s0], $0x80  }
0x13b: {  	[sflag:s0] =	ssyncset.done $0x0  }
0x13c: {  	[sflag:s0] =	ssyncadd.s32 $0xFFFFFF80  }
0x13d: {  	_ =	swait.ge [sflag:s0], $0x80  }
0x13e: {  	[sflag:s0] =	ssyncset.done $0x0  }
0x13f: {  	[sflag:s0] =	ssyncadd.s32 $0xFFFFFF80  }
0x140: {  	_ =	swait.ge [sflag:s0], $0x80  }
0x141: {  	[sflag:s0] =	ssyncset.done $0x0  }
0x142: {  	[sflag:s0] =	ssyncadd.s32 $0xFFFFFF80  }
0x143: {  	_ =	swait.ge [sflag:s0], $0x80  }
0x144: {  	[sflag:s0] =	ssyncset.done $0x0  }
0x145: {  	[sflag:s0] =	ssyncadd.s32 $0xFFFFFF80  }
0x146: {  	_ =	swait.ge [sflag:s0], $0x80  }
0x147: {  	[sflag:s0] =	ssyncset.done $0x0  }
0x148: {  	[sflag:s0] =	ssyncadd.s32 $0xFFFFFF80  }
0x149: {  	_ =	swait.ge [sflag:s0], $0x80  }
0x14a: {  	[sflag:s0] =	ssyncset.done $0x0  }
0x14b: {  	[sflag:s0] =	ssyncadd.s32 $0xFFFFFF80  }
0x14c: {  	_ =	swait.ge [sflag:s0], $0x80  }
0x14d: {  	[sflag:s0] =	ssyncset.done $0x0  }
0x14e: {  	[sflag:s0] =	ssyncadd.s32 $0xFFFFFF80  }
0x14f: {  	_ =	swait.ge [sflag:s0], $0x80  }
0x150: {  	[sflag:s0] =	ssyncset.done $0x0  }
0x151: {  	[sflag:s0] =	ssyncadd.s32 $0xFFFFFF80  }
0x152: {  	_ =	swait.ge [sflag:s0], $0x80  }
0x153: {  	[sflag:s0] =	ssyncset.done $0x0  }
0x154: {  	[sflag:s0] =	ssyncadd.s32 $0xFFFFFF80  }
0x155: {  	_ =	swait.ge [sflag:s0], $0x80  }
0x156: {  	[sflag:s0] =	ssyncset.done $0x0  }
0x157: {  	[sflag:s0] =	ssyncadd.s32 $0xFFFFFF80  }
0x158: {  	_ =	swait.ge [sflag:s0], $0x80  }
0x159: {  	[sflag:s0] =	ssyncset.done $0x0  }
0x15a: {  	[sflag:s0] =	ssyncadd.s32 $0xFFFFFF80  }
0x15b: {  	_ =	swait.ge [sflag:s0], $0x80  }
0x15c: {  	[sflag:s0] =	ssyncset.done $0x0  }
0x15d: {  	[sflag:s0] =	ssyncadd.s32 $0xFFFFFF80  }
0x15e: {  	_ =	swait.ge [sflag:s0], $0x80  }
0x15f: {  	[sflag:s0] =	ssyncset.done $0x0  }
0x160: {  	[sflag:s0] =	ssyncadd.s32 $0xFFFFFF80  }
0x161: {  	_ =	swait.ge [sflag:s0], $0x80  }
0x162: {  	[sflag:s0] =	ssyncset.done $0x0  }
0x163: {  	[sflag:s0] =	ssyncadd.s32 $0xFFFFFF80  }
0x164: {  	_ =	swait.ge [sflag:s0], $0x80  }
0x165: {  	[sflag:s0] =	ssyncset.done $0x0  }
0x166: {  	[sflag:s0] =	ssyncadd.s32 $0xFFFFFF80  }
0x167: {  	_ =	swait.ge [sflag:s0], $0x80  }
0x168: {  	[sflag:s0] =	ssyncset.done $0x0  }
0x169: {  	[sflag:s0] =	ssyncadd.s32 $0xFFFFFF80  }
0x16a: {  	_ =	swait.ge [sflag:s0], $0x80  }
0x16b: {  	[sflag:s0] =	ssyncset.done $0x0  }
0x16c: {  	[sflag:s0] =	ssyncadd.s32 $0xFFFFFF80  }
0x16d: {  	_ =	swait.ge [sflag:s0], $0x80  }
0x16e: {  	[sflag:s0] =	ssyncset.done $0x0  }
0x16f: {  	[sflag:s0] =	ssyncadd.s32 $0xFFFFFF80  }
0x170: {  	_ =	swait.ge [sflag:s0], $0x80  }
0x171: {  	[sflag:s0] =	ssyncset.done $0x0  }
0x172: {  	[sflag:s0] =	ssyncadd.s32 $0xFFFFFF80  }
0x173: {  	_ =	swait.ge [sflag:s0], $0x80  }
0x174: {  	[sflag:s0] =	ssyncset.done $0x0  }
0x175: {  	[sflag:s0] =	ssyncadd.s32 $0xFFFFFF80  }
0x176: {  	_ =	swait.ge [sflag:s0], $0x80  }
0x177: {  	[sflag:s0] =	ssyncset.done $0x0  }
0x178: {  	[sflag:s0] =	ssyncadd.s32 $0xFFFFFF80  }
0x179: {  	_ =	swait.ge [sflag:s0], $0x80  }
0x17a: {  	[sflag:s0] =	ssyncset.done $0x0  }
0x17b: {  	[sflag:s0] =	ssyncadd.s32 $0xFFFFFF80  }
0x17c: {  	_ =	swait.ge [sflag:s0], $0x80  }
0x17d: {  	[sflag:s0] =	ssyncset.done $0x0  }
0x17e: {  	[sflag:s0] =	ssyncadd.s32 $0xFFFFFF80  }
0x17f: {  	_ =	swait.ge [sflag:s0], $0x80  }
0x180: {  	[sflag:s0] =	ssyncset.done $0x0  }
0x181: {  	[sflag:s0] =	ssyncadd.s32 $0xFFFFFF80  }
0x182: {  	_ =	swait.ge [sflag:s0], $0x80  }
0x183: {  	[sflag:s0] =	ssyncset.done $0x0  }
0x184: {  	[sflag:s0] =	ssyncadd.s32 $0xFFFFFF80  }
0x185: {  	_ =	swait.ge [sflag:s0], $0x80  }
0x186: {  	[sflag:s0] =	ssyncset.done $0x0  }
0x187: {  	[sflag:s0] =	ssyncadd.s32 $0xFFFFFF80  }
0x188: {  	_ =	swait.ge [sflag:s0], $0x80  }
0x189: {  	[sflag:s0] =	ssyncset.done $0x0  }
0x18a: {  	[sflag:s0] =	ssyncadd.s32 $0xFFFFFF80  }
0x18b: {  	_ =	swait.ge [sflag:s0], $0x80  }
0x18c: {  	[sflag:s0] =	ssyncset.done $0x0  }
0x18d: {  	[sflag:s0] =	ssyncadd.s32 $0xFFFFFF80  }
0x18e: {  	_ =	swait.ge [sflag:s0], $0x80  }
0x18f: {  	[sflag:s0] =	ssyncset.done $0x0  }
0x190: {  	[sflag:s0] =	ssyncadd.s32 $0xFFFFFF80  }
0x191: {  	_ =	swait.ge [sflag:s0], $0x80  }
0x192: {  	[sflag:s0] =	ssyncset.done $0x0  }
0x193: {  	[sflag:s0] =	ssyncadd.s32 $0xFFFFFF80  }
0x194: {  	_ =	swait.ge [sflag:s0], $0x80  }
0x195: {  	[sflag:s0] =	ssyncset.done $0x0  }
0x196: {  	[sflag:s0] =	ssyncadd.s32 $0xFFFFFF80  }
0x197: {  	_ =	swait.ge [sflag:s0], $0x80  }
0x198: {  	[sflag:s0] =	ssyncset.done $0x0  }
0x199: {  	[sflag:s0] =	ssyncadd.s32 $0xFFFFFF80  }
0x19a: {  	_ =	swait.ge [sflag:s0], $0x80  }
0x19b: {  	[sflag:s0] =	ssyncset.done $0x0  }
0x19c: {  	[sflag:s0] =	ssyncadd.s32 $0xFFFFFF80  }
0x19d: {  	_ =	swait.ge [sflag:s0], $0x80  }
0x19e: {  	[sflag:s0] =	ssyncset.done $0x0  }
0x19f: {  	[sflag:s0] =	ssyncadd.s32 $0xFFFFFF80  }
0x1a0: {  	_ =	swait.ge [sflag:s0], $0x80  }
0x1a1: {  	[sflag:s0] =	ssyncset.done $0x0  }
0x1a2: {  	[sflag:s0] =	ssyncadd.s32 $0xFFFFFF80  }
0x1a3: {  	_ =	swait.ge [sflag:s0], $0x80  }
0x1a4: {  	[sflag:s0] =	ssyncset.done $0x0  }
0x1a5: {  	[sflag:s0] =	ssyncadd.s32 $0xFFFFFF80  }
0x1a6: {  	_ =	swait.ge [sflag:s0], $0x80  }
0x1a7: {  	[sflag:s0] =	ssyncset.done $0x0  }
0x1a8: {  	[sflag:s0] =	ssyncadd.s32 $0xFFFFFF80  }
0x1a9: {  	_ =	swait.ge [sflag:s0], $0x80  }
0x1aa: {  	[sflag:s0] =	ssyncset.done $0x0  }
0x1ab: {  	[sflag:s0] =	ssyncadd.s32 $0xFFFFFF80  }
0x1ac: {  	_ =	swait.ge [sflag:s0], $0x80  }
0x1ad: {  	[sflag:s0] =	ssyncset.done $0x0  }
0x1ae: {  	[sflag:s0] =	ssyncadd.s32 $0xFFFFFF80  }
0x1af: {  	_ =	swait.ge [sflag:s0], $0x80  }
0x1b0: {  	[sflag:s0] =	ssyncset.done $0x0  }
0x1b1: {  	[sflag:s0] =	ssyncadd.s32 $0xFFFFFF80  }
0x1b2: {  	_ =	swait.ge [sflag:s0], $0x80  }
0x1b3: {  	[sflag:s0] =	ssyncset.done $0x0  }
0x1b4: {  	[sflag:s0] =	ssyncadd.s32 $0xFFFFFF80  }
0x1b5: {  	_ =	swait.ge [sflag:s0], $0x80  }
0x1b6: {  	[sflag:s0] =	ssyncset.done $0x0  }
0x1b7: {  	[sflag:s0] =	ssyncadd.s32 $0xFFFFFF80  }
0x1b8: {  	_ =	swait.ge [sflag:s0], $0x80  }
0x1b9: {  	[sflag:s0] =	ssyncset.done $0x0  }
0x1ba: {  	[sflag:s0] =	ssyncadd.s32 $0xFFFFFF80  }
0x1bb: {  	_ =	swait.ge [sflag:s0], $0x80  }
0x1bc: {  	[sflag:s0] =	ssyncset.done $0x0  }
0x1bd: {  	[sflag:s0] =	ssyncadd.s32 $0xFFFFFF80  }
0x1be: {  	_ =	swait.ge [sflag:s0], $0x80  }
0x1bf: {  	[sflag:s0] =	ssyncset.done $0x0  }
0x1c0: {  	[sflag:s0] =	ssyncadd.s32 $0xFFFFFF80  }
0x1c1: {  	_ =	swait.ge [sflag:s0], $0x80  }
0x1c2: {  	[sflag:s0] =	ssyncset.done $0x0  }
0x1c3: {  	[sflag:s0] =	ssyncadd.s32 $0xFFFFFF80  }
0x1c4: {  	_ =	swait.ge [sflag:s0], $0x80  }
0x1c5: {  	[sflag:s0] =	ssyncset.done $0x0  }
0x1c6: {  	[sflag:s0] =	ssyncadd.s32 $0xFFFFFF80  }
0x1c7: {  	_ =	swait.ge [sflag:s0], $0x80  }
0x1c8: {  	[sflag:s0] =	ssyncset.done $0x0  }
0x1c9: {  	[sflag:s0] =	ssyncadd.s32 $0xFFFFFF80  }
0x1ca: {  	_ =	swait.ge [sflag:s0], $0x80  }
0x1cb: {  	[sflag:s0] =	ssyncset.done $0x0  }
0x1cc: {  	[sflag:s0] =	ssyncadd.s32 $0xFFFFFF80  }
0x1cd: {  	_ =	swait.ge [sflag:s0], $0x80  }
0x1ce: {  	[sflag:s0] =	ssyncset.done $0x0  }
0x1cf: {  	[sflag:s0] =	ssyncadd.s32 $0xFFFFFF80  }
0x1d0: {  	_ =	swait.ge [sflag:s0], $0x80  }
0x1d1: {  	[sflag:s0] =	ssyncset.done $0x0  }
0x1d2: {  	[sflag:s0] =	ssyncadd.s32 $0xFFFFFF80  }
0x1d3: {  	_ =	swait.ge [sflag:s0], $0x80  }
0x1d4: {  	[sflag:s0] =	ssyncset.done $0x0  }
0x1d5: {  	[sflag:s0] =	ssyncadd.s32 $0xFFFFFF80  }
0x1d6: {  	_ =	swait.ge [sflag:s0], $0x80  }
0x1d7: {  	[sflag:s0] =	ssyncset.done $0x0  }
0x1d8: {  	[sflag:s0] =	ssyncadd.s32 $0xFFFFFF80  }
0x1d9: {  	_ =	swait.ge [sflag:s0], $0x80  }
0x1da: {  	[sflag:s0] =	ssyncset.done $0x0  }
0x1db: {  	[sflag:s0] =	ssyncadd.s32 $0xFFFFFF80  }
0x1dc: {  	_ =	swait.ge [sflag:s0], $0x80  }
0x1dd: {  	[sflag:s0] =	ssyncset.done $0x0  }
0x1de: {  	[sflag:s0] =	ssyncadd.s32 $0xFFFFFF80  }
0x1df: {  	_ =	swait.ge [sflag:s0], $0x80  }
0x1e0: {  	[sflag:s0] =	ssyncset.done $0x0  }
0x1e1: {  	[sflag:s0] =	ssyncadd.s32 $0xFFFFFF80  }
0x1e2: {  	_ =	swait.ge [sflag:s0], $0x80  }
0x1e3: {  	[sflag:s0] =	ssyncset.done $0x0  }
0x1e4: {  	[sflag:s0] =	ssyncadd.s32 $0xFFFFFF80  }
0x1e5: {  	_ =	swait.ge [sflag:s0], $0x80  }
0x1e6: {  	[sflag:s0] =	ssyncset.done $0x0  }
0x1e7: {  	[sflag:s0] =	ssyncadd.s32 $0xFFFFFF80  }
0x1e8: {  	_ =	swait.ge [sflag:s0], $0x80  }
0x1e9: {  	[sflag:s0] =	ssyncset.done $0x0  }
0x1ea: {  	[sflag:s0] =	ssyncadd.s32 $0xFFFFFF80  }
0x1eb: {  	_ =	swait.ge [sflag:s0], $0x80  }
0x1ec: {  	[sflag:s0] =	ssyncset.done $0x0  }
0x1ed: {  	[sflag:s0] =	ssyncadd.s32 $0xFFFFFF80  }
0x1ee: {  	_ =	swait.ge [sflag:s0], $0x80  }
0x1ef: {  	[sflag:s0] =	ssyncset.done $0x0  }
0x1f0: {  	[sflag:s0] =	ssyncadd.s32 $0xFFFFFF80  }
0x1f1: {  	_ =	swait.ge [sflag:s0], $0x80  }
0x1f2: {  	[sflag:s0] =	ssyncset.done $0x0  }
0x1f3: {  	[sflag:s0] =	ssyncadd.s32 $0xFFFFFF80  }
0x1f4: {  	_ =	swait.ge [sflag:s0], $0x80  }
0x1f5: {  	[sflag:s0] =	ssyncset.done $0x0  }
0x1f6: {  	[sflag:s0] =	ssyncadd.s32 $0xFFFFFF80  }
0x1f7: {  	_ =	swait.ge [sflag:s0], $0x80  }
0x1f8: {  	[sflag:s0] =	ssyncset.done $0x0  }
0x1f9: {  	[sflag:s0] =	ssyncadd.s32 $0xFFFFFF80  }
0x1fa: {  	_ =	swait.ge [sflag:s0], $0x80  }
0x1fb: {  	[sflag:s0] =	ssyncset.done $0x0  }
0x1fc: {  	[sflag:s0] =	ssyncadd.s32 $0xFFFFFF80  }
0x1fd: {  	_ =	swait.ge [sflag:s0], $0x80  }
0x1fe: {  	[sflag:s0] =	ssyncset.done $0x0  }
0x1ff: {  	[sflag:s0] =	ssyncadd.s32 $0xFFFFFF80  }
0x200: {  	_ =	swait.ge [sflag:s0], $0x80  }
0x201: {  	[sflag:s0] =	ssyncset.done $0x0  }
0x202: {  	[sflag:s0] =	ssyncadd.s32 $0xFFFFFF80  }
0x203: {  	_ =	swait.ge [sflag:s0], $0x80  }
0x204: {  	[sflag:s0] =	ssyncset.done $0x0  }
0x205: {  	[sflag:s0] =	ssyncadd.s32 $0xFFFFFF80  }
0x206: {  	_ =	swait.ge [sflag:s0], $0x80  }
0x207: {  	[sflag:s0] =	ssyncset.done $0x0  }
0x208: {  	[sflag:s0] =	ssyncadd.s32 $0xFFFFFF80  }
0x209: {  	_ =	swait.ge [sflag:s0], $0x80  }
0x20a: {  	[sflag:s0] =	ssyncset.done $0x0  }
0x20b: {  	[sflag:s0] =	ssyncadd.s32 $0xFFFFFF80  }
0x20c: {  	_ =	swait.ge [sflag:s0], $0x80  }
0x20d: {  	[sflag:s0] =	ssyncset.done $0x0  }
0x20e: {  	[sflag:s0] =	ssyncadd.s32 $0xFFFFFF80  }
0x20f: {  	_ =	swait.ge [sflag:s0], $0x80  }
0x210: {  	[sflag:s0] =	ssyncset.done $0x0  }
0x211: {  	[sflag:s0] =	ssyncadd.s32 $0xFFFFFF80  }
0x212: {  	s12 =	sshrl.u32 @!p0 s1, $0x3;
	s10 =	sadd.s32 $0x1, s10;
	_ =	swait.ge [sflag:s0], $0x80  }
0x213: {  	p1 =	sne.s32 s10, s6;
	s13 =	simm.s32 @!p0 $0x1;
	[sflag:s0] =	ssyncset.done $0x0  }
0x214: {  	s14 =	simm.s32 @!p0 $0x20;
	s15 =	simm.s32 @!p0 $0x10;
	[sflag:s0] =	ssyncadd.s32 $0xFFFFFF80  }
.Ltmp1:
0x215: {  	s16 =	simm.s32 @!p0 $0x1C02;
	[bflag:$0x0] =	sbarrier.arrive $0xFFFF;
	(pc) =	sbr.rel @p1 .LBB2_1-.Ltmp1, $4  }
0x216: {  	[hbm:s5@s14], [sflag:s16] =	dma.strided @!p0 [spmem:s12@s15], $0x70, s13, $0x10   }
0x217: {  	_ =	swait.ge @!p0 [sflag:s11], $0x70  }
0x218: {  	[sflag:s11] =	ssyncset.done @!p0 $0x0  }
0x219: {  	[sflag:s11] =	ssyncadd.s32 @!p0 $0xFFFFFF90  }
0x21a: {  	_ =	sfence.sel $0x180000  }
0x21b: {  	[bflag:$0x0] =	sbarrier.arrive $0xFFFF  }
0x21c: {  	_ =	strace $0x90000047  }
0x21d: {  	[bflag:$0x2] =	sbarrier.arrive $0xFFFF  }
0x21e: {  	s0 =	rddreg [dreg:$0x2]  }
0x21f: {  	s0 =	sadd.s32 @!p0 $0x100000, s0  }
0x220: {  	[sflag:s0] =	ssyncadd.tile.s32 @!p0 $0x1;
	_ =	shalt  }
.Lfunc_end2:
_tile_overlayer_lowered:
.L_overlay_start_2:
0x221: {  	(tag) =	ssettag $0x2  }
0x222: {  	s0 =	rddreg [dreg:$0x0];
	s2 =	stileid.u32  }
0x223: {  	s1 =	rddreg [dreg:$0x1];
	p0 =	sne.s32 s2, $0x0  }
0x224: {  	s3 =	rddreg [dreg:$0x2];
	[bflag:$0x3] =	sbarrier.arrive $0xFFFF;
	s2 =	simm.s32 @!p0 $0x1C02  }
0x225: {  	[timem:s3], [sflag:s2] =	dma.local @!p0 [hbm:s0], s1  }
0x226: {  	s0 =	simm.s32 @!p0 $0x2  }
0x227: {  	_ =	swait.ge @!p0 [sflag:s0], s1  }
0x228: {  	s1 =	ssub.s32 @!p0 $0x0, s1;
	[sflag:s0] =	ssyncset.done @!p0 $0x0  }
0x229: {  	[sflag:s0] =	ssyncadd.s32 @!p0 s1  }
0x22a: {  	[bflag:$0x3] =	sbarrier.arrive $0xFFFF  }
0x22b: {  	_ =	shalt  }

</sc_bundles>
